<compile_context>
chip_gen: v7x
topology: tpu7x:2x2x1
jax: 0.10.2.dev20260603
libtpu: 0.0.44.dev20260713+nightly
codegen_flags: <defaults>
</compile_context>

<pallas_src>
import jax
import jax.numpy as jnp
from jax import lax
from jax.experimental import pallas as pl
from jax.experimental.pallas import tpu as pltpu
from jax.experimental.pallas import tpu_sc as plsc

N = 10000
E = 320000
F_IN = 128
H = 32
G = 64

NC = 2
NS = 16
NW = NC * NS
B = 128
NBLK = E // B
NBW = 78
SLAB = 79
GRP = 13
NG = NBW // GRP
NHAT = 10112
RPT = NHAT // NS
DW = 8

_mesh = plsc.VectorSubcoreMesh(core_axis_name="c", subcore_axis_name="s",
                               num_cores=NC, num_subcores=NS)
_sc_params = pltpu.CompilerParams(use_tc_tiling_on_sc=False)


def _worker_slab(c, s):
    wid = c * NS + s
    start = wid * NBW + jnp.minimum(wid, NBLK - NW * NBW)
    has_extra = wid < (NBLK - NW * NBW)
    copy_start = jnp.minimum(start, NBLK - SLAB)
    off = start - copy_start
    return wid, copy_start, off, has_extra


def _deg_body(ei_hbm, ones_hbm, zeros_hbm, out_hbm, dstv, onesv, acc_sh, ssem):
    c = lax.axis_index("c")
    s = lax.axis_index("s")
    wid, copy_start, off, has_extra = _worker_slab(c, s)
    r0 = s * RPT
    pltpu.sync_copy(zeros_hbm.at[pl.ds(r0, RPT)], acc_sh.at[pl.ds(r0, RPT)])
    pltpu.sync_copy(ei_hbm.at[1, pl.ds(copy_start, SLAB)], dstv)
    pltpu.sync_copy(ones_hbm, onesv)
    plsc.subcore_barrier()

    def body(g, carry):
        sds = []
        for b in range(GRP):
            j = off + g * GRP + b
            sds.append(pltpu.async_copy(onesv, acc_sh.at[dstv.at[j]],
                                        ssem, add=True))
        for d in sds:
            d.wait()
        return carry

    lax.fori_loop(0, NG, body, 0)

    @pl.when(has_extra)
    def _():
        pltpu.sync_copy(onesv, acc_sh.at[dstv.at[off + NBW]], add=True)

    plsc.subcore_barrier()
    pltpu.sync_copy(acc_sh.at[pl.ds(r0, RPT)],
                    out_hbm.at[c, pl.ds(r0, RPT), pl.ds(0, DW)])


deg_kernel = pl.kernel(
    _deg_body,
    out_type=jax.ShapeDtypeStruct((NC, NHAT, 128), jnp.float32),
    mesh=_mesh,
    compiler_params=_sc_params,
    scratch_types=[
        pltpu.VMEM((SLAB, B), jnp.int32),
        pltpu.VMEM((B, DW), jnp.float32),
        pltpu.VMEM_SHARED((NHAT, DW), jnp.float32),
        pltpu.SemaphoreType.DMA,
    ],
)


def _gs_body(hs_hbm, ei_hbm, zeros_hbm, out_hbm,
             srcv, dstv, rows, acc_sh, hs_sh, gsem, ssem):
    c = lax.axis_index("c")
    s = lax.axis_index("s")
    wid, copy_start, off, has_extra = _worker_slab(c, s)
    r0 = s * RPT
    pltpu.sync_copy(zeros_hbm.at[pl.ds(r0, RPT)], acc_sh.at[pl.ds(r0, RPT)])
    pltpu.sync_copy(hs_hbm.at[pl.ds(r0, RPT), pl.ds(0, H)],
                    hs_sh.at[pl.ds(r0, RPT)])
    pltpu.sync_copy(ei_hbm.at[0, pl.ds(copy_start, SLAB)], srcv)
    pltpu.sync_copy(ei_hbm.at[1, pl.ds(copy_start, SLAB)], dstv)
    plsc.subcore_barrier()

    def body(g, carry):
        gds = []
        for b in range(GRP):
            j = off + g * GRP + b
            gds.append(pltpu.async_copy(hs_sh.at[srcv.at[j]],
                                        rows.at[b], gsem.at[b]))
        sds = []
        for b in range(GRP):
            j = off + g * GRP + b
            gds[b].wait()
            sds.append(pltpu.async_copy(rows.at[b], acc_sh.at[dstv.at[j]],
                                        ssem, add=True))
        for d in sds:
            d.wait()
        return carry

    lax.fori_loop(0, NG, body, 0)

    @pl.when(has_extra)
    def _():
        j = off + NBW
        pltpu.async_copy(hs_sh.at[srcv.at[j]], rows.at[0], gsem.at[0]).wait()
        pltpu.sync_copy(rows.at[0], acc_sh.at[dstv.at[j]], add=True)

    plsc.subcore_barrier()
    pltpu.sync_copy(acc_sh.at[pl.ds(r0, RPT)],
                    out_hbm.at[c, pl.ds(r0, RPT), pl.ds(0, H)])


gs_kernel = pl.kernel(
    _gs_body,
    out_type=jax.ShapeDtypeStruct((NC, NHAT, 128), jnp.float32),
    mesh=_mesh,
    compiler_params=_sc_params,
    scratch_types=[
        pltpu.VMEM((SLAB, B), jnp.int32),
        pltpu.VMEM((SLAB, B), jnp.int32),
        pltpu.VMEM((GRP, B, H), jnp.float32),
        pltpu.VMEM_SHARED((NHAT, H), jnp.float32),
        pltpu.VMEM_SHARED((NHAT, H), jnp.float32),
        pltpu.SemaphoreType.DMA((GRP,)),
        pltpu.SemaphoreType.DMA,
    ],
)


def _mm1_body(x_ref, w1_ref, hp_ref):
    hp_ref[...] = lax.dot_general(x_ref[...], w1_ref[...],
                                  (((1,), (0,)), ((), ())),
                                  preferred_element_type=jnp.float32)


_mm1 = pl.pallas_call(
    _mm1_body,
    out_shape=jax.ShapeDtypeStruct((N, H), jnp.float32),
)


def _tc1_body(cnt_ref, hp_ref, hs_ref, dis_ref):
    cnt = cnt_ref[0, :, 0:1] + cnt_ref[1, :, 0:1]
    dis = lax.rsqrt(cnt + 1.0)
    dis_ref[...] = dis
    hs_ref[0:N, 0:H] = dis[0:N] * hp_ref[...]
    hs_ref[N:NHAT, 0:H] = jnp.zeros((NHAT - N, H), jnp.float32)


_tc1 = pl.pallas_call(
    _tc1_body,
    out_shape=[jax.ShapeDtypeStruct((NHAT, 128), jnp.float32),
               jax.ShapeDtypeStruct((NHAT, 1), jnp.float32)],
)


def _tc2_body(acc_ref, hs_ref, dis_ref, b1_ref, w2_ref, hs2_ref):
    agg = acc_ref[0, :, 0:H] + acc_ref[1, :, 0:H] + hs_ref[:, 0:H]
    h1 = jnp.maximum(dis_ref[...] * agg + b1_ref[...], 0.0)
    hp2 = lax.dot_general(h1, w2_ref[...], (((1,), (0,)), ((), ())),
                          preferred_element_type=jnp.float32)
    mask = lax.broadcasted_iota(jnp.int32, (NHAT, 1), 0) < N
    hs2_ref[:, 0:H] = jnp.where(mask, dis_ref[...] * hp2, 0.0)


_tc2 = pl.pallas_call(
    _tc2_body,
    out_shape=jax.ShapeDtypeStruct((NHAT, 128), jnp.float32),
)


def _tc3_body(acc_ref, hs2_ref, dis_ref, b2_ref, batch_ref, wc_ref, bc_ref,
              emb_ref, pred_ref):
    agg = acc_ref[0, :, 0:H] + acc_ref[1, :, 0:H] + hs2_ref[:, 0:H]
    h2 = jnp.maximum(dis_ref[...] * agg + b2_ref[...], 0.0)
    emb = h2[0:N, :]
    emb_ref[...] = emb
    gids = lax.broadcasted_iota(jnp.int32, (G, N), 0)
    onehot = jnp.where(batch_ref[...] == gids, 1.0, 0.0)
    psum = lax.dot_general(onehot, emb, (((1,), (0,)), ((), ())),
                           preferred_element_type=jnp.float32)
    counts = jnp.sum(onehot, axis=1, keepdims=True)
    pooled = psum / jnp.maximum(counts, 1.0)
    logit = lax.dot_general(pooled, wc_ref[...], (((1,), (0,)), ((), ())),
                            preferred_element_type=jnp.float32) + bc_ref[...]
    pred_ref[...] = 1.0 / (1.0 + jnp.exp(-logit))


_tc3 = pl.pallas_call(
    _tc3_body,
    out_shape=[jax.ShapeDtypeStruct((N, H), jnp.float32),
               jax.ShapeDtypeStruct((G, 1), jnp.float32)],
)


def kernel(x, edge_index, batch, W1, b1, W2, b2, Wc, bc):
    ei = edge_index.reshape(2, NBLK, B)
    zeros_h = jnp.zeros((NHAT, H), jnp.float32)
    zeros_d = jnp.zeros((NHAT, DW), jnp.float32)
    ones_d = jnp.ones((B, DW), jnp.float32)

    cnt = deg_kernel(ei, ones_d, zeros_d)
    hp1 = _mm1(x, W1)
    hs1, dis = _tc1(cnt, hp1)
    acc1 = gs_kernel(hs1, ei, zeros_h)
    hs2 = _tc2(acc1, hs1, dis, b1.reshape(1, H), W2)
    acc2 = gs_kernel(hs2, ei, zeros_h)
    emb, pred = _tc3(acc2, hs2, dis, b2.reshape(1, H), batch.reshape(1, N),
                     Wc, bc.reshape(1, 1))
    return emb, pred

# --- scband reference (transcript-rebuilt; emitter-appended) ---
"""Pipeline reference for scband-simple-gcn-59768764891876 (READ-ONLY COPY).

The authoritative reference and input builder live on the scoring server;
editing this copy changes nothing except your own understanding.
"""

import jax, jax.numpy as jnp
import numpy as np

N = 10000
E = 320000
F_IN = 128
H = 32
G = 64


def setup_inputs(seed: int = 0) -> dict:
    key = jax.random.key(seed)
    ks = jax.random.split(key, 10)
    x = jax.random.normal(ks[0], (N, F_IN), dtype=jnp.float32)
    edge_index = jax.random.randint(ks[1], (2, E), 0, N, dtype=jnp.int32)
    batch = jnp.sort(jax.random.randint(ks[2], (N,), 0, G, dtype=jnp.int32))
    W1 = jax.random.normal(ks[3], (F_IN, H), dtype=jnp.float32) * (1.0 / np.sqrt(F_IN))
    b1 = jnp.zeros((H,), dtype=jnp.float32)
    W2 = jax.random.normal(ks[4], (H, H), dtype=jnp.float32) * (1.0 / np.sqrt(H))
    b2 = jnp.zeros((H,), dtype=jnp.float32)
    Wc = jax.random.normal(ks[5], (H, 1), dtype=jnp.float32) * (1.0 / np.sqrt(H))
    bc = jnp.zeros((1,), dtype=jnp.float32)
    return {"x": x, "edge_index": edge_index, "batch": batch,
            "W1": W1, "b1": b1, "W2": W2, "b2": b2, "Wc": Wc, "bc": bc}


def gcn_conv(x, edge_index, W, b):
    # Faithful PyG GCNConv: linear transform, add self-loops,
    # symmetric deg^{-1/2} normalization, scatter-add aggregation, bias.
    num_nodes = x.shape[0]
    h = x @ W
    loop = jnp.arange(num_nodes, dtype=edge_index.dtype)
    src = jnp.concatenate([edge_index[0], loop])
    dst = jnp.concatenate([edge_index[1], loop])
    deg = jnp.zeros((num_nodes,), dtype=h.dtype).at[dst].add(1.0)
    deg_inv_sqrt = jnp.where(deg > 0, jax.lax.rsqrt(jnp.maximum(deg, 1e-12)), 0.0)
    norm = deg_inv_sqrt[src] * deg_inv_sqrt[dst]
    msgs = norm[:, None] * jnp.take(h, src, axis=0)
    out = jnp.zeros_like(h).at[dst].add(msgs)
    return out + b


def global_mean_pool(h, batch, num_graphs):
    sums = jax.ops.segment_sum(h, batch, num_segments=num_graphs)
    counts = jax.ops.segment_sum(jnp.ones((h.shape[0], 1), dtype=h.dtype), batch, num_segments=num_graphs)
    return sums / jnp.maximum(counts, 1.0)


def reference(x, edge_index, batch, W1, b1, W2, b2, Wc, bc):
    h = jax.nn.relu(gcn_conv(x, edge_index, W1, b1))
    # dropout(p=0.1) is identity at inference
    h = jax.nn.relu(gcn_conv(h, edge_index, W2, b2))
    node_embeddings = h
    pooled = global_mean_pool(h, batch, G)
    graph_prediction = jax.nn.sigmoid(pooled @ Wc + bc)
    return node_embeddings, graph_prediction

if __name__ == "__main__":
    import jax
    _d = setup_inputs()
    print(jax.jit(kernel)(*tuple(_d.values())))

</pallas_src>

<mosaic_0001>
#map = affine_map<(d0, d1) -> (0, 0)>
#map1 = affine_map<(d0, d1) -> (0, 0, 0)>
module attributes {stable_mosaic.version = 14 : i64} {
  func.func @_gs_body(%arg0: i32, %arg1: i32, %arg2: memref<10112x128xf32, #tpu.memory_space<hbm>>, %arg3: memref<2x2500x128xi32, #tpu.memory_space<hbm>>, %arg4: memref<10112x32xf32, #tpu.memory_space<hbm>>, %arg5: memref<2x10112x128xf32, #tpu.memory_space<hbm>>, %arg6: memref<79x128xi32, #tpu.memory_space<vmem>>, %arg7: memref<79x128xi32, #tpu.memory_space<vmem>>, %arg8: memref<13x128x32xf32, #tpu.memory_space<vmem>>, %arg9: memref<10112x32xf32, #tpu.memory_space<vmem_shared>>, %arg10: memref<10112x32xf32, #tpu.memory_space<vmem_shared>>, %arg11: memref<13x!tpu.dma_semaphore, #tpu.memory_space<semaphore_mem>>, %arg12: memref<!tpu.dma_semaphore, #tpu.memory_space<semaphore_mem>>) attributes {dimension_semantics = [#tpu.dimension_semantics<core_parallel>, #tpu.dimension_semantics<subcore_parallel>], iteration_bounds = array<i64: 2, 16>, scalar_prefetch = 0 : i64, scratch_operands = 7 : i64, tpu.core_type = #tpu.core_type<sc_vector_subcore>, window_params = [{transform_indices = #map}, {transform_indices = #map1}, {transform_indices = #map}, {transform_indices = #map1}]} {
    %mul3A = arith.constant 16 : i32
    %mul3A_0 = arith.muli %arg0, %mul3A : i32
    %add3A = arith.addi %mul3A_0, %arg1 : i32
    %mul3A_1 = arith.constant 78 : i32
    %mul3A_2 = arith.muli %add3A, %mul3A_1 : i32
    %min3A = arith.constant 4 : i32
    %min3A_3 = arith.minsi %add3A, %min3A : i32
    %add3A_4 = arith.addi %mul3A_2, %min3A_3 : i32
    %lt3A = arith.constant 4 : i32
    %lt3A_5 = arith.cmpi slt, %add3A, %lt3A : i32
    %min3A_6 = arith.constant 2421 : i32
    %min3A_7 = arith.minsi %add3A_4, %min3A_6 : i32
    %sub3A = arith.subi %add3A_4, %min3A_7 : i32
    %mul3A_8 = arith.constant 632 : i32
    %mul3A_9 = arith.muli %arg1, %mul3A_8 : i32
    "tpu.region"() ({
      %run_scoped3A_18 = tpu.sem_alloc : memref<!tpu.dma_semaphore, #tpu.memory_space<semaphore_mem>>
      %dma_start3A = arith.constant 0 : i32
      %dma_start3A_19 = tpu.memref_slice %arg9[%mul3A_9, %dma_start3A] : memref<10112x32xf32, #tpu.memory_space<vmem_shared>> -> memref<632x32xf32, #tpu.memory_space<vmem_shared>>
      %dma_start3A_20 = arith.constant 0 : i32
      %dma_start3A_21 = tpu.memref_slice %arg4[%mul3A_9, %dma_start3A_20] : memref<10112x32xf32, #tpu.memory_space<hbm>> -> memref<632x32xf32, #tpu.memory_space<hbm>>
      tpu.enqueue_dma source(%dma_start3A_21 : memref<632x32xf32, #tpu.memory_space<hbm>>) target(%dma_start3A_19 : memref<632x32xf32, #tpu.memory_space<vmem_shared>>) target_semaphore(%run_scoped3A_18 : memref<!tpu.dma_semaphore, #tpu.memory_space<semaphore_mem>>)
      %dma_wait3A = arith.constant 0 : i32
      %dma_wait3A_22 = tpu.memref_slice %arg9[%mul3A_9, %dma_wait3A] : memref<10112x32xf32, #tpu.memory_space<vmem_shared>> -> memref<632x32xf32, #tpu.memory_space<vmem_shared>>
      %dma_wait3A_23 = arith.constant 0 : i32
      %dma_wait3A_24 = tpu.memref_slice %arg4[%mul3A_9, %dma_wait3A_23] : memref<10112x32xf32, #tpu.memory_space<hbm>> -> memref<632x32xf32, #tpu.memory_space<hbm>>
      tpu.wait_dma2 semaphore(%run_scoped3A_18 : memref<!tpu.dma_semaphore, #tpu.memory_space<semaphore_mem>>) src(%dma_wait3A_24 : memref<632x32xf32, #tpu.memory_space<hbm>>) dst(%dma_wait3A_22 : memref<632x32xf32, #tpu.memory_space<vmem_shared>>)
      tpu.yield
    }) : () -> ()
    "tpu.region"() ({
      %run_scoped3A_18 = tpu.sem_alloc : memref<!tpu.dma_semaphore, #tpu.memory_space<semaphore_mem>>
      %dma_start3A = arith.constant 0 : i32
      %dma_start3A_19 = tpu.memref_slice %arg10[%mul3A_9, %dma_start3A] : memref<10112x32xf32, #tpu.memory_space<vmem_shared>> -> memref<632x32xf32, #tpu.memory_space<vmem_shared>>
      %dma_start3A_20 = arith.constant 0 : i32
      %dma_start3A_21 = tpu.memref_slice %arg2[%mul3A_9, %dma_start3A_20] : memref<10112x128xf32, #tpu.memory_space<hbm>> -> memref<632x32xf32, #tpu.memory_space<hbm>>
      tpu.enqueue_dma source(%dma_start3A_21 : memref<632x32xf32, #tpu.memory_space<hbm>>) target(%dma_start3A_19 : memref<632x32xf32, #tpu.memory_space<vmem_shared>>) target_semaphore(%run_scoped3A_18 : memref<!tpu.dma_semaphore, #tpu.memory_space<semaphore_mem>>)
      %dma_wait3A = arith.constant 0 : i32
      %dma_wait3A_22 = tpu.memref_slice %arg10[%mul3A_9, %dma_wait3A] : memref<10112x32xf32, #tpu.memory_space<vmem_shared>> -> memref<632x32xf32, #tpu.memory_space<vmem_shared>>
      %dma_wait3A_23 = arith.constant 0 : i32
      %dma_wait3A_24 = tpu.memref_slice %arg2[%mul3A_9, %dma_wait3A_23] : memref<10112x128xf32, #tpu.memory_space<hbm>> -> memref<632x32xf32, #tpu.memory_space<hbm>>
      tpu.wait_dma2 semaphore(%run_scoped3A_18 : memref<!tpu.dma_semaphore, #tpu.memory_space<semaphore_mem>>) src(%dma_wait3A_24 : memref<632x32xf32, #tpu.memory_space<hbm>>) dst(%dma_wait3A_22 : memref<632x32xf32, #tpu.memory_space<vmem_shared>>)
      tpu.yield
    }) : () -> ()
    %run_scoped3A = arith.constant 0 : i32
    "tpu.region"() ({
      %run_scoped3A_18 = tpu.sem_alloc : memref<!tpu.dma_semaphore, #tpu.memory_space<semaphore_mem>>
      %dma_start3A = arith.constant 0 : i32
      %dma_start3A_19 = tpu.memref_slice %arg3[%run_scoped3A, %min3A_7, %dma_start3A] : memref<2x2500x128xi32, #tpu.memory_space<hbm>> -> memref<1x79x128xi32, #tpu.memory_space<hbm>>
      %dma_start3A_20 = tpu.memref_squeeze %dma_start3A_19 : memref<1x79x128xi32, #tpu.memory_space<hbm>> -> memref<79x128xi32, #tpu.memory_space<hbm>>
      %dma_start3A_21 = arith.constant 0 : i32
      %dma_start3A_22 = tpu.memref_slice %arg3[%run_scoped3A, %min3A_7, %dma_start3A_21] : memref<2x2500x128xi32, #tpu.memory_space<hbm>> -> memref<1x79x128xi32, #tpu.memory_space<hbm>>
      %dma_start3A_23 = tpu.memref_squeeze %dma_start3A_22 : memref<1x79x128xi32, #tpu.memory_space<hbm>> -> memref<79x128xi32, #tpu.memory_space<hbm>>
      tpu.enqueue_dma source(%dma_start3A_23 : memref<79x128xi32, #tpu.memory_space<hbm>>) target(%arg6 : memref<79x128xi32, #tpu.memory_space<vmem>>) target_semaphore(%run_scoped3A_18 : memref<!tpu.dma_semaphore, #tpu.memory_space<semaphore_mem>>)
      %dma_wait3A = arith.constant 0 : i32
      %dma_wait3A_24 = tpu.memref_slice %arg3[%run_scoped3A, %min3A_7, %dma_wait3A] : memref<2x2500x128xi32, #tpu.memory_space<hbm>> -> memref<1x79x128xi32, #tpu.memory_space<hbm>>
      %dma_wait3A_25 = tpu.memref_squeeze %dma_wait3A_24 : memref<1x79x128xi32, #tpu.memory_space<hbm>> -> memref<79x128xi32, #tpu.memory_space<hbm>>
      %dma_wait3A_26 = arith.constant 0 : i32
      %dma_wait3A_27 = tpu.memref_slice %arg3[%run_scoped3A, %min3A_7, %dma_wait3A_26] : memref<2x2500x128xi32, #tpu.memory_space<hbm>> -> memref<1x79x128xi32, #tpu.memory_space<hbm>>
      %dma_wait3A_28 = tpu.memref_squeeze %dma_wait3A_27 : memref<1x79x128xi32, #tpu.memory_space<hbm>> -> memref<79x128xi32, #tpu.memory_space<hbm>>
      tpu.wait_dma2 semaphore(%run_scoped3A_18 : memref<!tpu.dma_semaphore, #tpu.memory_space<semaphore_mem>>) src(%dma_wait3A_28 : memref<79x128xi32, #tpu.memory_space<hbm>>) dst(%arg6 : memref<79x128xi32, #tpu.memory_space<vmem>>)
      tpu.yield
    }) : () -> ()
    %run_scoped3A_10 = arith.constant 1 : i32
    "tpu.region"() ({
      %run_scoped3A_18 = tpu.sem_alloc : memref<!tpu.dma_semaphore, #tpu.memory_space<semaphore_mem>>
      %dma_start3A = arith.constant 0 : i32
      %dma_start3A_19 = tpu.memref_slice %arg3[%run_scoped3A_10, %min3A_7, %dma_start3A] : memref<2x2500x128xi32, #tpu.memory_space<hbm>> -> memref<1x79x128xi32, #tpu.memory_space<hbm>>
      %dma_start3A_20 = tpu.memref_squeeze %dma_start3A_19 : memref<1x79x128xi32, #tpu.memory_space<hbm>> -> memref<79x128xi32, #tpu.memory_space<hbm>>
      %dma_start3A_21 = arith.constant 0 : i32
      %dma_start3A_22 = tpu.memref_slice %arg3[%run_scoped3A_10, %min3A_7, %dma_start3A_21] : memref<2x2500x128xi32, #tpu.memory_space<hbm>> -> memref<1x79x128xi32, #tpu.memory_space<hbm>>
      %dma_start3A_23 = tpu.memref_squeeze %dma_start3A_22 : memref<1x79x128xi32, #tpu.memory_space<hbm>> -> memref<79x128xi32, #tpu.memory_space<hbm>>
      tpu.enqueue_dma source(%dma_start3A_23 : memref<79x128xi32, #tpu.memory_space<hbm>>) target(%arg7 : memref<79x128xi32, #tpu.memory_space<vmem>>) target_semaphore(%run_scoped3A_18 : memref<!tpu.dma_semaphore, #tpu.memory_space<semaphore_mem>>)
      %dma_wait3A = arith.constant 0 : i32
      %dma_wait3A_24 = tpu.memref_slice %arg3[%run_scoped3A_10, %min3A_7, %dma_wait3A] : memref<2x2500x128xi32, #tpu.memory_space<hbm>> -> memref<1x79x128xi32, #tpu.memory_space<hbm>>
      %dma_wait3A_25 = tpu.memref_squeeze %dma_wait3A_24 : memref<1x79x128xi32, #tpu.memory_space<hbm>> -> memref<79x128xi32, #tpu.memory_space<hbm>>
      %dma_wait3A_26 = arith.constant 0 : i32
      %dma_wait3A_27 = tpu.memref_slice %arg3[%run_scoped3A_10, %min3A_7, %dma_wait3A_26] : memref<2x2500x128xi32, #tpu.memory_space<hbm>> -> memref<1x79x128xi32, #tpu.memory_space<hbm>>
      %dma_wait3A_28 = tpu.memref_squeeze %dma_wait3A_27 : memref<1x79x128xi32, #tpu.memory_space<hbm>> -> memref<79x128xi32, #tpu.memory_space<hbm>>
      tpu.wait_dma2 semaphore(%run_scoped3A_18 : memref<!tpu.dma_semaphore, #tpu.memory_space<semaphore_mem>>) src(%dma_wait3A_28 : memref<79x128xi32, #tpu.memory_space<hbm>>) dst(%arg7 : memref<79x128xi32, #tpu.memory_space<vmem>>)
      tpu.yield
    }) : () -> ()
    %barrier3A = arith.constant 0 : index
    tpu.barrier barrier_id(%barrier3A)
    %scan3A = arith.constant 0 : i32
    %scan3A_11 = arith.constant 0 : i32
    %scan3A_12 = arith.constant 6 : i32
    %scan3A_13 = arith.addi %scan3A_11, %scan3A_12 : i32
    %scan3A_14 = arith.constant 1 : i32
    scf.for %scan3A_18 = %scan3A_11 to %scan3A_13 step %scan3A_14  : i32 {
      %mul3A_19 = arith.constant 13 : i32
      %mul3A_20 = arith.muli %scan3A_18, %mul3A_19 : i32
      %add3A_21 = arith.addi %sub3A, %mul3A_20 : i32
      %add3A_22 = arith.constant 0 : i32
      %add3A_23 = arith.addi %add3A_21, %add3A_22 : i32
      %dma_start3A = arith.constant 0 : i32
      %dma_start3A_24 = arith.constant 0 : i32
      %dma_start3A_25 = arith.constant 0 : i32
      %dma_start3A_26 = arith.constant 0 : i32
      %dma_start3A_27 = tpu.memref_slice %arg8[%dma_start3A, %dma_start3A_25, %dma_start3A_26] : memref<13x128x32xf32, #tpu.memory_space<vmem>> -> memref<1x128x32xf32, #tpu.memory_space<vmem>>
      %dma_start3A_28 = tpu.memref_squeeze %dma_start3A_27 : memref<1x128x32xf32, #tpu.memory_space<vmem>> -> memref<128x32xf32, #tpu.memory_space<vmem>>
      %dma_start3A_29 = arith.constant 0 : i32
      %dma_start3A_30 = tpu.memref_slice %arg6[%add3A_23, %dma_start3A_29] : memref<79x128xi32, #tpu.memory_space<vmem>> -> memref<1x128xi32, #tpu.memory_space<vmem>>
      %dma_start3A_31 = tpu.memref_squeeze %dma_start3A_30 : memref<1x128xi32, #tpu.memory_space<vmem>> -> memref<128xi32, #tpu.memory_space<vmem>>
      %dma_start3A_32 = arith.constant 0 : i32
      %dma_start3A_33 = arith.constant 0 : i32
      %dma_start3A_34 = tpu.memref_slice %arg10[%dma_start3A_32, %dma_start3A_33] : memref<10112x32xf32, #tpu.memory_space<vmem_shared>> -> memref<10112x32xf32, #tpu.memory_space<vmem_shared>>
      %dma_start3A_35 = tpu.memref_slice %arg11[%dma_start3A_24] : memref<13x!tpu.dma_semaphore, #tpu.memory_space<semaphore_mem>> -> memref<1x!tpu.dma_semaphore, #tpu.memory_space<semaphore_mem>>
      %dma_start3A_36 = tpu.memref_squeeze %dma_start3A_35 : memref<1x!tpu.dma_semaphore, #tpu.memory_space<semaphore_mem>> -> memref<!tpu.dma_semaphore, #tpu.memory_space<semaphore_mem>>
      tpu.enqueue_indirect_dma source(%dma_start3A_34 : memref<10112x32xf32, #tpu.memory_space<vmem_shared>>) target(%dma_start3A_28 : memref<128x32xf32, #tpu.memory_space<vmem>>) offsets(%dma_start3A_31 : memref<128xi32, #tpu.memory_space<vmem>>) semaphore(%dma_start3A_36 : memref<!tpu.dma_semaphore, #tpu.memory_space<semaphore_mem>>)
      %mul3A_37 = arith.constant 13 : i32
      %mul3A_38 = arith.muli %scan3A_18, %mul3A_37 : i32
      %add3A_39 = arith.addi %sub3A, %mul3A_38 : i32
      %add3A_40 = arith.constant 1 : i32
      %add3A_41 = arith.addi %add3A_39, %add3A_40 : i32
      %dma_start3A_42 = arith.constant 1 : i32
      %dma_start3A_43 = arith.constant 1 : i32
      %dma_start3A_44 = arith.constant 0 : i32
      %dma_start3A_45 = arith.constant 0 : i32
      %dma_start3A_46 = tpu.memref_slice %arg8[%dma_start3A_42, %dma_start3A_44, %dma_start3A_45] : memref<13x128x32xf32, #tpu.memory_space<vmem>> -> memref<1x128x32xf32, #tpu.memory_space<vmem>>
      %dma_start3A_47 = tpu.memref_squeeze %dma_start3A_46 : memref<1x128x32xf32, #tpu.memory_space<vmem>> -> memref<128x32xf32, #tpu.memory_space<vmem>>
      %dma_start3A_48 = arith.constant 0 : i32
      %dma_start3A_49 = tpu.memref_slice %arg6[%add3A_41, %dma_start3A_48] : memref<79x128xi32, #tpu.memory_space<vmem>> -> memref<1x128xi32, #tpu.memory_space<vmem>>
      %dma_start3A_50 = tpu.memref_squeeze %dma_start3A_49 : memref<1x128xi32, #tpu.memory_space<vmem>> -> memref<128xi32, #tpu.memory_space<vmem>>
      %dma_start3A_51 = arith.constant 0 : i32
      %dma_start3A_52 = arith.constant 0 : i32
      %dma_start3A_53 = tpu.memref_slice %arg10[%dma_start3A_51, %dma_start3A_52] : memref<10112x32xf32, #tpu.memory_space<vmem_shared>> -> memref<10112x32xf32, #tpu.memory_space<vmem_shared>>
      %dma_start3A_54 = tpu.memref_slice %arg11[%dma_start3A_43] : memref<13x!tpu.dma_semaphore, #tpu.memory_space<semaphore_mem>> -> memref<1x!tpu.dma_semaphore, #tpu.memory_space<semaphore_mem>>
      %dma_start3A_55 = tpu.memref_squeeze %dma_start3A_54 : memref<1x!tpu.dma_semaphore, #tpu.memory_space<semaphore_mem>> -> memref<!tpu.dma_semaphore, #tpu.memory_space<semaphore_mem>>
      tpu.enqueue_indirect_dma source(%dma_start3A_53 : memref<10112x32xf32, #tpu.memory_space<vmem_shared>>) target(%dma_start3A_47 : memref<128x32xf32, #tpu.memory_space<vmem>>) offsets(%dma_start3A_50 : memref<128xi32, #tpu.memory_space<vmem>>) semaphore(%dma_start3A_55 : memref<!tpu.dma_semaphore, #tpu.memory_space<semaphore_mem>>)
      %mul3A_56 = arith.constant 13 : i32
      %mul3A_57 = arith.muli %scan3A_18, %mul3A_56 : i32
      %add3A_58 = arith.addi %sub3A, %mul3A_57 : i32
      %add3A_59 = arith.constant 2 : i32
      %add3A_60 = arith.addi %add3A_58, %add3A_59 : i32
      %dma_start3A_61 = arith.constant 2 : i32
      %dma_start3A_62 = arith.constant 2 : i32
      %dma_start3A_63 = arith.constant 0 : i32
      %dma_start3A_64 = arith.constant 0 : i32
      %dma_start3A_65 = tpu.memref_slice %arg8[%dma_start3A_61, %dma_start3A_63, %dma_start3A_64] : memref<13x128x32xf32, #tpu.memory_space<vmem>> -> memref<1x128x32xf32, #tpu.memory_space<vmem>>
      %dma_start3A_66 = tpu.memref_squeeze %dma_start3A_65 : memref<1x128x32xf32, #tpu.memory_space<vmem>> -> memref<128x32xf32, #tpu.memory_space<vmem>>
      %dma_start3A_67 = arith.constant 0 : i32
      %dma_start3A_68 = tpu.memref_slice %arg6[%add3A_60, %dma_start3A_67] : memref<79x128xi32, #tpu.memory_space<vmem>> -> memref<1x128xi32, #tpu.memory_space<vmem>>
      %dma_start3A_69 = tpu.memref_squeeze %dma_start3A_68 : memref<1x128xi32, #tpu.memory_space<vmem>> -> memref<128xi32, #tpu.memory_space<vmem>>
      %dma_start3A_70 = arith.constant 0 : i32
      %dma_start3A_71 = arith.constant 0 : i32
      %dma_start3A_72 = tpu.memref_slice %arg10[%dma_start3A_70, %dma_start3A_71] : memref<10112x32xf32, #tpu.memory_space<vmem_shared>> -> memref<10112x32xf32, #tpu.memory_space<vmem_shared>>
      %dma_start3A_73 = tpu.memref_slice %arg11[%dma_start3A_62] : memref<13x!tpu.dma_semaphore, #tpu.memory_space<semaphore_mem>> -> memref<1x!tpu.dma_semaphore, #tpu.memory_space<semaphore_mem>>
      %dma_start3A_74 = tpu.memref_squeeze %dma_start3A_73 : memref<1x!tpu.dma_semaphore, #tpu.memory_space<semaphore_mem>> -> memref<!tpu.dma_semaphore, #tpu.memory_space<semaphore_mem>>
      tpu.enqueue_indirect_dma source(%dma_start3A_72 : memref<10112x32xf32, #tpu.memory_space<vmem_shared>>) target(%dma_start3A_66 : memref<128x32xf32, #tpu.memory_space<vmem>>) offsets(%dma_start3A_69 : memref<128xi32, #tpu.memory_space<vmem>>) semaphore(%dma_start3A_74 : memref<!tpu.dma_semaphore, #tpu.memory_space<semaphore_mem>>)
      %mul3A_75 = arith.constant 13 : i32
      %mul3A_76 = arith.muli %scan3A_18, %mul3A_75 : i32
      %add3A_77 = arith.addi %sub3A, %mul3A_76 : i32
      %add3A_78 = arith.constant 3 : i32
      %add3A_79 = arith.addi %add3A_77, %add3A_78 : i32
      %dma_start3A_80 = arith.constant 3 : i32
      %dma_start3A_81 = arith.constant 3 : i32
      %dma_start3A_82 = arith.constant 0 : i32
      %dma_start3A_83 = arith.constant 0 : i32
      %dma_start3A_84 = tpu.memref_slice %arg8[%dma_start3A_80, %dma_start3A_82, %dma_start3A_83] : memref<13x128x32xf32, #tpu.memory_space<vmem>> -> memref<1x128x32xf32, #tpu.memory_space<vmem>>
      %dma_start3A_85 = tpu.memref_squeeze %dma_start3A_84 : memref<1x128x32xf32, #tpu.memory_space<vmem>> -> memref<128x32xf32, #tpu.memory_space<vmem>>
      %dma_start3A_86 = arith.constant 0 : i32
      %dma_start3A_87 = tpu.memref_slice %arg6[%add3A_79, %dma_start3A_86] : memref<79x128xi32, #tpu.memory_space<vmem>> -> memref<1x128xi32, #tpu.memory_space<vmem>>
      %dma_start3A_88 = tpu.memref_squeeze %dma_start3A_87 : memref<1x128xi32, #tpu.memory_space<vmem>> -> memref<128xi32, #tpu.memory_space<vmem>>
      %dma_start3A_89 = arith.constant 0 : i32
      %dma_start3A_90 = arith.constant 0 : i32
      %dma_start3A_91 = tpu.memref_slice %arg10[%dma_start3A_89, %dma_start3A_90] : memref<10112x32xf32, #tpu.memory_space<vmem_shared>> -> memref<10112x32xf32, #tpu.memory_space<vmem_shared>>
      %dma_start3A_92 = tpu.memref_slice %arg11[%dma_start3A_81] : memref<13x!tpu.dma_semaphore, #tpu.memory_space<semaphore_mem>> -> memref<1x!tpu.dma_semaphore, #tpu.memory_space<semaphore_mem>>
      %dma_start3A_93 = tpu.memref_squeeze %dma_start3A_92 : memref<1x!tpu.dma_semaphore, #tpu.memory_space<semaphore_mem>> -> memref<!tpu.dma_semaphore, #tpu.memory_space<semaphore_mem>>
      tpu.enqueue_indirect_dma source(%dma_start3A_91 : memref<10112x32xf32, #tpu.memory_space<vmem_shared>>) target(%dma_start3A_85 : memref<128x32xf32, #tpu.memory_space<vmem>>) offsets(%dma_start3A_88 : memref<128xi32, #tpu.memory_space<vmem>>) semaphore(%dma_start3A_93 : memref<!tpu.dma_semaphore, #tpu.memory_space<semaphore_mem>>)
      %mul3A_94 = arith.constant 13 : i32
      %mul3A_95 = arith.muli %scan3A_18, %mul3A_94 : i32
      %add3A_96 = arith.addi %sub3A, %mul3A_95 : i32
      %add3A_97 = arith.constant 4 : i32
      %add3A_98 = arith.addi %add3A_96, %add3A_97 : i32
      %dma_start3A_99 = arith.constant 4 : i32
      %dma_start3A_100 = arith.constant 4 : i32
      %dma_start3A_101 = arith.constant 0 : i32
      %dma_start3A_102 = arith.constant 0 : i32
      %dma_start3A_103 = tpu.memref_slice %arg8[%dma_start3A_99, %dma_start3A_101, %dma_start3A_102] : memref<13x128x32xf32, #tpu.memory_space<vmem>> -> memref<1x128x32xf32, #tpu.memory_space<vmem>>
      %dma_start3A_104 = tpu.memref_squeeze %dma_start3A_103 : memref<1x128x32xf32, #tpu.memory_space<vmem>> -> memref<128x32xf32, #tpu.memory_space<vmem>>
      %dma_start3A_105 = arith.constant 0 : i32
      %dma_start3A_106 = tpu.memref_slice %arg6[%add3A_98, %dma_start3A_105] : memref<79x128xi32, #tpu.memory_space<vmem>> -> memref<1x128xi32, #tpu.memory_space<vmem>>
      %dma_start3A_107 = tpu.memref_squeeze %dma_start3A_106 : memref<1x128xi32, #tpu.memory_space<vmem>> -> memref<128xi32, #tpu.memory_space<vmem>>
      %dma_start3A_108 = arith.constant 0 : i32
      %dma_start3A_109 = arith.constant 0 : i32
      %dma_start3A_110 = tpu.memref_slice %arg10[%dma_start3A_108, %dma_start3A_109] : memref<10112x32xf32, #tpu.memory_space<vmem_shared>> -> memref<10112x32xf32, #tpu.memory_space<vmem_shared>>
      %dma_start3A_111 = tpu.memref_slice %arg11[%dma_start3A_100] : memref<13x!tpu.dma_semaphore, #tpu.memory_space<semaphore_mem>> -> memref<1x!tpu.dma_semaphore, #tpu.memory_space<semaphore_mem>>
      %dma_start3A_112 = tpu.memref_squeeze %dma_start3A_111 : memref<1x!tpu.dma_semaphore, #tpu.memory_space<semaphore_mem>> -> memref<!tpu.dma_semaphore, #tpu.memory_space<semaphore_mem>>
      tpu.enqueue_indirect_dma source(%dma_start3A_110 : memref<10112x32xf32, #tpu.memory_space<vmem_shared>>) target(%dma_start3A_104 : memref<128x32xf32, #tpu.memory_space<vmem>>) offsets(%dma_start3A_107 : memref<128xi32, #tpu.memory_space<vmem>>) semaphore(%dma_start3A_112 : memref<!tpu.dma_semaphore, #tpu.memory_space<semaphore_mem>>)
      %mul3A_113 = arith.constant 13 : i32
      %mul3A_114 = arith.muli %scan3A_18, %mul3A_113 : i32
      %add3A_115 = arith.addi %sub3A, %mul3A_114 : i32
      %add3A_116 = arith.constant 5 : i32
      %add3A_117 = arith.addi %add3A_115, %add3A_116 : i32
      %dma_start3A_118 = arith.constant 5 : i32
      %dma_start3A_119 = arith.constant 5 : i32
      %dma_start3A_120 = arith.constant 0 : i32
      %dma_start3A_121 = arith.constant 0 : i32
      %dma_start3A_122 = tpu.memref_slice %arg8[%dma_start3A_118, %dma_start3A_120, %dma_start3A_121] : memref<13x128x32xf32, #tpu.memory_space<vmem>> -> memref<1x128x32xf32, #tpu.memory_space<vmem>>
      %dma_start3A_123 = tpu.memref_squeeze %dma_start3A_122 : memref<1x128x32xf32, #tpu.memory_space<vmem>> -> memref<128x32xf32, #tpu.memory_space<vmem>>
      %dma_start3A_124 = arith.constant 0 : i32
      %dma_start3A_125 = tpu.memref_slice %arg6[%add3A_117, %dma_start3A_124] : memref<79x128xi32, #tpu.memory_space<vmem>> -> memref<1x128xi32, #tpu.memory_space<vmem>>
      %dma_start3A_126 = tpu.memref_squeeze %dma_start3A_125 : memref<1x128xi32, #tpu.memory_space<vmem>> -> memref<128xi32, #tpu.memory_space<vmem>>
      %dma_start3A_127 = arith.constant 0 : i32
      %dma_start3A_128 = arith.constant 0 : i32
      %dma_start3A_129 = tpu.memref_slice %arg10[%dma_start3A_127, %dma_start3A_128] : memref<10112x32xf32, #tpu.memory_space<vmem_shared>> -> memref<10112x32xf32, #tpu.memory_space<vmem_shared>>
      %dma_start3A_130 = tpu.memref_slice %arg11[%dma_start3A_119] : memref<13x!tpu.dma_semaphore, #tpu.memory_space<semaphore_mem>> -> memref<1x!tpu.dma_semaphore, #tpu.memory_space<semaphore_mem>>
      %dma_start3A_131 = tpu.memref_squeeze %dma_start3A_130 : memref<1x!tpu.dma_semaphore, #tpu.memory_space<semaphore_mem>> -> memref<!tpu.dma_semaphore, #tpu.memory_space<semaphore_mem>>
      tpu.enqueue_indirect_dma source(%dma_start3A_129 : memref<10112x32xf32, #tpu.memory_space<vmem_shared>>) target(%dma_start3A_123 : memref<128x32xf32, #tpu.memory_space<vmem>>) offsets(%dma_start3A_126 : memref<128xi32, #tpu.memory_space<vmem>>) semaphore(%dma_start3A_131 : memref<!tpu.dma_semaphore, #tpu.memory_space<semaphore_mem>>)
      %mul3A_132 = arith.constant 13 : i32
      %mul3A_133 = arith.muli %scan3A_18, %mul3A_132 : i32
      %add3A_134 = arith.addi %sub3A, %mul3A_133 : i32
      %add3A_135 = arith.constant 6 : i32
      %add3A_136 = arith.addi %add3A_134, %add3A_135 : i32
      %dma_start3A_137 = arith.constant 6 : i32
      %dma_start3A_138 = arith.constant 6 : i32
      %dma_start3A_139 = arith.constant 0 : i32
      %dma_start3A_140 = arith.constant 0 : i32
      %dma_start3A_141 = tpu.memref_slice %arg8[%dma_start3A_137, %dma_start3A_139, %dma_start3A_140] : memref<13x128x32xf32, #tpu.memory_space<vmem>> -> memref<1x128x32xf32, #tpu.memory_space<vmem>>
      %dma_start3A_142 = tpu.memref_squeeze %dma_start3A_141 : memref<1x128x32xf32, #tpu.memory_space<vmem>> -> memref<128x32xf32, #tpu.memory_space<vmem>>
      %dma_start3A_143 = arith.constant 0 : i32
      %dma_start3A_144 = tpu.memref_slice %arg6[%add3A_136, %dma_start3A_143] : memref<79x128xi32, #tpu.memory_space<vmem>> -> memref<1x128xi32, #tpu.memory_space<vmem>>
      %dma_start3A_145 = tpu.memref_squeeze %dma_start3A_144 : memref<1x128xi32, #tpu.memory_space<vmem>> -> memref<128xi32, #tpu.memory_space<vmem>>
      %dma_start3A_146 = arith.constant 0 : i32
      %dma_start3A_147 = arith.constant 0 : i32
      %dma_start3A_148 = tpu.memref_slice %arg10[%dma_start3A_146, %dma_start3A_147] : memref<10112x32xf32, #tpu.memory_space<vmem_shared>> -> memref<10112x32xf32, #tpu.memory_space<vmem_shared>>
      %dma_start3A_149 = tpu.memref_slice %arg11[%dma_start3A_138] : memref<13x!tpu.dma_semaphore, #tpu.memory_space<semaphore_mem>> -> memref<1x!tpu.dma_semaphore, #tpu.memory_space<semaphore_mem>>
      %dma_start3A_150 = tpu.memref_squeeze %dma_start3A_149 : memref<1x!tpu.dma_semaphore, #tpu.memory_space<semaphore_mem>> -> memref<!tpu.dma_semaphore, #tpu.memory_space<semaphore_mem>>
      tpu.enqueue_indirect_dma source(%dma_start3A_148 : memref<10112x32xf32, #tpu.memory_space<vmem_shared>>) target(%dma_start3A_142 : memref<128x32xf32, #tpu.memory_space<vmem>>) offsets(%dma_start3A_145 : memref<128xi32, #tpu.memory_space<vmem>>) semaphore(%dma_start3A_150 : memref<!tpu.dma_semaphore, #tpu.memory_space<semaphore_mem>>)
      %mul3A_151 = arith.constant 13 : i32
      %mul3A_152 = arith.muli %scan3A_18, %mul3A_151 : i32
      %add3A_153 = arith.addi %sub3A, %mul3A_152 : i32
      %add3A_154 = arith.constant 7 : i32
      %add3A_155 = arith.addi %add3A_153, %add3A_154 : i32
      %dma_start3A_156 = arith.constant 7 : i32
      %dma_start3A_157 = arith.constant 7 : i32
      %dma_start3A_158 = arith.constant 0 : i32
      %dma_start3A_159 = arith.constant 0 : i32
      %dma_start3A_160 = tpu.memref_slice %arg8[%dma_start3A_156, %dma_start3A_158, %dma_start3A_159] : memref<13x128x32xf32, #tpu.memory_space<vmem>> -> memref<1x128x32xf32, #tpu.memory_space<vmem>>
      %dma_start3A_161 = tpu.memref_squeeze %dma_start3A_160 : memref<1x128x32xf32, #tpu.memory_space<vmem>> -> memref<128x32xf32, #tpu.memory_space<vmem>>
      %dma_start3A_162 = arith.constant 0 : i32
      %dma_start3A_163 = tpu.memref_slice %arg6[%add3A_155, %dma_start3A_162] : memref<79x128xi32, #tpu.memory_space<vmem>> -> memref<1x128xi32, #tpu.memory_space<vmem>>
      %dma_start3A_164 = tpu.memref_squeeze %dma_start3A_163 : memref<1x128xi32, #tpu.memory_space<vmem>> -> memref<128xi32, #tpu.memory_space<vmem>>
      %dma_start3A_165 = arith.constant 0 : i32
      %dma_start3A_166 = arith.constant 0 : i32
      %dma_start3A_167 = tpu.memref_slice %arg10[%dma_start3A_165, %dma_start3A_166] : memref<10112x32xf32, #tpu.memory_space<vmem_shared>> -> memref<10112x32xf32, #tpu.memory_space<vmem_shared>>
      %dma_start3A_168 = tpu.memref_slice %arg11[%dma_start3A_157] : memref<13x!tpu.dma_semaphore, #tpu.memory_space<semaphore_mem>> -> memref<1x!tpu.dma_semaphore, #tpu.memory_space<semaphore_mem>>
      %dma_start3A_169 = tpu.memref_squeeze %dma_start3A_168 : memref<1x!tpu.dma_semaphore, #tpu.memory_space<semaphore_mem>> -> memref<!tpu.dma_semaphore, #tpu.memory_space<semaphore_mem>>
      tpu.enqueue_indirect_dma source(%dma_start3A_167 : memref<10112x32xf32, #tpu.memory_space<vmem_shared>>) target(%dma_start3A_161 : memref<128x32xf32, #tpu.memory_space<vmem>>) offsets(%dma_start3A_164 : memref<128xi32, #tpu.memory_space<vmem>>) semaphore(%dma_start3A_169 : memref<!tpu.dma_semaphore, #tpu.memory_space<semaphore_mem>>)
      %mul3A_170 = arith.constant 13 : i32
      %mul3A_171 = arith.muli %scan3A_18, %mul3A_170 : i32
      %add3A_172 = arith.addi %sub3A, %mul3A_171 : i32
      %add3A_173 = arith.constant 8 : i32
      %add3A_174 = arith.addi %add3A_172, %add3A_173 : i32
      %dma_start3A_175 = arith.constant 8 : i32
      %dma_start3A_176 = arith.constant 8 : i32
      %dma_start3A_177 = arith.constant 0 : i32
      %dma_start3A_178 = arith.constant 0 : i32
      %dma_start3A_179 = tpu.memref_slice %arg8[%dma_start3A_175, %dma_start3A_177, %dma_start3A_178] : memref<13x128x32xf32, #tpu.memory_space<vmem>> -> memref<1x128x32xf32, #tpu.memory_space<vmem>>
      %dma_start3A_180 = tpu.memref_squeeze %dma_start3A_179 : memref<1x128x32xf32, #tpu.memory_space<vmem>> -> memref<128x32xf32, #tpu.memory_space<vmem>>
      %dma_start3A_181 = arith.constant 0 : i32
      %dma_start3A_182 = tpu.memref_slice %arg6[%add3A_174, %dma_start3A_181] : memref<79x128xi32, #tpu.memory_space<vmem>> -> memref<1x128xi32, #tpu.memory_space<vmem>>
      %dma_start3A_183 = tpu.memref_squeeze %dma_start3A_182 : memref<1x128xi32, #tpu.memory_space<vmem>> -> memref<128xi32, #tpu.memory_space<vmem>>
      %dma_start3A_184 = arith.constant 0 : i32
      %dma_start3A_185 = arith.constant 0 : i32
      %dma_start3A_186 = tpu.memref_slice %arg10[%dma_start3A_184, %dma_start3A_185] : memref<10112x32xf32, #tpu.memory_space<vmem_shared>> -> memref<10112x32xf32, #tpu.memory_space<vmem_shared>>
      %dma_start3A_187 = tpu.memref_slice %arg11[%dma_start3A_176] : memref<13x!tpu.dma_semaphore, #tpu.memory_space<semaphore_mem>> -> memref<1x!tpu.dma_semaphore, #tpu.memory_space<semaphore_mem>>
      %dma_start3A_188 = tpu.memref_squeeze %dma_start3A_187 : memref<1x!tpu.dma_semaphore, #tpu.memory_space<semaphore_mem>> -> memref<!tpu.dma_semaphore, #tpu.memory_space<semaphore_mem>>
      tpu.enqueue_indirect_dma source(%dma_start3A_186 : memref<10112x32xf32, #tpu.memory_space<vmem_shared>>) target(%dma_start3A_180 : memref<128x32xf32, #tpu.memory_space<vmem>>) offsets(%dma_start3A_183 : memref<128xi32, #tpu.memory_space<vmem>>) semaphore(%dma_start3A_188 : memref<!tpu.dma_semaphore, #tpu.memory_space<semaphore_mem>>)
      %mul3A_189 = arith.constant 13 : i32
      %mul3A_190 = arith.muli %scan3A_18, %mul3A_189 : i32
      %add3A_191 = arith.addi %sub3A, %mul3A_190 : i32
      %add3A_192 = arith.constant 9 : i32
      %add3A_193 = arith.addi %add3A_191, %add3A_192 : i32
      %dma_start3A_194 = arith.constant 9 : i32
      %dma_start3A_195 = arith.constant 9 : i32
      %dma_start3A_196 = arith.constant 0 : i32
      %dma_start3A_197 = arith.constant 0 : i32
      %dma_start3A_198 = tpu.memref_slice %arg8[%dma_start3A_194, %dma_start3A_196, %dma_start3A_197] : memref<13x128x32xf32, #tpu.memory_space<vmem>> -> memref<1x128x32xf32, #tpu.memory_space<vmem>>
      %dma_start3A_199 = tpu.memref_squeeze %dma_start3A_198 : memref<1x128x32xf32, #tpu.memory_space<vmem>> -> memref<128x32xf32, #tpu.memory_space<vmem>>
      %dma_start3A_200 = arith.constant 0 : i32
      %dma_start3A_201 = tpu.memref_slice %arg6[%add3A_193, %dma_start3A_200] : memref<79x128xi32, #tpu.memory_space<vmem>> -> memref<1x128xi32, #tpu.memory_space<vmem>>
      %dma_start3A_202 = tpu.memref_squeeze %dma_start3A_201 : memref<1x128xi32, #tpu.memory_space<vmem>> -> memref<128xi32, #tpu.memory_space<vmem>>
      %dma_start3A_203 = arith.constant 0 : i32
      %dma_start3A_204 = arith.constant 0 : i32
      %dma_start3A_205 = tpu.memref_slice %arg10[%dma_start3A_203, %dma_start3A_204] : memref<10112x32xf32, #tpu.memory_space<vmem_shared>> -> memref<10112x32xf32, #tpu.memory_space<vmem_shared>>
      %dma_start3A_206 = tpu.memref_slice %arg11[%dma_start3A_195] : memref<13x!tpu.dma_semaphore, #tpu.memory_space<semaphore_mem>> -> memref<1x!tpu.dma_semaphore, #tpu.memory_space<semaphore_mem>>
      %dma_start3A_207 = tpu.memref_squeeze %dma_start3A_206 : memref<1x!tpu.dma_semaphore, #tpu.memory_space<semaphore_mem>> -> memref<!tpu.dma_semaphore, #tpu.memory_space<semaphore_mem>>
      tpu.enqueue_indirect_dma source(%dma_start3A_205 : memref<10112x32xf32, #tpu.memory_space<vmem_shared>>) target(%dma_start3A_199 : memref<128x32xf32, #tpu.memory_space<vmem>>) offsets(%dma_start3A_202 : memref<128xi32, #tpu.memory_space<vmem>>) semaphore(%dma_start3A_207 : memref<!tpu.dma_semaphore, #tpu.memory_space<semaphore_mem>>)
      %mul3A_208 = arith.constant 13 : i32
      %mul3A_209 = arith.muli %scan3A_18, %mul3A_208 : i32
      %add3A_210 = arith.addi %sub3A, %mul3A_209 : i32
      %add3A_211 = arith.constant 10 : i32
      %add3A_212 = arith.addi %add3A_210, %add3A_211 : i32
      %dma_start3A_213 = arith.constant 10 : i32
      %dma_start3A_214 = arith.constant 10 : i32
      %dma_start3A_215 = arith.constant 0 : i32
      %dma_start3A_216 = arith.constant 0 : i32
      %dma_start3A_217 = tpu.memref_slice %arg8[%dma_start3A_213, %dma_start3A_215, %dma_start3A_216] : memref<13x128x32xf32, #tpu.memory_space<vmem>> -> memref<1x128x32xf32, #tpu.memory_space<vmem>>
      %dma_start3A_218 = tpu.memref_squeeze %dma_start3A_217 : memref<1x128x32xf32, #tpu.memory_space<vmem>> -> memref<128x32xf32, #tpu.memory_space<vmem>>
      %dma_start3A_219 = arith.constant 0 : i32
      %dma_start3A_220 = tpu.memref_slice %arg6[%add3A_212, %dma_start3A_219] : memref<79x128xi32, #tpu.memory_space<vmem>> -> memref<1x128xi32, #tpu.memory_space<vmem>>
      %dma_start3A_221 = tpu.memref_squeeze %dma_start3A_220 : memref<1x128xi32, #tpu.memory_space<vmem>> -> memref<128xi32, #tpu.memory_space<vmem>>
      %dma_start3A_222 = arith.constant 0 : i32
      %dma_start3A_223 = arith.constant 0 : i32
      %dma_start3A_224 = tpu.memref_slice %arg10[%dma_start3A_222, %dma_start3A_223] : memref<10112x32xf32, #tpu.memory_space<vmem_shared>> -> memref<10112x32xf32, #tpu.memory_space<vmem_shared>>
      %dma_start3A_225 = tpu.memref_slice %arg11[%dma_start3A_214] : memref<13x!tpu.dma_semaphore, #tpu.memory_space<semaphore_mem>> -> memref<1x!tpu.dma_semaphore, #tpu.memory_space<semaphore_mem>>
      %dma_start3A_226 = tpu.memref_squeeze %dma_start3A_225 : memref<1x!tpu.dma_semaphore, #tpu.memory_space<semaphore_mem>> -> memref<!tpu.dma_semaphore, #tpu.memory_space<semaphore_mem>>
      tpu.enqueue_indirect_dma source(%dma_start3A_224 : memref<10112x32xf32, #tpu.memory_space<vmem_shared>>) target(%dma_start3A_218 : memref<128x32xf32, #tpu.memory_space<vmem>>) offsets(%dma_start3A_221 : memref<128xi32, #tpu.memory_space<vmem>>) semaphore(%dma_start3A_226 : memref<!tpu.dma_semaphore, #tpu.memory_space<semaphore_mem>>)
      %mul3A_227 = arith.constant 13 : i32
      %mul3A_228 = arith.muli %scan3A_18, %mul3A_227 : i32
      %add3A_229 = arith.addi %sub3A, %mul3A_228 : i32
      %add3A_230 = arith.constant 11 : i32
      %add3A_231 = arith.addi %add3A_229, %add3A_230 : i32
      %dma_start3A_232 = arith.constant 11 : i32
      %dma_start3A_233 = arith.constant 11 : i32
      %dma_start3A_234 = arith.constant 0 : i32
      %dma_start3A_235 = arith.constant 0 : i32
      %dma_start3A_236 = tpu.memref_slice %arg8[%dma_start3A_232, %dma_start3A_234, %dma_start3A_235] : memref<13x128x32xf32, #tpu.memory_space<vmem>> -> memref<1x128x32xf32, #tpu.memory_space<vmem>>
      %dma_start3A_237 = tpu.memref_squeeze %dma_start3A_236 : memref<1x128x32xf32, #tpu.memory_space<vmem>> -> memref<128x32xf32, #tpu.memory_space<vmem>>
      %dma_start3A_238 = arith.constant 0 : i32
      %dma_start3A_239 = tpu.memref_slice %arg6[%add3A_231, %dma_start3A_238] : memref<79x128xi32, #tpu.memory_space<vmem>> -> memref<1x128xi32, #tpu.memory_space<vmem>>
      %dma_start3A_240 = tpu.memref_squeeze %dma_start3A_239 : memref<1x128xi32, #tpu.memory_space<vmem>> -> memref<128xi32, #tpu.memory_space<vmem>>
      %dma_start3A_241 = arith.constant 0 : i32
      %dma_start3A_242 = arith.constant 0 : i32
      %dma_start3A_243 = tpu.memref_slice %arg10[%dma_start3A_241, %dma_start3A_242] : memref<10112x32xf32, #tpu.memory_space<vmem_shared>> -> memref<10112x32xf32, #tpu.memory_space<vmem_shared>>
      %dma_start3A_244 = tpu.memref_slice %arg11[%dma_start3A_233] : memref<13x!tpu.dma_semaphore, #tpu.memory_space<semaphore_mem>> -> memref<1x!tpu.dma_semaphore, #tpu.memory_space<semaphore_mem>>
      %dma_start3A_245 = tpu.memref_squeeze %dma_start3A_244 : memref<1x!tpu.dma_semaphore, #tpu.memory_space<semaphore_mem>> -> memref<!tpu.dma_semaphore, #tpu.memory_space<semaphore_mem>>
      tpu.enqueue_indirect_dma source(%dma_start3A_243 : memref<10112x32xf32, #tpu.memory_space<vmem_shared>>) target(%dma_start3A_237 : memref<128x32xf32, #tpu.memory_space<vmem>>) offsets(%dma_start3A_240 : memref<128xi32, #tpu.memory_space<vmem>>) semaphore(%dma_start3A_245 : memref<!tpu.dma_semaphore, #tpu.memory_space<semaphore_mem>>)
      %mul3A_246 = arith.constant 13 : i32
      %mul3A_247 = arith.muli %scan3A_18, %mul3A_246 : i32
      %add3A_248 = arith.addi %sub3A, %mul3A_247 : i32
      %add3A_249 = arith.constant 12 : i32
      %add3A_250 = arith.addi %add3A_248, %add3A_249 : i32
      %dma_start3A_251 = arith.constant 12 : i32
      %dma_start3A_252 = arith.constant 12 : i32
      %dma_start3A_253 = arith.constant 0 : i32
      %dma_start3A_254 = arith.constant 0 : i32
      %dma_start3A_255 = tpu.memref_slice %arg8[%dma_start3A_251, %dma_start3A_253, %dma_start3A_254] : memref<13x128x32xf32, #tpu.memory_space<vmem>> -> memref<1x128x32xf32, #tpu.memory_space<vmem>>
      %dma_start3A_256 = tpu.memref_squeeze %dma_start3A_255 : memref<1x128x32xf32, #tpu.memory_space<vmem>> -> memref<128x32xf32, #tpu.memory_space<vmem>>
      %dma_start3A_257 = arith.constant 0 : i32
      %dma_start3A_258 = tpu.memref_slice %arg6[%add3A_250, %dma_start3A_257] : memref<79x128xi32, #tpu.memory_space<vmem>> -> memref<1x128xi32, #tpu.memory_space<vmem>>
      %dma_start3A_259 = tpu.memref_squeeze %dma_start3A_258 : memref<1x128xi32, #tpu.memory_space<vmem>> -> memref<128xi32, #tpu.memory_space<vmem>>
      %dma_start3A_260 = arith.constant 0 : i32
      %dma_start3A_261 = arith.constant 0 : i32
      %dma_start3A_262 = tpu.memref_slice %arg10[%dma_start3A_260, %dma_start3A_261] : memref<10112x32xf32, #tpu.memory_space<vmem_shared>> -> memref<10112x32xf32, #tpu.memory_space<vmem_shared>>
      %dma_start3A_263 = tpu.memref_slice %arg11[%dma_start3A_252] : memref<13x!tpu.dma_semaphore, #tpu.memory_space<semaphore_mem>> -> memref<1x!tpu.dma_semaphore, #tpu.memory_space<semaphore_mem>>
      %dma_start3A_264 = tpu.memref_squeeze %dma_start3A_263 : memref<1x!tpu.dma_semaphore, #tpu.memory_space<semaphore_mem>> -> memref<!tpu.dma_semaphore, #tpu.memory_space<semaphore_mem>>
      tpu.enqueue_indirect_dma source(%dma_start3A_262 : memref<10112x32xf32, #tpu.memory_space<vmem_shared>>) target(%dma_start3A_256 : memref<128x32xf32, #tpu.memory_space<vmem>>) offsets(%dma_start3A_259 : memref<128xi32, #tpu.memory_space<vmem>>) semaphore(%dma_start3A_264 : memref<!tpu.dma_semaphore, #tpu.memory_space<semaphore_mem>>)
      %mul3A_265 = arith.constant 13 : i32
      %mul3A_266 = arith.muli %scan3A_18, %mul3A_265 : i32
      %add3A_267 = arith.addi %sub3A, %mul3A_266 : i32
      %add3A_268 = arith.constant 0 : i32
      %add3A_269 = arith.addi %add3A_267, %add3A_268 : i32
      %dma_wait3A = arith.constant 0 : i32
      %dma_wait3A_270 = arith.constant 0 : i32
      %dma_wait3A_271 = arith.constant 0 : i32
      %dma_wait3A_272 = arith.constant 0 : i32
      %dma_wait3A_273 = tpu.memref_slice %arg8[%dma_wait3A, %dma_wait3A_271, %dma_wait3A_272] : memref<13x128x32xf32, #tpu.memory_space<vmem>> -> memref<1x128x32xf32, #tpu.memory_space<vmem>>
      %dma_wait3A_274 = tpu.memref_squeeze %dma_wait3A_273 : memref<1x128x32xf32, #tpu.memory_space<vmem>> -> memref<128x32xf32, #tpu.memory_space<vmem>>
      %dma_wait3A_275 = arith.constant 0 : i32
      %dma_wait3A_276 = tpu.memref_slice %arg6[%add3A_23, %dma_wait3A_275] : memref<79x128xi32, #tpu.memory_space<vmem>> -> memref<1x128xi32, #tpu.memory_space<vmem>>
      %dma_wait3A_277 = tpu.memref_squeeze %dma_wait3A_276 : memref<1x128xi32, #tpu.memory_space<vmem>> -> memref<128xi32, #tpu.memory_space<vmem>>
      %dma_wait3A_278 = arith.constant 0 : i32
      %dma_wait3A_279 = arith.constant 0 : i32
      %dma_wait3A_280 = tpu.memref_slice %arg10[%dma_wait3A_278, %dma_wait3A_279] : memref<10112x32xf32, #tpu.memory_space<vmem_shared>> -> memref<10112x32xf32, #tpu.memory_space<vmem_shared>>
      %dma_wait3A_281 = tpu.memref_slice %arg11[%dma_wait3A_270] : memref<13x!tpu.dma_semaphore, #tpu.memory_space<semaphore_mem>> -> memref<1x!tpu.dma_semaphore, #tpu.memory_space<semaphore_mem>>
      %dma_wait3A_282 = tpu.memref_squeeze %dma_wait3A_281 : memref<1x!tpu.dma_semaphore, #tpu.memory_space<semaphore_mem>> -> memref<!tpu.dma_semaphore, #tpu.memory_space<semaphore_mem>>
      tpu.wait_indirect_dma semaphore(%dma_wait3A_282 : memref<!tpu.dma_semaphore, #tpu.memory_space<semaphore_mem>>) src(%dma_wait3A_280 : memref<10112x32xf32, #tpu.memory_space<vmem_shared>>) dst(%dma_wait3A_274 : memref<128x32xf32, #tpu.memory_space<vmem>>)
      %dma_start3A_283 = arith.constant 0 : i32
      %dma_start3A_284 = arith.constant 0 : i32
      %dma_start3A_285 = arith.constant 0 : i32
      %dma_start3A_286 = tpu.memref_slice %arg8[%dma_start3A_283, %dma_start3A_284, %dma_start3A_285] : memref<13x128x32xf32, #tpu.memory_space<vmem>> -> memref<1x128x32xf32, #tpu.memory_space<vmem>>
      %dma_start3A_287 = tpu.memref_squeeze %dma_start3A_286 : memref<1x128x32xf32, #tpu.memory_space<vmem>> -> memref<128x32xf32, #tpu.memory_space<vmem>>
      %dma_start3A_288 = arith.constant 0 : i32
      %dma_start3A_289 = tpu.memref_slice %arg7[%add3A_269, %dma_start3A_288] : memref<79x128xi32, #tpu.memory_space<vmem>> -> memref<1x128xi32, #tpu.memory_space<vmem>>
      %dma_start3A_290 = tpu.memref_squeeze %dma_start3A_289 : memref<1x128xi32, #tpu.memory_space<vmem>> -> memref<128xi32, #tpu.memory_space<vmem>>
      %dma_start3A_291 = arith.constant 0 : i32
      %dma_start3A_292 = arith.constant 0 : i32
      %dma_start3A_293 = tpu.memref_slice %arg9[%dma_start3A_291, %dma_start3A_292] : memref<10112x32xf32, #tpu.memory_space<vmem_shared>> -> memref<10112x32xf32, #tpu.memory_space<vmem_shared>>
      tpu.enqueue_indirect_dma source(%dma_start3A_287 : memref<128x32xf32, #tpu.memory_space<vmem>>) target(%dma_start3A_293 : memref<10112x32xf32, #tpu.memory_space<vmem_shared>>) offsets(%dma_start3A_290 : memref<128xi32, #tpu.memory_space<vmem>>) semaphore(%arg12 : memref<!tpu.dma_semaphore, #tpu.memory_space<semaphore_mem>>) {add = true}
      %mul3A_294 = arith.constant 13 : i32
      %mul3A_295 = arith.muli %scan3A_18, %mul3A_294 : i32
      %add3A_296 = arith.addi %sub3A, %mul3A_295 : i32
      %add3A_297 = arith.constant 1 : i32
      %add3A_298 = arith.addi %add3A_296, %add3A_297 : i32
      %dma_wait3A_299 = arith.constant 1 : i32
      %dma_wait3A_300 = arith.constant 1 : i32
      %dma_wait3A_301 = arith.constant 0 : i32
      %dma_wait3A_302 = arith.constant 0 : i32
      %dma_wait3A_303 = tpu.memref_slice %arg8[%dma_wait3A_299, %dma_wait3A_301, %dma_wait3A_302] : memref<13x128x32xf32, #tpu.memory_space<vmem>> -> memref<1x128x32xf32, #tpu.memory_space<vmem>>
      %dma_wait3A_304 = tpu.memref_squeeze %dma_wait3A_303 : memref<1x128x32xf32, #tpu.memory_space<vmem>> -> memref<128x32xf32, #tpu.memory_space<vmem>>
      %dma_wait3A_305 = arith.constant 0 : i32
      %dma_wait3A_306 = tpu.memref_slice %arg6[%add3A_41, %dma_wait3A_305] : memref<79x128xi32, #tpu.memory_space<vmem>> -> memref<1x128xi32, #tpu.memory_space<vmem>>
      %dma_wait3A_307 = tpu.memref_squeeze %dma_wait3A_306 : memref<1x128xi32, #tpu.memory_space<vmem>> -> memref<128xi32, #tpu.memory_space<vmem>>
      %dma_wait3A_308 = arith.constant 0 : i32
      %dma_wait3A_309 = arith.constant 0 : i32
      %dma_wait3A_310 = tpu.memref_slice %arg10[%dma_wait3A_308, %dma_wait3A_309] : memref<10112x32xf32, #tpu.memory_space<vmem_shared>> -> memref<10112x32xf32, #tpu.memory_space<vmem_shared>>
      %dma_wait3A_311 = tpu.memref_slice %arg11[%dma_wait3A_300] : memref<13x!tpu.dma_semaphore, #tpu.memory_space<semaphore_mem>> -> memref<1x!tpu.dma_semaphore, #tpu.memory_space<semaphore_mem>>
      %dma_wait3A_312 = tpu.memref_squeeze %dma_wait3A_311 : memref<1x!tpu.dma_semaphore, #tpu.memory_space<semaphore_mem>> -> memref<!tpu.dma_semaphore, #tpu.memory_space<semaphore_mem>>
      tpu.wait_indirect_dma semaphore(%dma_wait3A_312 : memref<!tpu.dma_semaphore, #tpu.memory_space<semaphore_mem>>) src(%dma_wait3A_310 : memref<10112x32xf32, #tpu.memory_space<vmem_shared>>) dst(%dma_wait3A_304 : memref<128x32xf32, #tpu.memory_space<vmem>>)
      %dma_start3A_313 = arith.constant 1 : i32
      %dma_start3A_314 = arith.constant 0 : i32
      %dma_start3A_315 = arith.constant 0 : i32
      %dma_start3A_316 = tpu.memref_slice %arg8[%dma_start3A_313, %dma_start3A_314, %dma_start3A_315] : memref<13x128x32xf32, #tpu.memory_space<vmem>> -> memref<1x128x32xf32, #tpu.memory_space<vmem>>
      %dma_start3A_317 = tpu.memref_squeeze %dma_start3A_316 : memref<1x128x32xf32, #tpu.memory_space<vmem>> -> memref<128x32xf32, #tpu.memory_space<vmem>>
      %dma_start3A_318 = arith.constant 0 : i32
      %dma_start3A_319 = tpu.memref_slice %arg7[%add3A_298, %dma_start3A_318] : memref<79x128xi32, #tpu.memory_space<vmem>> -> memref<1x128xi32, #tpu.memory_space<vmem>>
      %dma_start3A_320 = tpu.memref_squeeze %dma_start3A_319 : memref<1x128xi32, #tpu.memory_space<vmem>> -> memref<128xi32, #tpu.memory_space<vmem>>
      %dma_start3A_321 = arith.constant 0 : i32
      %dma_start3A_322 = arith.constant 0 : i32
      %dma_start3A_323 = tpu.memref_slice %arg9[%dma_start3A_321, %dma_start3A_322] : memref<10112x32xf32, #tpu.memory_space<vmem_shared>> -> memref<10112x32xf32, #tpu.memory_space<vmem_shared>>
      tpu.enqueue_indirect_dma source(%dma_start3A_317 : memref<128x32xf32, #tpu.memory_space<vmem>>) target(%dma_start3A_323 : memref<10112x32xf32, #tpu.memory_space<vmem_shared>>) offsets(%dma_start3A_320 : memref<128xi32, #tpu.memory_space<vmem>>) semaphore(%arg12 : memref<!tpu.dma_semaphore, #tpu.memory_space<semaphore_mem>>) {add = true}
      %mul3A_324 = arith.constant 13 : i32
      %mul3A_325 = arith.muli %scan3A_18, %mul3A_324 : i32
      %add3A_326 = arith.addi %sub3A, %mul3A_325 : i32
      %add3A_327 = arith.constant 2 : i32
      %add3A_328 = arith.addi %add3A_326, %add3A_327 : i32
      %dma_wait3A_329 = arith.constant 2 : i32
      %dma_wait3A_330 = arith.constant 2 : i32
      %dma_wait3A_331 = arith.constant 0 : i32
      %dma_wait3A_332 = arith.constant 0 : i32
      %dma_wait3A_333 = tpu.memref_slice %arg8[%dma_wait3A_329, %dma_wait3A_331, %dma_wait3A_332] : memref<13x128x32xf32, #tpu.memory_space<vmem>> -> memref<1x128x32xf32, #tpu.memory_space<vmem>>
      %dma_wait3A_334 = tpu.memref_squeeze %dma_wait3A_333 : memref<1x128x32xf32, #tpu.memory_space<vmem>> -> memref<128x32xf32, #tpu.memory_space<vmem>>
      %dma_wait3A_335 = arith.constant 0 : i32
      %dma_wait3A_336 = tpu.memref_slice %arg6[%add3A_60, %dma_wait3A_335] : memref<79x128xi32, #tpu.memory_space<vmem>> -> memref<1x128xi32, #tpu.memory_space<vmem>>
      %dma_wait3A_337 = tpu.memref_squeeze %dma_wait3A_336 : memref<1x128xi32, #tpu.memory_space<vmem>> -> memref<128xi32, #tpu.memory_space<vmem>>
      %dma_wait3A_338 = arith.constant 0 : i32
      %dma_wait3A_339 = arith.constant 0 : i32
      %dma_wait3A_340 = tpu.memref_slice %arg10[%dma_wait3A_338, %dma_wait3A_339] : memref<10112x32xf32, #tpu.memory_space<vmem_shared>> -> memref<10112x32xf32, #tpu.memory_space<vmem_shared>>
      %dma_wait3A_341 = tpu.memref_slice %arg11[%dma_wait3A_330] : memref<13x!tpu.dma_semaphore, #tpu.memory_space<semaphore_mem>> -> memref<1x!tpu.dma_semaphore, #tpu.memory_space<semaphore_mem>>
      %dma_wait3A_342 = tpu.memref_squeeze %dma_wait3A_341 : memref<1x!tpu.dma_semaphore, #tpu.memory_space<semaphore_mem>> -> memref<!tpu.dma_semaphore, #tpu.memory_space<semaphore_mem>>
      tpu.wait_indirect_dma semaphore(%dma_wait3A_342 : memref<!tpu.dma_semaphore, #tpu.memory_space<semaphore_mem>>) src(%dma_wait3A_340 : memref<10112x32xf32, #tpu.memory_space<vmem_shared>>) dst(%dma_wait3A_334 : memref<128x32xf32, #tpu.memory_space<vmem>>)
      %dma_start3A_343 = arith.constant 2 : i32
      %dma_start3A_344 = arith.constant 0 : i32
      %dma_start3A_345 = arith.constant 0 : i32
      %dma_start3A_346 = tpu.memref_slice %arg8[%dma_start3A_343, %dma_start3A_344, %dma_start3A_345] : memref<13x128x32xf32, #tpu.memory_space<vmem>> -> memref<1x128x32xf32, #tpu.memory_space<vmem>>
      %dma_start3A_347 = tpu.memref_squeeze %dma_start3A_346 : memref<1x128x32xf32, #tpu.memory_space<vmem>> -> memref<128x32xf32, #tpu.memory_space<vmem>>
      %dma_start3A_348 = arith.constant 0 : i32
      %dma_start3A_349 = tpu.memref_slice %arg7[%add3A_328, %dma_start3A_348] : memref<79x128xi32, #tpu.memory_space<vmem>> -> memref<1x128xi32, #tpu.memory_space<vmem>>
      %dma_start3A_350 = tpu.memref_squeeze %dma_start3A_349 : memref<1x128xi32, #tpu.memory_space<vmem>> -> memref<128xi32, #tpu.memory_space<vmem>>
      %dma_start3A_351 = arith.constant 0 : i32
      %dma_start3A_352 = arith.constant 0 : i32
      %dma_start3A_353 = tpu.memref_slice %arg9[%dma_start3A_351, %dma_start3A_352] : memref<10112x32xf32, #tpu.memory_space<vmem_shared>> -> memref<10112x32xf32, #tpu.memory_space<vmem_shared>>
      tpu.enqueue_indirect_dma source(%dma_start3A_347 : memref<128x32xf32, #tpu.memory_space<vmem>>) target(%dma_start3A_353 : memref<10112x32xf32, #tpu.memory_space<vmem_shared>>) offsets(%dma_start3A_350 : memref<128xi32, #tpu.memory_space<vmem>>) semaphore(%arg12 : memref<!tpu.dma_semaphore, #tpu.memory_space<semaphore_mem>>) {add = true}
      %mul3A_354 = arith.constant 13 : i32
      %mul3A_355 = arith.muli %scan3A_18, %mul3A_354 : i32
      %add3A_356 = arith.addi %sub3A, %mul3A_355 : i32
      %add3A_357 = arith.constant 3 : i32
      %add3A_358 = arith.addi %add3A_356, %add3A_357 : i32
      %dma_wait3A_359 = arith.constant 3 : i32
      %dma_wait3A_360 = arith.constant 3 : i32
      %dma_wait3A_361 = arith.constant 0 : i32
      %dma_wait3A_362 = arith.constant 0 : i32
      %dma_wait3A_363 = tpu.memref_slice %arg8[%dma_wait3A_359, %dma_wait3A_361, %dma_wait3A_362] : memref<13x128x32xf32, #tpu.memory_space<vmem>> -> memref<1x128x32xf32, #tpu.memory_space<vmem>>
      %dma_wait3A_364 = tpu.memref_squeeze %dma_wait3A_363 : memref<1x128x32xf32, #tpu.memory_space<vmem>> -> memref<128x32xf32, #tpu.memory_space<vmem>>
      %dma_wait3A_365 = arith.constant 0 : i32
      %dma_wait3A_366 = tpu.memref_slice %arg6[%add3A_79, %dma_wait3A_365] : memref<79x128xi32, #tpu.memory_space<vmem>> -> memref<1x128xi32, #tpu.memory_space<vmem>>
      %dma_wait3A_367 = tpu.memref_squeeze %dma_wait3A_366 : memref<1x128xi32, #tpu.memory_space<vmem>> -> memref<128xi32, #tpu.memory_space<vmem>>
      %dma_wait3A_368 = arith.constant 0 : i32
      %dma_wait3A_369 = arith.constant 0 : i32
      %dma_wait3A_370 = tpu.memref_slice %arg10[%dma_wait3A_368, %dma_wait3A_369] : memref<10112x32xf32, #tpu.memory_space<vmem_shared>> -> memref<10112x32xf32, #tpu.memory_space<vmem_shared>>
      %dma_wait3A_371 = tpu.memref_slice %arg11[%dma_wait3A_360] : memref<13x!tpu.dma_semaphore, #tpu.memory_space<semaphore_mem>> -> memref<1x!tpu.dma_semaphore, #tpu.memory_space<semaphore_mem>>
      %dma_wait3A_372 = tpu.memref_squeeze %dma_wait3A_371 : memref<1x!tpu.dma_semaphore, #tpu.memory_space<semaphore_mem>> -> memref<!tpu.dma_semaphore, #tpu.memory_space<semaphore_mem>>
      tpu.wait_indirect_dma semaphore(%dma_wait3A_372 : memref<!tpu.dma_semaphore, #tpu.memory_space<semaphore_mem>>) src(%dma_wait3A_370 : memref<10112x32xf32, #tpu.memory_space<vmem_shared>>) dst(%dma_wait3A_364 : memref<128x32xf32, #tpu.memory_space<vmem>>)
      %dma_start3A_373 = arith.constant 3 : i32
      %dma_start3A_374 = arith.constant 0 : i32
      %dma_start3A_375 = arith.constant 0 : i32
      %dma_start3A_376 = tpu.memref_slice %arg8[%dma_start3A_373, %dma_start3A_374, %dma_start3A_375] : memref<13x128x32xf32, #tpu.memory_space<vmem>> -> memref<1x128x32xf32, #tpu.memory_space<vmem>>
      %dma_start3A_377 = tpu.memref_squeeze %dma_start3A_376 : memref<1x128x32xf32, #tpu.memory_space<vmem>> -> memref<128x32xf32, #tpu.memory_space<vmem>>
      %dma_start3A_378 = arith.constant 0 : i32
      %dma_start3A_379 = tpu.memref_slice %arg7[%add3A_358, %dma_start3A_378] : memref<79x128xi32, #tpu.memory_space<vmem>> -> memref<1x128xi32, #tpu.memory_space<vmem>>
      %dma_start3A_380 = tpu.memref_squeeze %dma_start3A_379 : memref<1x128xi32, #tpu.memory_space<vmem>> -> memref<128xi32, #tpu.memory_space<vmem>>
      %dma_start3A_381 = arith.constant 0 : i32
      %dma_start3A_382 = arith.constant 0 : i32
      %dma_start3A_383 = tpu.memref_slice %arg9[%dma_start3A_381, %dma_start3A_382] : memref<10112x32xf32, #tpu.memory_space<vmem_shared>> -> memref<10112x32xf32, #tpu.memory_space<vmem_shared>>
      tpu.enqueue_indirect_dma source(%dma_start3A_377 : memref<128x32xf32, #tpu.memory_space<vmem>>) target(%dma_start3A_383 : memref<10112x32xf32, #tpu.memory_space<vmem_shared>>) offsets(%dma_start3A_380 : memref<128xi32, #tpu.memory_space<vmem>>) semaphore(%arg12 : memref<!tpu.dma_semaphore, #tpu.memory_space<semaphore_mem>>) {add = true}
      %mul3A_384 = arith.constant 13 : i32
      %mul3A_385 = arith.muli %scan3A_18, %mul3A_384 : i32
      %add3A_386 = arith.addi %sub3A, %mul3A_385 : i32
      %add3A_387 = arith.constant 4 : i32
      %add3A_388 = arith.addi %add3A_386, %add3A_387 : i32
      %dma_wait3A_389 = arith.constant 4 : i32
      %dma_wait3A_390 = arith.constant 4 : i32
      %dma_wait3A_391 = arith.constant 0 : i32
      %dma_wait3A_392 = arith.constant 0 : i32
      %dma_wait3A_393 = tpu.memref_slice %arg8[%dma_wait3A_389, %dma_wait3A_391, %dma_wait3A_392] : memref<13x128x32xf32, #tpu.memory_space<vmem>> -> memref<1x128x32xf32, #tpu.memory_space<vmem>>
      %dma_wait3A_394 = tpu.memref_squeeze %dma_wait3A_393 : memref<1x128x32xf32, #tpu.memory_space<vmem>> -> memref<128x32xf32, #tpu.memory_space<vmem>>
      %dma_wait3A_395 = arith.constant 0 : i32
      %dma_wait3A_396 = tpu.memref_slice %arg6[%add3A_98, %dma_wait3A_395] : memref<79x128xi32, #tpu.memory_space<vmem>> -> memref<1x128xi32, #tpu.memory_space<vmem>>
      %dma_wait3A_397 = tpu.memref_squeeze %dma_wait3A_396 : memref<1x128xi32, #tpu.memory_space<vmem>> -> memref<128xi32, #tpu.memory_space<vmem>>
      %dma_wait3A_398 = arith.constant 0 : i32
      %dma_wait3A_399 = arith.constant 0 : i32
      %dma_wait3A_400 = tpu.memref_slice %arg10[%dma_wait3A_398, %dma_wait3A_399] : memref<10112x32xf32, #tpu.memory_space<vmem_shared>> -> memref<10112x32xf32, #tpu.memory_space<vmem_shared>>
      %dma_wait3A_401 = tpu.memref_slice %arg11[%dma_wait3A_390] : memref<13x!tpu.dma_semaphore, #tpu.memory_space<semaphore_mem>> -> memref<1x!tpu.dma_semaphore, #tpu.memory_space<semaphore_mem>>
      %dma_wait3A_402 = tpu.memref_squeeze %dma_wait3A_401 : memref<1x!tpu.dma_semaphore, #tpu.memory_space<semaphore_mem>> -> memref<!tpu.dma_semaphore, #tpu.memory_space<semaphore_mem>>
      tpu.wait_indirect_dma semaphore(%dma_wait3A_402 : memref<!tpu.dma_semaphore, #tpu.memory_space<semaphore_mem>>) src(%dma_wait3A_400 : memref<10112x32xf32, #tpu.memory_space<vmem_shared>>) dst(%dma_wait3A_394 : memref<128x32xf32, #tpu.memory_space<vmem>>)
      %dma_start3A_403 = arith.constant 4 : i32
      %dma_start3A_404 = arith.constant 0 : i32
      %dma_start3A_405 = arith.constant 0 : i32
      %dma_start3A_406 = tpu.memref_slice %arg8[%dma_start3A_403, %dma_start3A_404, %dma_start3A_405] : memref<13x128x32xf32, #tpu.memory_space<vmem>> -> memref<1x128x32xf32, #tpu.memory_space<vmem>>
      %dma_start3A_407 = tpu.memref_squeeze %dma_start3A_406 : memref<1x128x32xf32, #tpu.memory_space<vmem>> -> memref<128x32xf32, #tpu.memory_space<vmem>>
      %dma_start3A_408 = arith.constant 0 : i32
      %dma_start3A_409 = tpu.memref_slice %arg7[%add3A_388, %dma_start3A_408] : memref<79x128xi32, #tpu.memory_space<vmem>> -> memref<1x128xi32, #tpu.memory_space<vmem>>
      %dma_start3A_410 = tpu.memref_squeeze %dma_start3A_409 : memref<1x128xi32, #tpu.memory_space<vmem>> -> memref<128xi32, #tpu.memory_space<vmem>>
      %dma_start3A_411 = arith.constant 0 : i32
      %dma_start3A_412 = arith.constant 0 : i32
      %dma_start3A_413 = tpu.memref_slice %arg9[%dma_start3A_411, %dma_start3A_412] : memref<10112x32xf32, #tpu.memory_space<vmem_shared>> -> memref<10112x32xf32, #tpu.memory_space<vmem_shared>>
      tpu.enqueue_indirect_dma source(%dma_start3A_407 : memref<128x32xf32, #tpu.memory_space<vmem>>) target(%dma_start3A_413 : memref<10112x32xf32, #tpu.memory_space<vmem_shared>>) offsets(%dma_start3A_410 : memref<128xi32, #tpu.memory_space<vmem>>) semaphore(%arg12 : memref<!tpu.dma_semaphore, #tpu.memory_space<semaphore_mem>>) {add = true}
      %mul3A_414 = arith.constant 13 : i32
      %mul3A_415 = arith.muli %scan3A_18, %mul3A_414 : i32
      %add3A_416 = arith.addi %sub3A, %mul3A_415 : i32
      %add3A_417 = arith.constant 5 : i32
      %add3A_418 = arith.addi %add3A_416, %add3A_417 : i32
      %dma_wait3A_419 = arith.constant 5 : i32
      %dma_wait3A_420 = arith.constant 5 : i32
      %dma_wait3A_421 = arith.constant 0 : i32
      %dma_wait3A_422 = arith.constant 0 : i32
      %dma_wait3A_423 = tpu.memref_slice %arg8[%dma_wait3A_419, %dma_wait3A_421, %dma_wait3A_422] : memref<13x128x32xf32, #tpu.memory_space<vmem>> -> memref<1x128x32xf32, #tpu.memory_space<vmem>>
      %dma_wait3A_424 = tpu.memref_squeeze %dma_wait3A_423 : memref<1x128x32xf32, #tpu.memory_space<vmem>> -> memref<128x32xf32, #tpu.memory_space<vmem>>
      %dma_wait3A_425 = arith.constant 0 : i32
      %dma_wait3A_426 = tpu.memref_slice %arg6[%add3A_117, %dma_wait3A_425] : memref<79x128xi32, #tpu.memory_space<vmem>> -> memref<1x128xi32, #tpu.memory_space<vmem>>
      %dma_wait3A_427 = tpu.memref_squeeze %dma_wait3A_426 : memref<1x128xi32, #tpu.memory_space<vmem>> -> memref<128xi32, #tpu.memory_space<vmem>>
      %dma_wait3A_428 = arith.constant 0 : i32
      %dma_wait3A_429 = arith.constant 0 : i32
      %dma_wait3A_430 = tpu.memref_slice %arg10[%dma_wait3A_428, %dma_wait3A_429] : memref<10112x32xf32, #tpu.memory_space<vmem_shared>> -> memref<10112x32xf32, #tpu.memory_space<vmem_shared>>
      %dma_wait3A_431 = tpu.memref_slice %arg11[%dma_wait3A_420] : memref<13x!tpu.dma_semaphore, #tpu.memory_space<semaphore_mem>> -> memref<1x!tpu.dma_semaphore, #tpu.memory_space<semaphore_mem>>
      %dma_wait3A_432 = tpu.memref_squeeze %dma_wait3A_431 : memref<1x!tpu.dma_semaphore, #tpu.memory_space<semaphore_mem>> -> memref<!tpu.dma_semaphore, #tpu.memory_space<semaphore_mem>>
      tpu.wait_indirect_dma semaphore(%dma_wait3A_432 : memref<!tpu.dma_semaphore, #tpu.memory_space<semaphore_mem>>) src(%dma_wait3A_430 : memref<10112x32xf32, #tpu.memory_space<vmem_shared>>) dst(%dma_wait3A_424 : memref<128x32xf32, #tpu.memory_space<vmem>>)
      %dma_start3A_433 = arith.constant 5 : i32
      %dma_start3A_434 = arith.constant 0 : i32
      %dma_start3A_435 = arith.constant 0 : i32
      %dma_start3A_436 = tpu.memref_slice %arg8[%dma_start3A_433, %dma_start3A_434, %dma_start3A_435] : memref<13x128x32xf32, #tpu.memory_space<vmem>> -> memref<1x128x32xf32, #tpu.memory_space<vmem>>
      %dma_start3A_437 = tpu.memref_squeeze %dma_start3A_436 : memref<1x128x32xf32, #tpu.memory_space<vmem>> -> memref<128x32xf32, #tpu.memory_space<vmem>>
      %dma_start3A_438 = arith.constant 0 : i32
      %dma_start3A_439 = tpu.memref_slice %arg7[%add3A_418, %dma_start3A_438] : memref<79x128xi32, #tpu.memory_space<vmem>> -> memref<1x128xi32, #tpu.memory_space<vmem>>
      %dma_start3A_440 = tpu.memref_squeeze %dma_start3A_439 : memref<1x128xi32, #tpu.memory_space<vmem>> -> memref<128xi32, #tpu.memory_space<vmem>>
      %dma_start3A_441 = arith.constant 0 : i32
      %dma_start3A_442 = arith.constant 0 : i32
      %dma_start3A_443 = tpu.memref_slice %arg9[%dma_start3A_441, %dma_start3A_442] : memref<10112x32xf32, #tpu.memory_space<vmem_shared>> -> memref<10112x32xf32, #tpu.memory_space<vmem_shared>>
      tpu.enqueue_indirect_dma source(%dma_start3A_437 : memref<128x32xf32, #tpu.memory_space<vmem>>) target(%dma_start3A_443 : memref<10112x32xf32, #tpu.memory_space<vmem_shared>>) offsets(%dma_start3A_440 : memref<128xi32, #tpu.memory_space<vmem>>) semaphore(%arg12 : memref<!tpu.dma_semaphore, #tpu.memory_space<semaphore_mem>>) {add = true}
      %mul3A_444 = arith.constant 13 : i32
      %mul3A_445 = arith.muli %scan3A_18, %mul3A_444 : i32
      %add3A_446 = arith.addi %sub3A, %mul3A_445 : i32
      %add3A_447 = arith.constant 6 : i32
      %add3A_448 = arith.addi %add3A_446, %add3A_447 : i32
      %dma_wait3A_449 = arith.constant 6 : i32
      %dma_wait3A_450 = arith.constant 6 : i32
      %dma_wait3A_451 = arith.constant 0 : i32
      %dma_wait3A_452 = arith.constant 0 : i32
      %dma_wait3A_453 = tpu.memref_slice %arg8[%dma_wait3A_449, %dma_wait3A_451, %dma_wait3A_452] : memref<13x128x32xf32, #tpu.memory_space<vmem>> -> memref<1x128x32xf32, #tpu.memory_space<vmem>>
      %dma_wait3A_454 = tpu.memref_squeeze %dma_wait3A_453 : memref<1x128x32xf32, #tpu.memory_space<vmem>> -> memref<128x32xf32, #tpu.memory_space<vmem>>
      %dma_wait3A_455 = arith.constant 0 : i32
      %dma_wait3A_456 = tpu.memref_slice %arg6[%add3A_136, %dma_wait3A_455] : memref<79x128xi32, #tpu.memory_space<vmem>> -> memref<1x128xi32, #tpu.memory_space<vmem>>
      %dma_wait3A_457 = tpu.memref_squeeze %dma_wait3A_456 : memref<1x128xi32, #tpu.memory_space<vmem>> -> memref<128xi32, #tpu.memory_space<vmem>>
      %dma_wait3A_458 = arith.constant 0 : i32
      %dma_wait3A_459 = arith.constant 0 : i32
      %dma_wait3A_460 = tpu.memref_slice %arg10[%dma_wait3A_458, %dma_wait3A_459] : memref<10112x32xf32, #tpu.memory_space<vmem_shared>> -> memref<10112x32xf32, #tpu.memory_space<vmem_shared>>
      %dma_wait3A_461 = tpu.memref_slice %arg11[%dma_wait3A_450] : memref<13x!tpu.dma_semaphore, #tpu.memory_space<semaphore_mem>> -> memref<1x!tpu.dma_semaphore, #tpu.memory_space<semaphore_mem>>
      %dma_wait3A_462 = tpu.memref_squeeze %dma_wait3A_461 : memref<1x!tpu.dma_semaphore, #tpu.memory_space<semaphore_mem>> -> memref<!tpu.dma_semaphore, #tpu.memory_space<semaphore_mem>>
      tpu.wait_indirect_dma semaphore(%dma_wait3A_462 : memref<!tpu.dma_semaphore, #tpu.memory_space<semaphore_mem>>) src(%dma_wait3A_460 : memref<10112x32xf32, #tpu.memory_space<vmem_shared>>) dst(%dma_wait3A_454 : memref<128x32xf32, #tpu.memory_space<vmem>>)
      %dma_start3A_463 = arith.constant 6 : i32
      %dma_start3A_464 = arith.constant 0 : i32
      %dma_start3A_465 = arith.constant 0 : i32
      %dma_start3A_466 = tpu.memref_slice %arg8[%dma_start3A_463, %dma_start3A_464, %dma_start3A_465] : memref<13x128x32xf32, #tpu.memory_space<vmem>> -> memref<1x128x32xf32, #tpu.memory_space<vmem>>
      %dma_start3A_467 = tpu.memref_squeeze %dma_start3A_466 : memref<1x128x32xf32, #tpu.memory_space<vmem>> -> memref<128x32xf32, #tpu.memory_space<vmem>>
      %dma_start3A_468 = arith.constant 0 : i32
      %dma_start3A_469 = tpu.memref_slice %arg7[%add3A_448, %dma_start3A_468] : memref<79x128xi32, #tpu.memory_space<vmem>> -> memref<1x128xi32, #tpu.memory_space<vmem>>
      %dma_start3A_470 = tpu.memref_squeeze %dma_start3A_469 : memref<1x128xi32, #tpu.memory_space<vmem>> -> memref<128xi32, #tpu.memory_space<vmem>>
      %dma_start3A_471 = arith.constant 0 : i32
      %dma_start3A_472 = arith.constant 0 : i32
      %dma_start3A_473 = tpu.memref_slice %arg9[%dma_start3A_471, %dma_start3A_472] : memref<10112x32xf32, #tpu.memory_space<vmem_shared>> -> memref<10112x32xf32, #tpu.memory_space<vmem_shared>>
      tpu.enqueue_indirect_dma source(%dma_start3A_467 : memref<128x32xf32, #tpu.memory_space<vmem>>) target(%dma_start3A_473 : memref<10112x32xf32, #tpu.memory_space<vmem_shared>>) offsets(%dma_start3A_470 : memref<128xi32, #tpu.memory_space<vmem>>) semaphore(%arg12 : memref<!tpu.dma_semaphore, #tpu.memory_space<semaphore_mem>>) {add = true}
      %mul3A_474 = arith.constant 13 : i32
      %mul3A_475 = arith.muli %scan3A_18, %mul3A_474 : i32
      %add3A_476 = arith.addi %sub3A, %mul3A_475 : i32
      %add3A_477 = arith.constant 7 : i32
      %add3A_478 = arith.addi %add3A_476, %add3A_477 : i32
      %dma_wait3A_479 = arith.constant 7 : i32
      %dma_wait3A_480 = arith.constant 7 : i32
      %dma_wait3A_481 = arith.constant 0 : i32
      %dma_wait3A_482 = arith.constant 0 : i32
      %dma_wait3A_483 = tpu.memref_slice %arg8[%dma_wait3A_479, %dma_wait3A_481, %dma_wait3A_482] : memref<13x128x32xf32, #tpu.memory_space<vmem>> -> memref<1x128x32xf32, #tpu.memory_space<vmem>>
      %dma_wait3A_484 = tpu.memref_squeeze %dma_wait3A_483 : memref<1x128x32xf32, #tpu.memory_space<vmem>> -> memref<128x32xf32, #tpu.memory_space<vmem>>
      %dma_wait3A_485 = arith.constant 0 : i32
      %dma_wait3A_486 = tpu.memref_slice %arg6[%add3A_155, %dma_wait3A_485] : memref<79x128xi32, #tpu.memory_space<vmem>> -> memref<1x128xi32, #tpu.memory_space<vmem>>
      %dma_wait3A_487 = tpu.memref_squeeze %dma_wait3A_486 : memref<1x128xi32, #tpu.memory_space<vmem>> -> memref<128xi32, #tpu.memory_space<vmem>>
      %dma_wait3A_488 = arith.constant 0 : i32
      %dma_wait3A_489 = arith.constant 0 : i32
      %dma_wait3A_490 = tpu.memref_slice %arg10[%dma_wait3A_488, %dma_wait3A_489] : memref<10112x32xf32, #tpu.memory_space<vmem_shared>> -> memref<10112x32xf32, #tpu.memory_space<vmem_shared>>
      %dma_wait3A_491 = tpu.memref_slice %arg11[%dma_wait3A_480] : memref<13x!tpu.dma_semaphore, #tpu.memory_space<semaphore_mem>> -> memref<1x!tpu.dma_semaphore, #tpu.memory_space<semaphore_mem>>
      %dma_wait3A_492 = tpu.memref_squeeze %dma_wait3A_491 : memref<1x!tpu.dma_semaphore, #tpu.memory_space<semaphore_mem>> -> memref<!tpu.dma_semaphore, #tpu.memory_space<semaphore_mem>>
      tpu.wait_indirect_dma semaphore(%dma_wait3A_492 : memref<!tpu.dma_semaphore, #tpu.memory_space<semaphore_mem>>) src(%dma_wait3A_490 : memref<10112x32xf32, #tpu.memory_space<vmem_shared>>) dst(%dma_wait3A_484 : memref<128x32xf32, #tpu.memory_space<vmem>>)
      %dma_start3A_493 = arith.constant 7 : i32
      %dma_start3A_494 = arith.constant 0 : i32
      %dma_start3A_495 = arith.constant 0 : i32
      %dma_start3A_496 = tpu.memref_slice %arg8[%dma_start3A_493, %dma_start3A_494, %dma_start3A_495] : memref<13x128x32xf32, #tpu.memory_space<vmem>> -> memref<1x128x32xf32, #tpu.memory_space<vmem>>
      %dma_start3A_497 = tpu.memref_squeeze %dma_start3A_496 : memref<1x128x32xf32, #tpu.memory_space<vmem>> -> memref<128x32xf32, #tpu.memory_space<vmem>>
      %dma_start3A_498 = arith.constant 0 : i32
      %dma_start3A_499 = tpu.memref_slice %arg7[%add3A_478, %dma_start3A_498] : memref<79x128xi32, #tpu.memory_space<vmem>> -> memref<1x128xi32, #tpu.memory_space<vmem>>
      %dma_start3A_500 = tpu.memref_squeeze %dma_start3A_499 : memref<1x128xi32, #tpu.memory_space<vmem>> -> memref<128xi32, #tpu.memory_space<vmem>>
      %dma_start3A_501 = arith.constant 0 : i32
      %dma_start3A_502 = arith.constant 0 : i32
      %dma_start3A_503 = tpu.memref_slice %arg9[%dma_start3A_501, %dma_start3A_502] : memref<10112x32xf32, #tpu.memory_space<vmem_shared>> -> memref<10112x32xf32, #tpu.memory_space<vmem_shared>>
      tpu.enqueue_indirect_dma source(%dma_start3A_497 : memref<128x32xf32, #tpu.memory_space<vmem>>) target(%dma_start3A_503 : memref<10112x32xf32, #tpu.memory_space<vmem_shared>>) offsets(%dma_start3A_500 : memref<128xi32, #tpu.memory_space<vmem>>) semaphore(%arg12 : memref<!tpu.dma_semaphore, #tpu.memory_space<semaphore_mem>>) {add = true}
      %mul3A_504 = arith.constant 13 : i32
      %mul3A_505 = arith.muli %scan3A_18, %mul3A_504 : i32
      %add3A_506 = arith.addi %sub3A, %mul3A_505 : i32
      %add3A_507 = arith.constant 8 : i32
      %add3A_508 = arith.addi %add3A_506, %add3A_507 : i32
      %dma_wait3A_509 = arith.constant 8 : i32
      %dma_wait3A_510 = arith.constant 8 : i32
      %dma_wait3A_511 = arith.constant 0 : i32
      %dma_wait3A_512 = arith.constant 0 : i32
      %dma_wait3A_513 = tpu.memref_slice %arg8[%dma_wait3A_509, %dma_wait3A_511, %dma_wait3A_512] : memref<13x128x32xf32, #tpu.memory_space<vmem>> -> memref<1x128x32xf32, #tpu.memory_space<vmem>>
      %dma_wait3A_514 = tpu.memref_squeeze %dma_wait3A_513 : memref<1x128x32xf32, #tpu.memory_space<vmem>> -> memref<128x32xf32, #tpu.memory_space<vmem>>
      %dma_wait3A_515 = arith.constant 0 : i32
      %dma_wait3A_516 = tpu.memref_slice %arg6[%add3A_174, %dma_wait3A_515] : memref<79x128xi32, #tpu.memory_space<vmem>> -> memref<1x128xi32, #tpu.memory_space<vmem>>
      %dma_wait3A_517 = tpu.memref_squeeze %dma_wait3A_516 : memref<1x128xi32, #tpu.memory_space<vmem>> -> memref<128xi32, #tpu.memory_space<vmem>>
      %dma_wait3A_518 = arith.constant 0 : i32
      %dma_wait3A_519 = arith.constant 0 : i32
      %dma_wait3A_520 = tpu.memref_slice %arg10[%dma_wait3A_518, %dma_wait3A_519] : memref<10112x32xf32, #tpu.memory_space<vmem_shared>> -> memref<10112x32xf32, #tpu.memory_space<vmem_shared>>
      %dma_wait3A_521 = tpu.memref_slice %arg11[%dma_wait3A_510] : memref<13x!tpu.dma_semaphore, #tpu.memory_space<semaphore_mem>> -> memref<1x!tpu.dma_semaphore, #tpu.memory_space<semaphore_mem>>
      %dma_wait3A_522 = tpu.memref_squeeze %dma_wait3A_521 : memref<1x!tpu.dma_semaphore, #tpu.memory_space<semaphore_mem>> -> memref<!tpu.dma_semaphore, #tpu.memory_space<semaphore_mem>>
      tpu.wait_indirect_dma semaphore(%dma_wait3A_522 : memref<!tpu.dma_semaphore, #tpu.memory_space<semaphore_mem>>) src(%dma_wait3A_520 : memref<10112x32xf32, #tpu.memory_space<vmem_shared>>) dst(%dma_wait3A_514 : memref<128x32xf32, #tpu.memory_space<vmem>>)
      %dma_start3A_523 = arith.constant 8 : i32
      %dma_start3A_524 = arith.constant 0 : i32
      %dma_start3A_525 = arith.constant 0 : i32
      %dma_start3A_526 = tpu.memref_slice %arg8[%dma_start3A_523, %dma_start3A_524, %dma_start3A_525] : memref<13x128x32xf32, #tpu.memory_space<vmem>> -> memref<1x128x32xf32, #tpu.memory_space<vmem>>
      %dma_start3A_527 = tpu.memref_squeeze %dma_start3A_526 : memref<1x128x32xf32, #tpu.memory_space<vmem>> -> memref<128x32xf32, #tpu.memory_space<vmem>>
      %dma_start3A_528 = arith.constant 0 : i32
      %dma_start3A_529 = tpu.memref_slice %arg7[%add3A_508, %dma_start3A_528] : memref<79x128xi32, #tpu.memory_space<vmem>> -> memref<1x128xi32, #tpu.memory_space<vmem>>
      %dma_start3A_530 = tpu.memref_squeeze %dma_start3A_529 : memref<1x128xi32, #tpu.memory_space<vmem>> -> memref<128xi32, #tpu.memory_space<vmem>>
      %dma_start3A_531 = arith.constant 0 : i32
      %dma_start3A_532 = arith.constant 0 : i32
      %dma_start3A_533 = tpu.memref_slice %arg9[%dma_start3A_531, %dma_start3A_532] : memref<10112x32xf32, #tpu.memory_space<vmem_shared>> -> memref<10112x32xf32, #tpu.memory_space<vmem_shared>>
      tpu.enqueue_indirect_dma source(%dma_start3A_527 : memref<128x32xf32, #tpu.memory_space<vmem>>) target(%dma_start3A_533 : memref<10112x32xf32, #tpu.memory_space<vmem_shared>>) offsets(%dma_start3A_530 : memref<128xi32, #tpu.memory_space<vmem>>) semaphore(%arg12 : memref<!tpu.dma_semaphore, #tpu.memory_space<semaphore_mem>>) {add = true}
      %mul3A_534 = arith.constant 13 : i32
      %mul3A_535 = arith.muli %scan3A_18, %mul3A_534 : i32
      %add3A_536 = arith.addi %sub3A, %mul3A_535 : i32
      %add3A_537 = arith.constant 9 : i32
      %add3A_538 = arith.addi %add3A_536, %add3A_537 : i32
      %dma_wait3A_539 = arith.constant 9 : i32
      %dma_wait3A_540 = arith.constant 9 : i32
      %dma_wait3A_541 = arith.constant 0 : i32
      %dma_wait3A_542 = arith.constant 0 : i32
      %dma_wait3A_543 = tpu.memref_slice %arg8[%dma_wait3A_539, %dma_wait3A_541, %dma_wait3A_542] : memref<13x128x32xf32, #tpu.memory_space<vmem>> -> memref<1x128x32xf32, #tpu.memory_space<vmem>>
      %dma_wait3A_544 = tpu.memref_squeeze %dma_wait3A_543 : memref<1x128x32xf32, #tpu.memory_space<vmem>> -> memref<128x32xf32, #tpu.memory_space<vmem>>
      %dma_wait3A_545 = arith.constant 0 : i32
      %dma_wait3A_546 = tpu.memref_slice %arg6[%add3A_193, %dma_wait3A_545] : memref<79x128xi32, #tpu.memory_space<vmem>> -> memref<1x128xi32, #tpu.memory_space<vmem>>
      %dma_wait3A_547 = tpu.memref_squeeze %dma_wait3A_546 : memref<1x128xi32, #tpu.memory_space<vmem>> -> memref<128xi32, #tpu.memory_space<vmem>>
      %dma_wait3A_548 = arith.constant 0 : i32
      %dma_wait3A_549 = arith.constant 0 : i32
      %dma_wait3A_550 = tpu.memref_slice %arg10[%dma_wait3A_548, %dma_wait3A_549] : memref<10112x32xf32, #tpu.memory_space<vmem_shared>> -> memref<10112x32xf32, #tpu.memory_space<vmem_shared>>
      %dma_wait3A_551 = tpu.memref_slice %arg11[%dma_wait3A_540] : memref<13x!tpu.dma_semaphore, #tpu.memory_space<semaphore_mem>> -> memref<1x!tpu.dma_semaphore, #tpu.memory_space<semaphore_mem>>
      %dma_wait3A_552 = tpu.memref_squeeze %dma_wait3A_551 : memref<1x!tpu.dma_semaphore, #tpu.memory_space<semaphore_mem>> -> memref<!tpu.dma_semaphore, #tpu.memory_space<semaphore_mem>>
      tpu.wait_indirect_dma semaphore(%dma_wait3A_552 : memref<!tpu.dma_semaphore, #tpu.memory_space<semaphore_mem>>) src(%dma_wait3A_550 : memref<10112x32xf32, #tpu.memory_space<vmem_shared>>) dst(%dma_wait3A_544 : memref<128x32xf32, #tpu.memory_space<vmem>>)
      %dma_start3A_553 = arith.constant 9 : i32
      %dma_start3A_554 = arith.constant 0 : i32
      %dma_start3A_555 = arith.constant 0 : i32
      %dma_start3A_556 = tpu.memref_slice %arg8[%dma_start3A_553, %dma_start3A_554, %dma_start3A_555] : memref<13x128x32xf32, #tpu.memory_space<vmem>> -> memref<1x128x32xf32, #tpu.memory_space<vmem>>
      %dma_start3A_557 = tpu.memref_squeeze %dma_start3A_556 : memref<1x128x32xf32, #tpu.memory_space<vmem>> -> memref<128x32xf32, #tpu.memory_space<vmem>>
      %dma_start3A_558 = arith.constant 0 : i32
      %dma_start3A_559 = tpu.memref_slice %arg7[%add3A_538, %dma_start3A_558] : memref<79x128xi32, #tpu.memory_space<vmem>> -> memref<1x128xi32, #tpu.memory_space<vmem>>
      %dma_start3A_560 = tpu.memref_squeeze %dma_start3A_559 : memref<1x128xi32, #tpu.memory_space<vmem>> -> memref<128xi32, #tpu.memory_space<vmem>>
      %dma_start3A_561 = arith.constant 0 : i32
      %dma_start3A_562 = arith.constant 0 : i32
      %dma_start3A_563 = tpu.memref_slice %arg9[%dma_start3A_561, %dma_start3A_562] : memref<10112x32xf32, #tpu.memory_space<vmem_shared>> -> memref<10112x32xf32, #tpu.memory_space<vmem_shared>>
      tpu.enqueue_indirect_dma source(%dma_start3A_557 : memref<128x32xf32, #tpu.memory_space<vmem>>) target(%dma_start3A_563 : memref<10112x32xf32, #tpu.memory_space<vmem_shared>>) offsets(%dma_start3A_560 : memref<128xi32, #tpu.memory_space<vmem>>) semaphore(%arg12 : memref<!tpu.dma_semaphore, #tpu.memory_space<semaphore_mem>>) {add = true}
      %mul3A_564 = arith.constant 13 : i32
      %mul3A_565 = arith.muli %scan3A_18, %mul3A_564 : i32
      %add3A_566 = arith.addi %sub3A, %mul3A_565 : i32
      %add3A_567 = arith.constant 10 : i32
      %add3A_568 = arith.addi %add3A_566, %add3A_567 : i32
      %dma_wait3A_569 = arith.constant 10 : i32
      %dma_wait3A_570 = arith.constant 10 : i32
      %dma_wait3A_571 = arith.constant 0 : i32
      %dma_wait3A_572 = arith.constant 0 : i32
      %dma_wait3A_573 = tpu.memref_slice %arg8[%dma_wait3A_569, %dma_wait3A_571, %dma_wait3A_572] : memref<13x128x32xf32, #tpu.memory_space<vmem>> -> memref<1x128x32xf32, #tpu.memory_space<vmem>>
      %dma_wait3A_574 = tpu.memref_squeeze %dma_wait3A_573 : memref<1x128x32xf32, #tpu.memory_space<vmem>> -> memref<128x32xf32, #tpu.memory_space<vmem>>
      %dma_wait3A_575 = arith.constant 0 : i32
      %dma_wait3A_576 = tpu.memref_slice %arg6[%add3A_212, %dma_wait3A_575] : memref<79x128xi32, #tpu.memory_space<vmem>> -> memref<1x128xi32, #tpu.memory_space<vmem>>
      %dma_wait3A_577 = tpu.memref_squeeze %dma_wait3A_576 : memref<1x128xi32, #tpu.memory_space<vmem>> -> memref<128xi32, #tpu.memory_space<vmem>>
      %dma_wait3A_578 = arith.constant 0 : i32
      %dma_wait3A_579 = arith.constant 0 : i32
      %dma_wait3A_580 = tpu.memref_slice %arg10[%dma_wait3A_578, %dma_wait3A_579] : memref<10112x32xf32, #tpu.memory_space<vmem_shared>> -> memref<10112x32xf32, #tpu.memory_space<vmem_shared>>
      %dma_wait3A_581 = tpu.memref_slice %arg11[%dma_wait3A_570] : memref<13x!tpu.dma_semaphore, #tpu.memory_space<semaphore_mem>> -> memref<1x!tpu.dma_semaphore, #tpu.memory_space<semaphore_mem>>
      %dma_wait3A_582 = tpu.memref_squeeze %dma_wait3A_581 : memref<1x!tpu.dma_semaphore, #tpu.memory_space<semaphore_mem>> -> memref<!tpu.dma_semaphore, #tpu.memory_space<semaphore_mem>>
      tpu.wait_indirect_dma semaphore(%dma_wait3A_582 : memref<!tpu.dma_semaphore, #tpu.memory_space<semaphore_mem>>) src(%dma_wait3A_580 : memref<10112x32xf32, #tpu.memory_space<vmem_shared>>) dst(%dma_wait3A_574 : memref<128x32xf32, #tpu.memory_space<vmem>>)
      %dma_start3A_583 = arith.constant 10 : i32
      %dma_start3A_584 = arith.constant 0 : i32
      %dma_start3A_585 = arith.constant 0 : i32
      %dma_start3A_586 = tpu.memref_slice %arg8[%dma_start3A_583, %dma_start3A_584, %dma_start3A_585] : memref<13x128x32xf32, #tpu.memory_space<vmem>> -> memref<1x128x32xf32, #tpu.memory_space<vmem>>
      %dma_start3A_587 = tpu.memref_squeeze %dma_start3A_586 : memref<1x128x32xf32, #tpu.memory_space<vmem>> -> memref<128x32xf32, #tpu.memory_space<vmem>>
      %dma_start3A_588 = arith.constant 0 : i32
      %dma_start3A_589 = tpu.memref_slice %arg7[%add3A_568, %dma_start3A_588] : memref<79x128xi32, #tpu.memory_space<vmem>> -> memref<1x128xi32, #tpu.memory_space<vmem>>
      %dma_start3A_590 = tpu.memref_squeeze %dma_start3A_589 : memref<1x128xi32, #tpu.memory_space<vmem>> -> memref<128xi32, #tpu.memory_space<vmem>>
      %dma_start3A_591 = arith.constant 0 : i32
      %dma_start3A_592 = arith.constant 0 : i32
      %dma_start3A_593 = tpu.memref_slice %arg9[%dma_start3A_591, %dma_start3A_592] : memref<10112x32xf32, #tpu.memory_space<vmem_shared>> -> memref<10112x32xf32, #tpu.memory_space<vmem_shared>>
      tpu.enqueue_indirect_dma source(%dma_start3A_587 : memref<128x32xf32, #tpu.memory_space<vmem>>) target(%dma_start3A_593 : memref<10112x32xf32, #tpu.memory_space<vmem_shared>>) offsets(%dma_start3A_590 : memref<128xi32, #tpu.memory_space<vmem>>) semaphore(%arg12 : memref<!tpu.dma_semaphore, #tpu.memory_space<semaphore_mem>>) {add = true}
      %mul3A_594 = arith.constant 13 : i32
      %mul3A_595 = arith.muli %scan3A_18, %mul3A_594 : i32
      %add3A_596 = arith.addi %sub3A, %mul3A_595 : i32
      %add3A_597 = arith.constant 11 : i32
      %add3A_598 = arith.addi %add3A_596, %add3A_597 : i32
      %dma_wait3A_599 = arith.constant 11 : i32
      %dma_wait3A_600 = arith.constant 11 : i32
      %dma_wait3A_601 = arith.constant 0 : i32
      %dma_wait3A_602 = arith.constant 0 : i32
      %dma_wait3A_603 = tpu.memref_slice %arg8[%dma_wait3A_599, %dma_wait3A_601, %dma_wait3A_602] : memref<13x128x32xf32, #tpu.memory_space<vmem>> -> memref<1x128x32xf32, #tpu.memory_space<vmem>>
      %dma_wait3A_604 = tpu.memref_squeeze %dma_wait3A_603 : memref<1x128x32xf32, #tpu.memory_space<vmem>> -> memref<128x32xf32, #tpu.memory_space<vmem>>
      %dma_wait3A_605 = arith.constant 0 : i32
      %dma_wait3A_606 = tpu.memref_slice %arg6[%add3A_231, %dma_wait3A_605] : memref<79x128xi32, #tpu.memory_space<vmem>> -> memref<1x128xi32, #tpu.memory_space<vmem>>
      %dma_wait3A_607 = tpu.memref_squeeze %dma_wait3A_606 : memref<1x128xi32, #tpu.memory_space<vmem>> -> memref<128xi32, #tpu.memory_space<vmem>>
      %dma_wait3A_608 = arith.constant 0 : i32
      %dma_wait3A_609 = arith.constant 0 : i32
      %dma_wait3A_610 = tpu.memref_slice %arg10[%dma_wait3A_608, %dma_wait3A_609] : memref<10112x32xf32, #tpu.memory_space<vmem_shared>> -> memref<10112x32xf32, #tpu.memory_space<vmem_shared>>
      %dma_wait3A_611 = tpu.memref_slice %arg11[%dma_wait3A_600] : memref<13x!tpu.dma_semaphore, #tpu.memory_space<semaphore_mem>> -> memref<1x!tpu.dma_semaphore, #tpu.memory_space<semaphore_mem>>
      %dma_wait3A_612 = tpu.memref_squeeze %dma_wait3A_611 : memref<1x!tpu.dma_semaphore, #tpu.memory_space<semaphore_mem>> -> memref<!tpu.dma_semaphore, #tpu.memory_space<semaphore_mem>>
      tpu.wait_indirect_dma semaphore(%dma_wait3A_612 : memref<!tpu.dma_semaphore, #tpu.memory_space<semaphore_mem>>) src(%dma_wait3A_610 : memref<10112x32xf32, #tpu.memory_space<vmem_shared>>) dst(%dma_wait3A_604 : memref<128x32xf32, #tpu.memory_space<vmem>>)
      %dma_start3A_613 = arith.constant 11 : i32
      %dma_start3A_614 = arith.constant 0 : i32
      %dma_start3A_615 = arith.constant 0 : i32
      %dma_start3A_616 = tpu.memref_slice %arg8[%dma_start3A_613, %dma_start3A_614, %dma_start3A_615] : memref<13x128x32xf32, #tpu.memory_space<vmem>> -> memref<1x128x32xf32, #tpu.memory_space<vmem>>
      %dma_start3A_617 = tpu.memref_squeeze %dma_start3A_616 : memref<1x128x32xf32, #tpu.memory_space<vmem>> -> memref<128x32xf32, #tpu.memory_space<vmem>>
      %dma_start3A_618 = arith.constant 0 : i32
      %dma_start3A_619 = tpu.memref_slice %arg7[%add3A_598, %dma_start3A_618] : memref<79x128xi32, #tpu.memory_space<vmem>> -> memref<1x128xi32, #tpu.memory_space<vmem>>
      %dma_start3A_620 = tpu.memref_squeeze %dma_start3A_619 : memref<1x128xi32, #tpu.memory_space<vmem>> -> memref<128xi32, #tpu.memory_space<vmem>>
      %dma_start3A_621 = arith.constant 0 : i32
      %dma_start3A_622 = arith.constant 0 : i32
      %dma_start3A_623 = tpu.memref_slice %arg9[%dma_start3A_621, %dma_start3A_622] : memref<10112x32xf32, #tpu.memory_space<vmem_shared>> -> memref<10112x32xf32, #tpu.memory_space<vmem_shared>>
      tpu.enqueue_indirect_dma source(%dma_start3A_617 : memref<128x32xf32, #tpu.memory_space<vmem>>) target(%dma_start3A_623 : memref<10112x32xf32, #tpu.memory_space<vmem_shared>>) offsets(%dma_start3A_620 : memref<128xi32, #tpu.memory_space<vmem>>) semaphore(%arg12 : memref<!tpu.dma_semaphore, #tpu.memory_space<semaphore_mem>>) {add = true}
      %mul3A_624 = arith.constant 13 : i32
      %mul3A_625 = arith.muli %scan3A_18, %mul3A_624 : i32
      %add3A_626 = arith.addi %sub3A, %mul3A_625 : i32
      %add3A_627 = arith.constant 12 : i32
      %add3A_628 = arith.addi %add3A_626, %add3A_627 : i32
      %dma_wait3A_629 = arith.constant 12 : i32
      %dma_wait3A_630 = arith.constant 12 : i32
      %dma_wait3A_631 = arith.constant 0 : i32
      %dma_wait3A_632 = arith.constant 0 : i32
      %dma_wait3A_633 = tpu.memref_slice %arg8[%dma_wait3A_629, %dma_wait3A_631, %dma_wait3A_632] : memref<13x128x32xf32, #tpu.memory_space<vmem>> -> memref<1x128x32xf32, #tpu.memory_space<vmem>>
      %dma_wait3A_634 = tpu.memref_squeeze %dma_wait3A_633 : memref<1x128x32xf32, #tpu.memory_space<vmem>> -> memref<128x32xf32, #tpu.memory_space<vmem>>
      %dma_wait3A_635 = arith.constant 0 : i32
      %dma_wait3A_636 = tpu.memref_slice %arg6[%add3A_250, %dma_wait3A_635] : memref<79x128xi32, #tpu.memory_space<vmem>> -> memref<1x128xi32, #tpu.memory_space<vmem>>
      %dma_wait3A_637 = tpu.memref_squeeze %dma_wait3A_636 : memref<1x128xi32, #tpu.memory_space<vmem>> -> memref<128xi32, #tpu.memory_space<vmem>>
      %dma_wait3A_638 = arith.constant 0 : i32
      %dma_wait3A_639 = arith.constant 0 : i32
      %dma_wait3A_640 = tpu.memref_slice %arg10[%dma_wait3A_638, %dma_wait3A_639] : memref<10112x32xf32, #tpu.memory_space<vmem_shared>> -> memref<10112x32xf32, #tpu.memory_space<vmem_shared>>
      %dma_wait3A_641 = tpu.memref_slice %arg11[%dma_wait3A_630] : memref<13x!tpu.dma_semaphore, #tpu.memory_space<semaphore_mem>> -> memref<1x!tpu.dma_semaphore, #tpu.memory_space<semaphore_mem>>
      %dma_wait3A_642 = tpu.memref_squeeze %dma_wait3A_641 : memref<1x!tpu.dma_semaphore, #tpu.memory_space<semaphore_mem>> -> memref<!tpu.dma_semaphore, #tpu.memory_space<semaphore_mem>>
      tpu.wait_indirect_dma semaphore(%dma_wait3A_642 : memref<!tpu.dma_semaphore, #tpu.memory_space<semaphore_mem>>) src(%dma_wait3A_640 : memref<10112x32xf32, #tpu.memory_space<vmem_shared>>) dst(%dma_wait3A_634 : memref<128x32xf32, #tpu.memory_space<vmem>>)
      %dma_start3A_643 = arith.constant 12 : i32
      %dma_start3A_644 = arith.constant 0 : i32
      %dma_start3A_645 = arith.constant 0 : i32
      %dma_start3A_646 = tpu.memref_slice %arg8[%dma_start3A_643, %dma_start3A_644, %dma_start3A_645] : memref<13x128x32xf32, #tpu.memory_space<vmem>> -> memref<1x128x32xf32, #tpu.memory_space<vmem>>
      %dma_start3A_647 = tpu.memref_squeeze %dma_start3A_646 : memref<1x128x32xf32, #tpu.memory_space<vmem>> -> memref<128x32xf32, #tpu.memory_space<vmem>>
      %dma_start3A_648 = arith.constant 0 : i32
      %dma_start3A_649 = tpu.memref_slice %arg7[%add3A_628, %dma_start3A_648] : memref<79x128xi32, #tpu.memory_space<vmem>> -> memref<1x128xi32, #tpu.memory_space<vmem>>
      %dma_start3A_650 = tpu.memref_squeeze %dma_start3A_649 : memref<1x128xi32, #tpu.memory_space<vmem>> -> memref<128xi32, #tpu.memory_space<vmem>>
      %dma_start3A_651 = arith.constant 0 : i32
      %dma_start3A_652 = arith.constant 0 : i32
      %dma_start3A_653 = tpu.memref_slice %arg9[%dma_start3A_651, %dma_start3A_652] : memref<10112x32xf32, #tpu.memory_space<vmem_shared>> -> memref<10112x32xf32, #tpu.memory_space<vmem_shared>>
      tpu.enqueue_indirect_dma source(%dma_start3A_647 : memref<128x32xf32, #tpu.memory_space<vmem>>) target(%dma_start3A_653 : memref<10112x32xf32, #tpu.memory_space<vmem_shared>>) offsets(%dma_start3A_650 : memref<128xi32, #tpu.memory_space<vmem>>) semaphore(%arg12 : memref<!tpu.dma_semaphore, #tpu.memory_space<semaphore_mem>>) {add = true}
      %dma_wait3A_654 = arith.constant 0 : i32
      %dma_wait3A_655 = arith.constant 0 : i32
      %dma_wait3A_656 = arith.constant 0 : i32
      %dma_wait3A_657 = tpu.memref_slice %arg8[%dma_wait3A_654, %dma_wait3A_655, %dma_wait3A_656] : memref<13x128x32xf32, #tpu.memory_space<vmem>> -> memref<1x128x32xf32, #tpu.memory_space<vmem>>
      %dma_wait3A_658 = tpu.memref_squeeze %dma_wait3A_657 : memref<1x128x32xf32, #tpu.memory_space<vmem>> -> memref<128x32xf32, #tpu.memory_space<vmem>>
      %dma_wait3A_659 = arith.constant 0 : i32
      %dma_wait3A_660 = tpu.memref_slice %arg7[%add3A_269, %dma_wait3A_659] : memref<79x128xi32, #tpu.memory_space<vmem>> -> memref<1x128xi32, #tpu.memory_space<vmem>>
      %dma_wait3A_661 = tpu.memref_squeeze %dma_wait3A_660 : memref<1x128xi32, #tpu.memory_space<vmem>> -> memref<128xi32, #tpu.memory_space<vmem>>
      %dma_wait3A_662 = arith.constant 0 : i32
      %dma_wait3A_663 = arith.constant 0 : i32
      %dma_wait3A_664 = tpu.memref_slice %arg9[%dma_wait3A_662, %dma_wait3A_663] : memref<10112x32xf32, #tpu.memory_space<vmem_shared>> -> memref<10112x32xf32, #tpu.memory_space<vmem_shared>>
      tpu.wait_indirect_dma semaphore(%arg12 : memref<!tpu.dma_semaphore, #tpu.memory_space<semaphore_mem>>) src(%dma_wait3A_658 : memref<128x32xf32, #tpu.memory_space<vmem>>) dst(%dma_wait3A_664 : memref<10112x32xf32, #tpu.memory_space<vmem_shared>>)
      %dma_wait3A_665 = arith.constant 1 : i32
      %dma_wait3A_666 = arith.constant 0 : i32
      %dma_wait3A_667 = arith.constant 0 : i32
      %dma_wait3A_668 = tpu.memref_slice %arg8[%dma_wait3A_665, %dma_wait3A_666, %dma_wait3A_667] : memref<13x128x32xf32, #tpu.memory_space<vmem>> -> memref<1x128x32xf32, #tpu.memory_space<vmem>>
      %dma_wait3A_669 = tpu.memref_squeeze %dma_wait3A_668 : memref<1x128x32xf32, #tpu.memory_space<vmem>> -> memref<128x32xf32, #tpu.memory_space<vmem>>
      %dma_wait3A_670 = arith.constant 0 : i32
      %dma_wait3A_671 = tpu.memref_slice %arg7[%add3A_298, %dma_wait3A_670] : memref<79x128xi32, #tpu.memory_space<vmem>> -> memref<1x128xi32, #tpu.memory_space<vmem>>
      %dma_wait3A_672 = tpu.memref_squeeze %dma_wait3A_671 : memref<1x128xi32, #tpu.memory_space<vmem>> -> memref<128xi32, #tpu.memory_space<vmem>>
      %dma_wait3A_673 = arith.constant 0 : i32
      %dma_wait3A_674 = arith.constant 0 : i32
      %dma_wait3A_675 = tpu.memref_slice %arg9[%dma_wait3A_673, %dma_wait3A_674] : memref<10112x32xf32, #tpu.memory_space<vmem_shared>> -> memref<10112x32xf32, #tpu.memory_space<vmem_shared>>
      tpu.wait_indirect_dma semaphore(%arg12 : memref<!tpu.dma_semaphore, #tpu.memory_space<semaphore_mem>>) src(%dma_wait3A_669 : memref<128x32xf32, #tpu.memory_space<vmem>>) dst(%dma_wait3A_675 : memref<10112x32xf32, #tpu.memory_space<vmem_shared>>)
      %dma_wait3A_676 = arith.constant 2 : i32
      %dma_wait3A_677 = arith.constant 0 : i32
      %dma_wait3A_678 = arith.constant 0 : i32
      %dma_wait3A_679 = tpu.memref_slice %arg8[%dma_wait3A_676, %dma_wait3A_677, %dma_wait3A_678] : memref<13x128x32xf32, #tpu.memory_space<vmem>> -> memref<1x128x32xf32, #tpu.memory_space<vmem>>
      %dma_wait3A_680 = tpu.memref_squeeze %dma_wait3A_679 : memref<1x128x32xf32, #tpu.memory_space<vmem>> -> memref<128x32xf32, #tpu.memory_space<vmem>>
      %dma_wait3A_681 = arith.constant 0 : i32
      %dma_wait3A_682 = tpu.memref_slice %arg7[%add3A_328, %dma_wait3A_681] : memref<79x128xi32, #tpu.memory_space<vmem>> -> memref<1x128xi32, #tpu.memory_space<vmem>>
      %dma_wait3A_683 = tpu.memref_squeeze %dma_wait3A_682 : memref<1x128xi32, #tpu.memory_space<vmem>> -> memref<128xi32, #tpu.memory_space<vmem>>
      %dma_wait3A_684 = arith.constant 0 : i32
      %dma_wait3A_685 = arith.constant 0 : i32
      %dma_wait3A_686 = tpu.memref_slice %arg9[%dma_wait3A_684, %dma_wait3A_685] : memref<10112x32xf32, #tpu.memory_space<vmem_shared>> -> memref<10112x32xf32, #tpu.memory_space<vmem_shared>>
      tpu.wait_indirect_dma semaphore(%arg12 : memref<!tpu.dma_semaphore, #tpu.memory_space<semaphore_mem>>) src(%dma_wait3A_680 : memref<128x32xf32, #tpu.memory_space<vmem>>) dst(%dma_wait3A_686 : memref<10112x32xf32, #tpu.memory_space<vmem_shared>>)
      %dma_wait3A_687 = arith.constant 3 : i32
      %dma_wait3A_688 = arith.constant 0 : i32
      %dma_wait3A_689 = arith.constant 0 : i32
      %dma_wait3A_690 = tpu.memref_slice %arg8[%dma_wait3A_687, %dma_wait3A_688, %dma_wait3A_689] : memref<13x128x32xf32, #tpu.memory_space<vmem>> -> memref<1x128x32xf32, #tpu.memory_space<vmem>>
      %dma_wait3A_691 = tpu.memref_squeeze %dma_wait3A_690 : memref<1x128x32xf32, #tpu.memory_space<vmem>> -> memref<128x32xf32, #tpu.memory_space<vmem>>
      %dma_wait3A_692 = arith.constant 0 : i32
      %dma_wait3A_693 = tpu.memref_slice %arg7[%add3A_358, %dma_wait3A_692] : memref<79x128xi32, #tpu.memory_space<vmem>> -> memref<1x128xi32, #tpu.memory_space<vmem>>
      %dma_wait3A_694 = tpu.memref_squeeze %dma_wait3A_693 : memref<1x128xi32, #tpu.memory_space<vmem>> -> memref<128xi32, #tpu.memory_space<vmem>>
      %dma_wait3A_695 = arith.constant 0 : i32
      %dma_wait3A_696 = arith.constant 0 : i32
      %dma_wait3A_697 = tpu.memref_slice %arg9[%dma_wait3A_695, %dma_wait3A_696] : memref<10112x32xf32, #tpu.memory_space<vmem_shared>> -> memref<10112x32xf32, #tpu.memory_space<vmem_shared>>
      tpu.wait_indirect_dma semaphore(%arg12 : memref<!tpu.dma_semaphore, #tpu.memory_space<semaphore_mem>>) src(%dma_wait3A_691 : memref<128x32xf32, #tpu.memory_space<vmem>>) dst(%dma_wait3A_697 : memref<10112x32xf32, #tpu.memory_space<vmem_shared>>)
      %dma_wait3A_698 = arith.constant 4 : i32
      %dma_wait3A_699 = arith.constant 0 : i32
      %dma_wait3A_700 = arith.constant 0 : i32
      %dma_wait3A_701 = tpu.memref_slice %arg8[%dma_wait3A_698, %dma_wait3A_699, %dma_wait3A_700] : memref<13x128x32xf32, #tpu.memory_space<vmem>> -> memref<1x128x32xf32, #tpu.memory_space<vmem>>
      %dma_wait3A_702 = tpu.memref_squeeze %dma_wait3A_701 : memref<1x128x32xf32, #tpu.memory_space<vmem>> -> memref<128x32xf32, #tpu.memory_space<vmem>>
      %dma_wait3A_703 = arith.constant 0 : i32
      %dma_wait3A_704 = tpu.memref_slice %arg7[%add3A_388, %dma_wait3A_703] : memref<79x128xi32, #tpu.memory_space<vmem>> -> memref<1x128xi32, #tpu.memory_space<vmem>>
      %dma_wait3A_705 = tpu.memref_squeeze %dma_wait3A_704 : memref<1x128xi32, #tpu.memory_space<vmem>> -> memref<128xi32, #tpu.memory_space<vmem>>
      %dma_wait3A_706 = arith.constant 0 : i32
      %dma_wait3A_707 = arith.constant 0 : i32
      %dma_wait3A_708 = tpu.memref_slice %arg9[%dma_wait3A_706, %dma_wait3A_707] : memref<10112x32xf32, #tpu.memory_space<vmem_shared>> -> memref<10112x32xf32, #tpu.memory_space<vmem_shared>>
      tpu.wait_indirect_dma semaphore(%arg12 : memref<!tpu.dma_semaphore, #tpu.memory_space<semaphore_mem>>) src(%dma_wait3A_702 : memref<128x32xf32, #tpu.memory_space<vmem>>) dst(%dma_wait3A_708 : memref<10112x32xf32, #tpu.memory_space<vmem_shared>>)
      %dma_wait3A_709 = arith.constant 5 : i32
      %dma_wait3A_710 = arith.constant 0 : i32
      %dma_wait3A_711 = arith.constant 0 : i32
      %dma_wait3A_712 = tpu.memref_slice %arg8[%dma_wait3A_709, %dma_wait3A_710, %dma_wait3A_711] : memref<13x128x32xf32, #tpu.memory_space<vmem>> -> memref<1x128x32xf32, #tpu.memory_space<vmem>>
      %dma_wait3A_713 = tpu.memref_squeeze %dma_wait3A_712 : memref<1x128x32xf32, #tpu.memory_space<vmem>> -> memref<128x32xf32, #tpu.memory_space<vmem>>
      %dma_wait3A_714 = arith.constant 0 : i32
      %dma_wait3A_715 = tpu.memref_slice %arg7[%add3A_418, %dma_wait3A_714] : memref<79x128xi32, #tpu.memory_space<vmem>> -> memref<1x128xi32, #tpu.memory_space<vmem>>
      %dma_wait3A_716 = tpu.memref_squeeze %dma_wait3A_715 : memref<1x128xi32, #tpu.memory_space<vmem>> -> memref<128xi32, #tpu.memory_space<vmem>>
      %dma_wait3A_717 = arith.constant 0 : i32
      %dma_wait3A_718 = arith.constant 0 : i32
      %dma_wait3A_719 = tpu.memref_slice %arg9[%dma_wait3A_717, %dma_wait3A_718] : memref<10112x32xf32, #tpu.memory_space<vmem_shared>> -> memref<10112x32xf32, #tpu.memory_space<vmem_shared>>
      tpu.wait_indirect_dma semaphore(%arg12 : memref<!tpu.dma_semaphore, #tpu.memory_space<semaphore_mem>>) src(%dma_wait3A_713 : memref<128x32xf32, #tpu.memory_space<vmem>>) dst(%dma_wait3A_719 : memref<10112x32xf32, #tpu.memory_space<vmem_shared>>)
      %dma_wait3A_720 = arith.constant 6 : i32
      %dma_wait3A_721 = arith.constant 0 : i32
      %dma_wait3A_722 = arith.constant 0 : i32
      %dma_wait3A_723 = tpu.memref_slice %arg8[%dma_wait3A_720, %dma_wait3A_721, %dma_wait3A_722] : memref<13x128x32xf32, #tpu.memory_space<vmem>> -> memref<1x128x32xf32, #tpu.memory_space<vmem>>
      %dma_wait3A_724 = tpu.memref_squeeze %dma_wait3A_723 : memref<1x128x32xf32, #tpu.memory_space<vmem>> -> memref<128x32xf32, #tpu.memory_space<vmem>>
      %dma_wait3A_725 = arith.constant 0 : i32
      %dma_wait3A_726 = tpu.memref_slice %arg7[%add3A_448, %dma_wait3A_725] : memref<79x128xi32, #tpu.memory_space<vmem>> -> memref<1x128xi32, #tpu.memory_space<vmem>>
      %dma_wait3A_727 = tpu.memref_squeeze %dma_wait3A_726 : memref<1x128xi32, #tpu.memory_space<vmem>> -> memref<128xi32, #tpu.memory_space<vmem>>
      %dma_wait3A_728 = arith.constant 0 : i32
      %dma_wait3A_729 = arith.constant 0 : i32
      %dma_wait3A_730 = tpu.memref_slice %arg9[%dma_wait3A_728, %dma_wait3A_729] : memref<10112x32xf32, #tpu.memory_space<vmem_shared>> -> memref<10112x32xf32, #tpu.memory_space<vmem_shared>>
      tpu.wait_indirect_dma semaphore(%arg12 : memref<!tpu.dma_semaphore, #tpu.memory_space<semaphore_mem>>) src(%dma_wait3A_724 : memref<128x32xf32, #tpu.memory_space<vmem>>) dst(%dma_wait3A_730 : memref<10112x32xf32, #tpu.memory_space<vmem_shared>>)
      %dma_wait3A_731 = arith.constant 7 : i32
      %dma_wait3A_732 = arith.constant 0 : i32
      %dma_wait3A_733 = arith.constant 0 : i32
      %dma_wait3A_734 = tpu.memref_slice %arg8[%dma_wait3A_731, %dma_wait3A_732, %dma_wait3A_733] : memref<13x128x32xf32, #tpu.memory_space<vmem>> -> memref<1x128x32xf32, #tpu.memory_space<vmem>>
      %dma_wait3A_735 = tpu.memref_squeeze %dma_wait3A_734 : memref<1x128x32xf32, #tpu.memory_space<vmem>> -> memref<128x32xf32, #tpu.memory_space<vmem>>
      %dma_wait3A_736 = arith.constant 0 : i32
      %dma_wait3A_737 = tpu.memref_slice %arg7[%add3A_478, %dma_wait3A_736] : memref<79x128xi32, #tpu.memory_space<vmem>> -> memref<1x128xi32, #tpu.memory_space<vmem>>
      %dma_wait3A_738 = tpu.memref_squeeze %dma_wait3A_737 : memref<1x128xi32, #tpu.memory_space<vmem>> -> memref<128xi32, #tpu.memory_space<vmem>>
      %dma_wait3A_739 = arith.constant 0 : i32
      %dma_wait3A_740 = arith.constant 0 : i32
      %dma_wait3A_741 = tpu.memref_slice %arg9[%dma_wait3A_739, %dma_wait3A_740] : memref<10112x32xf32, #tpu.memory_space<vmem_shared>> -> memref<10112x32xf32, #tpu.memory_space<vmem_shared>>
      tpu.wait_indirect_dma semaphore(%arg12 : memref<!tpu.dma_semaphore, #tpu.memory_space<semaphore_mem>>) src(%dma_wait3A_735 : memref<128x32xf32, #tpu.memory_space<vmem>>) dst(%dma_wait3A_741 : memref<10112x32xf32, #tpu.memory_space<vmem_shared>>)
      %dma_wait3A_742 = arith.constant 8 : i32
      %dma_wait3A_743 = arith.constant 0 : i32
      %dma_wait3A_744 = arith.constant 0 : i32
      %dma_wait3A_745 = tpu.memref_slice %arg8[%dma_wait3A_742, %dma_wait3A_743, %dma_wait3A_744] : memref<13x128x32xf32, #tpu.memory_space<vmem>> -> memref<1x128x32xf32, #tpu.memory_space<vmem>>
      %dma_wait3A_746 = tpu.memref_squeeze %dma_wait3A_745 : memref<1x128x32xf32, #tpu.memory_space<vmem>> -> memref<128x32xf32, #tpu.memory_space<vmem>>
      %dma_wait3A_747 = arith.constant 0 : i32
      %dma_wait3A_748 = tpu.memref_slice %arg7[%add3A_508, %dma_wait3A_747] : memref<79x128xi32, #tpu.memory_space<vmem>> -> memref<1x128xi32, #tpu.memory_space<vmem>>
      %dma_wait3A_749 = tpu.memref_squeeze %dma_wait3A_748 : memref<1x128xi32, #tpu.memory_space<vmem>> -> memref<128xi32, #tpu.memory_space<vmem>>
      %dma_wait3A_750 = arith.constant 0 : i32
      %dma_wait3A_751 = arith.constant 0 : i32
      %dma_wait3A_752 = tpu.memref_slice %arg9[%dma_wait3A_750, %dma_wait3A_751] : memref<10112x32xf32, #tpu.memory_space<vmem_shared>> -> memref<10112x32xf32, #tpu.memory_space<vmem_shared>>
      tpu.wait_indirect_dma semaphore(%arg12 : memref<!tpu.dma_semaphore, #tpu.memory_space<semaphore_mem>>) src(%dma_wait3A_746 : memref<128x32xf32, #tpu.memory_space<vmem>>) dst(%dma_wait3A_752 : memref<10112x32xf32, #tpu.memory_space<vmem_shared>>)
      %dma_wait3A_753 = arith.constant 9 : i32
      %dma_wait3A_754 = arith.constant 0 : i32
      %dma_wait3A_755 = arith.constant 0 : i32
      %dma_wait3A_756 = tpu.memref_slice %arg8[%dma_wait3A_753, %dma_wait3A_754, %dma_wait3A_755] : memref<13x128x32xf32, #tpu.memory_space<vmem>> -> memref<1x128x32xf32, #tpu.memory_space<vmem>>
      %dma_wait3A_757 = tpu.memref_squeeze %dma_wait3A_756 : memref<1x128x32xf32, #tpu.memory_space<vmem>> -> memref<128x32xf32, #tpu.memory_space<vmem>>
      %dma_wait3A_758 = arith.constant 0 : i32
      %dma_wait3A_759 = tpu.memref_slice %arg7[%add3A_538, %dma_wait3A_758] : memref<79x128xi32, #tpu.memory_space<vmem>> -> memref<1x128xi32, #tpu.memory_space<vmem>>
      %dma_wait3A_760 = tpu.memref_squeeze %dma_wait3A_759 : memref<1x128xi32, #tpu.memory_space<vmem>> -> memref<128xi32, #tpu.memory_space<vmem>>
      %dma_wait3A_761 = arith.constant 0 : i32
      %dma_wait3A_762 = arith.constant 0 : i32
      %dma_wait3A_763 = tpu.memref_slice %arg9[%dma_wait3A_761, %dma_wait3A_762] : memref<10112x32xf32, #tpu.memory_space<vmem_shared>> -> memref<10112x32xf32, #tpu.memory_space<vmem_shared>>
      tpu.wait_indirect_dma semaphore(%arg12 : memref<!tpu.dma_semaphore, #tpu.memory_space<semaphore_mem>>) src(%dma_wait3A_757 : memref<128x32xf32, #tpu.memory_space<vmem>>) dst(%dma_wait3A_763 : memref<10112x32xf32, #tpu.memory_space<vmem_shared>>)
      %dma_wait3A_764 = arith.constant 10 : i32
      %dma_wait3A_765 = arith.constant 0 : i32
      %dma_wait3A_766 = arith.constant 0 : i32
      %dma_wait3A_767 = tpu.memref_slice %arg8[%dma_wait3A_764, %dma_wait3A_765, %dma_wait3A_766] : memref<13x128x32xf32, #tpu.memory_space<vmem>> -> memref<1x128x32xf32, #tpu.memory_space<vmem>>
      %dma_wait3A_768 = tpu.memref_squeeze %dma_wait3A_767 : memref<1x128x32xf32, #tpu.memory_space<vmem>> -> memref<128x32xf32, #tpu.memory_space<vmem>>
      %dma_wait3A_769 = arith.constant 0 : i32
      %dma_wait3A_770 = tpu.memref_slice %arg7[%add3A_568, %dma_wait3A_769] : memref<79x128xi32, #tpu.memory_space<vmem>> -> memref<1x128xi32, #tpu.memory_space<vmem>>
      %dma_wait3A_771 = tpu.memref_squeeze %dma_wait3A_770 : memref<1x128xi32, #tpu.memory_space<vmem>> -> memref<128xi32, #tpu.memory_space<vmem>>
      %dma_wait3A_772 = arith.constant 0 : i32
      %dma_wait3A_773 = arith.constant 0 : i32
      %dma_wait3A_774 = tpu.memref_slice %arg9[%dma_wait3A_772, %dma_wait3A_773] : memref<10112x32xf32, #tpu.memory_space<vmem_shared>> -> memref<10112x32xf32, #tpu.memory_space<vmem_shared>>
      tpu.wait_indirect_dma semaphore(%arg12 : memref<!tpu.dma_semaphore, #tpu.memory_space<semaphore_mem>>) src(%dma_wait3A_768 : memref<128x32xf32, #tpu.memory_space<vmem>>) dst(%dma_wait3A_774 : memref<10112x32xf32, #tpu.memory_space<vmem_shared>>)
      %dma_wait3A_775 = arith.constant 11 : i32
      %dma_wait3A_776 = arith.constant 0 : i32
      %dma_wait3A_777 = arith.constant 0 : i32
      %dma_wait3A_778 = tpu.memref_slice %arg8[%dma_wait3A_775, %dma_wait3A_776, %dma_wait3A_777] : memref<13x128x32xf32, #tpu.memory_space<vmem>> -> memref<1x128x32xf32, #tpu.memory_space<vmem>>
      %dma_wait3A_779 = tpu.memref_squeeze %dma_wait3A_778 : memref<1x128x32xf32, #tpu.memory_space<vmem>> -> memref<128x32xf32, #tpu.memory_space<vmem>>
      %dma_wait3A_780 = arith.constant 0 : i32
      %dma_wait3A_781 = tpu.memref_slice %arg7[%add3A_598, %dma_wait3A_780] : memref<79x128xi32, #tpu.memory_space<vmem>> -> memref<1x128xi32, #tpu.memory_space<vmem>>
      %dma_wait3A_782 = tpu.memref_squeeze %dma_wait3A_781 : memref<1x128xi32, #tpu.memory_space<vmem>> -> memref<128xi32, #tpu.memory_space<vmem>>
      %dma_wait3A_783 = arith.constant 0 : i32
      %dma_wait3A_784 = arith.constant 0 : i32
      %dma_wait3A_785 = tpu.memref_slice %arg9[%dma_wait3A_783, %dma_wait3A_784] : memref<10112x32xf32, #tpu.memory_space<vmem_shared>> -> memref<10112x32xf32, #tpu.memory_space<vmem_shared>>
      tpu.wait_indirect_dma semaphore(%arg12 : memref<!tpu.dma_semaphore, #tpu.memory_space<semaphore_mem>>) src(%dma_wait3A_779 : memref<128x32xf32, #tpu.memory_space<vmem>>) dst(%dma_wait3A_785 : memref<10112x32xf32, #tpu.memory_space<vmem_shared>>)
      %dma_wait3A_786 = arith.constant 12 : i32
      %dma_wait3A_787 = arith.constant 0 : i32
      %dma_wait3A_788 = arith.constant 0 : i32
      %dma_wait3A_789 = tpu.memref_slice %arg8[%dma_wait3A_786, %dma_wait3A_787, %dma_wait3A_788] : memref<13x128x32xf32, #tpu.memory_space<vmem>> -> memref<1x128x32xf32, #tpu.memory_space<vmem>>
      %dma_wait3A_790 = tpu.memref_squeeze %dma_wait3A_789 : memref<1x128x32xf32, #tpu.memory_space<vmem>> -> memref<128x32xf32, #tpu.memory_space<vmem>>
      %dma_wait3A_791 = arith.constant 0 : i32
      %dma_wait3A_792 = tpu.memref_slice %arg7[%add3A_628, %dma_wait3A_791] : memref<79x128xi32, #tpu.memory_space<vmem>> -> memref<1x128xi32, #tpu.memory_space<vmem>>
      %dma_wait3A_793 = tpu.memref_squeeze %dma_wait3A_792 : memref<1x128xi32, #tpu.memory_space<vmem>> -> memref<128xi32, #tpu.memory_space<vmem>>
      %dma_wait3A_794 = arith.constant 0 : i32
      %dma_wait3A_795 = arith.constant 0 : i32
      %dma_wait3A_796 = tpu.memref_slice %arg9[%dma_wait3A_794, %dma_wait3A_795] : memref<10112x32xf32, #tpu.memory_space<vmem_shared>> -> memref<10112x32xf32, #tpu.memory_space<vmem_shared>>
      tpu.wait_indirect_dma semaphore(%arg12 : memref<!tpu.dma_semaphore, #tpu.memory_space<semaphore_mem>>) src(%dma_wait3A_790 : memref<128x32xf32, #tpu.memory_space<vmem>>) dst(%dma_wait3A_796 : memref<10112x32xf32, #tpu.memory_space<vmem_shared>>)
    }
    %scan3A_15 = arith.constant 6 : i32
    %convert_element_type3A = arith.extui %lt3A_5 : i1 to i32
    %cond3A = arith.constant 0 : i32
    %cond3A_16 = arith.cmpi ne, %convert_element_type3A, %cond3A : i32
    scf.if %cond3A_16 {
      %add3A_18 = arith.constant 78 : i32
      %add3A_19 = arith.addi %sub3A, %add3A_18 : i32
      %dma_start3A = arith.constant 0 : i32
      %dma_start3A_20 = arith.constant 0 : i32
      %dma_start3A_21 = arith.constant 0 : i32
      %dma_start3A_22 = arith.constant 0 : i32
      %dma_start3A_23 = tpu.memref_slice %arg8[%dma_start3A, %dma_start3A_21, %dma_start3A_22] : memref<13x128x32xf32, #tpu.memory_space<vmem>> -> memref<1x128x32xf32, #tpu.memory_space<vmem>>
      %dma_start3A_24 = tpu.memref_squeeze %dma_start3A_23 : memref<1x128x32xf32, #tpu.memory_space<vmem>> -> memref<128x32xf32, #tpu.memory_space<vmem>>
      %dma_start3A_25 = arith.constant 0 : i32
      %dma_start3A_26 = tpu.memref_slice %arg6[%add3A_19, %dma_start3A_25] : memref<79x128xi32, #tpu.memory_space<vmem>> -> memref<1x128xi32, #tpu.memory_space<vmem>>
      %dma_start3A_27 = tpu.memref_squeeze %dma_start3A_26 : memref<1x128xi32, #tpu.memory_space<vmem>> -> memref<128xi32, #tpu.memory_space<vmem>>
      %dma_start3A_28 = arith.constant 0 : i32
      %dma_start3A_29 = arith.constant 0 : i32
      %dma_start3A_30 = tpu.memref_slice %arg10[%dma_start3A_28, %dma_start3A_29] : memref<10112x32xf32, #tpu.memory_space<vmem_shared>> -> memref<10112x32xf32, #tpu.memory_space<vmem_shared>>
      %dma_start3A_31 = tpu.memref_slice %arg11[%dma_start3A_20] : memref<13x!tpu.dma_semaphore, #tpu.memory_space<semaphore_mem>> -> memref<1x!tpu.dma_semaphore, #tpu.memory_space<semaphore_mem>>
      %dma_start3A_32 = tpu.memref_squeeze %dma_start3A_31 : memref<1x!tpu.dma_semaphore, #tpu.memory_space<semaphore_mem>> -> memref<!tpu.dma_semaphore, #tpu.memory_space<semaphore_mem>>
      tpu.enqueue_indirect_dma source(%dma_start3A_30 : memref<10112x32xf32, #tpu.memory_space<vmem_shared>>) target(%dma_start3A_24 : memref<128x32xf32, #tpu.memory_space<vmem>>) offsets(%dma_start3A_27 : memref<128xi32, #tpu.memory_space<vmem>>) semaphore(%dma_start3A_32 : memref<!tpu.dma_semaphore, #tpu.memory_space<semaphore_mem>>)
      %dma_wait3A = arith.constant 0 : i32
      %dma_wait3A_33 = arith.constant 0 : i32
      %dma_wait3A_34 = arith.constant 0 : i32
      %dma_wait3A_35 = arith.constant 0 : i32
      %dma_wait3A_36 = tpu.memref_slice %arg8[%dma_wait3A, %dma_wait3A_34, %dma_wait3A_35] : memref<13x128x32xf32, #tpu.memory_space<vmem>> -> memref<1x128x32xf32, #tpu.memory_space<vmem>>
      %dma_wait3A_37 = tpu.memref_squeeze %dma_wait3A_36 : memref<1x128x32xf32, #tpu.memory_space<vmem>> -> memref<128x32xf32, #tpu.memory_space<vmem>>
      %dma_wait3A_38 = arith.constant 0 : i32
      %dma_wait3A_39 = tpu.memref_slice %arg6[%add3A_19, %dma_wait3A_38] : memref<79x128xi32, #tpu.memory_space<vmem>> -> memref<1x128xi32, #tpu.memory_space<vmem>>
      %dma_wait3A_40 = tpu.memref_squeeze %dma_wait3A_39 : memref<1x128xi32, #tpu.memory_space<vmem>> -> memref<128xi32, #tpu.memory_space<vmem>>
      %dma_wait3A_41 = arith.constant 0 : i32
      %dma_wait3A_42 = arith.constant 0 : i32
      %dma_wait3A_43 = tpu.memref_slice %arg10[%dma_wait3A_41, %dma_wait3A_42] : memref<10112x32xf32, #tpu.memory_space<vmem_shared>> -> memref<10112x32xf32, #tpu.memory_space<vmem_shared>>
      %dma_wait3A_44 = tpu.memref_slice %arg11[%dma_wait3A_33] : memref<13x!tpu.dma_semaphore, #tpu.memory_space<semaphore_mem>> -> memref<1x!tpu.dma_semaphore, #tpu.memory_space<semaphore_mem>>
      %dma_wait3A_45 = tpu.memref_squeeze %dma_wait3A_44 : memref<1x!tpu.dma_semaphore, #tpu.memory_space<semaphore_mem>> -> memref<!tpu.dma_semaphore, #tpu.memory_space<semaphore_mem>>
      tpu.wait_indirect_dma semaphore(%dma_wait3A_45 : memref<!tpu.dma_semaphore, #tpu.memory_space<semaphore_mem>>) src(%dma_wait3A_43 : memref<10112x32xf32, #tpu.memory_space<vmem_shared>>) dst(%dma_wait3A_37 : memref<128x32xf32, #tpu.memory_space<vmem>>)
      %run_scoped3A_46 = arith.constant 0 : i32
      "tpu.region"() ({
        %run_scoped3A_47 = tpu.sem_alloc : memref<!tpu.dma_semaphore, #tpu.memory_space<semaphore_mem>>
        %dma_start3A_48 = arith.constant 0 : i32
        %dma_start3A_49 = arith.constant 0 : i32
        %dma_start3A_50 = tpu.memref_slice %arg8[%run_scoped3A_46, %dma_start3A_48, %dma_start3A_49] : memref<13x128x32xf32, #tpu.memory_space<vmem>> -> memref<1x128x32xf32, #tpu.memory_space<vmem>>
        %dma_start3A_51 = tpu.memref_squeeze %dma_start3A_50 : memref<1x128x32xf32, #tpu.memory_space<vmem>> -> memref<128x32xf32, #tpu.memory_space<vmem>>
        %dma_start3A_52 = arith.constant 0 : i32
        %dma_start3A_53 = tpu.memref_slice %arg7[%add3A_19, %dma_start3A_52] : memref<79x128xi32, #tpu.memory_space<vmem>> -> memref<1x128xi32, #tpu.memory_space<vmem>>
        %dma_start3A_54 = tpu.memref_squeeze %dma_start3A_53 : memref<1x128xi32, #tpu.memory_space<vmem>> -> memref<128xi32, #tpu.memory_space<vmem>>
        %dma_start3A_55 = arith.constant 0 : i32
        %dma_start3A_56 = arith.constant 0 : i32
        %dma_start3A_57 = tpu.memref_slice %arg9[%dma_start3A_55, %dma_start3A_56] : memref<10112x32xf32, #tpu.memory_space<vmem_shared>> -> memref<10112x32xf32, #tpu.memory_space<vmem_shared>>
        tpu.enqueue_indirect_dma source(%dma_start3A_51 : memref<128x32xf32, #tpu.memory_space<vmem>>) target(%dma_start3A_57 : memref<10112x32xf32, #tpu.memory_space<vmem_shared>>) offsets(%dma_start3A_54 : memref<128xi32, #tpu.memory_space<vmem>>) semaphore(%run_scoped3A_47 : memref<!tpu.dma_semaphore, #tpu.memory_space<semaphore_mem>>) {add = true}
        %dma_wait3A_58 = arith.constant 0 : i32
        %dma_wait3A_59 = arith.constant 0 : i32
        %dma_wait3A_60 = tpu.memref_slice %arg8[%run_scoped3A_46, %dma_wait3A_58, %dma_wait3A_59] : memref<13x128x32xf32, #tpu.memory_space<vmem>> -> memref<1x128x32xf32, #tpu.memory_space<vmem>>
        %dma_wait3A_61 = tpu.memref_squeeze %dma_wait3A_60 : memref<1x128x32xf32, #tpu.memory_space<vmem>> -> memref<128x32xf32, #tpu.memory_space<vmem>>
        %dma_wait3A_62 = arith.constant 0 : i32
        %dma_wait3A_63 = tpu.memref_slice %arg7[%add3A_19, %dma_wait3A_62] : memref<79x128xi32, #tpu.memory_space<vmem>> -> memref<1x128xi32, #tpu.memory_space<vmem>>
        %dma_wait3A_64 = tpu.memref_squeeze %dma_wait3A_63 : memref<1x128xi32, #tpu.memory_space<vmem>> -> memref<128xi32, #tpu.memory_space<vmem>>
        %dma_wait3A_65 = arith.constant 0 : i32
        %dma_wait3A_66 = arith.constant 0 : i32
        %dma_wait3A_67 = tpu.memref_slice %arg9[%dma_wait3A_65, %dma_wait3A_66] : memref<10112x32xf32, #tpu.memory_space<vmem_shared>> -> memref<10112x32xf32, #tpu.memory_space<vmem_shared>>
        tpu.wait_indirect_dma semaphore(%run_scoped3A_47 : memref<!tpu.dma_semaphore, #tpu.memory_space<semaphore_mem>>) src(%dma_wait3A_61 : memref<128x32xf32, #tpu.memory_space<vmem>>) dst(%dma_wait3A_67 : memref<10112x32xf32, #tpu.memory_space<vmem_shared>>)
        tpu.yield
      }) : () -> ()
    } else {
    }
    %barrier3A_17 = arith.constant 0 : index
    tpu.barrier barrier_id(%barrier3A_17)
    "tpu.region"() ({
      %run_scoped3A_18 = tpu.sem_alloc : memref<!tpu.dma_semaphore, #tpu.memory_space<semaphore_mem>>
      %dma_start3A = arith.constant 0 : i32
      %dma_start3A_19 = tpu.memref_slice %arg5[%arg0, %mul3A_9, %dma_start3A] : memref<2x10112x128xf32, #tpu.memory_space<hbm>> -> memref<1x632x32xf32, #tpu.memory_space<hbm>>
      %dma_start3A_20 = tpu.memref_squeeze %dma_start3A_19 : memref<1x632x32xf32, #tpu.memory_space<hbm>> -> memref<632x32xf32, #tpu.memory_space<hbm>>
      %dma_start3A_21 = arith.constant 0 : i32
      %dma_start3A_22 = tpu.memref_slice %arg9[%mul3A_9, %dma_start3A_21] : memref<10112x32xf32, #tpu.memory_space<vmem_shared>> -> memref<632x32xf32, #tpu.memory_space<vmem_shared>>
      tpu.enqueue_dma source(%dma_start3A_22 : memref<632x32xf32, #tpu.memory_space<vmem_shared>>) target(%dma_start3A_20 : memref<632x32xf32, #tpu.memory_space<hbm>>) target_semaphore(%run_scoped3A_18 : memref<!tpu.dma_semaphore, #tpu.memory_space<semaphore_mem>>)
      %dma_wait3A = arith.constant 0 : i32
      %dma_wait3A_23 = tpu.memref_slice %arg5[%arg0, %mul3A_9, %dma_wait3A] : memref<2x10112x128xf32, #tpu.memory_space<hbm>> -> memref<1x632x32xf32, #tpu.memory_space<hbm>>
      %dma_wait3A_24 = tpu.memref_squeeze %dma_wait3A_23 : memref<1x632x32xf32, #tpu.memory_space<hbm>> -> memref<632x32xf32, #tpu.memory_space<hbm>>
      %dma_wait3A_25 = arith.constant 0 : i32
      %dma_wait3A_26 = tpu.memref_slice %arg9[%mul3A_9, %dma_wait3A_25] : memref<10112x32xf32, #tpu.memory_space<vmem_shared>> -> memref<632x32xf32, #tpu.memory_space<vmem_shared>>
      tpu.wait_dma2 semaphore(%run_scoped3A_18 : memref<!tpu.dma_semaphore, #tpu.memory_space<semaphore_mem>>) src(%dma_wait3A_26 : memref<632x32xf32, #tpu.memory_space<vmem_shared>>) dst(%dma_wait3A_24 : memref<632x32xf32, #tpu.memory_space<hbm>>)
      tpu.yield
    }) : () -> ()
    return
  }
}

#map = affine_map<(d0, d1) -> (0, 0)>
#map1 = affine_map<(d0, d1) -> (0, 0, 0)>
module attributes {stable_mosaic.version = 14 : i64} {
  func.func @_gs_body(%arg0: i32, %arg1: i32, %arg2: memref<10112x128xf32, #tpu.memory_space<hbm>>, %arg3: memref<2x2500x128xi32, #tpu.memory_space<hbm>>, %arg4: memref<10112x32xf32, #tpu.memory_space<hbm>>, %arg5: memref<2x10112x128xf32, #tpu.memory_space<hbm>>, %arg6: memref<79x128xi32, #tpu.memory_space<vmem>>, %arg7: memref<79x128xi32, #tpu.memory_space<vmem>>, %arg8: memref<13x128x32xf32, #tpu.memory_space<vmem>>, %arg9: memref<10112x32xf32, #tpu.memory_space<vmem_shared>>, %arg10: memref<10112x32xf32, #tpu.memory_space<vmem_shared>>, %arg11: memref<13x!tpu.dma_semaphore, #tpu.memory_space<semaphore_mem>>, %arg12: memref<!tpu.dma_semaphore, #tpu.memory_space<semaphore_mem>>) attributes {dimension_semantics = [#tpu.dimension_semantics<core_parallel>, #tpu.dimension_semantics<subcore_parallel>], iteration_bounds = array<i64: 2, 16>, scalar_prefetch = 0 : i64, scratch_operands = 7 : i64, tpu.core_type = #tpu.core_type<sc_vector_subcore>, window_params = [{transform_indices = #map}, {transform_indices = #map1}, {transform_indices = #map}, {transform_indices = #map1}]} {
    %mul3A = arith.constant 16 : i32
    %mul3A_0 = arith.muli %arg0, %mul3A : i32
    %add3A = arith.addi %mul3A_0, %arg1 : i32
    %mul3A_1 = arith.constant 78 : i32
    %mul3A_2 = arith.muli %add3A, %mul3A_1 : i32
    %min3A = arith.constant 4 : i32
    %min3A_3 = arith.minsi %add3A, %min3A : i32
    %add3A_4 = arith.addi %mul3A_2, %min3A_3 : i32
    %lt3A = arith.constant 4 : i32
    %lt3A_5 = arith.cmpi slt, %add3A, %lt3A : i32
    %min3A_6 = arith.constant 2421 : i32
    %min3A_7 = arith.minsi %add3A_4, %min3A_6 : i32
    %sub3A = arith.subi %add3A_4, %min3A_7 : i32
    %mul3A_8 = arith.constant 632 : i32
    %mul3A_9 = arith.muli %arg1, %mul3A_8 : i32
    "tpu.region"() ({
      %run_scoped3A_18 = tpu.sem_alloc : memref<!tpu.dma_semaphore, #tpu.memory_space<semaphore_mem>>
      %dma_start3A = arith.constant 0 : i32
      %dma_start3A_19 = tpu.memref_slice %arg9[%mul3A_9, %dma_start3A] : memref<10112x32xf32, #tpu.memory_space<vmem_shared>> -> memref<632x32xf32, #tpu.memory_space<vmem_shared>>
      %dma_start3A_20 = arith.constant 0 : i32
      %dma_start3A_21 = tpu.memref_slice %arg4[%mul3A_9, %dma_start3A_20] : memref<10112x32xf32, #tpu.memory_space<hbm>> -> memref<632x32xf32, #tpu.memory_space<hbm>>
      tpu.enqueue_dma source(%dma_start3A_21 : memref<632x32xf32, #tpu.memory_space<hbm>>) target(%dma_start3A_19 : memref<632x32xf32, #tpu.memory_space<vmem_shared>>) target_semaphore(%run_scoped3A_18 : memref<!tpu.dma_semaphore, #tpu.memory_space<semaphore_mem>>)
      %dma_wait3A = arith.constant 0 : i32
      %dma_wait3A_22 = tpu.memref_slice %arg9[%mul3A_9, %dma_wait3A] : memref<10112x32xf32, #tpu.memory_space<vmem_shared>> -> memref<632x32xf32, #tpu.memory_space<vmem_shared>>
      %dma_wait3A_23 = arith.constant 0 : i32
      %dma_wait3A_24 = tpu.memref_slice %arg4[%mul3A_9, %dma_wait3A_23] : memref<10112x32xf32, #tpu.memory_space<hbm>> -> memref<632x32xf32, #tpu.memory_space<hbm>>
      tpu.wait_dma2 semaphore(%run_scoped3A_18 : memref<!tpu.dma_semaphore, #tpu.memory_space<semaphore_mem>>) src(%dma_wait3A_24 : memref<632x32xf32, #tpu.memory_space<hbm>>) dst(%dma_wait3A_22 : memref<632x32xf32, #tpu.memory_space<vmem_shared>>)
      tpu.yield
    }) : () -> ()
    "tpu.region"() ({
      %run_scoped3A_18 = tpu.sem_alloc : memref<!tpu.dma_semaphore, #tpu.memory_space<semaphore_mem>>
      %dma_start3A = arith.constant 0 : i32
      %dma_start3A_19 = tpu.memref_slice %arg10[%mul3A_9, %dma_start3A] : memref<10112x32xf32, #tpu.memory_space<vmem_shared>> -> memref<632x32xf32, #tpu.memory_space<vmem_shared>>
      %dma_start3A_20 = arith.constant 0 : i32
      %dma_start3A_21 = tpu.memref_slice %arg2[%mul3A_9, %dma_start3A_20] : memref<10112x128xf32, #tpu.memory_space<hbm>> -> memref<632x32xf32, #tpu.memory_space<hbm>>
      tpu.enqueue_dma source(%dma_start3A_21 : memref<632x32xf32, #tpu.memory_space<hbm>>) target(%dma_start3A_19 : memref<632x32xf32, #tpu.memory_space<vmem_shared>>) target_semaphore(%run_scoped3A_18 : memref<!tpu.dma_semaphore, #tpu.memory_space<semaphore_mem>>)
      %dma_wait3A = arith.constant 0 : i32
      %dma_wait3A_22 = tpu.memref_slice %arg10[%mul3A_9, %dma_wait3A] : memref<10112x32xf32, #tpu.memory_space<vmem_shared>> -> memref<632x32xf32, #tpu.memory_space<vmem_shared>>
      %dma_wait3A_23 = arith.constant 0 : i32
      %dma_wait3A_24 = tpu.memref_slice %arg2[%mul3A_9, %dma_wait3A_23] : memref<10112x128xf32, #tpu.memory_space<hbm>> -> memref<632x32xf32, #tpu.memory_space<hbm>>
      tpu.wait_dma2 semaphore(%run_scoped3A_18 : memref<!tpu.dma_semaphore, #tpu.memory_space<semaphore_mem>>) src(%dma_wait3A_24 : memref<632x32xf32, #tpu.memory_space<hbm>>) dst(%dma_wait3A_22 : memref<632x32xf32, #tpu.memory_space<vmem_shared>>)
      tpu.yield
    }) : () -> ()
    %run_scoped3A = arith.constant 0 : i32
    "tpu.region"() ({
      %run_scoped3A_18 = tpu.sem_alloc : memref<!tpu.dma_semaphore, #tpu.memory_space<semaphore_mem>>
      %dma_start3A = arith.constant 0 : i32
      %dma_start3A_19 = tpu.memref_slice %arg3[%run_scoped3A, %min3A_7, %dma_start3A] : memref<2x2500x128xi32, #tpu.memory_space<hbm>> -> memref<1x79x128xi32, #tpu.memory_space<hbm>>
      %dma_start3A_20 = tpu.memref_squeeze %dma_start3A_19 : memref<1x79x128xi32, #tpu.memory_space<hbm>> -> memref<79x128xi32, #tpu.memory_space<hbm>>
      %dma_start3A_21 = arith.constant 0 : i32
      %dma_start3A_22 = tpu.memref_slice %arg3[%run_scoped3A, %min3A_7, %dma_start3A_21] : memref<2x2500x128xi32, #tpu.memory_space<hbm>> -> memref<1x79x128xi32, #tpu.memory_space<hbm>>
      %dma_start3A_23 = tpu.memref_squeeze %dma_start3A_22 : memref<1x79x128xi32, #tpu.memory_space<hbm>> -> memref<79x128xi32, #tpu.memory_space<hbm>>
      tpu.enqueue_dma source(%dma_start3A_23 : memref<79x128xi32, #tpu.memory_space<hbm>>) target(%arg6 : memref<79x128xi32, #tpu.memory_space<vmem>>) target_semaphore(%run_scoped3A_18 : memref<!tpu.dma_semaphore, #tpu.memory_space<semaphore_mem>>)
      %dma_wait3A = arith.constant 0 : i32
      %dma_wait3A_24 = tpu.memref_slice %arg3[%run_scoped3A, %min3A_7, %dma_wait3A] : memref<2x2500x128xi32, #tpu.memory_space<hbm>> -> memref<1x79x128xi32, #tpu.memory_space<hbm>>
      %dma_wait3A_25 = tpu.memref_squeeze %dma_wait3A_24 : memref<1x79x128xi32, #tpu.memory_space<hbm>> -> memref<79x128xi32, #tpu.memory_space<hbm>>
      %dma_wait3A_26 = arith.constant 0 : i32
      %dma_wait3A_27 = tpu.memref_slice %arg3[%run_scoped3A, %min3A_7, %dma_wait3A_26] : memref<2x2500x128xi32, #tpu.memory_space<hbm>> -> memref<1x79x128xi32, #tpu.memory_space<hbm>>
      %dma_wait3A_28 = tpu.memref_squeeze %dma_wait3A_27 : memref<1x79x128xi32, #tpu.memory_space<hbm>> -> memref<79x128xi32, #tpu.memory_space<hbm>>
      tpu.wait_dma2 semaphore(%run_scoped3A_18 : memref<!tpu.dma_semaphore, #tpu.memory_space<semaphore_mem>>) src(%dma_wait3A_28 : memref<79x128xi32, #tpu.memory_space<hbm>>) dst(%arg6 : memref<79x128xi32, #tpu.memory_space<vmem>>)
      tpu.yield
    }) : () -> ()
    %run_scoped3A_10 = arith.constant 1 : i32
    "tpu.region"() ({
      %run_scoped3A_18 = tpu.sem_alloc : memref<!tpu.dma_semaphore, #tpu.memory_space<semaphore_mem>>
      %dma_start3A = arith.constant 0 : i32
      %dma_start3A_19 = tpu.memref_slice %arg3[%run_scoped3A_10, %min3A_7, %dma_start3A] : memref<2x2500x128xi32, #tpu.memory_space<hbm>> -> memref<1x79x128xi32, #tpu.memory_space<hbm>>
      %dma_start3A_20 = tpu.memref_squeeze %dma_start3A_19 : memref<1x79x128xi32, #tpu.memory_space<hbm>> -> memref<79x128xi32, #tpu.memory_space<hbm>>
      %dma_start3A_21 = arith.constant 0 : i32
      %dma_start3A_22 = tpu.memref_slice %arg3[%run_scoped3A_10, %min3A_7, %dma_start3A_21] : memref<2x2500x128xi32, #tpu.memory_space<hbm>> -> memref<1x79x128xi32, #tpu.memory_space<hbm>>
      %dma_start3A_23 = tpu.memref_squeeze %dma_start3A_22 : memref<1x79x128xi32, #tpu.memory_space<hbm>> -> memref<79x128xi32, #tpu.memory_space<hbm>>
      tpu.enqueue_dma source(%dma_start3A_23 : memref<79x128xi32, #tpu.memory_space<hbm>>) target(%arg7 : memref<79x128xi32, #tpu.memory_space<vmem>>) target_semaphore(%run_scoped3A_18 : memref<!tpu.dma_semaphore, #tpu.memory_space<semaphore_mem>>)
      %dma_wait3A = arith.constant 0 : i32
      %dma_wait3A_24 = tpu.memref_slice %arg3[%run_scoped3A_10, %min3A_7, %dma_wait3A] : memref<2x2500x128xi32, #tpu.memory_space<hbm>> -> memref<1x79x128xi32, #tpu.memory_space<hbm>>
      %dma_wait3A_25 = tpu.memref_squeeze %dma_wait3A_24 : memref<1x79x128xi32, #tpu.memory_space<hbm>> -> memref<79x128xi32, #tpu.memory_space<hbm>>
      %dma_wait3A_26 = arith.constant 0 : i32
      %dma_wait3A_27 = tpu.memref_slice %arg3[%run_scoped3A_10, %min3A_7, %dma_wait3A_26] : memref<2x2500x128xi32, #tpu.memory_space<hbm>> -> memref<1x79x128xi32, #tpu.memory_space<hbm>>
      %dma_wait3A_28 = tpu.memref_squeeze %dma_wait3A_27 : memref<1x79x128xi32, #tpu.memory_space<hbm>> -> memref<79x128xi32, #tpu.memory_space<hbm>>
      tpu.wait_dma2 semaphore(%run_scoped3A_18 : memref<!tpu.dma_semaphore, #tpu.memory_space<semaphore_mem>>) src(%dma_wait3A_28 : memref<79x128xi32, #tpu.memory_space<hbm>>) dst(%arg7 : memref<79x128xi32, #tpu.memory_space<vmem>>)
      tpu.yield
    }) : () -> ()
    %barrier3A = arith.constant 0 : index
    tpu.barrier barrier_id(%barrier3A)
    %scan3A = arith.constant 0 : i32
    %scan3A_11 = arith.constant 0 : i32
    %scan3A_12 = arith.constant 6 : i32
    %scan3A_13 = arith.addi %scan3A_11, %scan3A_12 : i32
    %scan3A_14 = arith.constant 1 : i32
    scf.for %scan3A_18 = %scan3A_11 to %scan3A_13 step %scan3A_14  : i32 {
      %mul3A_19 = arith.constant 13 : i32
      %mul3A_20 = arith.muli %scan3A_18, %mul3A_19 : i32
      %add3A_21 = arith.addi %sub3A, %mul3A_20 : i32
      %add3A_22 = arith.constant 0 : i32
      %add3A_23 = arith.addi %add3A_21, %add3A_22 : i32
      %dma_start3A = arith.constant 0 : i32
      %dma_start3A_24 = arith.constant 0 : i32
      %dma_start3A_25 = arith.constant 0 : i32
      %dma_start3A_26 = arith.constant 0 : i32
      %dma_start3A_27 = tpu.memref_slice %arg8[%dma_start3A, %dma_start3A_25, %dma_start3A_26] : memref<13x128x32xf32, #tpu.memory_space<vmem>> -> memref<1x128x32xf32, #tpu.memory_space<vmem>>
      %dma_start3A_28 = tpu.memref_squeeze %dma_start3A_27 : memref<1x128x32xf32, #tpu.memory_space<vmem>> -> memref<128x32xf32, #tpu.memory_space<vmem>>
      %dma_start3A_29 = arith.constant 0 : i32
      %dma_start3A_30 = tpu.memref_slice %arg6[%add3A_23, %dma_start3A_29] : memref<79x128xi32, #tpu.memory_space<vmem>> -> memref<1x128xi32, #tpu.memory_space<vmem>>
      %dma_start3A_31 = tpu.memref_squeeze %dma_start3A_30 : memref<1x128xi32, #tpu.memory_space<vmem>> -> memref<128xi32, #tpu.memory_space<vmem>>
      %dma_start3A_32 = arith.constant 0 : i32
      %dma_start3A_33 = arith.constant 0 : i32
      %dma_start3A_34 = tpu.memref_slice %arg10[%dma_start3A_32, %dma_start3A_33] : memref<10112x32xf32, #tpu.memory_space<vmem_shared>> -> memref<10112x32xf32, #tpu.memory_space<vmem_shared>>
      %dma_start3A_35 = tpu.memref_slice %arg11[%dma_start3A_24] : memref<13x!tpu.dma_semaphore, #tpu.memory_space<semaphore_mem>> -> memref<1x!tpu.dma_semaphore, #tpu.memory_space<semaphore_mem>>
      %dma_start3A_36 = tpu.memref_squeeze %dma_start3A_35 : memref<1x!tpu.dma_semaphore, #tpu.memory_space<semaphore_mem>> -> memref<!tpu.dma_semaphore, #tpu.memory_space<semaphore_mem>>
      tpu.enqueue_indirect_dma source(%dma_start3A_34 : memref<10112x32xf32, #tpu.memory_space<vmem_shared>>) target(%dma_start3A_28 : memref<128x32xf32, #tpu.memory_space<vmem>>) offsets(%dma_start3A_31 : memref<128xi32, #tpu.memory_space<vmem>>) semaphore(%dma_start3A_36 : memref<!tpu.dma_semaphore, #tpu.memory_space<semaphore_mem>>)
      %mul3A_37 = arith.constant 13 : i32
      %mul3A_38 = arith.muli %scan3A_18, %mul3A_37 : i32
      %add3A_39 = arith.addi %sub3A, %mul3A_38 : i32
      %add3A_40 = arith.constant 1 : i32
      %add3A_41 = arith.addi %add3A_39, %add3A_40 : i32
      %dma_start3A_42 = arith.constant 1 : i32
      %dma_start3A_43 = arith.constant 1 : i32
      %dma_start3A_44 = arith.constant 0 : i32
      %dma_start3A_45 = arith.constant 0 : i32
      %dma_start3A_46 = tpu.memref_slice %arg8[%dma_start3A_42, %dma_start3A_44, %dma_start3A_45] : memref<13x128x32xf32, #tpu.memory_space<vmem>> -> memref<1x128x32xf32, #tpu.memory_space<vmem>>
      %dma_start3A_47 = tpu.memref_squeeze %dma_start3A_46 : memref<1x128x32xf32, #tpu.memory_space<vmem>> -> memref<128x32xf32, #tpu.memory_space<vmem>>
      %dma_start3A_48 = arith.constant 0 : i32
      %dma_start3A_49 = tpu.memref_slice %arg6[%add3A_41, %dma_start3A_48] : memref<79x128xi32, #tpu.memory_space<vmem>> -> memref<1x128xi32, #tpu.memory_space<vmem>>
      %dma_start3A_50 = tpu.memref_squeeze %dma_start3A_49 : memref<1x128xi32, #tpu.memory_space<vmem>> -> memref<128xi32, #tpu.memory_space<vmem>>
      %dma_start3A_51 = arith.constant 0 : i32
      %dma_start3A_52 = arith.constant 0 : i32
      %dma_start3A_53 = tpu.memref_slice %arg10[%dma_start3A_51, %dma_start3A_52] : memref<10112x32xf32, #tpu.memory_space<vmem_shared>> -> memref<10112x32xf32, #tpu.memory_space<vmem_shared>>
      %dma_start3A_54 = tpu.memref_slice %arg11[%dma_start3A_43] : memref<13x!tpu.dma_semaphore, #tpu.memory_space<semaphore_mem>> -> memref<1x!tpu.dma_semaphore, #tpu.memory_space<semaphore_mem>>
      %dma_start3A_55 = tpu.memref_squeeze %dma_start3A_54 : memref<1x!tpu.dma_semaphore, #tpu.memory_space<semaphore_mem>> -> memref<!tpu.dma_semaphore, #tpu.memory_space<semaphore_mem>>
      tpu.enqueue_indirect_dma source(%dma_start3A_53 : memref<10112x32xf32, #tpu.memory_space<vmem_shared>>) target(%dma_start3A_47 : memref<128x32xf32, #tpu.memory_space<vmem>>) offsets(%dma_start3A_50 : memref<128xi32, #tpu.memory_space<vmem>>) semaphore(%dma_start3A_55 : memref<!tpu.dma_semaphore, #tpu.memory_space<semaphore_mem>>)
      %mul3A_56 = arith.constant 13 : i32
      %mul3A_57 = arith.muli %scan3A_18, %mul3A_56 : i32
      %add3A_58 = arith.addi %sub3A, %mul3A_57 : i32
      %add3A_59 = arith.constant 2 : i32
      %add3A_60 = arith.addi %add3A_58, %add3A_59 : i32
      %dma_start3A_61 = arith.constant 2 : i32
      %dma_start3A_62 = arith.constant 2 : i32
      %dma_start3A_63 = arith.constant 0 : i32
      %dma_start3A_64 = arith.constant 0 : i32
      %dma_start3A_65 = tpu.memref_slice %arg8[%dma_start3A_61, %dma_start3A_63, %dma_start3A_64] : memref<13x128x32xf32, #tpu.memory_space<vmem>> -> memref<1x128x32xf32, #tpu.memory_space<vmem>>
      %dma_start3A_66 = tpu.memref_squeeze %dma_start3A_65 : memref<1x128x32xf32, #tpu.memory_space<vmem>> -> memref<128x32xf32, #tpu.memory_space<vmem>>
      %dma_start3A_67 = arith.constant 0 : i32
      %dma_start3A_68 = tpu.memref_slice %arg6[%add3A_60, %dma_start3A_67] : memref<79x128xi32, #tpu.memory_space<vmem>> -> memref<1x128xi32, #tpu.memory_space<vmem>>
      %dma_start3A_69 = tpu.memref_squeeze %dma_start3A_68 : memref<1x128xi32, #tpu.memory_space<vmem>> -> memref<128xi32, #tpu.memory_space<vmem>>
      %dma_start3A_70 = arith.constant 0 : i32
      %dma_start3A_71 = arith.constant 0 : i32
      %dma_start3A_72 = tpu.memref_slice %arg10[%dma_start3A_70, %dma_start3A_71] : memref<10112x32xf32, #tpu.memory_space<vmem_shared>> -> memref<10112x32xf32, #tpu.memory_space<vmem_shared>>
      %dma_start3A_73 = tpu.memref_slice %arg11[%dma_start3A_62] : memref<13x!tpu.dma_semaphore, #tpu.memory_space<semaphore_mem>> -> memref<1x!tpu.dma_semaphore, #tpu.memory_space<semaphore_mem>>
      %dma_start3A_74 = tpu.memref_squeeze %dma_start3A_73 : memref<1x!tpu.dma_semaphore, #tpu.memory_space<semaphore_mem>> -> memref<!tpu.dma_semaphore, #tpu.memory_space<semaphore_mem>>
      tpu.enqueue_indirect_dma source(%dma_start3A_72 : memref<10112x32xf32, #tpu.memory_space<vmem_shared>>) target(%dma_start3A_66 : memref<128x32xf32, #tpu.memory_space<vmem>>) offsets(%dma_start3A_69 : memref<128xi32, #tpu.memory_space<vmem>>) semaphore(%dma_start3A_74 : memref<!tpu.dma_semaphore, #tpu.memory_space<semaphore_mem>>)
      %mul3A_75 = arith.constant 13 : i32
      %mul3A_76 = arith.muli %scan3A_18, %mul3A_75 : i32
      %add3A_77 = arith.addi %sub3A, %mul3A_76 : i32
      %add3A_78 = arith.constant 3 : i32
      %add3A_79 = arith.addi %add3A_77, %add3A_78 : i32
      %dma_start3A_80 = arith.constant 3 : i32
      %dma_start3A_81 = arith.constant 3 : i32
      %dma_start3A_82 = arith.constant 0 : i32
      %dma_start3A_83 = arith.constant 0 : i32
      %dma_start3A_84 = tpu.memref_slice %arg8[%dma_start3A_80, %dma_start3A_82, %dma_start3A_83] : memref<13x128x32xf32, #tpu.memory_space<vmem>> -> memref<1x128x32xf32, #tpu.memory_space<vmem>>
      %dma_start3A_85 = tpu.memref_squeeze %dma_start3A_84 : memref<1x128x32xf32, #tpu.memory_space<vmem>> -> memref<128x32xf32, #tpu.memory_space<vmem>>
      %dma_start3A_86 = arith.constant 0 : i32
      %dma_start3A_87 = tpu.memref_slice %arg6[%add3A_79, %dma_start3A_86] : memref<79x128xi32, #tpu.memory_space<vmem>> -> memref<1x128xi32, #tpu.memory_space<vmem>>
      %dma_start3A_88 = tpu.memref_squeeze %dma_start3A_87 : memref<1x128xi32, #tpu.memory_space<vmem>> -> memref<128xi32, #tpu.memory_space<vmem>>
      %dma_start3A_89 = arith.constant 0 : i32
      %dma_start3A_90 = arith.constant 0 : i32
      %dma_start3A_91 = tpu.memref_slice %arg10[%dma_start3A_89, %dma_start3A_90] : memref<10112x32xf32, #tpu.memory_space<vmem_shared>> -> memref<10112x32xf32, #tpu.memory_space<vmem_shared>>
      %dma_start3A_92 = tpu.memref_slice %arg11[%dma_start3A_81] : memref<13x!tpu.dma_semaphore, #tpu.memory_space<semaphore_mem>> -> memref<1x!tpu.dma_semaphore, #tpu.memory_space<semaphore_mem>>
      %dma_start3A_93 = tpu.memref_squeeze %dma_start3A_92 : memref<1x!tpu.dma_semaphore, #tpu.memory_space<semaphore_mem>> -> memref<!tpu.dma_semaphore, #tpu.memory_space<semaphore_mem>>
      tpu.enqueue_indirect_dma source(%dma_start3A_91 : memref<10112x32xf32, #tpu.memory_space<vmem_shared>>) target(%dma_start3A_85 : memref<128x32xf32, #tpu.memory_space<vmem>>) offsets(%dma_start3A_88 : memref<128xi32, #tpu.memory_space<vmem>>) semaphore(%dma_start3A_93 : memref<!tpu.dma_semaphore, #tpu.memory_space<semaphore_mem>>)
      %mul3A_94 = arith.constant 13 : i32
      %mul3A_95 = arith.muli %scan3A_18, %mul3A_94 : i32
      %add3A_96 = arith.addi %sub3A, %mul3A_95 : i32
      %add3A_97 = arith.constant 4 : i32
      %add3A_98 = arith.addi %add3A_96, %add3A_97 : i32
      %dma_start3A_99 = arith.constant 4 : i32
      %dma_start3A_100 = arith.constant 4 : i32
      %dma_start3A_101 = arith.constant 0 : i32
      %dma_start3A_102 = arith.constant 0 : i32
      %dma_start3A_103 = tpu.memref_slice %arg8[%dma_start3A_99, %dma_start3A_101, %dma_start3A_102] : memref<13x128x32xf32, #tpu.memory_space<vmem>> -> memref<1x128x32xf32, #tpu.memory_space<vmem>>
      %dma_start3A_104 = tpu.memref_squeeze %dma_start3A_103 : memref<1x128x32xf32, #tpu.memory_space<vmem>> -> memref<128x32xf32, #tpu.memory_space<vmem>>
      %dma_start3A_105 = arith.constant 0 : i32
      %dma_start3A_106 = tpu.memref_slice %arg6[%add3A_98, %dma_start3A_105] : memref<79x128xi32, #tpu.memory_space<vmem>> -> memref<1x128xi32, #tpu.memory_space<vmem>>
      %dma_start3A_107 = tpu.memref_squeeze %dma_start3A_106 : memref<1x128xi32, #tpu.memory_space<vmem>> -> memref<128xi32, #tpu.memory_space<vmem>>
      %dma_start3A_108 = arith.constant 0 : i32
      %dma_start3A_109 = arith.constant 0 : i32
      %dma_start3A_110 = tpu.memref_slice %arg10[%dma_start3A_108, %dma_start3A_109] : memref<10112x32xf32, #tpu.memory_space<vmem_shared>> -> memref<10112x32xf32, #tpu.memory_space<vmem_shared>>
      %dma_start3A_111 = tpu.memref_slice %arg11[%dma_start3A_100] : memref<13x!tpu.dma_semaphore, #tpu.memory_space<semaphore_mem>> -> memref<1x!tpu.dma_semaphore, #tpu.memory_space<semaphore_mem>>
      %dma_start3A_112 = tpu.memref_squeeze %dma_start3A_111 : memref<1x!tpu.dma_semaphore, #tpu.memory_space<semaphore_mem>> -> memref<!tpu.dma_semaphore, #tpu.memory_space<semaphore_mem>>
      tpu.enqueue_indirect_dma source(%dma_start3A_110 : memref<10112x32xf32, #tpu.memory_space<vmem_shared>>) target(%dma_start3A_104 : memref<128x32xf32, #tpu.memory_space<vmem>>) offsets(%dma_start3A_107 : memref<128xi32, #tpu.memory_space<vmem>>) semaphore(%dma_start3A_112 : memref<!tpu.dma_semaphore, #tpu.memory_space<semaphore_mem>>)
      %mul3A_113 = arith.constant 13 : i32
      %mul3A_114 = arith.muli %scan3A_18, %mul3A_113 : i32
      %add3A_115 = arith.addi %sub3A, %mul3A_114 : i32
      %add3A_116 = arith.constant 5 : i32
      %add3A_117 = arith.addi %add3A_115, %add3A_116 : i32
      %dma_start3A_118 = arith.constant 5 : i32
      %dma_start3A_119 = arith.constant 5 : i32
      %dma_start3A_120 = arith.constant 0 : i32
      %dma_start3A_121 = arith.constant 0 : i32
      %dma_start3A_122 = tpu.memref_slice %arg8[%dma_start3A_118, %dma_start3A_120, %dma_start3A_121] : memref<13x128x32xf32, #tpu.memory_space<vmem>> -> memref<1x128x32xf32, #tpu.memory_space<vmem>>
      %dma_start3A_123 = tpu.memref_squeeze %dma_start3A_122 : memref<1x128x32xf32, #tpu.memory_space<vmem>> -> memref<128x32xf32, #tpu.memory_space<vmem>>
      %dma_start3A_124 = arith.constant 0 : i32
      %dma_start3A_125 = tpu.memref_slice %arg6[%add3A_117, %dma_start3A_124] : memref<79x128xi32, #tpu.memory_space<vmem>> -> memref<1x128xi32, #tpu.memory_space<vmem>>
      %dma_start3A_126 = tpu.memref_squeeze %dma_start3A_125 : memref<1x128xi32, #tpu.memory_space<vmem>> -> memref<128xi32, #tpu.memory_space<vmem>>
      %dma_start3A_127 = arith.constant 0 : i32
      %dma_start3A_128 = arith.constant 0 : i32
      %dma_start3A_129 = tpu.memref_slice %arg10[%dma_start3A_127, %dma_start3A_128] : memref<10112x32xf32, #tpu.memory_space<vmem_shared>> -> memref<10112x32xf32, #tpu.memory_space<vmem_shared>>
      %dma_start3A_130 = tpu.memref_slice %arg11[%dma_start3A_119] : memref<13x!tpu.dma_semaphore, #tpu.memory_space<semaphore_mem>> -> memref<1x!tpu.dma_semaphore, #tpu.memory_space<semaphore_mem>>
      %dma_start3A_131 = tpu.memref_squeeze %dma_start3A_130 : memref<1x!tpu.dma_semaphore, #tpu.memory_space<semaphore_mem>> -> memref<!tpu.dma_semaphore, #tpu.memory_space<semaphore_mem>>
      tpu.enqueue_indirect_dma source(%dma_start3A_129 : memref<10112x32xf32, #tpu.memory_space<vmem_shared>>) target(%dma_start3A_123 : memref<128x32xf32, #tpu.memory_space<vmem>>) offsets(%dma_start3A_126 : memref<128xi32, #tpu.memory_space<vmem>>) semaphore(%dma_start3A_131 : memref<!tpu.dma_semaphore, #tpu.memory_space<semaphore_mem>>)
      %mul3A_132 = arith.constant 13 : i32
      %mul3A_133 = arith.muli %scan3A_18, %mul3A_132 : i32
      %add3A_134 = arith.addi %sub3A, %mul3A_133 : i32
      %add3A_135 = arith.constant 6 : i32
      %add3A_136 = arith.addi %add3A_134, %add3A_135 : i32
      %dma_start3A_137 = arith.constant 6 : i32
      %dma_start3A_138 = arith.constant 6 : i32
      %dma_start3A_139 = arith.constant 0 : i32
      %dma_start3A_140 = arith.constant 0 : i32
      %dma_start3A_141 = tpu.memref_slice %arg8[%dma_start3A_137, %dma_start3A_139, %dma_start3A_140] : memref<13x128x32xf32, #tpu.memory_space<vmem>> -> memref<1x128x32xf32, #tpu.memory_space<vmem>>
      %dma_start3A_142 = tpu.memref_squeeze %dma_start3A_141 : memref<1x128x32xf32, #tpu.memory_space<vmem>> -> memref<128x32xf32, #tpu.memory_space<vmem>>
      %dma_start3A_143 = arith.constant 0 : i32
      %dma_start3A_144 = tpu.memref_slice %arg6[%add3A_136, %dma_start3A_143] : memref<79x128xi32, #tpu.memory_space<vmem>> -> memref<1x128xi32, #tpu.memory_space<vmem>>
      %dma_start3A_145 = tpu.memref_squeeze %dma_start3A_144 : memref<1x128xi32, #tpu.memory_space<vmem>> -> memref<128xi32, #tpu.memory_space<vmem>>
      %dma_start3A_146 = arith.constant 0 : i32
      %dma_start3A_147 = arith.constant 0 : i32
      %dma_start3A_148 = tpu.memref_slice %arg10[%dma_start3A_146, %dma_start3A_147] : memref<10112x32xf32, #tpu.memory_space<vmem_shared>> -> memref<10112x32xf32, #tpu.memory_space<vmem_shared>>
      %dma_start3A_149 = tpu.memref_slice %arg11[%dma_start3A_138] : memref<13x!tpu.dma_semaphore, #tpu.memory_space<semaphore_mem>> -> memref<1x!tpu.dma_semaphore, #tpu.memory_space<semaphore_mem>>
      %dma_start3A_150 = tpu.memref_squeeze %dma_start3A_149 : memref<1x!tpu.dma_semaphore, #tpu.memory_space<semaphore_mem>> -> memref<!tpu.dma_semaphore, #tpu.memory_space<semaphore_mem>>
      tpu.enqueue_indirect_dma source(%dma_start3A_148 : memref<10112x32xf32, #tpu.memory_space<vmem_shared>>) target(%dma_start3A_142 : memref<128x32xf32, #tpu.memory_space<vmem>>) offsets(%dma_start3A_145 : memref<128xi32, #tpu.memory_space<vmem>>) semaphore(%dma_start3A_150 : memref<!tpu.dma_semaphore, #tpu.memory_space<semaphore_mem>>)
      %mul3A_151 = arith.constant 13 : i32
      %mul3A_152 = arith.muli %scan3A_18, %mul3A_151 : i32
      %add3A_153 = arith.addi %sub3A, %mul3A_152 : i32
      %add3A_154 = arith.constant 7 : i32
      %add3A_155 = arith.addi %add3A_153, %add3A_154 : i32
      %dma_start3A_156 = arith.constant 7 : i32
      %dma_start3A_157 = arith.constant 7 : i32
      %dma_start3A_158 = arith.constant 0 : i32
      %dma_start3A_159 = arith.constant 0 : i32
      %dma_start3A_160 = tpu.memref_slice %arg8[%dma_start3A_156, %dma_start3A_158, %dma_start3A_159] : memref<13x128x32xf32, #tpu.memory_space<vmem>> -> memref<1x128x32xf32, #tpu.memory_space<vmem>>
      %dma_start3A_161 = tpu.memref_squeeze %dma_start3A_160 : memref<1x128x32xf32, #tpu.memory_space<vmem>> -> memref<128x32xf32, #tpu.memory_space<vmem>>
      %dma_start3A_162 = arith.constant 0 : i32
      %dma_start3A_163 = tpu.memref_slice %arg6[%add3A_155, %dma_start3A_162] : memref<79x128xi32, #tpu.memory_space<vmem>> -> memref<1x128xi32, #tpu.memory_space<vmem>>
      %dma_start3A_164 = tpu.memref_squeeze %dma_start3A_163 : memref<1x128xi32, #tpu.memory_space<vmem>> -> memref<128xi32, #tpu.memory_space<vmem>>
      %dma_start3A_165 = arith.constant 0 : i32
      %dma_start3A_166 = arith.constant 0 : i32
      %dma_start3A_167 = tpu.memref_slice %arg10[%dma_start3A_165, %dma_start3A_166] : memref<10112x32xf32, #tpu.memory_space<vmem_shared>> -> memref<10112x32xf32, #tpu.memory_space<vmem_shared>>
      %dma_start3A_168 = tpu.memref_slice %arg11[%dma_start3A_157] : memref<13x!tpu.dma_semaphore, #tpu.memory_space<semaphore_mem>> -> memref<1x!tpu.dma_semaphore, #tpu.memory_space<semaphore_mem>>
      %dma_start3A_169 = tpu.memref_squeeze %dma_start3A_168 : memref<1x!tpu.dma_semaphore, #tpu.memory_space<semaphore_mem>> -> memref<!tpu.dma_semaphore, #tpu.memory_space<semaphore_mem>>
      tpu.enqueue_indirect_dma source(%dma_start3A_167 : memref<10112x32xf32, #tpu.memory_space<vmem_shared>>) target(%dma_start3A_161 : memref<128x32xf32, #tpu.memory_space<vmem>>) offsets(%dma_start3A_164 : memref<128xi32, #tpu.memory_space<vmem>>) semaphore(%dma_start3A_169 : memref<!tpu.dma_semaphore, #tpu.memory_space<semaphore_mem>>)
      %mul3A_170 = arith.constant 13 : i32
      %mul3A_171 = arith.muli %scan3A_18, %mul3A_170 : i32
      %add3A_172 = arith.addi %sub3A, %mul3A_171 : i32
      %add3A_173 = arith.constant 8 : i32
      %add3A_174 = arith.addi %add3A_172, %add3A_173 : i32
      %dma_start3A_175 = arith.constant 8 : i32
      %dma_start3A_176 = arith.constant 8 : i32
      %dma_start3A_177 = arith.constant 0 : i32
      %dma_start3A_178 = arith.constant 0 : i32
      %dma_start3A_179 = tpu.memref_slice %arg8[%dma_start3A_175, %dma_start3A_177, %dma_start3A_178] : memref<13x128x32xf32, #tpu.memory_space<vmem>> -> memref<1x128x32xf32, #tpu.memory_space<vmem>>
      %dma_start3A_180 = tpu.memref_squeeze %dma_start3A_179 : memref<1x128x32xf32, #tpu.memory_space<vmem>> -> memref<128x32xf32, #tpu.memory_space<vmem>>
      %dma_start3A_181 = arith.constant 0 : i32
      %dma_start3A_182 = tpu.memref_slice %arg6[%add3A_174, %dma_start3A_181] : memref<79x128xi32, #tpu.memory_space<vmem>> -> memref<1x128xi32, #tpu.memory_space<vmem>>
      %dma_start3A_183 = tpu.memref_squeeze %dma_start3A_182 : memref<1x128xi32, #tpu.memory_space<vmem>> -> memref<128xi32, #tpu.memory_space<vmem>>
      %dma_start3A_184 = arith.constant 0 : i32
      %dma_start3A_185 = arith.constant 0 : i32
      %dma_start3A_186 = tpu.memref_slice %arg10[%dma_start3A_184, %dma_start3A_185] : memref<10112x32xf32, #tpu.memory_space<vmem_shared>> -> memref<10112x32xf32, #tpu.memory_space<vmem_shared>>
      %dma_start3A_187 = tpu.memref_slice %arg11[%dma_start3A_176] : memref<13x!tpu.dma_semaphore, #tpu.memory_space<semaphore_mem>> -> memref<1x!tpu.dma_semaphore, #tpu.memory_space<semaphore_mem>>
      %dma_start3A_188 = tpu.memref_squeeze %dma_start3A_187 : memref<1x!tpu.dma_semaphore, #tpu.memory_space<semaphore_mem>> -> memref<!tpu.dma_semaphore, #tpu.memory_space<semaphore_mem>>
      tpu.enqueue_indirect_dma source(%dma_start3A_186 : memref<10112x32xf32, #tpu.memory_space<vmem_shared>>) target(%dma_start3A_180 : memref<128x32xf32, #tpu.memory_space<vmem>>) offsets(%dma_start3A_183 : memref<128xi32, #tpu.memory_space<vmem>>) semaphore(%dma_start3A_188 : memref<!tpu.dma_semaphore, #tpu.memory_space<semaphore_mem>>)
      %mul3A_189 = arith.constant 13 : i32
      %mul3A_190 = arith.muli %scan3A_18, %mul3A_189 : i32
      %add3A_191 = arith.addi %sub3A, %mul3A_190 : i32
      %add3A_192 = arith.constant 9 : i32
      %add3A_193 = arith.addi %add3A_191, %add3A_192 : i32
      %dma_start3A_194 = arith.constant 9 : i32
      %dma_start3A_195 = arith.constant 9 : i32
      %dma_start3A_196 = arith.constant 0 : i32
      %dma_start3A_197 = arith.constant 0 : i32
      %dma_start3A_198 = tpu.memref_slice %arg8[%dma_start3A_194, %dma_start3A_196, %dma_start3A_197] : memref<13x128x32xf32, #tpu.memory_space<vmem>> -> memref<1x128x32xf32, #tpu.memory_space<vmem>>
      %dma_start3A_199 = tpu.memref_squeeze %dma_start3A_198 : memref<1x128x32xf32, #tpu.memory_space<vmem>> -> memref<128x32xf32, #tpu.memory_space<vmem>>
      %dma_start3A_200 = arith.constant 0 : i32
      %dma_start3A_201 = tpu.memref_slice %arg6[%add3A_193, %dma_start3A_200] : memref<79x128xi32, #tpu.memory_space<vmem>> -> memref<1x128xi32, #tpu.memory_space<vmem>>
      %dma_start3A_202 = tpu.memref_squeeze %dma_start3A_201 : memref<1x128xi32, #tpu.memory_space<vmem>> -> memref<128xi32, #tpu.memory_space<vmem>>
      %dma_start3A_203 = arith.constant 0 : i32
      %dma_start3A_204 = arith.constant 0 : i32
      %dma_start3A_205 = tpu.memref_slice %arg10[%dma_start3A_203, %dma_start3A_204] : memref<10112x32xf32, #tpu.memory_space<vmem_shared>> -> memref<10112x32xf32, #tpu.memory_space<vmem_shared>>
      %dma_start3A_206 = tpu.memref_slice %arg11[%dma_start3A_195] : memref<13x!tpu.dma_semaphore, #tpu.memory_space<semaphore_mem>> -> memref<1x!tpu.dma_semaphore, #tpu.memory_space<semaphore_mem>>
      %dma_start3A_207 = tpu.memref_squeeze %dma_start3A_206 : memref<1x!tpu.dma_semaphore, #tpu.memory_space<semaphore_mem>> -> memref<!tpu.dma_semaphore, #tpu.memory_space<semaphore_mem>>
      tpu.enqueue_indirect_dma source(%dma_start3A_205 : memref<10112x32xf32, #tpu.memory_space<vmem_shared>>) target(%dma_start3A_199 : memref<128x32xf32, #tpu.memory_space<vmem>>) offsets(%dma_start3A_202 : memref<128xi32, #tpu.memory_space<vmem>>) semaphore(%dma_start3A_207 : memref<!tpu.dma_semaphore, #tpu.memory_space<semaphore_mem>>)
      %mul3A_208 = arith.constant 13 : i32
      %mul3A_209 = arith.muli %scan3A_18, %mul3A_208 : i32
      %add3A_210 = arith.addi %sub3A, %mul3A_209 : i32
      %add3A_211 = arith.constant 10 : i32
      %add3A_212 = arith.addi %add3A_210, %add3A_211 : i32
      %dma_start3A_213 = arith.constant 10 : i32
      %dma_start3A_214 = arith.constant 10 : i32
      %dma_start3A_215 = arith.constant 0 : i32
      %dma_start3A_216 = arith.constant 0 : i32
      %dma_start3A_217 = tpu.memref_slice %arg8[%dma_start3A_213, %dma_start3A_215, %dma_start3A_216] : memref<13x128x32xf32, #tpu.memory_space<vmem>> -> memref<1x128x32xf32, #tpu.memory_space<vmem>>
      %dma_start3A_218 = tpu.memref_squeeze %dma_start3A_217 : memref<1x128x32xf32, #tpu.memory_space<vmem>> -> memref<128x32xf32, #tpu.memory_space<vmem>>
      %dma_start3A_219 = arith.constant 0 : i32
      %dma_start3A_220 = tpu.memref_slice %arg6[%add3A_212, %dma_start3A_219] : memref<79x128xi32, #tpu.memory_space<vmem>> -> memref<1x128xi32, #tpu.memory_space<vmem>>
      %dma_start3A_221 = tpu.memref_squeeze %dma_start3A_220 : memref<1x128xi32, #tpu.memory_space<vmem>> -> memref<128xi32, #tpu.memory_space<vmem>>
      %dma_start3A_222 = arith.constant 0 : i32
      %dma_start3A_223 = arith.constant 0 : i32
      %dma_start3A_224 = tpu.memref_slice %arg10[%dma_start3A_222, %dma_start3A_223] : memref<10112x32xf32, #tpu.memory_space<vmem_shared>> -> memref<10112x32xf32, #tpu.memory_space<vmem_shared>>
      %dma_start3A_225 = tpu.memref_slice %arg11[%dma_start3A_214] : memref<13x!tpu.dma_semaphore, #tpu.memory_space<semaphore_mem>> -> memref<1x!tpu.dma_semaphore, #tpu.memory_space<semaphore_mem>>
      %dma_start3A_226 = tpu.memref_squeeze %dma_start3A_225 : memref<1x!tpu.dma_semaphore, #tpu.memory_space<semaphore_mem>> -> memref<!tpu.dma_semaphore, #tpu.memory_space<semaphore_mem>>
      tpu.enqueue_indirect_dma source(%dma_start3A_224 : memref<10112x32xf32, #tpu.memory_space<vmem_shared>>) target(%dma_start3A_218 : memref<128x32xf32, #tpu.memory_space<vmem>>) offsets(%dma_start3A_221 : memref<128xi32, #tpu.memory_space<vmem>>) semaphore(%dma_start3A_226 : memref<!tpu.dma_semaphore, #tpu.memory_space<semaphore_mem>>)
      %mul3A_227 = arith.constant 13 : i32
      %mul3A_228 = arith.muli %scan3A_18, %mul3A_227 : i32
      %add3A_229 = arith.addi %sub3A, %mul3A_228 : i32
      %add3A_230 = arith.constant 11 : i32
      %add3A_231 = arith.addi %add3A_229, %add3A_230 : i32
      %dma_start3A_232 = arith.constant 11 : i32
      %dma_start3A_233 = arith.constant 11 : i32
      %dma_start3A_234 = arith.constant 0 : i32
      %dma_start3A_235 = arith.constant 0 : i32
      %dma_start3A_236 = tpu.memref_slice %arg8[%dma_start3A_232, %dma_start3A_234, %dma_start3A_235] : memref<13x128x32xf32, #tpu.memory_space<vmem>> -> memref<1x128x32xf32, #tpu.memory_space<vmem>>
      %dma_start3A_237 = tpu.memref_squeeze %dma_start3A_236 : memref<1x128x32xf32, #tpu.memory_space<vmem>> -> memref<128x32xf32, #tpu.memory_space<vmem>>
      %dma_start3A_238 = arith.constant 0 : i32
      %dma_start3A_239 = tpu.memref_slice %arg6[%add3A_231, %dma_start3A_238] : memref<79x128xi32, #tpu.memory_space<vmem>> -> memref<1x128xi32, #tpu.memory_space<vmem>>
      %dma_start3A_240 = tpu.memref_squeeze %dma_start3A_239 : memref<1x128xi32, #tpu.memory_space<vmem>> -> memref<128xi32, #tpu.memory_space<vmem>>
      %dma_start3A_241 = arith.constant 0 : i32
      %dma_start3A_242 = arith.constant 0 : i32
      %dma_start3A_243 = tpu.memref_slice %arg10[%dma_start3A_241, %dma_start3A_242] : memref<10112x32xf32, #tpu.memory_space<vmem_shared>> -> memref<10112x32xf32, #tpu.memory_space<vmem_shared>>
      %dma_start3A_244 = tpu.memref_slice %arg11[%dma_start3A_233] : memref<13x!tpu.dma_semaphore, #tpu.memory_space<semaphore_mem>> -> memref<1x!tpu.dma_semaphore, #tpu.memory_space<semaphore_mem>>
      %dma_start3A_245 = tpu.memref_squeeze %dma_start3A_244 : memref<1x!tpu.dma_semaphore, #tpu.memory_space<semaphore_mem>> -> memref<!tpu.dma_semaphore, #tpu.memory_space<semaphore_mem>>
      tpu.enqueue_indirect_dma source(%dma_start3A_243 : memref<10112x32xf32, #tpu.memory_space<vmem_shared>>) target(%dma_start3A_237 : memref<128x32xf32, #tpu.memory_space<vmem>>) offsets(%dma_start3A_240 : memref<128xi32, #tpu.memory_space<vmem>>) semaphore(%dma_start3A_245 : memref<!tpu.dma_semaphore, #tpu.memory_space<semaphore_mem>>)
      %mul3A_246 = arith.constant 13 : i32
      %mul3A_247 = arith.muli %scan3A_18, %mul3A_246 : i32
      %add3A_248 = arith.addi %sub3A, %mul3A_247 : i32
      %add3A_249 = arith.constant 12 : i32
      %add3A_250 = arith.addi %add3A_248, %add3A_249 : i32
      %dma_start3A_251 = arith.constant 12 : i32
      %dma_start3A_252 = arith.constant 12 : i32
      %dma_start3A_253 = arith.constant 0 : i32
      %dma_start3A_254 = arith.constant 0 : i32
      %dma_start3A_255 = tpu.memref_slice %arg8[%dma_start3A_251, %dma_start3A_253, %dma_start3A_254] : memref<13x128x32xf32, #tpu.memory_space<vmem>> -> memref<1x128x32xf32, #tpu.memory_space<vmem>>
      %dma_start3A_256 = tpu.memref_squeeze %dma_start3A_255 : memref<1x128x32xf32, #tpu.memory_space<vmem>> -> memref<128x32xf32, #tpu.memory_space<vmem>>
      %dma_start3A_257 = arith.constant 0 : i32
      %dma_start3A_258 = tpu.memref_slice %arg6[%add3A_250, %dma_start3A_257] : memref<79x128xi32, #tpu.memory_space<vmem>> -> memref<1x128xi32, #tpu.memory_space<vmem>>
      %dma_start3A_259 = tpu.memref_squeeze %dma_start3A_258 : memref<1x128xi32, #tpu.memory_space<vmem>> -> memref<128xi32, #tpu.memory_space<vmem>>
      %dma_start3A_260 = arith.constant 0 : i32
      %dma_start3A_261 = arith.constant 0 : i32
      %dma_start3A_262 = tpu.memref_slice %arg10[%dma_start3A_260, %dma_start3A_261] : memref<10112x32xf32, #tpu.memory_space<vmem_shared>> -> memref<10112x32xf32, #tpu.memory_space<vmem_shared>>
      %dma_start3A_263 = tpu.memref_slice %arg11[%dma_start3A_252] : memref<13x!tpu.dma_semaphore, #tpu.memory_space<semaphore_mem>> -> memref<1x!tpu.dma_semaphore, #tpu.memory_space<semaphore_mem>>
      %dma_start3A_264 = tpu.memref_squeeze %dma_start3A_263 : memref<1x!tpu.dma_semaphore, #tpu.memory_space<semaphore_mem>> -> memref<!tpu.dma_semaphore, #tpu.memory_space<semaphore_mem>>
      tpu.enqueue_indirect_dma source(%dma_start3A_262 : memref<10112x32xf32, #tpu.memory_space<vmem_shared>>) target(%dma_start3A_256 : memref<128x32xf32, #tpu.memory_space<vmem>>) offsets(%dma_start3A_259 : memref<128xi32, #tpu.memory_space<vmem>>) semaphore(%dma_start3A_264 : memref<!tpu.dma_semaphore, #tpu.memory_space<semaphore_mem>>)
      %mul3A_265 = arith.constant 13 : i32
      %mul3A_266 = arith.muli %scan3A_18, %mul3A_265 : i32
      %add3A_267 = arith.addi %sub3A, %mul3A_266 : i32
      %add3A_268 = arith.constant 0 : i32
      %add3A_269 = arith.addi %add3A_267, %add3A_268 : i32
      %dma_wait3A = arith.constant 0 : i32
      %dma_wait3A_270 = arith.constant 0 : i32
      %dma_wait3A_271 = arith.constant 0 : i32
      %dma_wait3A_272 = arith.constant 0 : i32
      %dma_wait3A_273 = tpu.memref_slice %arg8[%dma_wait3A, %dma_wait3A_271, %dma_wait3A_272] : memref<13x128x32xf32, #tpu.memory_space<vmem>> -> memref<1x128x32xf32, #tpu.memory_space<vmem>>
      %dma_wait3A_274 = tpu.memref_squeeze %dma_wait3A_273 : memref<1x128x32xf32, #tpu.memory_space<vmem>> -> memref<128x32xf32, #tpu.memory_space<vmem>>
      %dma_wait3A_275 = arith.constant 0 : i32
      %dma_wait3A_276 = tpu.memref_slice %arg6[%add3A_23, %dma_wait3A_275] : memref<79x128xi32, #tpu.memory_space<vmem>> -> memref<1x128xi32, #tpu.memory_space<vmem>>
      %dma_wait3A_277 = tpu.memref_squeeze %dma_wait3A_276 : memref<1x128xi32, #tpu.memory_space<vmem>> -> memref<128xi32, #tpu.memory_space<vmem>>
      %dma_wait3A_278 = arith.constant 0 : i32
      %dma_wait3A_279 = arith.constant 0 : i32
      %dma_wait3A_280 = tpu.memref_slice %arg10[%dma_wait3A_278, %dma_wait3A_279] : memref<10112x32xf32, #tpu.memory_space<vmem_shared>> -> memref<10112x32xf32, #tpu.memory_space<vmem_shared>>
      %dma_wait3A_281 = tpu.memref_slice %arg11[%dma_wait3A_270] : memref<13x!tpu.dma_semaphore, #tpu.memory_space<semaphore_mem>> -> memref<1x!tpu.dma_semaphore, #tpu.memory_space<semaphore_mem>>
      %dma_wait3A_282 = tpu.memref_squeeze %dma_wait3A_281 : memref<1x!tpu.dma_semaphore, #tpu.memory_space<semaphore_mem>> -> memref<!tpu.dma_semaphore, #tpu.memory_space<semaphore_mem>>
      tpu.wait_indirect_dma semaphore(%dma_wait3A_282 : memref<!tpu.dma_semaphore, #tpu.memory_space<semaphore_mem>>) src(%dma_wait3A_280 : memref<10112x32xf32, #tpu.memory_space<vmem_shared>>) dst(%dma_wait3A_274 : memref<128x32xf32, #tpu.memory_space<vmem>>)
      %dma_start3A_283 = arith.constant 0 : i32
      %dma_start3A_284 = arith.constant 0 : i32
      %dma_start3A_285 = arith.constant 0 : i32
      %dma_start3A_286 = tpu.memref_slice %arg8[%dma_start3A_283, %dma_start3A_284, %dma_start3A_285] : memref<13x128x32xf32, #tpu.memory_space<vmem>> -> memref<1x128x32xf32, #tpu.memory_space<vmem>>
      %dma_start3A_287 = tpu.memref_squeeze %dma_start3A_286 : memref<1x128x32xf32, #tpu.memory_space<vmem>> -> memref<128x32xf32, #tpu.memory_space<vmem>>
      %dma_start3A_288 = arith.constant 0 : i32
      %dma_start3A_289 = tpu.memref_slice %arg7[%add3A_269, %dma_start3A_288] : memref<79x128xi32, #tpu.memory_space<vmem>> -> memref<1x128xi32, #tpu.memory_space<vmem>>
      %dma_start3A_290 = tpu.memref_squeeze %dma_start3A_289 : memref<1x128xi32, #tpu.memory_space<vmem>> -> memref<128xi32, #tpu.memory_space<vmem>>
      %dma_start3A_291 = arith.constant 0 : i32
      %dma_start3A_292 = arith.constant 0 : i32
      %dma_start3A_293 = tpu.memref_slice %arg9[%dma_start3A_291, %dma_start3A_292] : memref<10112x32xf32, #tpu.memory_space<vmem_shared>> -> memref<10112x32xf32, #tpu.memory_space<vmem_shared>>
      tpu.enqueue_indirect_dma source(%dma_start3A_287 : memref<128x32xf32, #tpu.memory_space<vmem>>) target(%dma_start3A_293 : memref<10112x32xf32, #tpu.memory_space<vmem_shared>>) offsets(%dma_start3A_290 : memref<128xi32, #tpu.memory_space<vmem>>) semaphore(%arg12 : memref<!tpu.dma_semaphore, #tpu.memory_space<semaphore_mem>>) {add = true}
      %mul3A_294 = arith.constant 13 : i32
      %mul3A_295 = arith.muli %scan3A_18, %mul3A_294 : i32
      %add3A_296 = arith.addi %sub3A, %mul3A_295 : i32
      %add3A_297 = arith.constant 1 : i32
      %add3A_298 = arith.addi %add3A_296, %add3A_297 : i32
      %dma_wait3A_299 = arith.constant 1 : i32
      %dma_wait3A_300 = arith.constant 1 : i32
      %dma_wait3A_301 = arith.constant 0 : i32
      %dma_wait3A_302 = arith.constant 0 : i32
      %dma_wait3A_303 = tpu.memref_slice %arg8[%dma_wait3A_299, %dma_wait3A_301, %dma_wait3A_302] : memref<13x128x32xf32, #tpu.memory_space<vmem>> -> memref<1x128x32xf32, #tpu.memory_space<vmem>>
      %dma_wait3A_304 = tpu.memref_squeeze %dma_wait3A_303 : memref<1x128x32xf32, #tpu.memory_space<vmem>> -> memref<128x32xf32, #tpu.memory_space<vmem>>
      %dma_wait3A_305 = arith.constant 0 : i32
      %dma_wait3A_306 = tpu.memref_slice %arg6[%add3A_41, %dma_wait3A_305] : memref<79x128xi32, #tpu.memory_space<vmem>> -> memref<1x128xi32, #tpu.memory_space<vmem>>
      %dma_wait3A_307 = tpu.memref_squeeze %dma_wait3A_306 : memref<1x128xi32, #tpu.memory_space<vmem>> -> memref<128xi32, #tpu.memory_space<vmem>>
      %dma_wait3A_308 = arith.constant 0 : i32
      %dma_wait3A_309 = arith.constant 0 : i32
      %dma_wait3A_310 = tpu.memref_slice %arg10[%dma_wait3A_308, %dma_wait3A_309] : memref<10112x32xf32, #tpu.memory_space<vmem_shared>> -> memref<10112x32xf32, #tpu.memory_space<vmem_shared>>
      %dma_wait3A_311 = tpu.memref_slice %arg11[%dma_wait3A_300] : memref<13x!tpu.dma_semaphore, #tpu.memory_space<semaphore_mem>> -> memref<1x!tpu.dma_semaphore, #tpu.memory_space<semaphore_mem>>
      %dma_wait3A_312 = tpu.memref_squeeze %dma_wait3A_311 : memref<1x!tpu.dma_semaphore, #tpu.memory_space<semaphore_mem>> -> memref<!tpu.dma_semaphore, #tpu.memory_space<semaphore_mem>>
      tpu.wait_indirect_dma semaphore(%dma_wait3A_312 : memref<!tpu.dma_semaphore, #tpu.memory_space<semaphore_mem>>) src(%dma_wait3A_310 : memref<10112x32xf32, #tpu.memory_space<vmem_shared>>) dst(%dma_wait3A_304 : memref<128x32xf32, #tpu.memory_space<vmem>>)
      %dma_start3A_313 = arith.constant 1 : i32
      %dma_start3A_314 = arith.constant 0 : i32
      %dma_start3A_315 = arith.constant 0 : i32
      %dma_start3A_316 = tpu.memref_slice %arg8[%dma_start3A_313, %dma_start3A_314, %dma_start3A_315] : memref<13x128x32xf32, #tpu.memory_space<vmem>> -> memref<1x128x32xf32, #tpu.memory_space<vmem>>
      %dma_start3A_317 = tpu.memref_squeeze %dma_start3A_316 : memref<1x128x32xf32, #tpu.memory_space<vmem>> -> memref<128x32xf32, #tpu.memory_space<vmem>>
      %dma_start3A_318 = arith.constant 0 : i32
      %dma_start3A_319 = tpu.memref_slice %arg7[%add3A_298, %dma_start3A_318] : memref<79x128xi32, #tpu.memory_space<vmem>> -> memref<1x128xi32, #tpu.memory_space<vmem>>
      %dma_start3A_320 = tpu.memref_squeeze %dma_start3A_319 : memref<1x128xi32, #tpu.memory_space<vmem>> -> memref<128xi32, #tpu.memory_space<vmem>>
      %dma_start3A_321 = arith.constant 0 : i32
      %dma_start3A_322 = arith.constant 0 : i32
      %dma_start3A_323 = tpu.memref_slice %arg9[%dma_start3A_321, %dma_start3A_322] : memref<10112x32xf32, #tpu.memory_space<vmem_shared>> -> memref<10112x32xf32, #tpu.memory_space<vmem_shared>>
      tpu.enqueue_indirect_dma source(%dma_start3A_317 : memref<128x32xf32, #tpu.memory_space<vmem>>) target(%dma_start3A_323 : memref<10112x32xf32, #tpu.memory_space<vmem_shared>>) offsets(%dma_start3A_320 : memref<128xi32, #tpu.memory_space<vmem>>) semaphore(%arg12 : memref<!tpu.dma_semaphore, #tpu.memory_space<semaphore_mem>>) {add = true}
      %mul3A_324 = arith.constant 13 : i32
      %mul3A_325 = arith.muli %scan3A_18, %mul3A_324 : i32
      %add3A_326 = arith.addi %sub3A, %mul3A_325 : i32
      %add3A_327 = arith.constant 2 : i32
      %add3A_328 = arith.addi %add3A_326, %add3A_327 : i32
      %dma_wait3A_329 = arith.constant 2 : i32
      %dma_wait3A_330 = arith.constant 2 : i32
      %dma_wait3A_331 = arith.constant 0 : i32
      %dma_wait3A_332 = arith.constant 0 : i32
      %dma_wait3A_333 = tpu.memref_slice %arg8[%dma_wait3A_329, %dma_wait3A_331, %dma_wait3A_332] : memref<13x128x32xf32, #tpu.memory_space<vmem>> -> memref<1x128x32xf32, #tpu.memory_space<vmem>>
      %dma_wait3A_334 = tpu.memref_squeeze %dma_wait3A_333 : memref<1x128x32xf32, #tpu.memory_space<vmem>> -> memref<128x32xf32, #tpu.memory_space<vmem>>
      %dma_wait3A_335 = arith.constant 0 : i32
      %dma_wait3A_336 = tpu.memref_slice %arg6[%add3A_60, %dma_wait3A_335] : memref<79x128xi32, #tpu.memory_space<vmem>> -> memref<1x128xi32, #tpu.memory_space<vmem>>
      %dma_wait3A_337 = tpu.memref_squeeze %dma_wait3A_336 : memref<1x128xi32, #tpu.memory_space<vmem>> -> memref<128xi32, #tpu.memory_space<vmem>>
      %dma_wait3A_338 = arith.constant 0 : i32
      %dma_wait3A_339 = arith.constant 0 : i32
      %dma_wait3A_340 = tpu.memref_slice %arg10[%dma_wait3A_338, %dma_wait3A_339] : memref<10112x32xf32, #tpu.memory_space<vmem_shared>> -> memref<10112x32xf32, #tpu.memory_space<vmem_shared>>
      %dma_wait3A_341 = tpu.memref_slice %arg11[%dma_wait3A_330] : memref<13x!tpu.dma_semaphore, #tpu.memory_space<semaphore_mem>> -> memref<1x!tpu.dma_semaphore, #tpu.memory_space<semaphore_mem>>
      %dma_wait3A_342 = tpu.memref_squeeze %dma_wait3A_341 : memref<1x!tpu.dma_semaphore, #tpu.memory_space<semaphore_mem>> -> memref<!tpu.dma_semaphore, #tpu.memory_space<semaphore_mem>>
      tpu.wait_indirect_dma semaphore(%dma_wait3A_342 : memref<!tpu.dma_semaphore, #tpu.memory_space<semaphore_mem>>) src(%dma_wait3A_340 : memref<10112x32xf32, #tpu.memory_space<vmem_shared>>) dst(%dma_wait3A_334 : memref<128x32xf32, #tpu.memory_space<vmem>>)
      %dma_start3A_343 = arith.constant 2 : i32
      %dma_start3A_344 = arith.constant 0 : i32
      %dma_start3A_345 = arith.constant 0 : i32
      %dma_start3A_346 = tpu.memref_slice %arg8[%dma_start3A_343, %dma_start3A_344, %dma_start3A_345] : memref<13x128x32xf32, #tpu.memory_space<vmem>> -> memref<1x128x32xf32, #tpu.memory_space<vmem>>
      %dma_start3A_347 = tpu.memref_squeeze %dma_start3A_346 : memref<1x128x32xf32, #tpu.memory_space<vmem>> -> memref<128x32xf32, #tpu.memory_space<vmem>>
      %dma_start3A_348 = arith.constant 0 : i32
      %dma_start3A_349 = tpu.memref_slice %arg7[%add3A_328, %dma_start3A_348] : memref<79x128xi32, #tpu.memory_space<vmem>> -> memref<1x128xi32, #tpu.memory_space<vmem>>
      %dma_start3A_350 = tpu.memref_squeeze %dma_start3A_349 : memref<1x128xi32, #tpu.memory_space<vmem>> -> memref<128xi32, #tpu.memory_space<vmem>>
      %dma_start3A_351 = arith.constant 0 : i32
      %dma_start3A_352 = arith.constant 0 : i32
      %dma_start3A_353 = tpu.memref_slice %arg9[%dma_start3A_351, %dma_start3A_352] : memref<10112x32xf32, #tpu.memory_space<vmem_shared>> -> memref<10112x32xf32, #tpu.memory_space<vmem_shared>>
      tpu.enqueue_indirect_dma source(%dma_start3A_347 : memref<128x32xf32, #tpu.memory_space<vmem>>) target(%dma_start3A_353 : memref<10112x32xf32, #tpu.memory_space<vmem_shared>>) offsets(%dma_start3A_350 : memref<128xi32, #tpu.memory_space<vmem>>) semaphore(%arg12 : memref<!tpu.dma_semaphore, #tpu.memory_space<semaphore_mem>>) {add = true}
      %mul3A_354 = arith.constant 13 : i32
      %mul3A_355 = arith.muli %scan3A_18, %mul3A_354 : i32
      %add3A_356 = arith.addi %sub3A, %mul3A_355 : i32
      %add3A_357 = arith.constant 3 : i32
      %add3A_358 = arith.addi %add3A_356, %add3A_357 : i32
      %dma_wait3A_359 = arith.constant 3 : i32
      %dma_wait3A_360 = arith.constant 3 : i32
      %dma_wait3A_361 = arith.constant 0 : i32
      %dma_wait3A_362 = arith.constant 0 : i32
      %dma_wait3A_363 = tpu.memref_slice %arg8[%dma_wait3A_359, %dma_wait3A_361, %dma_wait3A_362] : memref<13x128x32xf32, #tpu.memory_space<vmem>> -> memref<1x128x32xf32, #tpu.memory_space<vmem>>
      %dma_wait3A_364 = tpu.memref_squeeze %dma_wait3A_363 : memref<1x128x32xf32, #tpu.memory_space<vmem>> -> memref<128x32xf32, #tpu.memory_space<vmem>>
      %dma_wait3A_365 = arith.constant 0 : i32
      %dma_wait3A_366 = tpu.memref_slice %arg6[%add3A_79, %dma_wait3A_365] : memref<79x128xi32, #tpu.memory_space<vmem>> -> memref<1x128xi32, #tpu.memory_space<vmem>>
      %dma_wait3A_367 = tpu.memref_squeeze %dma_wait3A_366 : memref<1x128xi32, #tpu.memory_space<vmem>> -> memref<128xi32, #tpu.memory_space<vmem>>
      %dma_wait3A_368 = arith.constant 0 : i32
      %dma_wait3A_369 = arith.constant 0 : i32
      %dma_wait3A_370 = tpu.memref_slice %arg10[%dma_wait3A_368, %dma_wait3A_369] : memref<10112x32xf32, #tpu.memory_space<vmem_shared>> -> memref<10112x32xf32, #tpu.memory_space<vmem_shared>>
      %dma_wait3A_371 = tpu.memref_slice %arg11[%dma_wait3A_360] : memref<13x!tpu.dma_semaphore, #tpu.memory_space<semaphore_mem>> -> memref<1x!tpu.dma_semaphore, #tpu.memory_space<semaphore_mem>>
      %dma_wait3A_372 = tpu.memref_squeeze %dma_wait3A_371 : memref<1x!tpu.dma_semaphore, #tpu.memory_space<semaphore_mem>> -> memref<!tpu.dma_semaphore, #tpu.memory_space<semaphore_mem>>
      tpu.wait_indirect_dma semaphore(%dma_wait3A_372 : memref<!tpu.dma_semaphore, #tpu.memory_space<semaphore_mem>>) src(%dma_wait3A_370 : memref<10112x32xf32, #tpu.memory_space<vmem_shared>>) dst(%dma_wait3A_364 : memref<128x32xf32, #tpu.memory_space<vmem>>)
      %dma_start3A_373 = arith.constant 3 : i32
      %dma_start3A_374 = arith.constant 0 : i32
      %dma_start3A_375 = arith.constant 0 : i32
      %dma_start3A_376 = tpu.memref_slice %arg8[%dma_start3A_373, %dma_start3A_374, %dma_start3A_375] : memref<13x128x32xf32, #tpu.memory_space<vmem>> -> memref<1x128x32xf32, #tpu.memory_space<vmem>>
      %dma_start3A_377 = tpu.memref_squeeze %dma_start3A_376 : memref<1x128x32xf32, #tpu.memory_space<vmem>> -> memref<128x32xf32, #tpu.memory_space<vmem>>
      %dma_start3A_378 = arith.constant 0 : i32
      %dma_start3A_379 = tpu.memref_slice %arg7[%add3A_358, %dma_start3A_378] : memref<79x128xi32, #tpu.memory_space<vmem>> -> memref<1x128xi32, #tpu.memory_space<vmem>>
      %dma_start3A_380 = tpu.memref_squeeze %dma_start3A_379 : memref<1x128xi32, #tpu.memory_space<vmem>> -> memref<128xi32, #tpu.memory_space<vmem>>
      %dma_start3A_381 = arith.constant 0 : i32
      %dma_start3A_382 = arith.constant 0 : i32
      %dma_start3A_383 = tpu.memref_slice %arg9[%dma_start3A_381, %dma_start3A_382] : memref<10112x32xf32, #tpu.memory_space<vmem_shared>> -> memref<10112x32xf32, #tpu.memory_space<vmem_shared>>
      tpu.enqueue_indirect_dma source(%dma_start3A_377 : memref<128x32xf32, #tpu.memory_space<vmem>>) target(%dma_start3A_383 : memref<10112x32xf32, #tpu.memory_space<vmem_shared>>) offsets(%dma_start3A_380 : memref<128xi32, #tpu.memory_space<vmem>>) semaphore(%arg12 : memref<!tpu.dma_semaphore, #tpu.memory_space<semaphore_mem>>) {add = true}
      %mul3A_384 = arith.constant 13 : i32
      %mul3A_385 = arith.muli %scan3A_18, %mul3A_384 : i32
      %add3A_386 = arith.addi %sub3A, %mul3A_385 : i32
      %add3A_387 = arith.constant 4 : i32
      %add3A_388 = arith.addi %add3A_386, %add3A_387 : i32
      %dma_wait3A_389 = arith.constant 4 : i32
      %dma_wait3A_390 = arith.constant 4 : i32
      %dma_wait3A_391 = arith.constant 0 : i32
      %dma_wait3A_392 = arith.constant 0 : i32
      %dma_wait3A_393 = tpu.memref_slice %arg8[%dma_wait3A_389, %dma_wait3A_391, %dma_wait3A_392] : memref<13x128x32xf32, #tpu.memory_space<vmem>> -> memref<1x128x32xf32, #tpu.memory_space<vmem>>
      %dma_wait3A_394 = tpu.memref_squeeze %dma_wait3A_393 : memref<1x128x32xf32, #tpu.memory_space<vmem>> -> memref<128x32xf32, #tpu.memory_space<vmem>>
      %dma_wait3A_395 = arith.constant 0 : i32
      %dma_wait3A_396 = tpu.memref_slice %arg6[%add3A_98, %dma_wait3A_395] : memref<79x128xi32, #tpu.memory_space<vmem>> -> memref<1x128xi32, #tpu.memory_space<vmem>>
      %dma_wait3A_397 = tpu.memref_squeeze %dma_wait3A_396 : memref<1x128xi32, #tpu.memory_space<vmem>> -> memref<128xi32, #tpu.memory_space<vmem>>
      %dma_wait3A_398 = arith.constant 0 : i32
      %dma_wait3A_399 = arith.constant 0 : i32
      %dma_wait3A_400 = tpu.memref_slice %arg10[%dma_wait3A_398, %dma_wait3A_399] : memref<10112x32xf32, #tpu.memory_space<vmem_shared>> -> memref<10112x32xf32, #tpu.memory_space<vmem_shared>>
      %dma_wait3A_401 = tpu.memref_slice %arg11[%dma_wait3A_390] : memref<13x!tpu.dma_semaphore, #tpu.memory_space<semaphore_mem>> -> memref<1x!tpu.dma_semaphore, #tpu.memory_space<semaphore_mem>>
      %dma_wait3A_402 = tpu.memref_squeeze %dma_wait3A_401 : memref<1x!tpu.dma_semaphore, #tpu.memory_space<semaphore_mem>> -> memref<!tpu.dma_semaphore, #tpu.memory_space<semaphore_mem>>
      tpu.wait_indirect_dma semaphore(%dma_wait3A_402 : memref<!tpu.dma_semaphore, #tpu.memory_space<semaphore_mem>>) src(%dma_wait3A_400 : memref<10112x32xf32, #tpu.memory_space<vmem_shared>>) dst(%dma_wait3A_394 : memref<128x32xf32, #tpu.memory_space<vmem>>)
      %dma_start3A_403 = arith.constant 4 : i32
      %dma_start3A_404 = arith.constant 0 : i32
      %dma_start3A_405 = arith.constant 0 : i32
      %dma_start3A_406 = tpu.memref_slice %arg8[%dma_start3A_403, %dma_start3A_404, %dma_start3A_405] : memref<13x128x32xf32, #tpu.memory_space<vmem>> -> memref<1x128x32xf32, #tpu.memory_space<vmem>>
      %dma_start3A_407 = tpu.memref_squeeze %dma_start3A_406 : memref<1x128x32xf32, #tpu.memory_space<vmem>> -> memref<128x32xf32, #tpu.memory_space<vmem>>
      %dma_start3A_408 = arith.constant 0 : i32
      %dma_start3A_409 = tpu.memref_slice %arg7[%add3A_388, %dma_start3A_408] : memref<79x128xi32, #tpu.memory_space<vmem>> -> memref<1x128xi32, #tpu.memory_space<vmem>>
      %dma_start3A_410 = tpu.memref_squeeze %dma_start3A_409 : memref<1x128xi32, #tpu.memory_space<vmem>> -> memref<128xi32, #tpu.memory_space<vmem>>
      %dma_start3A_411 = arith.constant 0 : i32
      %dma_start3A_412 = arith.constant 0 : i32
      %dma_start3A_413 = tpu.memref_slice %arg9[%dma_start3A_411, %dma_start3A_412] : memref<10112x32xf32, #tpu.memory_space<vmem_shared>> -> memref<10112x32xf32, #tpu.memory_space<vmem_shared>>
      tpu.enqueue_indirect_dma source(%dma_start3A_407 : memref<128x32xf32, #tpu.memory_space<vmem>>) target(%dma_start3A_413 : memref<10112x32xf32, #tpu.memory_space<vmem_shared>>) offsets(%dma_start3A_410 : memref<128xi32, #tpu.memory_space<vmem>>) semaphore(%arg12 : memref<!tpu.dma_semaphore, #tpu.memory_space<semaphore_mem>>) {add = true}
      %mul3A_414 = arith.constant 13 : i32
      %mul3A_415 = arith.muli %scan3A_18, %mul3A_414 : i32
      %add3A_416 = arith.addi %sub3A, %mul3A_415 : i32
      %add3A_417 = arith.constant 5 : i32
      %add3A_418 = arith.addi %add3A_416, %add3A_417 : i32
      %dma_wait3A_419 = arith.constant 5 : i32
      %dma_wait3A_420 = arith.constant 5 : i32
      %dma_wait3A_421 = arith.constant 0 : i32
      %dma_wait3A_422 = arith.constant 0 : i32
      %dma_wait3A_423 = tpu.memref_slice %arg8[%dma_wait3A_419, %dma_wait3A_421, %dma_wait3A_422] : memref<13x128x32xf32, #tpu.memory_space<vmem>> -> memref<1x128x32xf32, #tpu.memory_space<vmem>>
      %dma_wait3A_424 = tpu.memref_squeeze %dma_wait3A_423 : memref<1x128x32xf32, #tpu.memory_space<vmem>> -> memref<128x32xf32, #tpu.memory_space<vmem>>
      %dma_wait3A_425 = arith.constant 0 : i32
      %dma_wait3A_426 = tpu.memref_slice %arg6[%add3A_117, %dma_wait3A_425] : memref<79x128xi32, #tpu.memory_space<vmem>> -> memref<1x128xi32, #tpu.memory_space<vmem>>
      %dma_wait3A_427 = tpu.memref_squeeze %dma_wait3A_426 : memref<1x128xi32, #tpu.memory_space<vmem>> -> memref<128xi32, #tpu.memory_space<vmem>>
      %dma_wait3A_428 = arith.constant 0 : i32
      %dma_wait3A_429 = arith.constant 0 : i32
      %dma_wait3A_430 = tpu.memref_slice %arg10[%dma_wait3A_428, %dma_wait3A_429] : memref<10112x32xf32, #tpu.memory_space<vmem_shared>> -> memref<10112x32xf32, #tpu.memory_space<vmem_shared>>
      %dma_wait3A_431 = tpu.memref_slice %arg11[%dma_wait3A_420] : memref<13x!tpu.dma_semaphore, #tpu.memory_space<semaphore_mem>> -> memref<1x!tpu.dma_semaphore, #tpu.memory_space<semaphore_mem>>
      %dma_wait3A_432 = tpu.memref_squeeze %dma_wait3A_431 : memref<1x!tpu.dma_semaphore, #tpu.memory_space<semaphore_mem>> -> memref<!tpu.dma_semaphore, #tpu.memory_space<semaphore_mem>>
      tpu.wait_indirect_dma semaphore(%dma_wait3A_432 : memref<!tpu.dma_semaphore, #tpu.memory_space<semaphore_mem>>) src(%dma_wait3A_430 : memref<10112x32xf32, #tpu.memory_space<vmem_shared>>) dst(%dma_wait3A_424 : memref<128x32xf32, #tpu.memory_space<vmem>>)
      %dma_start3A_433 = arith.constant 5 : i32
      %dma_start3A_434 = arith.constant 0 : i32
      %dma_start3A_435 = arith.constant 0 : i32
      %dma_start3A_436 = tpu.memref_slice %arg8[%dma_start3A_433, %dma_start3A_434, %dma_start3A_435] : memref<13x128x32xf32, #tpu.memory_space<vmem>> -> memref<1x128x32xf32, #tpu.memory_space<vmem>>
      %dma_start3A_437 = tpu.memref_squeeze %dma_start3A_436 : memref<1x128x32xf32, #tpu.memory_space<vmem>> -> memref<128x32xf32, #tpu.memory_space<vmem>>
      %dma_start3A_438 = arith.constant 0 : i32
      %dma_start3A_439 = tpu.memref_slice %arg7[%add3A_418, %dma_start3A_438] : memref<79x128xi32, #tpu.memory_space<vmem>> -> memref<1x128xi32, #tpu.memory_space<vmem>>
      %dma_start3A_440 = tpu.memref_squeeze %dma_start3A_439 : memref<1x128xi32, #tpu.memory_space<vmem>> -> memref<128xi32, #tpu.memory_space<vmem>>
      %dma_start3A_441 = arith.constant 0 : i32
      %dma_start3A_442 = arith.constant 0 : i32
      %dma_start3A_443 = tpu.memref_slice %arg9[%dma_start3A_441, %dma_start3A_442] : memref<10112x32xf32, #tpu.memory_space<vmem_shared>> -> memref<10112x32xf32, #tpu.memory_space<vmem_shared>>
      tpu.enqueue_indirect_dma source(%dma_start3A_437 : memref<128x32xf32, #tpu.memory_space<vmem>>) target(%dma_start3A_443 : memref<10112x32xf32, #tpu.memory_space<vmem_shared>>) offsets(%dma_start3A_440 : memref<128xi32, #tpu.memory_space<vmem>>) semaphore(%arg12 : memref<!tpu.dma_semaphore, #tpu.memory_space<semaphore_mem>>) {add = true}
      %mul3A_444 = arith.constant 13 : i32
      %mul3A_445 = arith.muli %scan3A_18, %mul3A_444 : i32
      %add3A_446 = arith.addi %sub3A, %mul3A_445 : i32
      %add3A_447 = arith.constant 6 : i32
      %add3A_448 = arith.addi %add3A_446, %add3A_447 : i32
      %dma_wait3A_449 = arith.constant 6 : i32
      %dma_wait3A_450 = arith.constant 6 : i32
      %dma_wait3A_451 = arith.constant 0 : i32
      %dma_wait3A_452 = arith.constant 0 : i32
      %dma_wait3A_453 = tpu.memref_slice %arg8[%dma_wait3A_449, %dma_wait3A_451, %dma_wait3A_452] : memref<13x128x32xf32, #tpu.memory_space<vmem>> -> memref<1x128x32xf32, #tpu.memory_space<vmem>>
      %dma_wait3A_454 = tpu.memref_squeeze %dma_wait3A_453 : memref<1x128x32xf32, #tpu.memory_space<vmem>> -> memref<128x32xf32, #tpu.memory_space<vmem>>
      %dma_wait3A_455 = arith.constant 0 : i32
      %dma_wait3A_456 = tpu.memref_slice %arg6[%add3A_136, %dma_wait3A_455] : memref<79x128xi32, #tpu.memory_space<vmem>> -> memref<1x128xi32, #tpu.memory_space<vmem>>
      %dma_wait3A_457 = tpu.memref_squeeze %dma_wait3A_456 : memref<1x128xi32, #tpu.memory_space<vmem>> -> memref<128xi32, #tpu.memory_space<vmem>>
      %dma_wait3A_458 = arith.constant 0 : i32
      %dma_wait3A_459 = arith.constant 0 : i32
      %dma_wait3A_460 = tpu.memref_slice %arg10[%dma_wait3A_458, %dma_wait3A_459] : memref<10112x32xf32, #tpu.memory_space<vmem_shared>> -> memref<10112x32xf32, #tpu.memory_space<vmem_shared>>
      %dma_wait3A_461 = tpu.memref_slice %arg11[%dma_wait3A_450] : memref<13x!tpu.dma_semaphore, #tpu.memory_space<semaphore_mem>> -> memref<1x!tpu.dma_semaphore, #tpu.memory_space<semaphore_mem>>
      %dma_wait3A_462 = tpu.memref_squeeze %dma_wait3A_461 : memref<1x!tpu.dma_semaphore, #tpu.memory_space<semaphore_mem>> -> memref<!tpu.dma_semaphore, #tpu.memory_space<semaphore_mem>>
      tpu.wait_indirect_dma semaphore(%dma_wait3A_462 : memref<!tpu.dma_semaphore, #tpu.memory_space<semaphore_mem>>) src(%dma_wait3A_460 : memref<10112x32xf32, #tpu.memory_space<vmem_shared>>) dst(%dma_wait3A_454 : memref<128x32xf32, #tpu.memory_space<vmem>>)
      %dma_start3A_463 = arith.constant 6 : i32
      %dma_start3A_464 = arith.constant 0 : i32
      %dma_start3A_465 = arith.constant 0 : i32
      %dma_start3A_466 = tpu.memref_slice %arg8[%dma_start3A_463, %dma_start3A_464, %dma_start3A_465] : memref<13x128x32xf32, #tpu.memory_space<vmem>> -> memref<1x128x32xf32, #tpu.memory_space<vmem>>
      %dma_start3A_467 = tpu.memref_squeeze %dma_start3A_466 : memref<1x128x32xf32, #tpu.memory_space<vmem>> -> memref<128x32xf32, #tpu.memory_space<vmem>>
      %dma_start3A_468 = arith.constant 0 : i32
      %dma_start3A_469 = tpu.memref_slice %arg7[%add3A_448, %dma_start3A_468] : memref<79x128xi32, #tpu.memory_space<vmem>> -> memref<1x128xi32, #tpu.memory_space<vmem>>
      %dma_start3A_470 = tpu.memref_squeeze %dma_start3A_469 : memref<1x128xi32, #tpu.memory_space<vmem>> -> memref<128xi32, #tpu.memory_space<vmem>>
      %dma_start3A_471 = arith.constant 0 : i32
      %dma_start3A_472 = arith.constant 0 : i32
      %dma_start3A_473 = tpu.memref_slice %arg9[%dma_start3A_471, %dma_start3A_472] : memref<10112x32xf32, #tpu.memory_space<vmem_shared>> -> memref<10112x32xf32, #tpu.memory_space<vmem_shared>>
      tpu.enqueue_indirect_dma source(%dma_start3A_467 : memref<128x32xf32, #tpu.memory_space<vmem>>) target(%dma_start3A_473 : memref<10112x32xf32, #tpu.memory_space<vmem_shared>>) offsets(%dma_start3A_470 : memref<128xi32, #tpu.memory_space<vmem>>) semaphore(%arg12 : memref<!tpu.dma_semaphore, #tpu.memory_space<semaphore_mem>>) {add = true}
      %mul3A_474 = arith.constant 13 : i32
      %mul3A_475 = arith.muli %scan3A_18, %mul3A_474 : i32
      %add3A_476 = arith.addi %sub3A, %mul3A_475 : i32
      %add3A_477 = arith.constant 7 : i32
      %add3A_478 = arith.addi %add3A_476, %add3A_477 : i32
      %dma_wait3A_479 = arith.constant 7 : i32
      %dma_wait3A_480 = arith.constant 7 : i32
      %dma_wait3A_481 = arith.constant 0 : i32
      %dma_wait3A_482 = arith.constant 0 : i32
      %dma_wait3A_483 = tpu.memref_slice %arg8[%dma_wait3A_479, %dma_wait3A_481, %dma_wait3A_482] : memref<13x128x32xf32, #tpu.memory_space<vmem>> -> memref<1x128x32xf32, #tpu.memory_space<vmem>>
      %dma_wait3A_484 = tpu.memref_squeeze %dma_wait3A_483 : memref<1x128x32xf32, #tpu.memory_space<vmem>> -> memref<128x32xf32, #tpu.memory_space<vmem>>
      %dma_wait3A_485 = arith.constant 0 : i32
      %dma_wait3A_486 = tpu.memref_slice %arg6[%add3A_155, %dma_wait3A_485] : memref<79x128xi32, #tpu.memory_space<vmem>> -> memref<1x128xi32, #tpu.memory_space<vmem>>
      %dma_wait3A_487 = tpu.memref_squeeze %dma_wait3A_486 : memref<1x128xi32, #tpu.memory_space<vmem>> -> memref<128xi32, #tpu.memory_space<vmem>>
      %dma_wait3A_488 = arith.constant 0 : i32
      %dma_wait3A_489 = arith.constant 0 : i32
      %dma_wait3A_490 = tpu.memref_slice %arg10[%dma_wait3A_488, %dma_wait3A_489] : memref<10112x32xf32, #tpu.memory_space<vmem_shared>> -> memref<10112x32xf32, #tpu.memory_space<vmem_shared>>
      %dma_wait3A_491 = tpu.memref_slice %arg11[%dma_wait3A_480] : memref<13x!tpu.dma_semaphore, #tpu.memory_space<semaphore_mem>> -> memref<1x!tpu.dma_semaphore, #tpu.memory_space<semaphore_mem>>
      %dma_wait3A_492 = tpu.memref_squeeze %dma_wait3A_491 : memref<1x!tpu.dma_semaphore, #tpu.memory_space<semaphore_mem>> -> memref<!tpu.dma_semaphore, #tpu.memory_space<semaphore_mem>>
      tpu.wait_indirect_dma semaphore(%dma_wait3A_492 : memref<!tpu.dma_semaphore, #tpu.memory_space<semaphore_mem>>) src(%dma_wait3A_490 : memref<10112x32xf32, #tpu.memory_space<vmem_shared>>) dst(%dma_wait3A_484 : memref<128x32xf32, #tpu.memory_space<vmem>>)
      %dma_start3A_493 = arith.constant 7 : i32
      %dma_start3A_494 = arith.constant 0 : i32
      %dma_start3A_495 = arith.constant 0 : i32
      %dma_start3A_496 = tpu.memref_slice %arg8[%dma_start3A_493, %dma_start3A_494, %dma_start3A_495] : memref<13x128x32xf32, #tpu.memory_space<vmem>> -> memref<1x128x32xf32, #tpu.memory_space<vmem>>
      %dma_start3A_497 = tpu.memref_squeeze %dma_start3A_496 : memref<1x128x32xf32, #tpu.memory_space<vmem>> -> memref<128x32xf32, #tpu.memory_space<vmem>>
      %dma_start3A_498 = arith.constant 0 : i32
      %dma_start3A_499 = tpu.memref_slice %arg7[%add3A_478, %dma_start3A_498] : memref<79x128xi32, #tpu.memory_space<vmem>> -> memref<1x128xi32, #tpu.memory_space<vmem>>
      %dma_start3A_500 = tpu.memref_squeeze %dma_start3A_499 : memref<1x128xi32, #tpu.memory_space<vmem>> -> memref<128xi32, #tpu.memory_space<vmem>>
      %dma_start3A_501 = arith.constant 0 : i32
      %dma_start3A_502 = arith.constant 0 : i32
      %dma_start3A_503 = tpu.memref_slice %arg9[%dma_start3A_501, %dma_start3A_502] : memref<10112x32xf32, #tpu.memory_space<vmem_shared>> -> memref<10112x32xf32, #tpu.memory_space<vmem_shared>>
      tpu.enqueue_indirect_dma source(%dma_start3A_497 : memref<128x32xf32, #tpu.memory_space<vmem>>) target(%dma_start3A_503 : memref<10112x32xf32, #tpu.memory_space<vmem_shared>>) offsets(%dma_start3A_500 : memref<128xi32, #tpu.memory_space<vmem>>) semaphore(%arg12 : memref<!tpu.dma_semaphore, #tpu.memory_space<semaphore_mem>>) {add = true}
      %mul3A_504 = arith.constant 13 : i32
      %mul3A_505 = arith.muli %scan3A_18, %mul3A_504 : i32
      %add3A_506 = arith.addi %sub3A, %mul3A_505 : i32
      %add3A_507 = arith.constant 8 : i32
      %add3A_508 = arith.addi %add3A_506, %add3A_507 : i32
      %dma_wait3A_509 = arith.constant 8 : i32
      %dma_wait3A_510 = arith.constant 8 : i32
      %dma_wait3A_511 = arith.constant 0 : i32
      %dma_wait3A_512 = arith.constant 0 : i32
      %dma_wait3A_513 = tpu.memref_slice %arg8[%dma_wait3A_509, %dma_wait3A_511, %dma_wait3A_512] : memref<13x128x32xf32, #tpu.memory_space<vmem>> -> memref<1x128x32xf32, #tpu.memory_space<vmem>>
      %dma_wait3A_514 = tpu.memref_squeeze %dma_wait3A_513 : memref<1x128x32xf32, #tpu.memory_space<vmem>> -> memref<128x32xf32, #tpu.memory_space<vmem>>
      %dma_wait3A_515 = arith.constant 0 : i32
      %dma_wait3A_516 = tpu.memref_slice %arg6[%add3A_174, %dma_wait3A_515] : memref<79x128xi32, #tpu.memory_space<vmem>> -> memref<1x128xi32, #tpu.memory_space<vmem>>
      %dma_wait3A_517 = tpu.memref_squeeze %dma_wait3A_516 : memref<1x128xi32, #tpu.memory_space<vmem>> -> memref<128xi32, #tpu.memory_space<vmem>>
      %dma_wait3A_518 = arith.constant 0 : i32
      %dma_wait3A_519 = arith.constant 0 : i32
      %dma_wait3A_520 = tpu.memref_slice %arg10[%dma_wait3A_518, %dma_wait3A_519] : memref<10112x32xf32, #tpu.memory_space<vmem_shared>> -> memref<10112x32xf32, #tpu.memory_space<vmem_shared>>
      %dma_wait3A_521 = tpu.memref_slice %arg11[%dma_wait3A_510] : memref<13x!tpu.dma_semaphore, #tpu.memory_space<semaphore_mem>> -> memref<1x!tpu.dma_semaphore, #tpu.memory_space<semaphore_mem>>
      %dma_wait3A_522 = tpu.memref_squeeze %dma_wait3A_521 : memref<1x!tpu.dma_semaphore, #tpu.memory_space<semaphore_mem>> -> memref<!tpu.dma_semaphore, #tpu.memory_space<semaphore_mem>>
      tpu.wait_indirect_dma semaphore(%dma_wait3A_522 : memref<!tpu.dma_semaphore, #tpu.memory_space<semaphore_mem>>) src(%dma_wait3A_520 : memref<10112x32xf32, #tpu.memory_space<vmem_shared>>) dst(%dma_wait3A_514 : memref<128x32xf32, #tpu.memory_space<vmem>>)
      %dma_start3A_523 = arith.constant 8 : i32
      %dma_start3A_524 = arith.constant 0 : i32
      %dma_start3A_525 = arith.constant 0 : i32
      %dma_start3A_526 = tpu.memref_slice %arg8[%dma_start3A_523, %dma_start3A_524, %dma_start3A_525] : memref<13x128x32xf32, #tpu.memory_space<vmem>> -> memref<1x128x32xf32, #tpu.memory_space<vmem>>
      %dma_start3A_527 = tpu.memref_squeeze %dma_start3A_526 : memref<1x128x32xf32, #tpu.memory_space<vmem>> -> memref<128x32xf32, #tpu.memory_space<vmem>>
      %dma_start3A_528 = arith.constant 0 : i32
      %dma_start3A_529 = tpu.memref_slice %arg7[%add3A_508, %dma_start3A_528] : memref<79x128xi32, #tpu.memory_space<vmem>> -> memref<1x128xi32, #tpu.memory_space<vmem>>
      %dma_start3A_530 = tpu.memref_squeeze %dma_start3A_529 : memref<1x128xi32, #tpu.memory_space<vmem>> -> memref<128xi32, #tpu.memory_space<vmem>>
      %dma_start3A_531 = arith.constant 0 : i32
      %dma_start3A_532 = arith.constant 0 : i32
      %dma_start3A_533 = tpu.memref_slice %arg9[%dma_start3A_531, %dma_start3A_532] : memref<10112x32xf32, #tpu.memory_space<vmem_shared>> -> memref<10112x32xf32, #tpu.memory_space<vmem_shared>>
      tpu.enqueue_indirect_dma source(%dma_start3A_527 : memref<128x32xf32, #tpu.memory_space<vmem>>) target(%dma_start3A_533 : memref<10112x32xf32, #tpu.memory_space<vmem_shared>>) offsets(%dma_start3A_530 : memref<128xi32, #tpu.memory_space<vmem>>) semaphore(%arg12 : memref<!tpu.dma_semaphore, #tpu.memory_space<semaphore_mem>>) {add = true}
      %mul3A_534 = arith.constant 13 : i32
      %mul3A_535 = arith.muli %scan3A_18, %mul3A_534 : i32
      %add3A_536 = arith.addi %sub3A, %mul3A_535 : i32
      %add3A_537 = arith.constant 9 : i32
      %add3A_538 = arith.addi %add3A_536, %add3A_537 : i32
      %dma_wait3A_539 = arith.constant 9 : i32
      %dma_wait3A_540 = arith.constant 9 : i32
      %dma_wait3A_541 = arith.constant 0 : i32
      %dma_wait3A_542 = arith.constant 0 : i32
      %dma_wait3A_543 = tpu.memref_slice %arg8[%dma_wait3A_539, %dma_wait3A_541, %dma_wait3A_542] : memref<13x128x32xf32, #tpu.memory_space<vmem>> -> memref<1x128x32xf32, #tpu.memory_space<vmem>>
      %dma_wait3A_544 = tpu.memref_squeeze %dma_wait3A_543 : memref<1x128x32xf32, #tpu.memory_space<vmem>> -> memref<128x32xf32, #tpu.memory_space<vmem>>
      %dma_wait3A_545 = arith.constant 0 : i32
      %dma_wait3A_546 = tpu.memref_slice %arg6[%add3A_193, %dma_wait3A_545] : memref<79x128xi32, #tpu.memory_space<vmem>> -> memref<1x128xi32, #tpu.memory_space<vmem>>
      %dma_wait3A_547 = tpu.memref_squeeze %dma_wait3A_546 : memref<1x128xi32, #tpu.memory_space<vmem>> -> memref<128xi32, #tpu.memory_space<vmem>>
      %dma_wait3A_548 = arith.constant 0 : i32
      %dma_wait3A_549 = arith.constant 0 : i32
      %dma_wait3A_550 = tpu.memref_slice %arg10[%dma_wait3A_548, %dma_wait3A_549] : memref<10112x32xf32, #tpu.memory_space<vmem_shared>> -> memref<10112x32xf32, #tpu.memory_space<vmem_shared>>
      %dma_wait3A_551 = tpu.memref_slice %arg11[%dma_wait3A_540] : memref<13x!tpu.dma_semaphore, #tpu.memory_space<semaphore_mem>> -> memref<1x!tpu.dma_semaphore, #tpu.memory_space<semaphore_mem>>
      %dma_wait3A_552 = tpu.memref_squeeze %dma_wait3A_551 : memref<1x!tpu.dma_semaphore, #tpu.memory_space<semaphore_mem>> -> memref<!tpu.dma_semaphore, #tpu.memory_space<semaphore_mem>>
      tpu.wait_indirect_dma semaphore(%dma_wait3A_552 : memref<!tpu.dma_semaphore, #tpu.memory_space<semaphore_mem>>) src(%dma_wait3A_550 : memref<10112x32xf32, #tpu.memory_space<vmem_shared>>) dst(%dma_wait3A_544 : memref<128x32xf32, #tpu.memory_space<vmem>>)
      %dma_start3A_553 = arith.constant 9 : i32
      %dma_start3A_554 = arith.constant 0 : i32
      %dma_start3A_555 = arith.constant 0 : i32
      %dma_start3A_556 = tpu.memref_slice %arg8[%dma_start3A_553, %dma_start3A_554, %dma_start3A_555] : memref<13x128x32xf32, #tpu.memory_space<vmem>> -> memref<1x128x32xf32, #tpu.memory_space<vmem>>
      %dma_start3A_557 = tpu.memref_squeeze %dma_start3A_556 : memref<1x128x32xf32, #tpu.memory_space<vmem>> -> memref<128x32xf32, #tpu.memory_space<vmem>>
      %dma_start3A_558 = arith.constant 0 : i32
      %dma_start3A_559 = tpu.memref_slice %arg7[%add3A_538, %dma_start3A_558] : memref<79x128xi32, #tpu.memory_space<vmem>> -> memref<1x128xi32, #tpu.memory_space<vmem>>
      %dma_start3A_560 = tpu.memref_squeeze %dma_start3A_559 : memref<1x128xi32, #tpu.memory_space<vmem>> -> memref<128xi32, #tpu.memory_space<vmem>>
      %dma_start3A_561 = arith.constant 0 : i32
      %dma_start3A_562 = arith.constant 0 : i32
      %dma_start3A_563 = tpu.memref_slice %arg9[%dma_start3A_561, %dma_start3A_562] : memref<10112x32xf32, #tpu.memory_space<vmem_shared>> -> memref<10112x32xf32, #tpu.memory_space<vmem_shared>>
      tpu.enqueue_indirect_dma source(%dma_start3A_557 : memref<128x32xf32, #tpu.memory_space<vmem>>) target(%dma_start3A_563 : memref<10112x32xf32, #tpu.memory_space<vmem_shared>>) offsets(%dma_start3A_560 : memref<128xi32, #tpu.memory_space<vmem>>) semaphore(%arg12 : memref<!tpu.dma_semaphore, #tpu.memory_space<semaphore_mem>>) {add = true}
      %mul3A_564 = arith.constant 13 : i32
      %mul3A_565 = arith.muli %scan3A_18, %mul3A_564 : i32
      %add3A_566 = arith.addi %sub3A, %mul3A_565 : i32
      %add3A_567 = arith.constant 10 : i32
      %add3A_568 = arith.addi %add3A_566, %add3A_567 : i32
      %dma_wait3A_569 = arith.constant 10 : i32
      %dma_wait3A_570 = arith.constant 10 : i32
      %dma_wait3A_571 = arith.constant 0 : i32
      %dma_wait3A_572 = arith.constant 0 : i32
      %dma_wait3A_573 = tpu.memref_slice %arg8[%dma_wait3A_569, %dma_wait3A_571, %dma_wait3A_572] : memref<13x128x32xf32, #tpu.memory_space<vmem>> -> memref<1x128x32xf32, #tpu.memory_space<vmem>>
      %dma_wait3A_574 = tpu.memref_squeeze %dma_wait3A_573 : memref<1x128x32xf32, #tpu.memory_space<vmem>> -> memref<128x32xf32, #tpu.memory_space<vmem>>
      %dma_wait3A_575 = arith.constant 0 : i32
      %dma_wait3A_576 = tpu.memref_slice %arg6[%add3A_212, %dma_wait3A_575] : memref<79x128xi32, #tpu.memory_space<vmem>> -> memref<1x128xi32, #tpu.memory_space<vmem>>
      %dma_wait3A_577 = tpu.memref_squeeze %dma_wait3A_576 : memref<1x128xi32, #tpu.memory_space<vmem>> -> memref<128xi32, #tpu.memory_space<vmem>>
      %dma_wait3A_578 = arith.constant 0 : i32
      %dma_wait3A_579 = arith.constant 0 : i32
      %dma_wait3A_580 = tpu.memref_slice %arg10[%dma_wait3A_578, %dma_wait3A_579] : memref<10112x32xf32, #tpu.memory_space<vmem_shared>> -> memref<10112x32xf32, #tpu.memory_space<vmem_shared>>
      %dma_wait3A_581 = tpu.memref_slice %arg11[%dma_wait3A_570] : memref<13x!tpu.dma_semaphore, #tpu.memory_space<semaphore_mem>> -> memref<1x!tpu.dma_semaphore, #tpu.memory_space<semaphore_mem>>
      %dma_wait3A_582 = tpu.memref_squeeze %dma_wait3A_581 : memref<1x!tpu.dma_semaphore, #tpu.memory_space<semaphore_mem>> -> memref<!tpu.dma_semaphore, #tpu.memory_space<semaphore_mem>>
      tpu.wait_indirect_dma semaphore(%dma_wait3A_582 : memref<!tpu.dma_semaphore, #tpu.memory_space<semaphore_mem>>) src(%dma_wait3A_580 : memref<10112x32xf32, #tpu.memory_space<vmem_shared>>) dst(%dma_wait3A_574 : memref<128x32xf32, #tpu.memory_space<vmem>>)
      %dma_start3A_583 = arith.constant 10 : i32
      %dma_start3A_584 = arith.constant 0 : i32
      %dma_start3A_585 = arith.constant 0 : i32
      %dma_start3A_586 = tpu.memref_slice %arg8[%dma_start3A_583, %dma_start3A_584, %dma_start3A_585] : memref<13x128x32xf32, #tpu.memory_space<vmem>> -> memref<1x128x32xf32, #tpu.memory_space<vmem>>
      %dma_start3A_587 = tpu.memref_squeeze %dma_start3A_586 : memref<1x128x32xf32, #tpu.memory_space<vmem>> -> memref<128x32xf32, #tpu.memory_space<vmem>>
      %dma_start3A_588 = arith.constant 0 : i32
      %dma_start3A_589 = tpu.memref_slice %arg7[%add3A_568, %dma_start3A_588] : memref<79x128xi32, #tpu.memory_space<vmem>> -> memref<1x128xi32, #tpu.memory_space<vmem>>
      %dma_start3A_590 = tpu.memref_squeeze %dma_start3A_589 : memref<1x128xi32, #tpu.memory_space<vmem>> -> memref<128xi32, #tpu.memory_space<vmem>>
      %dma_start3A_591 = arith.constant 0 : i32
      %dma_start3A_592 = arith.constant 0 : i32
      %dma_start3A_593 = tpu.memref_slice %arg9[%dma_start3A_591, %dma_start3A_592] : memref<10112x32xf32, #tpu.memory_space<vmem_shared>> -> memref<10112x32xf32, #tpu.memory_space<vmem_shared>>
      tpu.enqueue_indirect_dma source(%dma_start3A_587 : memref<128x32xf32, #tpu.memory_space<vmem>>) target(%dma_start3A_593 : memref<10112x32xf32, #tpu.memory_space<vmem_shared>>) offsets(%dma_start3A_590 : memref<128xi32, #tpu.memory_space<vmem>>) semaphore(%arg12 : memref<!tpu.dma_semaphore, #tpu.memory_space<semaphore_mem>>) {add = true}
      %mul3A_594 = arith.constant 13 : i32
      %mul3A_595 = arith.muli %scan3A_18, %mul3A_594 : i32
      %add3A_596 = arith.addi %sub3A, %mul3A_595 : i32
      %add3A_597 = arith.constant 11 : i32
      %add3A_598 = arith.addi %add3A_596, %add3A_597 : i32
      %dma_wait3A_599 = arith.constant 11 : i32
      %dma_wait3A_600 = arith.constant 11 : i32
      %dma_wait3A_601 = arith.constant 0 : i32
      %dma_wait3A_602 = arith.constant 0 : i32
      %dma_wait3A_603 = tpu.memref_slice %arg8[%dma_wait3A_599, %dma_wait3A_601, %dma_wait3A_602] : memref<13x128x32xf32, #tpu.memory_space<vmem>> -> memref<1x128x32xf32, #tpu.memory_space<vmem>>
      %dma_wait3A_604 = tpu.memref_squeeze %dma_wait3A_603 : memref<1x128x32xf32, #tpu.memory_space<vmem>> -> memref<128x32xf32, #tpu.memory_space<vmem>>
      %dma_wait3A_605 = arith.constant 0 : i32
      %dma_wait3A_606 = tpu.memref_slice %arg6[%add3A_231, %dma_wait3A_605] : memref<79x128xi32, #tpu.memory_space<vmem>> -> memref<1x128xi32, #tpu.memory_space<vmem>>
      %dma_wait3A_607 = tpu.memref_squeeze %dma_wait3A_606 : memref<1x128xi32, #tpu.memory_space<vmem>> -> memref<128xi32, #tpu.memory_space<vmem>>
      %dma_wait3A_608 = arith.constant 0 : i32
      %dma_wait3A_609 = arith.constant 0 : i32
      %dma_wait3A_610 = tpu.memref_slice %arg10[%dma_wait3A_608, %dma_wait3A_609] : memref<10112x32xf32, #tpu.memory_space<vmem_shared>> -> memref<10112x32xf32, #tpu.memory_space<vmem_shared>>
      %dma_wait3A_611 = tpu.memref_slice %arg11[%dma_wait3A_600] : memref<13x!tpu.dma_semaphore, #tpu.memory_space<semaphore_mem>> -> memref<1x!tpu.dma_semaphore, #tpu.memory_space<semaphore_mem>>
      %dma_wait3A_612 = tpu.memref_squeeze %dma_wait3A_611 : memref<1x!tpu.dma_semaphore, #tpu.memory_space<semaphore_mem>> -> memref<!tpu.dma_semaphore, #tpu.memory_space<semaphore_mem>>
      tpu.wait_indirect_dma semaphore(%dma_wait3A_612 : memref<!tpu.dma_semaphore, #tpu.memory_space<semaphore_mem>>) src(%dma_wait3A_610 : memref<10112x32xf32, #tpu.memory_space<vmem_shared>>) dst(%dma_wait3A_604 : memref<128x32xf32, #tpu.memory_space<vmem>>)
      %dma_start3A_613 = arith.constant 11 : i32
      %dma_start3A_614 = arith.constant 0 : i32
      %dma_start3A_615 = arith.constant 0 : i32
      %dma_start3A_616 = tpu.memref_slice %arg8[%dma_start3A_613, %dma_start3A_614, %dma_start3A_615] : memref<13x128x32xf32, #tpu.memory_space<vmem>> -> memref<1x128x32xf32, #tpu.memory_space<vmem>>
      %dma_start3A_617 = tpu.memref_squeeze %dma_start3A_616 : memref<1x128x32xf32, #tpu.memory_space<vmem>> -> memref<128x32xf32, #tpu.memory_space<vmem>>
      %dma_start3A_618 = arith.constant 0 : i32
      %dma_start3A_619 = tpu.memref_slice %arg7[%add3A_598, %dma_start3A_618] : memref<79x128xi32, #tpu.memory_space<vmem>> -> memref<1x128xi32, #tpu.memory_space<vmem>>
      %dma_start3A_620 = tpu.memref_squeeze %dma_start3A_619 : memref<1x128xi32, #tpu.memory_space<vmem>> -> memref<128xi32, #tpu.memory_space<vmem>>
      %dma_start3A_621 = arith.constant 0 : i32
      %dma_start3A_622 = arith.constant 0 : i32
      %dma_start3A_623 = tpu.memref_slice %arg9[%dma_start3A_621, %dma_start3A_622] : memref<10112x32xf32, #tpu.memory_space<vmem_shared>> -> memref<10112x32xf32, #tpu.memory_space<vmem_shared>>
      tpu.enqueue_indirect_dma source(%dma_start3A_617 : memref<128x32xf32, #tpu.memory_space<vmem>>) target(%dma_start3A_623 : memref<10112x32xf32, #tpu.memory_space<vmem_shared>>) offsets(%dma_start3A_620 : memref<128xi32, #tpu.memory_space<vmem>>) semaphore(%arg12 : memref<!tpu.dma_semaphore, #tpu.memory_space<semaphore_mem>>) {add = true}
      %mul3A_624 = arith.constant 13 : i32
      %mul3A_625 = arith.muli %scan3A_18, %mul3A_624 : i32
      %add3A_626 = arith.addi %sub3A, %mul3A_625 : i32
      %add3A_627 = arith.constant 12 : i32
      %add3A_628 = arith.addi %add3A_626, %add3A_627 : i32
      %dma_wait3A_629 = arith.constant 12 : i32
      %dma_wait3A_630 = arith.constant 12 : i32
      %dma_wait3A_631 = arith.constant 0 : i32
      %dma_wait3A_632 = arith.constant 0 : i32
      %dma_wait3A_633 = tpu.memref_slice %arg8[%dma_wait3A_629, %dma_wait3A_631, %dma_wait3A_632] : memref<13x128x32xf32, #tpu.memory_space<vmem>> -> memref<1x128x32xf32, #tpu.memory_space<vmem>>
      %dma_wait3A_634 = tpu.memref_squeeze %dma_wait3A_633 : memref<1x128x32xf32, #tpu.memory_space<vmem>> -> memref<128x32xf32, #tpu.memory_space<vmem>>
      %dma_wait3A_635 = arith.constant 0 : i32
      %dma_wait3A_636 = tpu.memref_slice %arg6[%add3A_250, %dma_wait3A_635] : memref<79x128xi32, #tpu.memory_space<vmem>> -> memref<1x128xi32, #tpu.memory_space<vmem>>
      %dma_wait3A_637 = tpu.memref_squeeze %dma_wait3A_636 : memref<1x128xi32, #tpu.memory_space<vmem>> -> memref<128xi32, #tpu.memory_space<vmem>>
      %dma_wait3A_638 = arith.constant 0 : i32
      %dma_wait3A_639 = arith.constant 0 : i32
      %dma_wait3A_640 = tpu.memref_slice %arg10[%dma_wait3A_638, %dma_wait3A_639] : memref<10112x32xf32, #tpu.memory_space<vmem_shared>> -> memref<10112x32xf32, #tpu.memory_space<vmem_shared>>
      %dma_wait3A_641 = tpu.memref_slice %arg11[%dma_wait3A_630] : memref<13x!tpu.dma_semaphore, #tpu.memory_space<semaphore_mem>> -> memref<1x!tpu.dma_semaphore, #tpu.memory_space<semaphore_mem>>
      %dma_wait3A_642 = tpu.memref_squeeze %dma_wait3A_641 : memref<1x!tpu.dma_semaphore, #tpu.memory_space<semaphore_mem>> -> memref<!tpu.dma_semaphore, #tpu.memory_space<semaphore_mem>>
      tpu.wait_indirect_dma semaphore(%dma_wait3A_642 : memref<!tpu.dma_semaphore, #tpu.memory_space<semaphore_mem>>) src(%dma_wait3A_640 : memref<10112x32xf32, #tpu.memory_space<vmem_shared>>) dst(%dma_wait3A_634 : memref<128x32xf32, #tpu.memory_space<vmem>>)
      %dma_start3A_643 = arith.constant 12 : i32
      %dma_start3A_644 = arith.constant 0 : i32
      %dma_start3A_645 = arith.constant 0 : i32
      %dma_start3A_646 = tpu.memref_slice %arg8[%dma_start3A_643, %dma_start3A_644, %dma_start3A_645] : memref<13x128x32xf32, #tpu.memory_space<vmem>> -> memref<1x128x32xf32, #tpu.memory_space<vmem>>
      %dma_start3A_647 = tpu.memref_squeeze %dma_start3A_646 : memref<1x128x32xf32, #tpu.memory_space<vmem>> -> memref<128x32xf32, #tpu.memory_space<vmem>>
      %dma_start3A_648 = arith.constant 0 : i32
      %dma_start3A_649 = tpu.memref_slice %arg7[%add3A_628, %dma_start3A_648] : memref<79x128xi32, #tpu.memory_space<vmem>> -> memref<1x128xi32, #tpu.memory_space<vmem>>
      %dma_start3A_650 = tpu.memref_squeeze %dma_start3A_649 : memref<1x128xi32, #tpu.memory_space<vmem>> -> memref<128xi32, #tpu.memory_space<vmem>>
      %dma_start3A_651 = arith.constant 0 : i32
      %dma_start3A_652 = arith.constant 0 : i32
      %dma_start3A_653 = tpu.memref_slice %arg9[%dma_start3A_651, %dma_start3A_652] : memref<10112x32xf32, #tpu.memory_space<vmem_shared>> -> memref<10112x32xf32, #tpu.memory_space<vmem_shared>>
      tpu.enqueue_indirect_dma source(%dma_start3A_647 : memref<128x32xf32, #tpu.memory_space<vmem>>) target(%dma_start3A_653 : memref<10112x32xf32, #tpu.memory_space<vmem_shared>>) offsets(%dma_start3A_650 : memref<128xi32, #tpu.memory_space<vmem>>) semaphore(%arg12 : memref<!tpu.dma_semaphore, #tpu.memory_space<semaphore_mem>>) {add = true}
      %dma_wait3A_654 = arith.constant 0 : i32
      %dma_wait3A_655 = arith.constant 0 : i32
      %dma_wait3A_656 = arith.constant 0 : i32
      %dma_wait3A_657 = tpu.memref_slice %arg8[%dma_wait3A_654, %dma_wait3A_655, %dma_wait3A_656] : memref<13x128x32xf32, #tpu.memory_space<vmem>> -> memref<1x128x32xf32, #tpu.memory_space<vmem>>
      %dma_wait3A_658 = tpu.memref_squeeze %dma_wait3A_657 : memref<1x128x32xf32, #tpu.memory_space<vmem>> -> memref<128x32xf32, #tpu.memory_space<vmem>>
      %dma_wait3A_659 = arith.constant 0 : i32
      %dma_wait3A_660 = tpu.memref_slice %arg7[%add3A_269, %dma_wait3A_659] : memref<79x128xi32, #tpu.memory_space<vmem>> -> memref<1x128xi32, #tpu.memory_space<vmem>>
      %dma_wait3A_661 = tpu.memref_squeeze %dma_wait3A_660 : memref<1x128xi32, #tpu.memory_space<vmem>> -> memref<128xi32, #tpu.memory_space<vmem>>
      %dma_wait3A_662 = arith.constant 0 : i32
      %dma_wait3A_663 = arith.constant 0 : i32
      %dma_wait3A_664 = tpu.memref_slice %arg9[%dma_wait3A_662, %dma_wait3A_663] : memref<10112x32xf32, #tpu.memory_space<vmem_shared>> -> memref<10112x32xf32, #tpu.memory_space<vmem_shared>>
      tpu.wait_indirect_dma semaphore(%arg12 : memref<!tpu.dma_semaphore, #tpu.memory_space<semaphore_mem>>) src(%dma_wait3A_658 : memref<128x32xf32, #tpu.memory_space<vmem>>) dst(%dma_wait3A_664 : memref<10112x32xf32, #tpu.memory_space<vmem_shared>>)
      %dma_wait3A_665 = arith.constant 1 : i32
      %dma_wait3A_666 = arith.constant 0 : i32
      %dma_wait3A_667 = arith.constant 0 : i32
      %dma_wait3A_668 = tpu.memref_slice %arg8[%dma_wait3A_665, %dma_wait3A_666, %dma_wait3A_667] : memref<13x128x32xf32, #tpu.memory_space<vmem>> -> memref<1x128x32xf32, #tpu.memory_space<vmem>>
      %dma_wait3A_669 = tpu.memref_squeeze %dma_wait3A_668 : memref<1x128x32xf32, #tpu.memory_space<vmem>> -> memref<128x32xf32, #tpu.memory_space<vmem>>
      %dma_wait3A_670 = arith.constant 0 : i32
      %dma_wait3A_671 = tpu.memref_slice %arg7[%add3A_298, %dma_wait3A_670] : memref<79x128xi32, #tpu.memory_space<vmem>> -> memref<1x128xi32, #tpu.memory_space<vmem>>
      %dma_wait3A_672 = tpu.memref_squeeze %dma_wait3A_671 : memref<1x128xi32, #tpu.memory_space<vmem>> -> memref<128xi32, #tpu.memory_space<vmem>>
      %dma_wait3A_673 = arith.constant 0 : i32
      %dma_wait3A_674 = arith.constant 0 : i32
      %dma_wait3A_675 = tpu.memref_slice %arg9[%dma_wait3A_673, %dma_wait3A_674] : memref<10112x32xf32, #tpu.memory_space<vmem_shared>> -> memref<10112x32xf32, #tpu.memory_space<vmem_shared>>
      tpu.wait_indirect_dma semaphore(%arg12 : memref<!tpu.dma_semaphore, #tpu.memory_space<semaphore_mem>>) src(%dma_wait3A_669 : memref<128x32xf32, #tpu.memory_space<vmem>>) dst(%dma_wait3A_675 : memref<10112x32xf32, #tpu.memory_space<vmem_shared>>)
      %dma_wait3A_676 = arith.constant 2 : i32
      %dma_wait3A_677 = arith.constant 0 : i32
      %dma_wait3A_678 = arith.constant 0 : i32
      %dma_wait3A_679 = tpu.memref_slice %arg8[%dma_wait3A_676, %dma_wait3A_677, %dma_wait3A_678] : memref<13x128x32xf32, #tpu.memory_space<vmem>> -> memref<1x128x32xf32, #tpu.memory_space<vmem>>
      %dma_wait3A_680 = tpu.memref_squeeze %dma_wait3A_679 : memref<1x128x32xf32, #tpu.memory_space<vmem>> -> memref<128x32xf32, #tpu.memory_space<vmem>>
      %dma_wait3A_681 = arith.constant 0 : i32
      %dma_wait3A_682 = tpu.memref_slice %arg7[%add3A_328, %dma_wait3A_681] : memref<79x128xi32, #tpu.memory_space<vmem>> -> memref<1x128xi32, #tpu.memory_space<vmem>>
      %dma_wait3A_683 = tpu.memref_squeeze %dma_wait3A_682 : memref<1x128xi32, #tpu.memory_space<vmem>> -> memref<128xi32, #tpu.memory_space<vmem>>
      %dma_wait3A_684 = arith.constant 0 : i32
      %dma_wait3A_685 = arith.constant 0 : i32
      %dma_wait3A_686 = tpu.memref_slice %arg9[%dma_wait3A_684, %dma_wait3A_685] : memref<10112x32xf32, #tpu.memory_space<vmem_shared>> -> memref<10112x32xf32, #tpu.memory_space<vmem_shared>>
      tpu.wait_indirect_dma semaphore(%arg12 : memref<!tpu.dma_semaphore, #tpu.memory_space<semaphore_mem>>) src(%dma_wait3A_680 : memref<128x32xf32, #tpu.memory_space<vmem>>) dst(%dma_wait3A_686 : memref<10112x32xf32, #tpu.memory_space<vmem_shared>>)
      %dma_wait3A_687 = arith.constant 3 : i32
      %dma_wait3A_688 = arith.constant 0 : i32
      %dma_wait3A_689 = arith.constant 0 : i32
      %dma_wait3A_690 = tpu.memref_slice %arg8[%dma_wait3A_687, %dma_wait3A_688, %dma_wait3A_689] : memref<13x128x32xf32, #tpu.memory_space<vmem>> -> memref<1x128x32xf32, #tpu.memory_space<vmem>>
      %dma_wait3A_691 = tpu.memref_squeeze %dma_wait3A_690 : memref<1x128x32xf32, #tpu.memory_space<vmem>> -> memref<128x32xf32, #tpu.memory_space<vmem>>
      %dma_wait3A_692 = arith.constant 0 : i32
      %dma_wait3A_693 = tpu.memref_slice %arg7[%add3A_358, %dma_wait3A_692] : memref<79x128xi32, #tpu.memory_space<vmem>> -> memref<1x128xi32, #tpu.memory_space<vmem>>
      %dma_wait3A_694 = tpu.memref_squeeze %dma_wait3A_693 : memref<1x128xi32, #tpu.memory_space<vmem>> -> memref<128xi32, #tpu.memory_space<vmem>>
      %dma_wait3A_695 = arith.constant 0 : i32
      %dma_wait3A_696 = arith.constant 0 : i32
      %dma_wait3A_697 = tpu.memref_slice %arg9[%dma_wait3A_695, %dma_wait3A_696] : memref<10112x32xf32, #tpu.memory_space<vmem_shared>> -> memref<10112x32xf32, #tpu.memory_space<vmem_shared>>
      tpu.wait_indirect_dma semaphore(%arg12 : memref<!tpu.dma_semaphore, #tpu.memory_space<semaphore_mem>>) src(%dma_wait3A_691 : memref<128x32xf32, #tpu.memory_space<vmem>>) dst(%dma_wait3A_697 : memref<10112x32xf32, #tpu.memory_space<vmem_shared>>)
      %dma_wait3A_698 = arith.constant 4 : i32
      %dma_wait3A_699 = arith.constant 0 : i32
      %dma_wait3A_700 = arith.constant 0 : i32
      %dma_wait3A_701 = tpu.memref_slice %arg8[%dma_wait3A_698, %dma_wait3A_699, %dma_wait3A_700] : memref<13x128x32xf32, #tpu.memory_space<vmem>> -> memref<1x128x32xf32, #tpu.memory_space<vmem>>
      %dma_wait3A_702 = tpu.memref_squeeze %dma_wait3A_701 : memref<1x128x32xf32, #tpu.memory_space<vmem>> -> memref<128x32xf32, #tpu.memory_space<vmem>>
      %dma_wait3A_703 = arith.constant 0 : i32
      %dma_wait3A_704 = tpu.memref_slice %arg7[%add3A_388, %dma_wait3A_703] : memref<79x128xi32, #tpu.memory_space<vmem>> -> memref<1x128xi32, #tpu.memory_space<vmem>>
      %dma_wait3A_705 = tpu.memref_squeeze %dma_wait3A_704 : memref<1x128xi32, #tpu.memory_space<vmem>> -> memref<128xi32, #tpu.memory_space<vmem>>
      %dma_wait3A_706 = arith.constant 0 : i32
      %dma_wait3A_707 = arith.constant 0 : i32
      %dma_wait3A_708 = tpu.memref_slice %arg9[%dma_wait3A_706, %dma_wait3A_707] : memref<10112x32xf32, #tpu.memory_space<vmem_shared>> -> memref<10112x32xf32, #tpu.memory_space<vmem_shared>>
      tpu.wait_indirect_dma semaphore(%arg12 : memref<!tpu.dma_semaphore, #tpu.memory_space<semaphore_mem>>) src(%dma_wait3A_702 : memref<128x32xf32, #tpu.memory_space<vmem>>) dst(%dma_wait3A_708 : memref<10112x32xf32, #tpu.memory_space<vmem_shared>>)
      %dma_wait3A_709 = arith.constant 5 : i32
      %dma_wait3A_710 = arith.constant 0 : i32
      %dma_wait3A_711 = arith.constant 0 : i32
      %dma_wait3A_712 = tpu.memref_slice %arg8[%dma_wait3A_709, %dma_wait3A_710, %dma_wait3A_711] : memref<13x128x32xf32, #tpu.memory_space<vmem>> -> memref<1x128x32xf32, #tpu.memory_space<vmem>>
      %dma_wait3A_713 = tpu.memref_squeeze %dma_wait3A_712 : memref<1x128x32xf32, #tpu.memory_space<vmem>> -> memref<128x32xf32, #tpu.memory_space<vmem>>
      %dma_wait3A_714 = arith.constant 0 : i32
      %dma_wait3A_715 = tpu.memref_slice %arg7[%add3A_418, %dma_wait3A_714] : memref<79x128xi32, #tpu.memory_space<vmem>> -> memref<1x128xi32, #tpu.memory_space<vmem>>
      %dma_wait3A_716 = tpu.memref_squeeze %dma_wait3A_715 : memref<1x128xi32, #tpu.memory_space<vmem>> -> memref<128xi32, #tpu.memory_space<vmem>>
      %dma_wait3A_717 = arith.constant 0 : i32
      %dma_wait3A_718 = arith.constant 0 : i32
      %dma_wait3A_719 = tpu.memref_slice %arg9[%dma_wait3A_717, %dma_wait3A_718] : memref<10112x32xf32, #tpu.memory_space<vmem_shared>> -> memref<10112x32xf32, #tpu.memory_space<vmem_shared>>
      tpu.wait_indirect_dma semaphore(%arg12 : memref<!tpu.dma_semaphore, #tpu.memory_space<semaphore_mem>>) src(%dma_wait3A_713 : memref<128x32xf32, #tpu.memory_space<vmem>>) dst(%dma_wait3A_719 : memref<10112x32xf32, #tpu.memory_space<vmem_shared>>)
      %dma_wait3A_720 = arith.constant 6 : i32
      %dma_wait3A_721 = arith.constant 0 : i32
      %dma_wait3A_722 = arith.constant 0 : i32
      %dma_wait3A_723 = tpu.memref_slice %arg8[%dma_wait3A_720, %dma_wait3A_721, %dma_wait3A_722] : memref<13x128x32xf32, #tpu.memory_space<vmem>> -> memref<1x128x32xf32, #tpu.memory_space<vmem>>
      %dma_wait3A_724 = tpu.memref_squeeze %dma_wait3A_723 : memref<1x128x32xf32, #tpu.memory_space<vmem>> -> memref<128x32xf32, #tpu.memory_space<vmem>>
      %dma_wait3A_725 = arith.constant 0 : i32
      %dma_wait3A_726 = tpu.memref_slice %arg7[%add3A_448, %dma_wait3A_725] : memref<79x128xi32, #tpu.memory_space<vmem>> -> memref<1x128xi32, #tpu.memory_space<vmem>>
      %dma_wait3A_727 = tpu.memref_squeeze %dma_wait3A_726 : memref<1x128xi32, #tpu.memory_space<vmem>> -> memref<128xi32, #tpu.memory_space<vmem>>
      %dma_wait3A_728 = arith.constant 0 : i32
      %dma_wait3A_729 = arith.constant 0 : i32
      %dma_wait3A_730 = tpu.memref_slice %arg9[%dma_wait3A_728, %dma_wait3A_729] : memref<10112x32xf32, #tpu.memory_space<vmem_shared>> -> memref<10112x32xf32, #tpu.memory_space<vmem_shared>>
      tpu.wait_indirect_dma semaphore(%arg12 : memref<!tpu.dma_semaphore, #tpu.memory_space<semaphore_mem>>) src(%dma_wait3A_724 : memref<128x32xf32, #tpu.memory_space<vmem>>) dst(%dma_wait3A_730 : memref<10112x32xf32, #tpu.memory_space<vmem_shared>>)
      %dma_wait3A_731 = arith.constant 7 : i32
      %dma_wait3A_732 = arith.constant 0 : i32
      %dma_wait3A_733 = arith.constant 0 : i32
      %dma_wait3A_734 = tpu.memref_slice %arg8[%dma_wait3A_731, %dma_wait3A_732, %dma_wait3A_733] : memref<13x128x32xf32, #tpu.memory_space<vmem>> -> memref<1x128x32xf32, #tpu.memory_space<vmem>>
      %dma_wait3A_735 = tpu.memref_squeeze %dma_wait3A_734 : memref<1x128x32xf32, #tpu.memory_space<vmem>> -> memref<128x32xf32, #tpu.memory_space<vmem>>
      %dma_wait3A_736 = arith.constant 0 : i32
      %dma_wait3A_737 = tpu.memref_slice %arg7[%add3A_478, %dma_wait3A_736] : memref<79x128xi32, #tpu.memory_space<vmem>> -> memref<1x128xi32, #tpu.memory_space<vmem>>
      %dma_wait3A_738 = tpu.memref_squeeze %dma_wait3A_737 : memref<1x128xi32, #tpu.memory_space<vmem>> -> memref<128xi32, #tpu.memory_space<vmem>>
      %dma_wait3A_739 = arith.constant 0 : i32
      %dma_wait3A_740 = arith.constant 0 : i32
      %dma_wait3A_741 = tpu.memref_slice %arg9[%dma_wait3A_739, %dma_wait3A_740] : memref<10112x32xf32, #tpu.memory_space<vmem_shared>> -> memref<10112x32xf32, #tpu.memory_space<vmem_shared>>
      tpu.wait_indirect_dma semaphore(%arg12 : memref<!tpu.dma_semaphore, #tpu.memory_space<semaphore_mem>>) src(%dma_wait3A_735 : memref<128x32xf32, #tpu.memory_space<vmem>>) dst(%dma_wait3A_741 : memref<10112x32xf32, #tpu.memory_space<vmem_shared>>)
      %dma_wait3A_742 = arith.constant 8 : i32
      %dma_wait3A_743 = arith.constant 0 : i32
      %dma_wait3A_744 = arith.constant 0 : i32
      %dma_wait3A_745 = tpu.memref_slice %arg8[%dma_wait3A_742, %dma_wait3A_743, %dma_wait3A_744] : memref<13x128x32xf32, #tpu.memory_space<vmem>> -> memref<1x128x32xf32, #tpu.memory_space<vmem>>
      %dma_wait3A_746 = tpu.memref_squeeze %dma_wait3A_745 : memref<1x128x32xf32, #tpu.memory_space<vmem>> -> memref<128x32xf32, #tpu.memory_space<vmem>>
      %dma_wait3A_747 = arith.constant 0 : i32
      %dma_wait3A_748 = tpu.memref_slice %arg7[%add3A_508, %dma_wait3A_747] : memref<79x128xi32, #tpu.memory_space<vmem>> -> memref<1x128xi32, #tpu.memory_space<vmem>>
      %dma_wait3A_749 = tpu.memref_squeeze %dma_wait3A_748 : memref<1x128xi32, #tpu.memory_space<vmem>> -> memref<128xi32, #tpu.memory_space<vmem>>
      %dma_wait3A_750 = arith.constant 0 : i32
      %dma_wait3A_751 = arith.constant 0 : i32
      %dma_wait3A_752 = tpu.memref_slice %arg9[%dma_wait3A_750, %dma_wait3A_751] : memref<10112x32xf32, #tpu.memory_space<vmem_shared>> -> memref<10112x32xf32, #tpu.memory_space<vmem_shared>>
      tpu.wait_indirect_dma semaphore(%arg12 : memref<!tpu.dma_semaphore, #tpu.memory_space<semaphore_mem>>) src(%dma_wait3A_746 : memref<128x32xf32, #tpu.memory_space<vmem>>) dst(%dma_wait3A_752 : memref<10112x32xf32, #tpu.memory_space<vmem_shared>>)
      %dma_wait3A_753 = arith.constant 9 : i32
      %dma_wait3A_754 = arith.constant 0 : i32
      %dma_wait3A_755 = arith.constant 0 : i32
      %dma_wait3A_756 = tpu.memref_slice %arg8[%dma_wait3A_753, %dma_wait3A_754, %dma_wait3A_755] : memref<13x128x32xf32, #tpu.memory_space<vmem>> -> memref<1x128x32xf32, #tpu.memory_space<vmem>>
      %dma_wait3A_757 = tpu.memref_squeeze %dma_wait3A_756 : memref<1x128x32xf32, #tpu.memory_space<vmem>> -> memref<128x32xf32, #tpu.memory_space<vmem>>
      %dma_wait3A_758 = arith.constant 0 : i32
      %dma_wait3A_759 = tpu.memref_slice %arg7[%add3A_538, %dma_wait3A_758] : memref<79x128xi32, #tpu.memory_space<vmem>> -> memref<1x128xi32, #tpu.memory_space<vmem>>
      %dma_wait3A_760 = tpu.memref_squeeze %dma_wait3A_759 : memref<1x128xi32, #tpu.memory_space<vmem>> -> memref<128xi32, #tpu.memory_space<vmem>>
      %dma_wait3A_761 = arith.constant 0 : i32
      %dma_wait3A_762 = arith.constant 0 : i32
      %dma_wait3A_763 = tpu.memref_slice %arg9[%dma_wait3A_761, %dma_wait3A_762] : memref<10112x32xf32, #tpu.memory_space<vmem_shared>> -> memref<10112x32xf32, #tpu.memory_space<vmem_shared>>
      tpu.wait_indirect_dma semaphore(%arg12 : memref<!tpu.dma_semaphore, #tpu.memory_space<semaphore_mem>>) src(%dma_wait3A_757 : memref<128x32xf32, #tpu.memory_space<vmem>>) dst(%dma_wait3A_763 : memref<10112x32xf32, #tpu.memory_space<vmem_shared>>)
      %dma_wait3A_764 = arith.constant 10 : i32
      %dma_wait3A_765 = arith.constant 0 : i32
      %dma_wait3A_766 = arith.constant 0 : i32
      %dma_wait3A_767 = tpu.memref_slice %arg8[%dma_wait3A_764, %dma_wait3A_765, %dma_wait3A_766] : memref<13x128x32xf32, #tpu.memory_space<vmem>> -> memref<1x128x32xf32, #tpu.memory_space<vmem>>
      %dma_wait3A_768 = tpu.memref_squeeze %dma_wait3A_767 : memref<1x128x32xf32, #tpu.memory_space<vmem>> -> memref<128x32xf32, #tpu.memory_space<vmem>>
      %dma_wait3A_769 = arith.constant 0 : i32
      %dma_wait3A_770 = tpu.memref_slice %arg7[%add3A_568, %dma_wait3A_769] : memref<79x128xi32, #tpu.memory_space<vmem>> -> memref<1x128xi32, #tpu.memory_space<vmem>>
      %dma_wait3A_771 = tpu.memref_squeeze %dma_wait3A_770 : memref<1x128xi32, #tpu.memory_space<vmem>> -> memref<128xi32, #tpu.memory_space<vmem>>
      %dma_wait3A_772 = arith.constant 0 : i32
      %dma_wait3A_773 = arith.constant 0 : i32
      %dma_wait3A_774 = tpu.memref_slice %arg9[%dma_wait3A_772, %dma_wait3A_773] : memref<10112x32xf32, #tpu.memory_space<vmem_shared>> -> memref<10112x32xf32, #tpu.memory_space<vmem_shared>>
      tpu.wait_indirect_dma semaphore(%arg12 : memref<!tpu.dma_semaphore, #tpu.memory_space<semaphore_mem>>) src(%dma_wait3A_768 : memref<128x32xf32, #tpu.memory_space<vmem>>) dst(%dma_wait3A_774 : memref<10112x32xf32, #tpu.memory_space<vmem_shared>>)
      %dma_wait3A_775 = arith.constant 11 : i32
      %dma_wait3A_776 = arith.constant 0 : i32
      %dma_wait3A_777 = arith.constant 0 : i32
      %dma_wait3A_778 = tpu.memref_slice %arg8[%dma_wait3A_775, %dma_wait3A_776, %dma_wait3A_777] : memref<13x128x32xf32, #tpu.memory_space<vmem>> -> memref<1x128x32xf32, #tpu.memory_space<vmem>>
      %dma_wait3A_779 = tpu.memref_squeeze %dma_wait3A_778 : memref<1x128x32xf32, #tpu.memory_space<vmem>> -> memref<128x32xf32, #tpu.memory_space<vmem>>
      %dma_wait3A_780 = arith.constant 0 : i32
      %dma_wait3A_781 = tpu.memref_slice %arg7[%add3A_598, %dma_wait3A_780] : memref<79x128xi32, #tpu.memory_space<vmem>> -> memref<1x128xi32, #tpu.memory_space<vmem>>
      %dma_wait3A_782 = tpu.memref_squeeze %dma_wait3A_781 : memref<1x128xi32, #tpu.memory_space<vmem>> -> memref<128xi32, #tpu.memory_space<vmem>>
      %dma_wait3A_783 = arith.constant 0 : i32
      %dma_wait3A_784 = arith.constant 0 : i32
      %dma_wait3A_785 = tpu.memref_slice %arg9[%dma_wait3A_783, %dma_wait3A_784] : memref<10112x32xf32, #tpu.memory_space<vmem_shared>> -> memref<10112x32xf32, #tpu.memory_space<vmem_shared>>
      tpu.wait_indirect_dma semaphore(%arg12 : memref<!tpu.dma_semaphore, #tpu.memory_space<semaphore_mem>>) src(%dma_wait3A_779 : memref<128x32xf32, #tpu.memory_space<vmem>>) dst(%dma_wait3A_785 : memref<10112x32xf32, #tpu.memory_space<vmem_shared>>)
      %dma_wait3A_786 = arith.constant 12 : i32
      %dma_wait3A_787 = arith.constant 0 : i32
      %dma_wait3A_788 = arith.constant 0 : i32
      %dma_wait3A_789 = tpu.memref_slice %arg8[%dma_wait3A_786, %dma_wait3A_787, %dma_wait3A_788] : memref<13x128x32xf32, #tpu.memory_space<vmem>> -> memref<1x128x32xf32, #tpu.memory_space<vmem>>
      %dma_wait3A_790 = tpu.memref_squeeze %dma_wait3A_789 : memref<1x128x32xf32, #tpu.memory_space<vmem>> -> memref<128x32xf32, #tpu.memory_space<vmem>>
      %dma_wait3A_791 = arith.constant 0 : i32
      %dma_wait3A_792 = tpu.memref_slice %arg7[%add3A_628, %dma_wait3A_791] : memref<79x128xi32, #tpu.memory_space<vmem>> -> memref<1x128xi32, #tpu.memory_space<vmem>>
      %dma_wait3A_793 = tpu.memref_squeeze %dma_wait3A_792 : memref<1x128xi32, #tpu.memory_space<vmem>> -> memref<128xi32, #tpu.memory_space<vmem>>
      %dma_wait3A_794 = arith.constant 0 : i32
      %dma_wait3A_795 = arith.constant 0 : i32
      %dma_wait3A_796 = tpu.memref_slice %arg9[%dma_wait3A_794, %dma_wait3A_795] : memref<10112x32xf32, #tpu.memory_space<vmem_shared>> -> memref<10112x32xf32, #tpu.memory_space<vmem_shared>>
      tpu.wait_indirect_dma semaphore(%arg12 : memref<!tpu.dma_semaphore, #tpu.memory_space<semaphore_mem>>) src(%dma_wait3A_790 : memref<128x32xf32, #tpu.memory_space<vmem>>) dst(%dma_wait3A_796 : memref<10112x32xf32, #tpu.memory_space<vmem_shared>>)
    }
    %scan3A_15 = arith.constant 6 : i32
    %convert_element_type3A = arith.extui %lt3A_5 : i1 to i32
    %cond3A = arith.constant 0 : i32
    %cond3A_16 = arith.cmpi ne, %convert_element_type3A, %cond3A : i32
    scf.if %cond3A_16 {
      %add3A_18 = arith.constant 78 : i32
      %add3A_19 = arith.addi %sub3A, %add3A_18 : i32
      %dma_start3A = arith.constant 0 : i32
      %dma_start3A_20 = arith.constant 0 : i32
      %dma_start3A_21 = arith.constant 0 : i32
      %dma_start3A_22 = arith.constant 0 : i32
      %dma_start3A_23 = tpu.memref_slice %arg8[%dma_start3A, %dma_start3A_21, %dma_start3A_22] : memref<13x128x32xf32, #tpu.memory_space<vmem>> -> memref<1x128x32xf32, #tpu.memory_space<vmem>>
      %dma_start3A_24 = tpu.memref_squeeze %dma_start3A_23 : memref<1x128x32xf32, #tpu.memory_space<vmem>> -> memref<128x32xf32, #tpu.memory_space<vmem>>
      %dma_start3A_25 = arith.constant 0 : i32
      %dma_start3A_26 = tpu.memref_slice %arg6[%add3A_19, %dma_start3A_25] : memref<79x128xi32, #tpu.memory_space<vmem>> -> memref<1x128xi32, #tpu.memory_space<vmem>>
      %dma_start3A_27 = tpu.memref_squeeze %dma_start3A_26 : memref<1x128xi32, #tpu.memory_space<vmem>> -> memref<128xi32, #tpu.memory_space<vmem>>
      %dma_start3A_28 = arith.constant 0 : i32
      %dma_start3A_29 = arith.constant 0 : i32
      %dma_start3A_30 = tpu.memref_slice %arg10[%dma_start3A_28, %dma_start3A_29] : memref<10112x32xf32, #tpu.memory_space<vmem_shared>> -> memref<10112x32xf32, #tpu.memory_space<vmem_shared>>
      %dma_start3A_31 = tpu.memref_slice %arg11[%dma_start3A_20] : memref<13x!tpu.dma_semaphore, #tpu.memory_space<semaphore_mem>> -> memref<1x!tpu.dma_semaphore, #tpu.memory_space<semaphore_mem>>
      %dma_start3A_32 = tpu.memref_squeeze %dma_start3A_31 : memref<1x!tpu.dma_semaphore, #tpu.memory_space<semaphore_mem>> -> memref<!tpu.dma_semaphore, #tpu.memory_space<semaphore_mem>>
      tpu.enqueue_indirect_dma source(%dma_start3A_30 : memref<10112x32xf32, #tpu.memory_space<vmem_shared>>) target(%dma_start3A_24 : memref<128x32xf32, #tpu.memory_space<vmem>>) offsets(%dma_start3A_27 : memref<128xi32, #tpu.memory_space<vmem>>) semaphore(%dma_start3A_32 : memref<!tpu.dma_semaphore, #tpu.memory_space<semaphore_mem>>)
      %dma_wait3A = arith.constant 0 : i32
      %dma_wait3A_33 = arith.constant 0 : i32
      %dma_wait3A_34 = arith.constant 0 : i32
      %dma_wait3A_35 = arith.constant 0 : i32
      %dma_wait3A_36 = tpu.memref_slice %arg8[%dma_wait3A, %dma_wait3A_34, %dma_wait3A_35] : memref<13x128x32xf32, #tpu.memory_space<vmem>> -> memref<1x128x32xf32, #tpu.memory_space<vmem>>
      %dma_wait3A_37 = tpu.memref_squeeze %dma_wait3A_36 : memref<1x128x32xf32, #tpu.memory_space<vmem>> -> memref<128x32xf32, #tpu.memory_space<vmem>>
      %dma_wait3A_38 = arith.constant 0 : i32
      %dma_wait3A_39 = tpu.memref_slice %arg6[%add3A_19, %dma_wait3A_38] : memref<79x128xi32, #tpu.memory_space<vmem>> -> memref<1x128xi32, #tpu.memory_space<vmem>>
      %dma_wait3A_40 = tpu.memref_squeeze %dma_wait3A_39 : memref<1x128xi32, #tpu.memory_space<vmem>> -> memref<128xi32, #tpu.memory_space<vmem>>
      %dma_wait3A_41 = arith.constant 0 : i32
      %dma_wait3A_42 = arith.constant 0 : i32
      %dma_wait3A_43 = tpu.memref_slice %arg10[%dma_wait3A_41, %dma_wait3A_42] : memref<10112x32xf32, #tpu.memory_space<vmem_shared>> -> memref<10112x32xf32, #tpu.memory_space<vmem_shared>>
      %dma_wait3A_44 = tpu.memref_slice %arg11[%dma_wait3A_33] : memref<13x!tpu.dma_semaphore, #tpu.memory_space<semaphore_mem>> -> memref<1x!tpu.dma_semaphore, #tpu.memory_space<semaphore_mem>>
      %dma_wait3A_45 = tpu.memref_squeeze %dma_wait3A_44 : memref<1x!tpu.dma_semaphore, #tpu.memory_space<semaphore_mem>> -> memref<!tpu.dma_semaphore, #tpu.memory_space<semaphore_mem>>
      tpu.wait_indirect_dma semaphore(%dma_wait3A_45 : memref<!tpu.dma_semaphore, #tpu.memory_space<semaphore_mem>>) src(%dma_wait3A_43 : memref<10112x32xf32, #tpu.memory_space<vmem_shared>>) dst(%dma_wait3A_37 : memref<128x32xf32, #tpu.memory_space<vmem>>)
      %run_scoped3A_46 = arith.constant 0 : i32
      "tpu.region"() ({
        %run_scoped3A_47 = tpu.sem_alloc : memref<!tpu.dma_semaphore, #tpu.memory_space<semaphore_mem>>
        %dma_start3A_48 = arith.constant 0 : i32
        %dma_start3A_49 = arith.constant 0 : i32
        %dma_start3A_50 = tpu.memref_slice %arg8[%run_scoped3A_46, %dma_start3A_48, %dma_start3A_49] : memref<13x128x32xf32, #tpu.memory_space<vmem>> -> memref<1x128x32xf32, #tpu.memory_space<vmem>>
        %dma_start3A_51 = tpu.memref_squeeze %dma_start3A_50 : memref<1x128x32xf32, #tpu.memory_space<vmem>> -> memref<128x32xf32, #tpu.memory_space<vmem>>
        %dma_start3A_52 = arith.constant 0 : i32
        %dma_start3A_53 = tpu.memref_slice %arg7[%add3A_19, %dma_start3A_52] : memref<79x128xi32, #tpu.memory_space<vmem>> -> memref<1x128xi32, #tpu.memory_space<vmem>>
        %dma_start3A_54 = tpu.memref_squeeze %dma_start3A_53 : memref<1x128xi32, #tpu.memory_space<vmem>> -> memref<128xi32, #tpu.memory_space<vmem>>
        %dma_start3A_55 = arith.constant 0 : i32
        %dma_start3A_56 = arith.constant 0 : i32
        %dma_start3A_57 = tpu.memref_slice %arg9[%dma_start3A_55, %dma_start3A_56] : memref<10112x32xf32, #tpu.memory_space<vmem_shared>> -> memref<10112x32xf32, #tpu.memory_space<vmem_shared>>
        tpu.enqueue_indirect_dma source(%dma_start3A_51 : memref<128x32xf32, #tpu.memory_space<vmem>>) target(%dma_start3A_57 : memref<10112x32xf32, #tpu.memory_space<vmem_shared>>) offsets(%dma_start3A_54 : memref<128xi32, #tpu.memory_space<vmem>>) semaphore(%run_scoped3A_47 : memref<!tpu.dma_semaphore, #tpu.memory_space<semaphore_mem>>) {add = true}
        %dma_wait3A_58 = arith.constant 0 : i32
        %dma_wait3A_59 = arith.constant 0 : i32
        %dma_wait3A_60 = tpu.memref_slice %arg8[%run_scoped3A_46, %dma_wait3A_58, %dma_wait3A_59] : memref<13x128x32xf32, #tpu.memory_space<vmem>> -> memref<1x128x32xf32, #tpu.memory_space<vmem>>
        %dma_wait3A_61 = tpu.memref_squeeze %dma_wait3A_60 : memref<1x128x32xf32, #tpu.memory_space<vmem>> -> memref<128x32xf32, #tpu.memory_space<vmem>>
        %dma_wait3A_62 = arith.constant 0 : i32
        %dma_wait3A_63 = tpu.memref_slice %arg7[%add3A_19, %dma_wait3A_62] : memref<79x128xi32, #tpu.memory_space<vmem>> -> memref<1x128xi32, #tpu.memory_space<vmem>>
        %dma_wait3A_64 = tpu.memref_squeeze %dma_wait3A_63 : memref<1x128xi32, #tpu.memory_space<vmem>> -> memref<128xi32, #tpu.memory_space<vmem>>
        %dma_wait3A_65 = arith.constant 0 : i32
        %dma_wait3A_66 = arith.constant 0 : i32
        %dma_wait3A_67 = tpu.memref_slice %arg9[%dma_wait3A_65, %dma_wait3A_66] : memref<10112x32xf32, #tpu.memory_space<vmem_shared>> -> memref<10112x32xf32, #tpu.memory_space<vmem_shared>>
        tpu.wait_indirect_dma semaphore(%run_scoped3A_47 : memref<!tpu.dma_semaphore, #tpu.memory_space<semaphore_mem>>) src(%dma_wait3A_61 : memref<128x32xf32, #tpu.memory_space<vmem>>) dst(%dma_wait3A_67 : memref<10112x32xf32, #tpu.memory_space<vmem_shared>>)
        tpu.yield
      }) : () -> ()
    } else {
    }
    %barrier3A_17 = arith.constant 0 : index
    tpu.barrier barrier_id(%barrier3A_17)
    "tpu.region"() ({
      %run_scoped3A_18 = tpu.sem_alloc : memref<!tpu.dma_semaphore, #tpu.memory_space<semaphore_mem>>
      %dma_start3A = arith.constant 0 : i32
      %dma_start3A_19 = tpu.memref_slice %arg5[%arg0, %mul3A_9, %dma_start3A] : memref<2x10112x128xf32, #tpu.memory_space<hbm>> -> memref<1x632x32xf32, #tpu.memory_space<hbm>>
      %dma_start3A_20 = tpu.memref_squeeze %dma_start3A_19 : memref<1x632x32xf32, #tpu.memory_space<hbm>> -> memref<632x32xf32, #tpu.memory_space<hbm>>
      %dma_start3A_21 = arith.constant 0 : i32
      %dma_start3A_22 = tpu.memref_slice %arg9[%mul3A_9, %dma_start3A_21] : memref<10112x32xf32, #tpu.memory_space<vmem_shared>> -> memref<632x32xf32, #tpu.memory_space<vmem_shared>>
      tpu.enqueue_dma source(%dma_start3A_22 : memref<632x32xf32, #tpu.memory_space<vmem_shared>>) target(%dma_start3A_20 : memref<632x32xf32, #tpu.memory_space<hbm>>) target_semaphore(%run_scoped3A_18 : memref<!tpu.dma_semaphore, #tpu.memory_space<semaphore_mem>>)
      %dma_wait3A = arith.constant 0 : i32
      %dma_wait3A_23 = tpu.memref_slice %arg5[%arg0, %mul3A_9, %dma_wait3A] : memref<2x10112x128xf32, #tpu.memory_space<hbm>> -> memref<1x632x32xf32, #tpu.memory_space<hbm>>
      %dma_wait3A_24 = tpu.memref_squeeze %dma_wait3A_23 : memref<1x632x32xf32, #tpu.memory_space<hbm>> -> memref<632x32xf32, #tpu.memory_space<hbm>>
      %dma_wait3A_25 = arith.constant 0 : i32
      %dma_wait3A_26 = tpu.memref_slice %arg9[%mul3A_9, %dma_wait3A_25] : memref<10112x32xf32, #tpu.memory_space<vmem_shared>> -> memref<632x32xf32, #tpu.memory_space<vmem_shared>>
      tpu.wait_dma2 semaphore(%run_scoped3A_18 : memref<!tpu.dma_semaphore, #tpu.memory_space<semaphore_mem>>) src(%dma_wait3A_26 : memref<632x32xf32, #tpu.memory_space<vmem_shared>>) dst(%dma_wait3A_24 : memref<632x32xf32, #tpu.memory_space<hbm>>)
      tpu.yield
    }) : () -> ()
    return
  }
}

#map = affine_map<(d0, d1) -> (0, 0, 0)>
#map1 = affine_map<(d0, d1) -> (0, 0)>
module attributes {stable_mosaic.version = 14 : i64} {
  func.func @_deg_body(%arg0: i32, %arg1: i32, %arg2: memref<2x2500x128xi32, #tpu.memory_space<hbm>>, %arg3: memref<128x8xf32, #tpu.memory_space<hbm>>, %arg4: memref<10112x8xf32, #tpu.memory_space<hbm>>, %arg5: memref<2x10112x128xf32, #tpu.memory_space<hbm>>, %arg6: memref<79x128xi32, #tpu.memory_space<vmem>>, %arg7: memref<128x8xf32, #tpu.memory_space<vmem>>, %arg8: memref<10112x8xf32, #tpu.memory_space<vmem_shared>>, %arg9: memref<!tpu.dma_semaphore, #tpu.memory_space<semaphore_mem>>) attributes {dimension_semantics = [#tpu.dimension_semantics<core_parallel>, #tpu.dimension_semantics<subcore_parallel>], iteration_bounds = array<i64: 2, 16>, scalar_prefetch = 0 : i64, scratch_operands = 4 : i64, tpu.core_type = #tpu.core_type<sc_vector_subcore>, window_params = [{transform_indices = #map}, {transform_indices = #map1}, {transform_indices = #map1}, {transform_indices = #map}]} {
    %mul3A = arith.constant 16 : i32
    %mul3A_0 = arith.muli %arg0, %mul3A : i32
    %add3A = arith.addi %mul3A_0, %arg1 : i32
    %mul3A_1 = arith.constant 78 : i32
    %mul3A_2 = arith.muli %add3A, %mul3A_1 : i32
    %min3A = arith.constant 4 : i32
    %min3A_3 = arith.minsi %add3A, %min3A : i32
    %add3A_4 = arith.addi %mul3A_2, %min3A_3 : i32
    %lt3A = arith.constant 4 : i32
    %lt3A_5 = arith.cmpi slt, %add3A, %lt3A : i32
    %min3A_6 = arith.constant 2421 : i32
    %min3A_7 = arith.minsi %add3A_4, %min3A_6 : i32
    %sub3A = arith.subi %add3A_4, %min3A_7 : i32
    %mul3A_8 = arith.constant 632 : i32
    %mul3A_9 = arith.muli %arg1, %mul3A_8 : i32
    "tpu.region"() ({
      %run_scoped3A_17 = tpu.sem_alloc : memref<!tpu.dma_semaphore, #tpu.memory_space<semaphore_mem>>
      %dma_start3A = arith.constant 0 : i32
      %dma_start3A_18 = tpu.memref_slice %arg8[%mul3A_9, %dma_start3A] : memref<10112x8xf32, #tpu.memory_space<vmem_shared>> -> memref<632x8xf32, #tpu.memory_space<vmem_shared>>
      %dma_start3A_19 = arith.constant 0 : i32
      %dma_start3A_20 = tpu.memref_slice %arg4[%mul3A_9, %dma_start3A_19] : memref<10112x8xf32, #tpu.memory_space<hbm>> -> memref<632x8xf32, #tpu.memory_space<hbm>>
      tpu.enqueue_dma source(%dma_start3A_20 : memref<632x8xf32, #tpu.memory_space<hbm>>) target(%dma_start3A_18 : memref<632x8xf32, #tpu.memory_space<vmem_shared>>) target_semaphore(%run_scoped3A_17 : memref<!tpu.dma_semaphore, #tpu.memory_space<semaphore_mem>>)
      %dma_wait3A = arith.constant 0 : i32
      %dma_wait3A_21 = tpu.memref_slice %arg8[%mul3A_9, %dma_wait3A] : memref<10112x8xf32, #tpu.memory_space<vmem_shared>> -> memref<632x8xf32, #tpu.memory_space<vmem_shared>>
      %dma_wait3A_22 = arith.constant 0 : i32
      %dma_wait3A_23 = tpu.memref_slice %arg4[%mul3A_9, %dma_wait3A_22] : memref<10112x8xf32, #tpu.memory_space<hbm>> -> memref<632x8xf32, #tpu.memory_space<hbm>>
      tpu.wait_dma2 semaphore(%run_scoped3A_17 : memref<!tpu.dma_semaphore, #tpu.memory_space<semaphore_mem>>) src(%dma_wait3A_23 : memref<632x8xf32, #tpu.memory_space<hbm>>) dst(%dma_wait3A_21 : memref<632x8xf32, #tpu.memory_space<vmem_shared>>)
      tpu.yield
    }) : () -> ()
    %run_scoped3A = arith.constant 1 : i32
    "tpu.region"() ({
      %run_scoped3A_17 = tpu.sem_alloc : memref<!tpu.dma_semaphore, #tpu.memory_space<semaphore_mem>>
      %dma_start3A = arith.constant 0 : i32
      %dma_start3A_18 = tpu.memref_slice %arg2[%run_scoped3A, %min3A_7, %dma_start3A] : memref<2x2500x128xi32, #tpu.memory_space<hbm>> -> memref<1x79x128xi32, #tpu.memory_space<hbm>>
      %dma_start3A_19 = tpu.memref_squeeze %dma_start3A_18 : memref<1x79x128xi32, #tpu.memory_space<hbm>> -> memref<79x128xi32, #tpu.memory_space<hbm>>
      %dma_start3A_20 = arith.constant 0 : i32
      %dma_start3A_21 = tpu.memref_slice %arg2[%run_scoped3A, %min3A_7, %dma_start3A_20] : memref<2x2500x128xi32, #tpu.memory_space<hbm>> -> memref<1x79x128xi32, #tpu.memory_space<hbm>>
      %dma_start3A_22 = tpu.memref_squeeze %dma_start3A_21 : memref<1x79x128xi32, #tpu.memory_space<hbm>> -> memref<79x128xi32, #tpu.memory_space<hbm>>
      tpu.enqueue_dma source(%dma_start3A_22 : memref<79x128xi32, #tpu.memory_space<hbm>>) target(%arg6 : memref<79x128xi32, #tpu.memory_space<vmem>>) target_semaphore(%run_scoped3A_17 : memref<!tpu.dma_semaphore, #tpu.memory_space<semaphore_mem>>)
      %dma_wait3A = arith.constant 0 : i32
      %dma_wait3A_23 = tpu.memref_slice %arg2[%run_scoped3A, %min3A_7, %dma_wait3A] : memref<2x2500x128xi32, #tpu.memory_space<hbm>> -> memref<1x79x128xi32, #tpu.memory_space<hbm>>
      %dma_wait3A_24 = tpu.memref_squeeze %dma_wait3A_23 : memref<1x79x128xi32, #tpu.memory_space<hbm>> -> memref<79x128xi32, #tpu.memory_space<hbm>>
      %dma_wait3A_25 = arith.constant 0 : i32
      %dma_wait3A_26 = tpu.memref_slice %arg2[%run_scoped3A, %min3A_7, %dma_wait3A_25] : memref<2x2500x128xi32, #tpu.memory_space<hbm>> -> memref<1x79x128xi32, #tpu.memory_space<hbm>>
      %dma_wait3A_27 = tpu.memref_squeeze %dma_wait3A_26 : memref<1x79x128xi32, #tpu.memory_space<hbm>> -> memref<79x128xi32, #tpu.memory_space<hbm>>
      tpu.wait_dma2 semaphore(%run_scoped3A_17 : memref<!tpu.dma_semaphore, #tpu.memory_space<semaphore_mem>>) src(%dma_wait3A_27 : memref<79x128xi32, #tpu.memory_space<hbm>>) dst(%arg6 : memref<79x128xi32, #tpu.memory_space<vmem>>)
      tpu.yield
    }) : () -> ()
    "tpu.region"() ({
      %run_scoped3A_17 = tpu.sem_alloc : memref<!tpu.dma_semaphore, #tpu.memory_space<semaphore_mem>>
      tpu.enqueue_dma source(%arg3 : memref<128x8xf32, #tpu.memory_space<hbm>>) target(%arg7 : memref<128x8xf32, #tpu.memory_space<vmem>>) target_semaphore(%run_scoped3A_17 : memref<!tpu.dma_semaphore, #tpu.memory_space<semaphore_mem>>)
      tpu.wait_dma2 semaphore(%run_scoped3A_17 : memref<!tpu.dma_semaphore, #tpu.memory_space<semaphore_mem>>) src(%arg3 : memref<128x8xf32, #tpu.memory_space<hbm>>) dst(%arg7 : memref<128x8xf32, #tpu.memory_space<vmem>>)
      tpu.yield
    }) : () -> ()
    %barrier3A = arith.constant 0 : index
    tpu.barrier barrier_id(%barrier3A)
    %scan3A = arith.constant 0 : i32
    %scan3A_10 = arith.constant 0 : i32
    %scan3A_11 = arith.constant 6 : i32
    %scan3A_12 = arith.addi %scan3A_10, %scan3A_11 : i32
    %scan3A_13 = arith.constant 1 : i32
    scf.for %scan3A_17 = %scan3A_10 to %scan3A_12 step %scan3A_13  : i32 {
      %mul3A_18 = arith.constant 13 : i32
      %mul3A_19 = arith.muli %scan3A_17, %mul3A_18 : i32
      %add3A_20 = arith.addi %sub3A, %mul3A_19 : i32
      %add3A_21 = arith.constant 0 : i32
      %add3A_22 = arith.addi %add3A_20, %add3A_21 : i32
      %dma_start3A = arith.constant 0 : i32
      %dma_start3A_23 = tpu.memref_slice %arg6[%add3A_22, %dma_start3A] : memref<79x128xi32, #tpu.memory_space<vmem>> -> memref<1x128xi32, #tpu.memory_space<vmem>>
      %dma_start3A_24 = tpu.memref_squeeze %dma_start3A_23 : memref<1x128xi32, #tpu.memory_space<vmem>> -> memref<128xi32, #tpu.memory_space<vmem>>
      %dma_start3A_25 = arith.constant 0 : i32
      %dma_start3A_26 = arith.constant 0 : i32
      %dma_start3A_27 = tpu.memref_slice %arg8[%dma_start3A_25, %dma_start3A_26] : memref<10112x8xf32, #tpu.memory_space<vmem_shared>> -> memref<10112x8xf32, #tpu.memory_space<vmem_shared>>
      tpu.enqueue_indirect_dma source(%arg7 : memref<128x8xf32, #tpu.memory_space<vmem>>) target(%dma_start3A_27 : memref<10112x8xf32, #tpu.memory_space<vmem_shared>>) offsets(%dma_start3A_24 : memref<128xi32, #tpu.memory_space<vmem>>) semaphore(%arg9 : memref<!tpu.dma_semaphore, #tpu.memory_space<semaphore_mem>>) {add = true}
      %mul3A_28 = arith.constant 13 : i32
      %mul3A_29 = arith.muli %scan3A_17, %mul3A_28 : i32
      %add3A_30 = arith.addi %sub3A, %mul3A_29 : i32
      %add3A_31 = arith.constant 1 : i32
      %add3A_32 = arith.addi %add3A_30, %add3A_31 : i32
      %dma_start3A_33 = arith.constant 0 : i32
      %dma_start3A_34 = tpu.memref_slice %arg6[%add3A_32, %dma_start3A_33] : memref<79x128xi32, #tpu.memory_space<vmem>> -> memref<1x128xi32, #tpu.memory_space<vmem>>
      %dma_start3A_35 = tpu.memref_squeeze %dma_start3A_34 : memref<1x128xi32, #tpu.memory_space<vmem>> -> memref<128xi32, #tpu.memory_space<vmem>>
      %dma_start3A_36 = arith.constant 0 : i32
      %dma_start3A_37 = arith.constant 0 : i32
      %dma_start3A_38 = tpu.memref_slice %arg8[%dma_start3A_36, %dma_start3A_37] : memref<10112x8xf32, #tpu.memory_space<vmem_shared>> -> memref<10112x8xf32, #tpu.memory_space<vmem_shared>>
      tpu.enqueue_indirect_dma source(%arg7 : memref<128x8xf32, #tpu.memory_space<vmem>>) target(%dma_start3A_38 : memref<10112x8xf32, #tpu.memory_space<vmem_shared>>) offsets(%dma_start3A_35 : memref<128xi32, #tpu.memory_space<vmem>>) semaphore(%arg9 : memref<!tpu.dma_semaphore, #tpu.memory_space<semaphore_mem>>) {add = true}
      %mul3A_39 = arith.constant 13 : i32
      %mul3A_40 = arith.muli %scan3A_17, %mul3A_39 : i32
      %add3A_41 = arith.addi %sub3A, %mul3A_40 : i32
      %add3A_42 = arith.constant 2 : i32
      %add3A_43 = arith.addi %add3A_41, %add3A_42 : i32
      %dma_start3A_44 = arith.constant 0 : i32
      %dma_start3A_45 = tpu.memref_slice %arg6[%add3A_43, %dma_start3A_44] : memref<79x128xi32, #tpu.memory_space<vmem>> -> memref<1x128xi32, #tpu.memory_space<vmem>>
      %dma_start3A_46 = tpu.memref_squeeze %dma_start3A_45 : memref<1x128xi32, #tpu.memory_space<vmem>> -> memref<128xi32, #tpu.memory_space<vmem>>
      %dma_start3A_47 = arith.constant 0 : i32
      %dma_start3A_48 = arith.constant 0 : i32
      %dma_start3A_49 = tpu.memref_slice %arg8[%dma_start3A_47, %dma_start3A_48] : memref<10112x8xf32, #tpu.memory_space<vmem_shared>> -> memref<10112x8xf32, #tpu.memory_space<vmem_shared>>
      tpu.enqueue_indirect_dma source(%arg7 : memref<128x8xf32, #tpu.memory_space<vmem>>) target(%dma_start3A_49 : memref<10112x8xf32, #tpu.memory_space<vmem_shared>>) offsets(%dma_start3A_46 : memref<128xi32, #tpu.memory_space<vmem>>) semaphore(%arg9 : memref<!tpu.dma_semaphore, #tpu.memory_space<semaphore_mem>>) {add = true}
      %mul3A_50 = arith.constant 13 : i32
      %mul3A_51 = arith.muli %scan3A_17, %mul3A_50 : i32
      %add3A_52 = arith.addi %sub3A, %mul3A_51 : i32
      %add3A_53 = arith.constant 3 : i32
      %add3A_54 = arith.addi %add3A_52, %add3A_53 : i32
      %dma_start3A_55 = arith.constant 0 : i32
      %dma_start3A_56 = tpu.memref_slice %arg6[%add3A_54, %dma_start3A_55] : memref<79x128xi32, #tpu.memory_space<vmem>> -> memref<1x128xi32, #tpu.memory_space<vmem>>
      %dma_start3A_57 = tpu.memref_squeeze %dma_start3A_56 : memref<1x128xi32, #tpu.memory_space<vmem>> -> memref<128xi32, #tpu.memory_space<vmem>>
      %dma_start3A_58 = arith.constant 0 : i32
      %dma_start3A_59 = arith.constant 0 : i32
      %dma_start3A_60 = tpu.memref_slice %arg8[%dma_start3A_58, %dma_start3A_59] : memref<10112x8xf32, #tpu.memory_space<vmem_shared>> -> memref<10112x8xf32, #tpu.memory_space<vmem_shared>>
      tpu.enqueue_indirect_dma source(%arg7 : memref<128x8xf32, #tpu.memory_space<vmem>>) target(%dma_start3A_60 : memref<10112x8xf32, #tpu.memory_space<vmem_shared>>) offsets(%dma_start3A_57 : memref<128xi32, #tpu.memory_space<vmem>>) semaphore(%arg9 : memref<!tpu.dma_semaphore, #tpu.memory_space<semaphore_mem>>) {add = true}
      %mul3A_61 = arith.constant 13 : i32
      %mul3A_62 = arith.muli %scan3A_17, %mul3A_61 : i32
      %add3A_63 = arith.addi %sub3A, %mul3A_62 : i32
      %add3A_64 = arith.constant 4 : i32
      %add3A_65 = arith.addi %add3A_63, %add3A_64 : i32
      %dma_start3A_66 = arith.constant 0 : i32
      %dma_start3A_67 = tpu.memref_slice %arg6[%add3A_65, %dma_start3A_66] : memref<79x128xi32, #tpu.memory_space<vmem>> -> memref<1x128xi32, #tpu.memory_space<vmem>>
      %dma_start3A_68 = tpu.memref_squeeze %dma_start3A_67 : memref<1x128xi32, #tpu.memory_space<vmem>> -> memref<128xi32, #tpu.memory_space<vmem>>
      %dma_start3A_69 = arith.constant 0 : i32
      %dma_start3A_70 = arith.constant 0 : i32
      %dma_start3A_71 = tpu.memref_slice %arg8[%dma_start3A_69, %dma_start3A_70] : memref<10112x8xf32, #tpu.memory_space<vmem_shared>> -> memref<10112x8xf32, #tpu.memory_space<vmem_shared>>
      tpu.enqueue_indirect_dma source(%arg7 : memref<128x8xf32, #tpu.memory_space<vmem>>) target(%dma_start3A_71 : memref<10112x8xf32, #tpu.memory_space<vmem_shared>>) offsets(%dma_start3A_68 : memref<128xi32, #tpu.memory_space<vmem>>) semaphore(%arg9 : memref<!tpu.dma_semaphore, #tpu.memory_space<semaphore_mem>>) {add = true}
      %mul3A_72 = arith.constant 13 : i32
      %mul3A_73 = arith.muli %scan3A_17, %mul3A_72 : i32
      %add3A_74 = arith.addi %sub3A, %mul3A_73 : i32
      %add3A_75 = arith.constant 5 : i32
      %add3A_76 = arith.addi %add3A_74, %add3A_75 : i32
      %dma_start3A_77 = arith.constant 0 : i32
      %dma_start3A_78 = tpu.memref_slice %arg6[%add3A_76, %dma_start3A_77] : memref<79x128xi32, #tpu.memory_space<vmem>> -> memref<1x128xi32, #tpu.memory_space<vmem>>
      %dma_start3A_79 = tpu.memref_squeeze %dma_start3A_78 : memref<1x128xi32, #tpu.memory_space<vmem>> -> memref<128xi32, #tpu.memory_space<vmem>>
      %dma_start3A_80 = arith.constant 0 : i32
      %dma_start3A_81 = arith.constant 0 : i32
      %dma_start3A_82 = tpu.memref_slice %arg8[%dma_start3A_80, %dma_start3A_81] : memref<10112x8xf32, #tpu.memory_space<vmem_shared>> -> memref<10112x8xf32, #tpu.memory_space<vmem_shared>>
      tpu.enqueue_indirect_dma source(%arg7 : memref<128x8xf32, #tpu.memory_space<vmem>>) target(%dma_start3A_82 : memref<10112x8xf32, #tpu.memory_space<vmem_shared>>) offsets(%dma_start3A_79 : memref<128xi32, #tpu.memory_space<vmem>>) semaphore(%arg9 : memref<!tpu.dma_semaphore, #tpu.memory_space<semaphore_mem>>) {add = true}
      %mul3A_83 = arith.constant 13 : i32
      %mul3A_84 = arith.muli %scan3A_17, %mul3A_83 : i32
      %add3A_85 = arith.addi %sub3A, %mul3A_84 : i32
      %add3A_86 = arith.constant 6 : i32
      %add3A_87 = arith.addi %add3A_85, %add3A_86 : i32
      %dma_start3A_88 = arith.constant 0 : i32
      %dma_start3A_89 = tpu.memref_slice %arg6[%add3A_87, %dma_start3A_88] : memref<79x128xi32, #tpu.memory_space<vmem>> -> memref<1x128xi32, #tpu.memory_space<vmem>>
      %dma_start3A_90 = tpu.memref_squeeze %dma_start3A_89 : memref<1x128xi32, #tpu.memory_space<vmem>> -> memref<128xi32, #tpu.memory_space<vmem>>
      %dma_start3A_91 = arith.constant 0 : i32
      %dma_start3A_92 = arith.constant 0 : i32
      %dma_start3A_93 = tpu.memref_slice %arg8[%dma_start3A_91, %dma_start3A_92] : memref<10112x8xf32, #tpu.memory_space<vmem_shared>> -> memref<10112x8xf32, #tpu.memory_space<vmem_shared>>
      tpu.enqueue_indirect_dma source(%arg7 : memref<128x8xf32, #tpu.memory_space<vmem>>) target(%dma_start3A_93 : memref<10112x8xf32, #tpu.memory_space<vmem_shared>>) offsets(%dma_start3A_90 : memref<128xi32, #tpu.memory_space<vmem>>) semaphore(%arg9 : memref<!tpu.dma_semaphore, #tpu.memory_space<semaphore_mem>>) {add = true}
      %mul3A_94 = arith.constant 13 : i32
      %mul3A_95 = arith.muli %scan3A_17, %mul3A_94 : i32
      %add3A_96 = arith.addi %sub3A, %mul3A_95 : i32
      %add3A_97 = arith.constant 7 : i32
      %add3A_98 = arith.addi %add3A_96, %add3A_97 : i32
      %dma_start3A_99 = arith.constant 0 : i32
      %dma_start3A_100 = tpu.memref_slice %arg6[%add3A_98, %dma_start3A_99] : memref<79x128xi32, #tpu.memory_space<vmem>> -> memref<1x128xi32, #tpu.memory_space<vmem>>
      %dma_start3A_101 = tpu.memref_squeeze %dma_start3A_100 : memref<1x128xi32, #tpu.memory_space<vmem>> -> memref<128xi32, #tpu.memory_space<vmem>>
      %dma_start3A_102 = arith.constant 0 : i32
      %dma_start3A_103 = arith.constant 0 : i32
      %dma_start3A_104 = tpu.memref_slice %arg8[%dma_start3A_102, %dma_start3A_103] : memref<10112x8xf32, #tpu.memory_space<vmem_shared>> -> memref<10112x8xf32, #tpu.memory_space<vmem_shared>>
      tpu.enqueue_indirect_dma source(%arg7 : memref<128x8xf32, #tpu.memory_space<vmem>>) target(%dma_start3A_104 : memref<10112x8xf32, #tpu.memory_space<vmem_shared>>) offsets(%dma_start3A_101 : memref<128xi32, #tpu.memory_space<vmem>>) semaphore(%arg9 : memref<!tpu.dma_semaphore, #tpu.memory_space<semaphore_mem>>) {add = true}
      %mul3A_105 = arith.constant 13 : i32
      %mul3A_106 = arith.muli %scan3A_17, %mul3A_105 : i32
      %add3A_107 = arith.addi %sub3A, %mul3A_106 : i32
      %add3A_108 = arith.constant 8 : i32
      %add3A_109 = arith.addi %add3A_107, %add3A_108 : i32
      %dma_start3A_110 = arith.constant 0 : i32
      %dma_start3A_111 = tpu.memref_slice %arg6[%add3A_109, %dma_start3A_110] : memref<79x128xi32, #tpu.memory_space<vmem>> -> memref<1x128xi32, #tpu.memory_space<vmem>>
      %dma_start3A_112 = tpu.memref_squeeze %dma_start3A_111 : memref<1x128xi32, #tpu.memory_space<vmem>> -> memref<128xi32, #tpu.memory_space<vmem>>
      %dma_start3A_113 = arith.constant 0 : i32
      %dma_start3A_114 = arith.constant 0 : i32
      %dma_start3A_115 = tpu.memref_slice %arg8[%dma_start3A_113, %dma_start3A_114] : memref<10112x8xf32, #tpu.memory_space<vmem_shared>> -> memref<10112x8xf32, #tpu.memory_space<vmem_shared>>
      tpu.enqueue_indirect_dma source(%arg7 : memref<128x8xf32, #tpu.memory_space<vmem>>) target(%dma_start3A_115 : memref<10112x8xf32, #tpu.memory_space<vmem_shared>>) offsets(%dma_start3A_112 : memref<128xi32, #tpu.memory_space<vmem>>) semaphore(%arg9 : memref<!tpu.dma_semaphore, #tpu.memory_space<semaphore_mem>>) {add = true}
      %mul3A_116 = arith.constant 13 : i32
      %mul3A_117 = arith.muli %scan3A_17, %mul3A_116 : i32
      %add3A_118 = arith.addi %sub3A, %mul3A_117 : i32
      %add3A_119 = arith.constant 9 : i32
      %add3A_120 = arith.addi %add3A_118, %add3A_119 : i32
      %dma_start3A_121 = arith.constant 0 : i32
      %dma_start3A_122 = tpu.memref_slice %arg6[%add3A_120, %dma_start3A_121] : memref<79x128xi32, #tpu.memory_space<vmem>> -> memref<1x128xi32, #tpu.memory_space<vmem>>
      %dma_start3A_123 = tpu.memref_squeeze %dma_start3A_122 : memref<1x128xi32, #tpu.memory_space<vmem>> -> memref<128xi32, #tpu.memory_space<vmem>>
      %dma_start3A_124 = arith.constant 0 : i32
      %dma_start3A_125 = arith.constant 0 : i32
      %dma_start3A_126 = tpu.memref_slice %arg8[%dma_start3A_124, %dma_start3A_125] : memref<10112x8xf32, #tpu.memory_space<vmem_shared>> -> memref<10112x8xf32, #tpu.memory_space<vmem_shared>>
      tpu.enqueue_indirect_dma source(%arg7 : memref<128x8xf32, #tpu.memory_space<vmem>>) target(%dma_start3A_126 : memref<10112x8xf32, #tpu.memory_space<vmem_shared>>) offsets(%dma_start3A_123 : memref<128xi32, #tpu.memory_space<vmem>>) semaphore(%arg9 : memref<!tpu.dma_semaphore, #tpu.memory_space<semaphore_mem>>) {add = true}
      %mul3A_127 = arith.constant 13 : i32
      %mul3A_128 = arith.muli %scan3A_17, %mul3A_127 : i32
      %add3A_129 = arith.addi %sub3A, %mul3A_128 : i32
      %add3A_130 = arith.constant 10 : i32
      %add3A_131 = arith.addi %add3A_129, %add3A_130 : i32
      %dma_start3A_132 = arith.constant 0 : i32
      %dma_start3A_133 = tpu.memref_slice %arg6[%add3A_131, %dma_start3A_132] : memref<79x128xi32, #tpu.memory_space<vmem>> -> memref<1x128xi32, #tpu.memory_space<vmem>>
      %dma_start3A_134 = tpu.memref_squeeze %dma_start3A_133 : memref<1x128xi32, #tpu.memory_space<vmem>> -> memref<128xi32, #tpu.memory_space<vmem>>
      %dma_start3A_135 = arith.constant 0 : i32
      %dma_start3A_136 = arith.constant 0 : i32
      %dma_start3A_137 = tpu.memref_slice %arg8[%dma_start3A_135, %dma_start3A_136] : memref<10112x8xf32, #tpu.memory_space<vmem_shared>> -> memref<10112x8xf32, #tpu.memory_space<vmem_shared>>
      tpu.enqueue_indirect_dma source(%arg7 : memref<128x8xf32, #tpu.memory_space<vmem>>) target(%dma_start3A_137 : memref<10112x8xf32, #tpu.memory_space<vmem_shared>>) offsets(%dma_start3A_134 : memref<128xi32, #tpu.memory_space<vmem>>) semaphore(%arg9 : memref<!tpu.dma_semaphore, #tpu.memory_space<semaphore_mem>>) {add = true}
      %mul3A_138 = arith.constant 13 : i32
      %mul3A_139 = arith.muli %scan3A_17, %mul3A_138 : i32
      %add3A_140 = arith.addi %sub3A, %mul3A_139 : i32
      %add3A_141 = arith.constant 11 : i32
      %add3A_142 = arith.addi %add3A_140, %add3A_141 : i32
      %dma_start3A_143 = arith.constant 0 : i32
      %dma_start3A_144 = tpu.memref_slice %arg6[%add3A_142, %dma_start3A_143] : memref<79x128xi32, #tpu.memory_space<vmem>> -> memref<1x128xi32, #tpu.memory_space<vmem>>
      %dma_start3A_145 = tpu.memref_squeeze %dma_start3A_144 : memref<1x128xi32, #tpu.memory_space<vmem>> -> memref<128xi32, #tpu.memory_space<vmem>>
      %dma_start3A_146 = arith.constant 0 : i32
      %dma_start3A_147 = arith.constant 0 : i32
      %dma_start3A_148 = tpu.memref_slice %arg8[%dma_start3A_146, %dma_start3A_147] : memref<10112x8xf32, #tpu.memory_space<vmem_shared>> -> memref<10112x8xf32, #tpu.memory_space<vmem_shared>>
      tpu.enqueue_indirect_dma source(%arg7 : memref<128x8xf32, #tpu.memory_space<vmem>>) target(%dma_start3A_148 : memref<10112x8xf32, #tpu.memory_space<vmem_shared>>) offsets(%dma_start3A_145 : memref<128xi32, #tpu.memory_space<vmem>>) semaphore(%arg9 : memref<!tpu.dma_semaphore, #tpu.memory_space<semaphore_mem>>) {add = true}
      %mul3A_149 = arith.constant 13 : i32
      %mul3A_150 = arith.muli %scan3A_17, %mul3A_149 : i32
      %add3A_151 = arith.addi %sub3A, %mul3A_150 : i32
      %add3A_152 = arith.constant 12 : i32
      %add3A_153 = arith.addi %add3A_151, %add3A_152 : i32
      %dma_start3A_154 = arith.constant 0 : i32
      %dma_start3A_155 = tpu.memref_slice %arg6[%add3A_153, %dma_start3A_154] : memref<79x128xi32, #tpu.memory_space<vmem>> -> memref<1x128xi32, #tpu.memory_space<vmem>>
      %dma_start3A_156 = tpu.memref_squeeze %dma_start3A_155 : memref<1x128xi32, #tpu.memory_space<vmem>> -> memref<128xi32, #tpu.memory_space<vmem>>
      %dma_start3A_157 = arith.constant 0 : i32
      %dma_start3A_158 = arith.constant 0 : i32
      %dma_start3A_159 = tpu.memref_slice %arg8[%dma_start3A_157, %dma_start3A_158] : memref<10112x8xf32, #tpu.memory_space<vmem_shared>> -> memref<10112x8xf32, #tpu.memory_space<vmem_shared>>
      tpu.enqueue_indirect_dma source(%arg7 : memref<128x8xf32, #tpu.memory_space<vmem>>) target(%dma_start3A_159 : memref<10112x8xf32, #tpu.memory_space<vmem_shared>>) offsets(%dma_start3A_156 : memref<128xi32, #tpu.memory_space<vmem>>) semaphore(%arg9 : memref<!tpu.dma_semaphore, #tpu.memory_space<semaphore_mem>>) {add = true}
      %dma_wait3A = arith.constant 0 : i32
      %dma_wait3A_160 = tpu.memref_slice %arg6[%add3A_22, %dma_wait3A] : memref<79x128xi32, #tpu.memory_space<vmem>> -> memref<1x128xi32, #tpu.memory_space<vmem>>
      %dma_wait3A_161 = tpu.memref_squeeze %dma_wait3A_160 : memref<1x128xi32, #tpu.memory_space<vmem>> -> memref<128xi32, #tpu.memory_space<vmem>>
      %dma_wait3A_162 = arith.constant 0 : i32
      %dma_wait3A_163 = arith.constant 0 : i32
      %dma_wait3A_164 = tpu.memref_slice %arg8[%dma_wait3A_162, %dma_wait3A_163] : memref<10112x8xf32, #tpu.memory_space<vmem_shared>> -> memref<10112x8xf32, #tpu.memory_space<vmem_shared>>
      tpu.wait_indirect_dma semaphore(%arg9 : memref<!tpu.dma_semaphore, #tpu.memory_space<semaphore_mem>>) src(%arg7 : memref<128x8xf32, #tpu.memory_space<vmem>>) dst(%dma_wait3A_164 : memref<10112x8xf32, #tpu.memory_space<vmem_shared>>)
      %dma_wait3A_165 = arith.constant 0 : i32
      %dma_wait3A_166 = tpu.memref_slice %arg6[%add3A_32, %dma_wait3A_165] : memref<79x128xi32, #tpu.memory_space<vmem>> -> memref<1x128xi32, #tpu.memory_space<vmem>>
      %dma_wait3A_167 = tpu.memref_squeeze %dma_wait3A_166 : memref<1x128xi32, #tpu.memory_space<vmem>> -> memref<128xi32, #tpu.memory_space<vmem>>
      %dma_wait3A_168 = arith.constant 0 : i32
      %dma_wait3A_169 = arith.constant 0 : i32
      %dma_wait3A_170 = tpu.memref_slice %arg8[%dma_wait3A_168, %dma_wait3A_169] : memref<10112x8xf32, #tpu.memory_space<vmem_shared>> -> memref<10112x8xf32, #tpu.memory_space<vmem_shared>>
      tpu.wait_indirect_dma semaphore(%arg9 : memref<!tpu.dma_semaphore, #tpu.memory_space<semaphore_mem>>) src(%arg7 : memref<128x8xf32, #tpu.memory_space<vmem>>) dst(%dma_wait3A_170 : memref<10112x8xf32, #tpu.memory_space<vmem_shared>>)
      %dma_wait3A_171 = arith.constant 0 : i32
      %dma_wait3A_172 = tpu.memref_slice %arg6[%add3A_43, %dma_wait3A_171] : memref<79x128xi32, #tpu.memory_space<vmem>> -> memref<1x128xi32, #tpu.memory_space<vmem>>
      %dma_wait3A_173 = tpu.memref_squeeze %dma_wait3A_172 : memref<1x128xi32, #tpu.memory_space<vmem>> -> memref<128xi32, #tpu.memory_space<vmem>>
      %dma_wait3A_174 = arith.constant 0 : i32
      %dma_wait3A_175 = arith.constant 0 : i32
      %dma_wait3A_176 = tpu.memref_slice %arg8[%dma_wait3A_174, %dma_wait3A_175] : memref<10112x8xf32, #tpu.memory_space<vmem_shared>> -> memref<10112x8xf32, #tpu.memory_space<vmem_shared>>
      tpu.wait_indirect_dma semaphore(%arg9 : memref<!tpu.dma_semaphore, #tpu.memory_space<semaphore_mem>>) src(%arg7 : memref<128x8xf32, #tpu.memory_space<vmem>>) dst(%dma_wait3A_176 : memref<10112x8xf32, #tpu.memory_space<vmem_shared>>)
      %dma_wait3A_177 = arith.constant 0 : i32
      %dma_wait3A_178 = tpu.memref_slice %arg6[%add3A_54, %dma_wait3A_177] : memref<79x128xi32, #tpu.memory_space<vmem>> -> memref<1x128xi32, #tpu.memory_space<vmem>>
      %dma_wait3A_179 = tpu.memref_squeeze %dma_wait3A_178 : memref<1x128xi32, #tpu.memory_space<vmem>> -> memref<128xi32, #tpu.memory_space<vmem>>
      %dma_wait3A_180 = arith.constant 0 : i32
      %dma_wait3A_181 = arith.constant 0 : i32
      %dma_wait3A_182 = tpu.memref_slice %arg8[%dma_wait3A_180, %dma_wait3A_181] : memref<10112x8xf32, #tpu.memory_space<vmem_shared>> -> memref<10112x8xf32, #tpu.memory_space<vmem_shared>>
      tpu.wait_indirect_dma semaphore(%arg9 : memref<!tpu.dma_semaphore, #tpu.memory_space<semaphore_mem>>) src(%arg7 : memref<128x8xf32, #tpu.memory_space<vmem>>) dst(%dma_wait3A_182 : memref<10112x8xf32, #tpu.memory_space<vmem_shared>>)
      %dma_wait3A_183 = arith.constant 0 : i32
      %dma_wait3A_184 = tpu.memref_slice %arg6[%add3A_65, %dma_wait3A_183] : memref<79x128xi32, #tpu.memory_space<vmem>> -> memref<1x128xi32, #tpu.memory_space<vmem>>
      %dma_wait3A_185 = tpu.memref_squeeze %dma_wait3A_184 : memref<1x128xi32, #tpu.memory_space<vmem>> -> memref<128xi32, #tpu.memory_space<vmem>>
      %dma_wait3A_186 = arith.constant 0 : i32
      %dma_wait3A_187 = arith.constant 0 : i32
      %dma_wait3A_188 = tpu.memref_slice %arg8[%dma_wait3A_186, %dma_wait3A_187] : memref<10112x8xf32, #tpu.memory_space<vmem_shared>> -> memref<10112x8xf32, #tpu.memory_space<vmem_shared>>
      tpu.wait_indirect_dma semaphore(%arg9 : memref<!tpu.dma_semaphore, #tpu.memory_space<semaphore_mem>>) src(%arg7 : memref<128x8xf32, #tpu.memory_space<vmem>>) dst(%dma_wait3A_188 : memref<10112x8xf32, #tpu.memory_space<vmem_shared>>)
      %dma_wait3A_189 = arith.constant 0 : i32
      %dma_wait3A_190 = tpu.memref_slice %arg6[%add3A_76, %dma_wait3A_189] : memref<79x128xi32, #tpu.memory_space<vmem>> -> memref<1x128xi32, #tpu.memory_space<vmem>>
      %dma_wait3A_191 = tpu.memref_squeeze %dma_wait3A_190 : memref<1x128xi32, #tpu.memory_space<vmem>> -> memref<128xi32, #tpu.memory_space<vmem>>
      %dma_wait3A_192 = arith.constant 0 : i32
      %dma_wait3A_193 = arith.constant 0 : i32
      %dma_wait3A_194 = tpu.memref_slice %arg8[%dma_wait3A_192, %dma_wait3A_193] : memref<10112x8xf32, #tpu.memory_space<vmem_shared>> -> memref<10112x8xf32, #tpu.memory_space<vmem_shared>>
      tpu.wait_indirect_dma semaphore(%arg9 : memref<!tpu.dma_semaphore, #tpu.memory_space<semaphore_mem>>) src(%arg7 : memref<128x8xf32, #tpu.memory_space<vmem>>) dst(%dma_wait3A_194 : memref<10112x8xf32, #tpu.memory_space<vmem_shared>>)
      %dma_wait3A_195 = arith.constant 0 : i32
      %dma_wait3A_196 = tpu.memref_slice %arg6[%add3A_87, %dma_wait3A_195] : memref<79x128xi32, #tpu.memory_space<vmem>> -> memref<1x128xi32, #tpu.memory_space<vmem>>
      %dma_wait3A_197 = tpu.memref_squeeze %dma_wait3A_196 : memref<1x128xi32, #tpu.memory_space<vmem>> -> memref<128xi32, #tpu.memory_space<vmem>>
      %dma_wait3A_198 = arith.constant 0 : i32
      %dma_wait3A_199 = arith.constant 0 : i32
      %dma_wait3A_200 = tpu.memref_slice %arg8[%dma_wait3A_198, %dma_wait3A_199] : memref<10112x8xf32, #tpu.memory_space<vmem_shared>> -> memref<10112x8xf32, #tpu.memory_space<vmem_shared>>
      tpu.wait_indirect_dma semaphore(%arg9 : memref<!tpu.dma_semaphore, #tpu.memory_space<semaphore_mem>>) src(%arg7 : memref<128x8xf32, #tpu.memory_space<vmem>>) dst(%dma_wait3A_200 : memref<10112x8xf32, #tpu.memory_space<vmem_shared>>)
      %dma_wait3A_201 = arith.constant 0 : i32
      %dma_wait3A_202 = tpu.memref_slice %arg6[%add3A_98, %dma_wait3A_201] : memref<79x128xi32, #tpu.memory_space<vmem>> -> memref<1x128xi32, #tpu.memory_space<vmem>>
      %dma_wait3A_203 = tpu.memref_squeeze %dma_wait3A_202 : memref<1x128xi32, #tpu.memory_space<vmem>> -> memref<128xi32, #tpu.memory_space<vmem>>
      %dma_wait3A_204 = arith.constant 0 : i32
      %dma_wait3A_205 = arith.constant 0 : i32
      %dma_wait3A_206 = tpu.memref_slice %arg8[%dma_wait3A_204, %dma_wait3A_205] : memref<10112x8xf32, #tpu.memory_space<vmem_shared>> -> memref<10112x8xf32, #tpu.memory_space<vmem_shared>>
      tpu.wait_indirect_dma semaphore(%arg9 : memref<!tpu.dma_semaphore, #tpu.memory_space<semaphore_mem>>) src(%arg7 : memref<128x8xf32, #tpu.memory_space<vmem>>) dst(%dma_wait3A_206 : memref<10112x8xf32, #tpu.memory_space<vmem_shared>>)
      %dma_wait3A_207 = arith.constant 0 : i32
      %dma_wait3A_208 = tpu.memref_slice %arg6[%add3A_109, %dma_wait3A_207] : memref<79x128xi32, #tpu.memory_space<vmem>> -> memref<1x128xi32, #tpu.memory_space<vmem>>
      %dma_wait3A_209 = tpu.memref_squeeze %dma_wait3A_208 : memref<1x128xi32, #tpu.memory_space<vmem>> -> memref<128xi32, #tpu.memory_space<vmem>>
      %dma_wait3A_210 = arith.constant 0 : i32
      %dma_wait3A_211 = arith.constant 0 : i32
      %dma_wait3A_212 = tpu.memref_slice %arg8[%dma_wait3A_210, %dma_wait3A_211] : memref<10112x8xf32, #tpu.memory_space<vmem_shared>> -> memref<10112x8xf32, #tpu.memory_space<vmem_shared>>
      tpu.wait_indirect_dma semaphore(%arg9 : memref<!tpu.dma_semaphore, #tpu.memory_space<semaphore_mem>>) src(%arg7 : memref<128x8xf32, #tpu.memory_space<vmem>>) dst(%dma_wait3A_212 : memref<10112x8xf32, #tpu.memory_space<vmem_shared>>)
      %dma_wait3A_213 = arith.constant 0 : i32
      %dma_wait3A_214 = tpu.memref_slice %arg6[%add3A_120, %dma_wait3A_213] : memref<79x128xi32, #tpu.memory_space<vmem>> -> memref<1x128xi32, #tpu.memory_space<vmem>>
      %dma_wait3A_215 = tpu.memref_squeeze %dma_wait3A_214 : memref<1x128xi32, #tpu.memory_space<vmem>> -> memref<128xi32, #tpu.memory_space<vmem>>
      %dma_wait3A_216 = arith.constant 0 : i32
      %dma_wait3A_217 = arith.constant 0 : i32
      %dma_wait3A_218 = tpu.memref_slice %arg8[%dma_wait3A_216, %dma_wait3A_217] : memref<10112x8xf32, #tpu.memory_space<vmem_shared>> -> memref<10112x8xf32, #tpu.memory_space<vmem_shared>>
      tpu.wait_indirect_dma semaphore(%arg9 : memref<!tpu.dma_semaphore, #tpu.memory_space<semaphore_mem>>) src(%arg7 : memref<128x8xf32, #tpu.memory_space<vmem>>) dst(%dma_wait3A_218 : memref<10112x8xf32, #tpu.memory_space<vmem_shared>>)
      %dma_wait3A_219 = arith.constant 0 : i32
      %dma_wait3A_220 = tpu.memref_slice %arg6[%add3A_131, %dma_wait3A_219] : memref<79x128xi32, #tpu.memory_space<vmem>> -> memref<1x128xi32, #tpu.memory_space<vmem>>
      %dma_wait3A_221 = tpu.memref_squeeze %dma_wait3A_220 : memref<1x128xi32, #tpu.memory_space<vmem>> -> memref<128xi32, #tpu.memory_space<vmem>>
      %dma_wait3A_222 = arith.constant 0 : i32
      %dma_wait3A_223 = arith.constant 0 : i32
      %dma_wait3A_224 = tpu.memref_slice %arg8[%dma_wait3A_222, %dma_wait3A_223] : memref<10112x8xf32, #tpu.memory_space<vmem_shared>> -> memref<10112x8xf32, #tpu.memory_space<vmem_shared>>
      tpu.wait_indirect_dma semaphore(%arg9 : memref<!tpu.dma_semaphore, #tpu.memory_space<semaphore_mem>>) src(%arg7 : memref<128x8xf32, #tpu.memory_space<vmem>>) dst(%dma_wait3A_224 : memref<10112x8xf32, #tpu.memory_space<vmem_shared>>)
      %dma_wait3A_225 = arith.constant 0 : i32
      %dma_wait3A_226 = tpu.memref_slice %arg6[%add3A_142, %dma_wait3A_225] : memref<79x128xi32, #tpu.memory_space<vmem>> -> memref<1x128xi32, #tpu.memory_space<vmem>>
      %dma_wait3A_227 = tpu.memref_squeeze %dma_wait3A_226 : memref<1x128xi32, #tpu.memory_space<vmem>> -> memref<128xi32, #tpu.memory_space<vmem>>
      %dma_wait3A_228 = arith.constant 0 : i32
      %dma_wait3A_229 = arith.constant 0 : i32
      %dma_wait3A_230 = tpu.memref_slice %arg8[%dma_wait3A_228, %dma_wait3A_229] : memref<10112x8xf32, #tpu.memory_space<vmem_shared>> -> memref<10112x8xf32, #tpu.memory_space<vmem_shared>>
      tpu.wait_indirect_dma semaphore(%arg9 : memref<!tpu.dma_semaphore, #tpu.memory_space<semaphore_mem>>) src(%arg7 : memref<128x8xf32, #tpu.memory_space<vmem>>) dst(%dma_wait3A_230 : memref<10112x8xf32, #tpu.memory_space<vmem_shared>>)
      %dma_wait3A_231 = arith.constant 0 : i32
      %dma_wait3A_232 = tpu.memref_slice %arg6[%add3A_153, %dma_wait3A_231] : memref<79x128xi32, #tpu.memory_space<vmem>> -> memref<1x128xi32, #tpu.memory_space<vmem>>
      %dma_wait3A_233 = tpu.memref_squeeze %dma_wait3A_232 : memref<1x128xi32, #tpu.memory_space<vmem>> -> memref<128xi32, #tpu.memory_space<vmem>>
      %dma_wait3A_234 = arith.constant 0 : i32
      %dma_wait3A_235 = arith.constant 0 : i32
      %dma_wait3A_236 = tpu.memref_slice %arg8[%dma_wait3A_234, %dma_wait3A_235] : memref<10112x8xf32, #tpu.memory_space<vmem_shared>> -> memref<10112x8xf32, #tpu.memory_space<vmem_shared>>
      tpu.wait_indirect_dma semaphore(%arg9 : memref<!tpu.dma_semaphore, #tpu.memory_space<semaphore_mem>>) src(%arg7 : memref<128x8xf32, #tpu.memory_space<vmem>>) dst(%dma_wait3A_236 : memref<10112x8xf32, #tpu.memory_space<vmem_shared>>)
    }
    %scan3A_14 = arith.constant 6 : i32
    %convert_element_type3A = arith.extui %lt3A_5 : i1 to i32
    %cond3A = arith.constant 0 : i32
    %cond3A_15 = arith.cmpi ne, %convert_element_type3A, %cond3A : i32
    scf.if %cond3A_15 {
      %add3A_17 = arith.constant 78 : i32
      %add3A_18 = arith.addi %sub3A, %add3A_17 : i32
      "tpu.region"() ({
        %run_scoped3A_19 = tpu.sem_alloc : memref<!tpu.dma_semaphore, #tpu.memory_space<semaphore_mem>>
        %dma_start3A = arith.constant 0 : i32
        %dma_start3A_20 = tpu.memref_slice %arg6[%add3A_18, %dma_start3A] : memref<79x128xi32, #tpu.memory_space<vmem>> -> memref<1x128xi32, #tpu.memory_space<vmem>>
        %dma_start3A_21 = tpu.memref_squeeze %dma_start3A_20 : memref<1x128xi32, #tpu.memory_space<vmem>> -> memref<128xi32, #tpu.memory_space<vmem>>
        %dma_start3A_22 = arith.constant 0 : i32
        %dma_start3A_23 = arith.constant 0 : i32
        %dma_start3A_24 = tpu.memref_slice %arg8[%dma_start3A_22, %dma_start3A_23] : memref<10112x8xf32, #tpu.memory_space<vmem_shared>> -> memref<10112x8xf32, #tpu.memory_space<vmem_shared>>
        tpu.enqueue_indirect_dma source(%arg7 : memref<128x8xf32, #tpu.memory_space<vmem>>) target(%dma_start3A_24 : memref<10112x8xf32, #tpu.memory_space<vmem_shared>>) offsets(%dma_start3A_21 : memref<128xi32, #tpu.memory_space<vmem>>) semaphore(%run_scoped3A_19 : memref<!tpu.dma_semaphore, #tpu.memory_space<semaphore_mem>>) {add = true}
        %dma_wait3A = arith.constant 0 : i32
        %dma_wait3A_25 = tpu.memref_slice %arg6[%add3A_18, %dma_wait3A] : memref<79x128xi32, #tpu.memory_space<vmem>> -> memref<1x128xi32, #tpu.memory_space<vmem>>
        %dma_wait3A_26 = tpu.memref_squeeze %dma_wait3A_25 : memref<1x128xi32, #tpu.memory_space<vmem>> -> memref<128xi32, #tpu.memory_space<vmem>>
        %dma_wait3A_27 = arith.constant 0 : i32
        %dma_wait3A_28 = arith.constant 0 : i32
        %dma_wait3A_29 = tpu.memref_slice %arg8[%dma_wait3A_27, %dma_wait3A_28] : memref<10112x8xf32, #tpu.memory_space<vmem_shared>> -> memref<10112x8xf32, #tpu.memory_space<vmem_shared>>
        tpu.wait_indirect_dma semaphore(%run_scoped3A_19 : memref<!tpu.dma_semaphore, #tpu.memory_space<semaphore_mem>>) src(%arg7 : memref<128x8xf32, #tpu.memory_space<vmem>>) dst(%dma_wait3A_29 : memref<10112x8xf32, #tpu.memory_space<vmem_shared>>)
        tpu.yield
      }) : () -> ()
    } else {
    }
    %barrier3A_16 = arith.constant 0 : index
    tpu.barrier barrier_id(%barrier3A_16)
    "tpu.region"() ({
      %run_scoped3A_17 = tpu.sem_alloc : memref<!tpu.dma_semaphore, #tpu.memory_space<semaphore_mem>>
      %dma_start3A = arith.constant 0 : i32
      %dma_start3A_18 = tpu.memref_slice %arg5[%arg0, %mul3A_9, %dma_start3A] : memref<2x10112x128xf32, #tpu.memory_space<hbm>> -> memref<1x632x8xf32, #tpu.memory_space<hbm>>
      %dma_start3A_19 = tpu.memref_squeeze %dma_start3A_18 : memref<1x632x8xf32, #tpu.memory_space<hbm>> -> memref<632x8xf32, #tpu.memory_space<hbm>>
      %dma_start3A_20 = arith.constant 0 : i32
      %dma_start3A_21 = tpu.memref_slice %arg8[%mul3A_9, %dma_start3A_20] : memref<10112x8xf32, #tpu.memory_space<vmem_shared>> -> memref<632x8xf32, #tpu.memory_space<vmem_shared>>
      tpu.enqueue_dma source(%dma_start3A_21 : memref<632x8xf32, #tpu.memory_space<vmem_shared>>) target(%dma_start3A_19 : memref<632x8xf32, #tpu.memory_space<hbm>>) target_semaphore(%run_scoped3A_17 : memref<!tpu.dma_semaphore, #tpu.memory_space<semaphore_mem>>)
      %dma_wait3A = arith.constant 0 : i32
      %dma_wait3A_22 = tpu.memref_slice %arg5[%arg0, %mul3A_9, %dma_wait3A] : memref<2x10112x128xf32, #tpu.memory_space<hbm>> -> memref<1x632x8xf32, #tpu.memory_space<hbm>>
      %dma_wait3A_23 = tpu.memref_squeeze %dma_wait3A_22 : memref<1x632x8xf32, #tpu.memory_space<hbm>> -> memref<632x8xf32, #tpu.memory_space<hbm>>
      %dma_wait3A_24 = arith.constant 0 : i32
      %dma_wait3A_25 = tpu.memref_slice %arg8[%mul3A_9, %dma_wait3A_24] : memref<10112x8xf32, #tpu.memory_space<vmem_shared>> -> memref<632x8xf32, #tpu.memory_space<vmem_shared>>
      tpu.wait_dma2 semaphore(%run_scoped3A_17 : memref<!tpu.dma_semaphore, #tpu.memory_space<semaphore_mem>>) src(%dma_wait3A_25 : memref<632x8xf32, #tpu.memory_space<vmem_shared>>) dst(%dma_wait3A_23 : memref<632x8xf32, #tpu.memory_space<hbm>>)
      tpu.yield
    }) : () -> ()
    return
  }
}

module attributes {stable_mosaic.version = 14 : i64} {
  func.func @_mm1_body(%arg0: memref<10000x128xf32, #tpu.memory_space<vmem>>, %arg1: memref<128x32xf32, #tpu.memory_space<vmem>>, %arg2: memref<10000x32xf32, #tpu.memory_space<vmem>>) attributes {dimension_semantics = [], scalar_prefetch = 0 : i64, scratch_operands = 0 : i64, tpu.core_type = #tpu.core_type<tc>} {
    %get3A = arith.constant 0 : index
    %get3A_0 = arith.constant 0 : index
    %get3A_1 = vector.load %arg0[%get3A, %get3A_0] : memref<10000x128xf32, #tpu.memory_space<vmem>>, vector<10000x128xf32>
    %get3A_2 = arith.constant 0 : index
    %get3A_3 = arith.constant 0 : index
    %get3A_4 = vector.load %arg1[%get3A_2, %get3A_3] : memref<128x32xf32, #tpu.memory_space<vmem>>, vector<128x32xf32>
    %dot_general3A = arith.constant dense<0.000000e+00> : vector<10000x32xf32>
    %dot_general3A_5 = tpu.matmul %get3A_1, %get3A_4, %dot_general3A {dimension_numbers = #tpu.dot_dimension_numbers<[1], [0], [0], [1], [0, 0, 1, 1], [], []>, transpose_lhs_hint = false} : vector<10000x128xf32>, vector<128x32xf32>, vector<10000x32xf32> -> vector<10000x32xf32>
    %swap3A = arith.constant 0 : index
    %swap3A_6 = arith.constant 0 : index
    %swap3A_7 = vector.load %arg2[%swap3A, %swap3A_6] : memref<10000x32xf32, #tpu.memory_space<vmem>>, vector<10000x32xf32>
    tpu.vector_store %arg2[%swap3A, %swap3A_6], %dot_general3A_5 {strides = array<i32>} : memref<10000x32xf32, #tpu.memory_space<vmem>>, vector<10000x32xf32>,
    return
  }
}

module attributes {stable_mosaic.version = 14 : i64} {
  func.func @_tc1_body(%arg0: memref<2x10112x128xf32, #tpu.memory_space<vmem>>, %arg1: memref<10000x32xf32, #tpu.memory_space<vmem>>, %arg2: memref<10112x128xf32, #tpu.memory_space<vmem>>, %arg3: memref<10112x1xf32, #tpu.memory_space<vmem>>) attributes {dimension_semantics = [], scalar_prefetch = 0 : i64, scratch_operands = 0 : i64, tpu.core_type = #tpu.core_type<tc>} {
    %get3A = arith.constant 0 : index
    %get3A_0 = arith.constant 0 : index
    %get3A_1 = arith.constant 0 : index
    %get3A_2 = vector.load %arg0[%get3A, %get3A_0, %get3A_1] : memref<2x10112x128xf32, #tpu.memory_space<vmem>>, vector<1x10112x1xf32>
    %get3A_3 = vector.shape_cast %get3A_2 : vector<1x10112x1xf32> to vector<10112x1xf32>
    %get3A_4 = arith.constant 1 : index
    %get3A_5 = arith.constant 0 : index
    %get3A_6 = arith.constant 0 : index
    %get3A_7 = vector.load %arg0[%get3A_4, %get3A_5, %get3A_6] : memref<2x10112x128xf32, #tpu.memory_space<vmem>>, vector<1x10112x1xf32>
    %get3A_8 = vector.shape_cast %get3A_7 : vector<1x10112x1xf32> to vector<10112x1xf32>
    %add3A = arith.addf %get3A_3, %get3A_8 : vector<10112x1xf32>
    %add3A_9 = arith.constant 1.000000e+00 : f32
    %add3A_10 = vector.broadcast %add3A_9 : f32 to vector<10112x1xf32>
    %add3A_11 = arith.addf %add3A, %add3A_10 : vector<10112x1xf32>
    %rsqrt3A = math.rsqrt %add3A_11 : vector<10112x1xf32>
    %swap3A = arith.constant 0 : index
    %swap3A_12 = arith.constant 0 : index
    %swap3A_13 = vector.load %arg3[%swap3A, %swap3A_12] : memref<10112x1xf32, #tpu.memory_space<vmem>>, vector<10112x1xf32>
    tpu.vector_store %arg3[%swap3A, %swap3A_12], %rsqrt3A {strides = array<i32>} : memref<10112x1xf32, #tpu.memory_space<vmem>>, vector<10112x1xf32>,
    %slice3A = vector.extract_strided_slice %rsqrt3A {offsets = [0, 0], sizes = [10000, 1], strides = [1, 1]} : vector<10112x1xf32> to vector<10000x1xf32>
    %get3A_14 = arith.constant 0 : index
    %get3A_15 = arith.constant 0 : index
    %get3A_16 = vector.load %arg1[%get3A_14, %get3A_15] : memref<10000x32xf32, #tpu.memory_space<vmem>>, vector<10000x32xf32>
    %mul3A = vector.broadcast %slice3A : vector<10000x1xf32> to vector<10000x32xf32>
    %mul3A_17 = arith.mulf %mul3A, %get3A_16 : vector<10000x32xf32>
    %swap3A_18 = arith.constant 0 : index
    %swap3A_19 = arith.constant 0 : index
    %swap3A_20 = vector.load %arg2[%swap3A_18, %swap3A_19] : memref<10112x128xf32, #tpu.memory_space<vmem>>, vector<10000x32xf32>
    tpu.vector_store %arg2[%swap3A_18, %swap3A_19], %mul3A_17 {strides = array<i32>} : memref<10112x128xf32, #tpu.memory_space<vmem>>, vector<10000x32xf32>,
    %broadcast_in_dim3A = arith.constant 0.000000e+00 : f32
    %broadcast_in_dim3A_21 = vector.broadcast %broadcast_in_dim3A : f32 to vector<112x32xf32>
    %swap3A_22 = arith.constant 10000 : index
    %swap3A_23 = arith.constant 0 : index
    %swap3A_24 = vector.load %arg2[%swap3A_22, %swap3A_23] : memref<10112x128xf32, #tpu.memory_space<vmem>>, vector<112x32xf32>
    tpu.vector_store %arg2[%swap3A_22, %swap3A_23], %broadcast_in_dim3A_21 {strides = array<i32>} : memref<10112x128xf32, #tpu.memory_space<vmem>>, vector<112x32xf32>,
    return
  }
}

module attributes {stable_mosaic.version = 14 : i64} {
  func.func @_tc2_body(%arg0: memref<2x10112x128xf32, #tpu.memory_space<vmem>>, %arg1: memref<10112x128xf32, #tpu.memory_space<vmem>>, %arg2: memref<10112x1xf32, #tpu.memory_space<vmem>>, %arg3: memref<1x32xf32, #tpu.memory_space<vmem>>, %arg4: memref<32x32xf32, #tpu.memory_space<vmem>>, %arg5: memref<10112x128xf32, #tpu.memory_space<vmem>>) attributes {dimension_semantics = [], scalar_prefetch = 0 : i64, scratch_operands = 0 : i64, tpu.core_type = #tpu.core_type<tc>} {
    %get3A = arith.constant 0 : index
    %get3A_0 = arith.constant 0 : index
    %get3A_1 = arith.constant 0 : index
    %get3A_2 = vector.load %arg0[%get3A, %get3A_0, %get3A_1] : memref<2x10112x128xf32, #tpu.memory_space<vmem>>, vector<1x10112x32xf32>
    %get3A_3 = vector.shape_cast %get3A_2 : vector<1x10112x32xf32> to vector<10112x32xf32>
    %get3A_4 = arith.constant 1 : index
    %get3A_5 = arith.constant 0 : index
    %get3A_6 = arith.constant 0 : index
    %get3A_7 = vector.load %arg0[%get3A_4, %get3A_5, %get3A_6] : memref<2x10112x128xf32, #tpu.memory_space<vmem>>, vector<1x10112x32xf32>
    %get3A_8 = vector.shape_cast %get3A_7 : vector<1x10112x32xf32> to vector<10112x32xf32>
    %add3A = arith.addf %get3A_3, %get3A_8 : vector<10112x32xf32>
    %get3A_9 = arith.constant 0 : index
    %get3A_10 = arith.constant 0 : index
    %get3A_11 = vector.load %arg1[%get3A_9, %get3A_10] : memref<10112x128xf32, #tpu.memory_space<vmem>>, vector<10112x32xf32>
    %add3A_12 = arith.addf %add3A, %get3A_11 : vector<10112x32xf32>
    %get3A_13 = arith.constant 0 : index
    %get3A_14 = arith.constant 0 : index
    %get3A_15 = vector.load %arg2[%get3A_13, %get3A_14] : memref<10112x1xf32, #tpu.memory_space<vmem>>, vector<10112x1xf32>
    %mul3A = vector.broadcast %get3A_15 : vector<10112x1xf32> to vector<10112x32xf32>
    %mul3A_16 = arith.mulf %mul3A, %add3A_12 : vector<10112x32xf32>
    %get3A_17 = arith.constant 0 : index
    %get3A_18 = arith.constant 0 : index
    %get3A_19 = vector.load %arg3[%get3A_17, %get3A_18] : memref<1x32xf32, #tpu.memory_space<vmem>>, vector<1x32xf32>
    %add3A_20 = vector.broadcast %get3A_19 : vector<1x32xf32> to vector<10112x32xf32>
    %add3A_21 = arith.addf %mul3A_16, %add3A_20 : vector<10112x32xf32>
    %max3A = arith.constant 0.000000e+00 : f32
    %max3A_22 = vector.broadcast %max3A : f32 to vector<10112x32xf32>
    %max3A_23 = arith.maximumf %add3A_21, %max3A_22 : vector<10112x32xf32>
    %get3A_24 = arith.constant 0 : index
    %get3A_25 = arith.constant 0 : index
    %get3A_26 = vector.load %arg4[%get3A_24, %get3A_25] : memref<32x32xf32, #tpu.memory_space<vmem>>, vector<32x32xf32>
    %dot_general3A = arith.constant dense<0.000000e+00> : vector<10112x32xf32>
    %dot_general3A_27 = tpu.matmul %max3A_23, %get3A_26, %dot_general3A {dimension_numbers = #tpu.dot_dimension_numbers<[1], [0], [0], [1], [0, 0, 1, 1], [], []>, transpose_lhs_hint = false} : vector<10112x32xf32>, vector<32x32xf32>, vector<10112x32xf32> -> vector<10112x32xf32>
    %iota3A = tpu.iota {dimensions = array<i32: 0>} : vector<10112x1xi32>
    %lt3A = arith.constant 10000 : i32
    %lt3A_28 = vector.broadcast %lt3A : i32 to vector<10112x1xi32>
    %lt3A_29 = arith.cmpi slt, %iota3A, %lt3A_28 : vector<10112x1xi32>
    %get3A_30 = arith.constant 0 : index
    %get3A_31 = arith.constant 0 : index
    %get3A_32 = vector.load %arg2[%get3A_30, %get3A_31] : memref<10112x1xf32, #tpu.memory_space<vmem>>, vector<10112x1xf32>
    %mul3A_33 = vector.broadcast %get3A_32 : vector<10112x1xf32> to vector<10112x32xf32>
    %mul3A_34 = arith.mulf %mul3A_33, %dot_general3A_27 : vector<10112x32xf32>
    %jit3A = arith.constant 0.000000e+00 : f32
    %broadcast_in_dim3A = vector.shape_cast %lt3A_29 : vector<10112x1xi1> to vector<10112x1xi1>
    %broadcast_in_dim3A_35 = vector.broadcast %broadcast_in_dim3A : vector<10112x1xi1> to vector<10112x32xi1>
    %broadcast_in_dim3A_36 = vector.broadcast %jit3A : f32 to vector<10112x32xf32>
    %select_n3A = arith.select %broadcast_in_dim3A_35, %mul3A_34, %broadcast_in_dim3A_36 : vector<10112x32xi1>, vector<10112x32xf32>
    %swap3A = arith.constant 0 : index
    %swap3A_37 = arith.constant 0 : index
    %swap3A_38 = vector.load %arg5[%swap3A, %swap3A_37] : memref<10112x128xf32, #tpu.memory_space<vmem>>, vector<10112x32xf32>
    tpu.vector_store %arg5[%swap3A, %swap3A_37], %select_n3A {strides = array<i32>} : memref<10112x128xf32, #tpu.memory_space<vmem>>, vector<10112x32xf32>,
    return
  }
}

module attributes {stable_mosaic.version = 14 : i64} {
  func.func @_tc3_body(%arg0: memref<2x10112x128xf32, #tpu.memory_space<vmem>>, %arg1: memref<10112x128xf32, #tpu.memory_space<vmem>>, %arg2: memref<10112x1xf32, #tpu.memory_space<vmem>>, %arg3: memref<1x32xf32, #tpu.memory_space<vmem>>, %arg4: memref<1x10000xi32, #tpu.memory_space<vmem>>, %arg5: memref<32x1xf32, #tpu.memory_space<vmem>>, %arg6: memref<1x1xf32, #tpu.memory_space<vmem>>, %arg7: memref<10000x32xf32, #tpu.memory_space<vmem>>, %arg8: memref<64x1xf32, #tpu.memory_space<vmem>>) attributes {dimension_semantics = [], scalar_prefetch = 0 : i64, scratch_operands = 0 : i64, tpu.core_type = #tpu.core_type<tc>} {
    %get3A = arith.constant 0 : index
    %get3A_0 = arith.constant 0 : index
    %get3A_1 = arith.constant 0 : index
    %get3A_2 = vector.load %arg0[%get3A, %get3A_0, %get3A_1] : memref<2x10112x128xf32, #tpu.memory_space<vmem>>, vector<1x10112x32xf32>
    %get3A_3 = vector.shape_cast %get3A_2 : vector<1x10112x32xf32> to vector<10112x32xf32>
    %get3A_4 = arith.constant 1 : index
    %get3A_5 = arith.constant 0 : index
    %get3A_6 = arith.constant 0 : index
    %get3A_7 = vector.load %arg0[%get3A_4, %get3A_5, %get3A_6] : memref<2x10112x128xf32, #tpu.memory_space<vmem>>, vector<1x10112x32xf32>
    %get3A_8 = vector.shape_cast %get3A_7 : vector<1x10112x32xf32> to vector<10112x32xf32>
    %add3A = arith.addf %get3A_3, %get3A_8 : vector<10112x32xf32>
    %get3A_9 = arith.constant 0 : index
    %get3A_10 = arith.constant 0 : index
    %get3A_11 = vector.load %arg1[%get3A_9, %get3A_10] : memref<10112x128xf32, #tpu.memory_space<vmem>>, vector<10112x32xf32>
    %add3A_12 = arith.addf %add3A, %get3A_11 : vector<10112x32xf32>
    %get3A_13 = arith.constant 0 : index
    %get3A_14 = arith.constant 0 : index
    %get3A_15 = vector.load %arg2[%get3A_13, %get3A_14] : memref<10112x1xf32, #tpu.memory_space<vmem>>, vector<10112x1xf32>
    %mul3A = vector.broadcast %get3A_15 : vector<10112x1xf32> to vector<10112x32xf32>
    %mul3A_16 = arith.mulf %mul3A, %add3A_12 : vector<10112x32xf32>
    %get3A_17 = arith.constant 0 : index
    %get3A_18 = arith.constant 0 : index
    %get3A_19 = vector.load %arg3[%get3A_17, %get3A_18] : memref<1x32xf32, #tpu.memory_space<vmem>>, vector<1x32xf32>
    %add3A_20 = vector.broadcast %get3A_19 : vector<1x32xf32> to vector<10112x32xf32>
    %add3A_21 = arith.addf %mul3A_16, %add3A_20 : vector<10112x32xf32>
    %max3A = arith.constant 0.000000e+00 : f32
    %max3A_22 = vector.broadcast %max3A : f32 to vector<10112x32xf32>
    %max3A_23 = arith.maximumf %add3A_21, %max3A_22 : vector<10112x32xf32>
    %slice3A = vector.extract_strided_slice %max3A_23 {offsets = [0, 0], sizes = [10000, 32], strides = [1, 1]} : vector<10112x32xf32> to vector<10000x32xf32>
    %swap3A = arith.constant 0 : index
    %swap3A_24 = arith.constant 0 : index
    %swap3A_25 = vector.load %arg7[%swap3A, %swap3A_24] : memref<10000x32xf32, #tpu.memory_space<vmem>>, vector<10000x32xf32>
    tpu.vector_store %arg7[%swap3A, %swap3A_24], %slice3A {strides = array<i32>} : memref<10000x32xf32, #tpu.memory_space<vmem>>, vector<10000x32xf32>,
    %iota3A = tpu.iota {dimensions = array<i32: 0>} : vector<64x10000xi32>
    %get3A_26 = arith.constant 0 : index
    %get3A_27 = arith.constant 0 : index
    %get3A_28 = vector.load %arg4[%get3A_26, %get3A_27] : memref<1x10000xi32, #tpu.memory_space<vmem>>, vector<1x10000xi32>
    %eq3A = vector.broadcast %get3A_28 : vector<1x10000xi32> to vector<64x10000xi32>
    %eq3A_29 = arith.cmpi eq, %eq3A, %iota3A : vector<64x10000xi32>
    %jit3A = arith.constant 1.000000e+00 : f32
    %jit3A_30 = arith.constant 0.000000e+00 : f32
    %broadcast_in_dim3A = vector.broadcast %jit3A : f32 to vector<64x10000xf32>
    %broadcast_in_dim3A_31 = vector.broadcast %jit3A_30 : f32 to vector<64x10000xf32>
    %select_n3A = arith.select %eq3A_29, %broadcast_in_dim3A, %broadcast_in_dim3A_31 : vector<64x10000xi1>, vector<64x10000xf32>
    %dot_general3A = arith.constant dense<0.000000e+00> : vector<64x32xf32>
    %dot_general3A_32 = tpu.matmul %select_n3A, %slice3A, %dot_general3A {dimension_numbers = #tpu.dot_dimension_numbers<[1], [0], [0], [1], [0, 0, 1, 1], [], []>, transpose_lhs_hint = false} : vector<64x10000xf32>, vector<10000x32xf32>, vector<64x32xf32> -> vector<64x32xf32>
    %reduce_sum3A = arith.constant dense<0.000000e+00> : vector<64xf32>
    %reduce_sum3A_33 = vector.multi_reduction <add>, %select_n3A, %reduce_sum3A [1] : vector<64x10000xf32> to vector<64xf32>
    %broadcast_in_dim3A_34 = vector.shape_cast %reduce_sum3A_33 : vector<64xf32> to vector<64x1xf32>
    %max3A_35 = arith.constant 1.000000e+00 : f32
    %max3A_36 = vector.broadcast %max3A_35 : f32 to vector<64x1xf32>
    %max3A_37 = arith.maximumf %broadcast_in_dim3A_34, %max3A_36 : vector<64x1xf32>
    %div3A = vector.broadcast %max3A_37 : vector<64x1xf32> to vector<64x32xf32>
    %div3A_38 = arith.divf %dot_general3A_32, %div3A : vector<64x32xf32>
    %get3A_39 = arith.constant 0 : index
    %get3A_40 = arith.constant 0 : index
    %get3A_41 = vector.load %arg5[%get3A_39, %get3A_40] : memref<32x1xf32, #tpu.memory_space<vmem>>, vector<32x1xf32>
    %dot_general3A_42 = arith.constant dense<0.000000e+00> : vector<64x1xf32>
    %dot_general3A_43 = tpu.matmul %div3A_38, %get3A_41, %dot_general3A_42 {dimension_numbers = #tpu.dot_dimension_numbers<[1], [0], [0], [1], [0, 0, 1, 1], [], []>, transpose_lhs_hint = false} : vector<64x32xf32>, vector<32x1xf32>, vector<64x1xf32> -> vector<64x1xf32>
    %get3A_44 = arith.constant 0 : index
    %get3A_45 = arith.constant 0 : index
    %get3A_46 = vector.load %arg6[%get3A_44, %get3A_45] : memref<1x1xf32, #tpu.memory_space<vmem>>, vector<1x1xf32>
    %add3A_47 = vector.broadcast %get3A_46 : vector<1x1xf32> to vector<64x1xf32>
    %add3A_48 = arith.addf %dot_general3A_43, %add3A_47 : vector<64x1xf32>
    %neg3A = arith.constant 0.000000e+00 : f32
    %neg3A_49 = vector.broadcast %neg3A : f32 to vector<64x1xf32>
    %neg3A_50 = arith.subf %neg3A_49, %add3A_48 : vector<64x1xf32>
    %exp3A = math.exp %neg3A_50 : vector<64x1xf32>
    %add3A_51 = arith.constant 1.000000e+00 : f32
    %add3A_52 = vector.broadcast %add3A_51 : f32 to vector<64x1xf32>
    %add3A_53 = arith.addf %add3A_52, %exp3A : vector<64x1xf32>
    %div3A_54 = arith.constant 1.000000e+00 : f32
    %div3A_55 = vector.broadcast %div3A_54 : f32 to vector<64x1xf32>
    %div3A_56 = arith.divf %div3A_55, %add3A_53 : vector<64x1xf32>
    %swap3A_57 = arith.constant 0 : index
    %swap3A_58 = arith.constant 0 : index
    %swap3A_59 = vector.load %arg8[%swap3A_57, %swap3A_58] : memref<64x1xf32, #tpu.memory_space<vmem>>, vector<64x1xf32>
    tpu.vector_store %arg8[%swap3A_57, %swap3A_58], %div3A_56 {strides = array<i32>} : memref<64x1xf32, #tpu.memory_space<vmem>>, vector<64x1xf32>,
    return
  }
}

</mosaic_0001>

<sc_bundles>
// kernel: kernel.12.cloned.1.call-start
scs
__scs_entry_jumppad:
0x0: {  	(pc) =	sbr.rel $0x88, $3  }
0x1: {  	(tag) =	ssettag $0x0;
	lr =	simm.s32 $0x1  }
0x2: {  	[smem:$0x3F98] =	sst lr;
	_ =	strace $0xD0000000  }
0x3: {  	_ = 	snop  }
0x4: {  	_ = 	snop  }
0x5: {  	_ = 	snop  }
0x6: {  	_ = 	snop  }
0x7: {  	_ = 	snop  }
__scs_overlays_trampoline_lowered:
0x8: {  	[smem:$0x3FA7] =	sst s0  }
0x9: {  	[smem:$0x3FA8] =	sst s1  }
0xa: {  	[smem:$0x3FA9] =	sst s2  }
0xb: {  	[smem:$0x3FAA] =	sst s3  }
0xc: {  	[smem:$0x3FAB] =	sst s4  }
0xd: {  	[smem:$0x3FAC] =	sst s5  }
0xe: {  	[smem:$0x3FAD] =	sst s6  }
0xf: {  	[smem:$0x3FAE] =	sst s7  }
0x10: {  	[smem:$0x3FAF] =	sst s8  }
0x11: {  	[smem:$0x3FB0] =	sst s9;
	s0 =	simm.s32 @!p0 $0x0  }
0x12: {  	s1 =	sld [smem:$0x3F96];
	s0 =	simm.s32 @p0 $0x1  }
0x13: {  	[smem:$0x3FB1] =	sst s0;
	s0 =	simm.s32 @!p1 $0x0  }
0x14: {  	s2 =	sld [smem:$0x3F95];
	s0 =	simm.s32 @p1 $0x1  }
0x15: {  	[smem:$0x3FB2] =	sst s0;
	s0 =	simm.s32 @!p2 $0x0  }
0x16: {  	s3 =	sld [smem:$0x3FDB];
	s0 =	simm.s32 @p2 $0x1  }
0x17: {  	s4 =	simm.s32 $0x1BF5;
	[smem:$0x3FB4] =	sst s0  }
0x18: {  	s0 =	sld [smem:$0x3F97];
	_ =	swait.ge [sflag:s4], $0x0  }
0x19: {  	s7 =	sld [smem:$0x3F98]  }
0x1a: {  	s8 =	sadd.s32 $0xFFFFE003, lr  }
0x1b: {  	s9 =	sadd.s32 $0xFFFFFEF7, lr;
	s5 =	simm.s32 $0xFFFFFFFF;
	p2 =	slt.u32 s8, $0xFFFFF086  }
0x1c: {  	p1 =	slt.u32 s9, $0xF7A;
	s5 =	simm.s32 @!p2 $0x0  }
0x1d: {  	s5 =	simm.s32 @p1 $0x1;
	p0 =	seq.s32 s7, s2  }
0x1e: {  	s7 =	smul.u32 @!p0 $0xF7A, s2;
	p2 =	seq.s32 @!p0 s5, $0x0  }
0x1f: {  	s9 =	smul.u32 $0xF7A, s1;
	s8 =	simm.s32 @!p0 $0x1BF5;
	p2 =	por !p2, p0  }
0x20: {  	[sflag:s8] =	ssyncset.s32 @!p0 $0xFFFFF086;
	s6 =	sadd.s32 @!p0 s3, s7;
	s7 =	simm.s32 @!p0 $0x108  }
0x21: {  	s3 =	sadd.s32 s3, s9;
	s6 =	sadd.s32 @!p0 $0x88, s6;
	s7 =	simm.s32 @p2 $0x1082  }
0x22: {  	[simem:s7], [sflag:s8] =	dma.local @!p0 [hbm:s6], $0xF7A  }
0x23: {  	s9 =	sor.u32 $0xD0000000, s2;
	s6 =	simm.s32 $0x108;
	_ =	swait.ge @!p0 [sflag:s8], $0x0  }
0x24: {  	s3 =	sadd.s32 $0x88, s3;
	s6 =	simm.s32 @!p1 $0x1082;
	[sflag:s4] =	ssyncset.s32 $0xFFFFF086  }
0x25: {  	[simem:s6], [sflag:s4] =	dma.local [hbm:s3], $0xF7A  }
0x26: {  	[smem:$0x3F98] =	sst s1;
	(tag) =	ssettag s2;
	_ =	strace s9  }
0x27: {  	s1 =	sld [smem:$0x3FA8]  }
0x28: {  	s2 =	sld [smem:$0x3FA9]  }
0x29: {  	s4 =	sld [smem:$0x3FAB]  }
0x2a: {  	p0 =	seq.s32 s5, $0x0;
	s5 =	sld [smem:$0x3FAC]  }
0x2b: {  	s6 =	sld [smem:$0x3FAD]  }
0x2c: {  	s7 =	sld [smem:$0x3FAE]  }
0x2d: {  	s3 =	simm.s32 $0x108;
	s8 =	sld [smem:$0x3FAF]  }
0x2e: {  	s3 =	simm.s32 @!p0 $0x1082;
	s9 =	sld [smem:$0x3FB0]  }
0x2f: {  	lr =	sadd.s32 s0, s3;
	s0 =	sld [smem:$0x3FA7]  }
0x30: {  	s3 =	sld [smem:$0x3FAA]  }
0x31: {  	[smem:$0x3FB3] =	sst s10  }
0x32: {  	s10 =	sld [smem:$0x3FB1];
	_ =	sdelay $0x3  }
0x33: {  	p0 =	seq.s32 s10, $0x1;
	s10 =	sld [smem:$0x3FB3];
	_ =	sdelay $0x3  }
0x34: {  	[smem:$0x3FB3] =	sst s10  }
0x35: {  	s10 =	sld [smem:$0x3FB2];
	_ =	sdelay $0x3  }
0x36: {  	p1 =	seq.s32 s10, $0x1;
	s10 =	sld [smem:$0x3FB3];
	_ =	sdelay $0x3  }
0x37: {  	[smem:$0x3FB3] =	sst s10  }
0x38: {  	s10 =	sld [smem:$0x3FB4]  }
0x39: {  	_ = 	snop;
	(pc) =	sbr.ind lr, $3  }
0x3a: {  	_ = 	snop  }
0x3b: {  	_ = 	snop  }
0x3c: {  	p2 =	seq.s32 s10, $0x1;
	s10 =	sld [smem:$0x3FB3]  }
0x3d: {  	_ =	shalt  }
0x3e: {  	_ =	shalt  }
0x3f: {  	_ =	shalt  }
0x40: {  	_ =	shalt  }
0x41: {  	_ =	shalt  }
0x42: {  	_ =	shalt  }
0x43: {  	_ =	shalt  }
0x44: {  	_ =	shalt  }
0x45: {  	_ =	shalt  }
0x46: {  	_ =	shalt  }
0x47: {  	_ =	shalt  }
0x48: {  	_ =	shalt  }
0x49: {  	_ =	shalt  }
0x4a: {  	_ =	shalt  }
0x4b: {  	_ =	shalt  }
0x4c: {  	_ =	shalt  }
0x4d: {  	_ =	shalt  }
0x4e: {  	_ =	shalt  }
0x4f: {  	_ =	shalt  }
0x50: {  	_ =	shalt  }
0x51: {  	_ =	shalt  }
0x52: {  	_ =	shalt  }
0x53: {  	_ =	shalt  }
0x54: {  	_ =	shalt  }
0x55: {  	_ =	shalt  }
0x56: {  	_ =	shalt  }
0x57: {  	_ =	shalt  }
0x58: {  	_ =	shalt  }
0x59: {  	_ =	shalt  }
0x5a: {  	_ =	shalt  }
0x5b: {  	_ =	shalt  }
0x5c: {  	_ =	shalt  }
0x5d: {  	_ =	shalt  }
0x5e: {  	_ =	shalt  }
0x5f: {  	_ =	shalt  }
0x60: {  	_ =	shalt  }
0x61: {  	_ =	shalt  }
0x62: {  	_ =	shalt  }
0x63: {  	_ =	shalt  }
0x64: {  	_ =	shalt  }
0x65: {  	_ =	shalt  }
0x66: {  	_ =	shalt  }
0x67: {  	_ =	shalt  }
0x68: {  	_ =	shalt  }
0x69: {  	_ =	shalt  }
0x6a: {  	_ =	shalt  }
0x6b: {  	_ =	shalt  }
0x6c: {  	_ =	shalt  }
0x6d: {  	_ =	shalt  }
0x6e: {  	_ =	shalt  }
0x6f: {  	_ =	shalt  }
0x70: {  	_ =	shalt  }
0x71: {  	_ =	shalt  }
0x72: {  	_ =	shalt  }
0x73: {  	_ =	shalt  }
0x74: {  	_ =	shalt  }
0x75: {  	_ =	shalt  }
0x76: {  	_ =	shalt  }
0x77: {  	_ =	shalt  }
0x78: {  	_ =	shalt  }
0x79: {  	_ =	shalt  }
0x7a: {  	_ =	shalt  }
0x7b: {  	_ =	shalt  }
0x7c: {  	_ =	shalt  }
0x7d: {  	_ =	shalt  }
0x7e: {  	_ =	shalt  }
0x7f: {  	_ =	shalt  }
0x80: {  	_ =	shalt  }
0x81: {  	_ =	shalt  }
0x82: {  	_ =	shalt  }
0x83: {  	_ =	shalt  }
0x84: {  	_ =	shalt  }
0x85: {  	_ =	shalt  }
0x86: {  	_ =	shalt  }
0x87: {  	_ =	shalt  }
.Lfunc_end0:
.L_simem_size_0:
called_computation.1_lowered:
.L_overlay_start_0:
0x88: {  	s2 =	sld [smem:$0x3FD9]  }
0x89: {  	s3 =	sld [smem:$0x3FFE];
	_ =	sdelay $0x1  }
0x8a: {  	s1 =	srdreg.scid  }
0x8b: {  	s0 =	sand.u32 $0x1, s1  }
0x8c: {  	s14 =	sshll.u32 s0, $0xA;
	s2 =	sadd.s32 s3, s2  }
0x8d: {  	s2 =	sadd.s32 s2, s14  }
0x8e: {  	[smem:$0x3FBF] =	sst s2  }
0x8f: {  	_ = 	snop  }
0x90: {  	s2 =	sld [smem:$0x3FD0];
	_ =	sdelay $0x2  }
0x91: {  	s15 =	simm.s32 $0xA;
	s4 =	simm.s32 $0x10  }
0x92: {  	[smem:s4], [sflag:s15] =	dma.local [hbm:s2], $0x1  }
0x93: {  	_ =	swait.eq [sflag:s15], $0x1  }
0x94: {  	[sflag:s15] =	ssyncset.done $0x0  }
0x95: {  	[sflag:s15] =	ssyncadd.s32 $0xFFFFFFFF  }
0x96: {  	s16 =	sld [smem:$0x10];
	(tm) =	ssettm $0x1  }
0x97: {  	s17 =	sld [smem:$0x3FFB];
	_ =	sdelay $0x3  }
0x98: {  	_ =	strace s17  }
0x99: {  	s3 =	sld [smem:$0x3FFC];
	_ =	sdelay $0x3  }
0x9a: {  	_ =	strace s3  }
0x9b: {  	s3 =	sld [smem:$0x3FFD];
	_ =	sdelay $0x3  }
0x9c: {  	_ =	strace s3  }
0x9d: {  	_ =	strace $0x8FFFFFFF  }
0x9e: {  	s18 =	sld [smem:$0x3FDB];
	_ =	sdelay $0x1  }
0x9f: {  	s19 =	simm.s32 $_scs_section_size  }
0xa0: {  	s5 =	simm.s32 $_size__tile_overlayer_lowered;
	s6 =	simm.s32 $_tile_overlayer_lowered  }
0xa1: {  	s22 =	simm.s32 $0x1BFF;
	s21 =	sshll.u32 s6, $0x1;
	s3 =	sadd.s32 s19, s18  }
0xa2: {  	s7 =	simm.s32 $0x0;
	s20 =	sshll.u32 s5, $0x1;
	s5 =	sadd.s32 s21, s3  }
0xa3: {  	[timem:s7], [sflag:s22] =	dma.local [hbm:s5], s20  }
0xa4: {  	_ =	swait.ge [sflag:s22], s20  }
0xa5: {  	s4 =	ssub.s32 $0x0, s20;
	[sflag:s22] =	ssyncset.done $0x0  }
0xa6: {  	[sflag:s22] =	ssyncadd.s32 s4;
	_ =	sdelay $0x1  }
0xa7: {  	s23 =	simm.s32 $0x1B8B  }
0xa8: {  	_ =	swait.ge [sflag:s23], $0x1  }
0xa9: {  	[sflag:s23] =	ssyncset.done $0x0  }
0xaa: {  	s25 =	simm.s32 $0x1B8E;
	s24 =	sld [smem:$0x3FFE];
	[sflag:s23] =	ssyncadd.s32 $0xFFFFFFFF  }
0xab: {  	s26 =	simm.s32 $execute0_lowered;
	[smem:$0x3FD2] =	sst s25  }
0xac: {  	s5 =	sshll.u32 s26, $0x1;
	_ =	strace $0x80000049;
	[dreg:$0x1] =	wrdreg $0xFFFFFFFF  }
0xad: {  	s28 =	simm.s32 $_size_execute0_lowered;
	s3 =	sadd.s32 s3, s5;
	[dreg:$0x0] =	wrdreg $0x0  }
0xae: {  	s5 =	sshll.u32 s28, $0x1;
	[dreg:$0x2] =	wrdreg s3  }
0xaf: {  	[dreg:$0x3] =	wrdreg s5  }
0xb0: {  	[dreg:$0x4] =	wrdreg $0xC0  }
0xb1: {  	_ =	task [dreg:s7], $0x5FFFF  }
0xb2: {  	[dreg:$0x1] =	wrdreg $0xFFFFFFFF  }
0xb3: {  	[dreg:$0x0] =	wrdreg $0x60  }
0xb4: {  	[dreg:$0x2] =	wrdreg s24  }
0xb5: {  	[dreg:$0x3] =	wrdreg s16  }
0xb6: {  	[dreg:$0x4] =	wrdreg $0x11F000  }
0xb7: {  	[dreg:$0x5] =	wrdreg $0x16E000  }
0xb8: {  	[dreg:$0x6] =	wrdreg $0x9  }
0xb9: {  	_ =	task.clear_ibuf [dreg:s7], $0x7FFFF;
	_ =	strace $0x90000049  }
0xba: {  	s29 =	simm.s32 $0x9;
	_ =	strace $0x8000004B  }
0xbb: {  	_ =	swait.ge [sflag:s29], $0x1  }
0xbc: {  	[sflag:s29] =	ssyncadd.s32 $0xFFFFFFFF  }
0xbd: {  	_ =	strace $0x9000004B  }
0xbe: {  	_ =	sfence  }
0xbf: {  	s30 =	sld [smem:$0x0];
	_ =	sdelay $0x2  }
0xc0: {  	s31 =	sshll.u32 s1, $0xD;
	s1 =	sshrl.u32 s1, $0x2  }
0xc1: {  	s3 =	sand.u32 $0x4000, s31;
	s1 =	sadd.s32 s1, s30  }
0xc2: {  	s0 =	sor.u32 s3, s0;
	s1 =	sshll.u32 s1, $0x11  }
0xc3: {  	s0 =	sor.u32 s1, s0  }
0xc4: {  	s0 =	sadd.s32 $0x8F2B, s0  }
0xc5: {  	[sflag:s0] =	ssyncadd.remote.s32 $0x1  }
0xc6: {  	_ =	sfence.sel $0xFFFF  }
0xc7: {  	[dreg:$0x0] =	wrdreg $0xFFFFFFFF;
	(pc) =	sbr.abs _section_cstart, $3  }
0xc8: {  	[dreg:$0x1] =	wrdreg $0xFFFFFFFF  }
0xc9: {  	_ =	task.clear_ibuf [dreg:s7], $0x2FFFF;
	_ =	strace $0x9FFFFFFF  }
0xca: {  	(tm) =	ssettm $0x7FFFFFFF  }
0xcb: {  	_ =	shalt  }
tec
execute0_lowered:
.L_overlay_start_1:
0x0: {  	(tag) =	ssettag $0x1  }
0x1: {  	s0 =	rddreg [dreg:$0x0]  }
0x2: {  	s1 =	srdreg.scid;
	s4 =	rddreg [dreg:$0x1]  }
0x3: {  	s2 =	rddreg [dreg:$0x2];
	s15 =	stileid.u32  }
0x4: {  	s3 =	rddreg [dreg:$0x3];
	s8 =	simm.s32 $0x0;
	s31 =	simm.s32 $0x8F00  }
0x5: {  	s1 =	sand.u32 $0x1, s1;
	s6 =	smul.u32 $0x13C00, s15;
	[smem:$0x7FF] =	sst s8  }
0x6: {  	s14 =	smul.u32 $0x4F00, s15;
	s20 =	sshll.u32 s15, $0x6;
	s8 =	simm.s32 $0x5  }
0x7: {  	s5 =	sshll.u32 s1, $0x4;
	s10 =	smul.u32 $0x13C000, s1;
	_ =	strace $0x8000004A  }
0x8: {  	s16 =	ssub.s32 $0x2, s1;
	s1 =	smul.u32 $0x4E0, s1;
	s22 =	sor.u32 $0x1C0F, s20  }
0x9: {  	s5 =	sor.u32 s15, s5;
	s9 =	sshrl.u32 s6, $0x3;
	s13 =	sshrl.u32 s16, $0x1  }
0xa: {  	s18 =	sadd.s32 s14, s2;
	s19 =	sshrl.u32 s14, $0x3;
	s15 =	smul.u32 $0x4E, s15  }
0xb: {  	s21 =	sadd.s32 s14, s3;
	s14 =	simm.s32 $0xD;
	[dreg:$0x8] =	wrdreg s22  }
0xc: {  	s7 =	smul.u32 $0x4E, s5;
	s30 =	smin.u32 s5, $0x4;
	s9 =	sadd.s32 s9, s0  }
0xd: {  	s6 =	sadd.s32 s6, s10;
	s17 =	ssub.s32 s16, s13;
	s4 =	sadd.s32 s4, s19  }
0xe: {  	p0 =	sgt.u32 s5, $0x3;
	s10 =	simm.s32 $0x7;
	s19 =	simm.s32 $0xA  }
0xf: {  	s6 =	sshrl.u32 s6, $0x3;
	[dreg:$0x7] =	wrdreg s4;
	s23 =	sadd.s32 $0x16C00, s9  }
0x10: {  	s1 =	sor.u32 s1, s30;
	s7 =	sadd.s32 s30, s7;
	[dreg:$0x9] =	wrdreg s23  }
0x11: {  	s1 =	sadd.s32 s15, s1;
	s23 =	sshrl.u32 s18, $0x3;
	s30 =	sshrl.u32 s21, $0x3  }
0x12: {  	s11 =	smin.u32 s7, $0x975;
	s1 =	smax.u32 s1, $0x975;
	[dreg:$0x11] =	wrdreg s30  }
0x13: {  	[dreg:$0x10] =	wrdreg s23;
	s12 =	sshll.u32 s11, $0x4;
	s1 =	sshll.u32 s1, $0x7  }
0x14: {  	s12 =	sadd.s32 s12, s0;
	s0 =	sadd.s32 s6, s0;
	s6 =	smax.u32 s17, $0x1  }
0x15: {  	s13 =	simm.s32 $0xB;
	s28 =	sadd.s32 $0xFFFB4580, s1;
	[dreg:$0xf] =	wrdreg s6  }
0x16: {  	s16 =	simm.s32 $0xC;
	s29 =	sadd.s32 $0xFFFB6D00, s1;
	[dreg:$0x6] =	wrdreg s28  }
0x17: {  	s7 =	ssub.s32 s7, s11;
	s24 =	sadd.s32 $0x3200, s12;
	[dreg:$0x5] =	wrdreg s29  }
0x18: {  	s7 =	sshll.u32 s7, $0x7;
	s25 =	sadd.s32 $0xCE40, s12;
	[dreg:$0xa] =	wrdreg s24  }
0x19: {  	s9 =	simm.s32 $0x6;
	s26 =	sadd.s32 $0x2700, s7;
	[dreg:$0xb] =	wrdreg s25  }
0x1a: {  	s21 =	simm.s32 $0x80;
	s7 =	sadd.s32 $0x4E80, s7;
	[dreg:$0xc] =	wrdreg s26  }
0x1b: {  	s11 =	simm.s32 $0x8;
	s0 =	sadd.s32 $0x3E400, s0;
	[dreg:$0xd] =	wrdreg s7  }
0x1c: {  	s12 =	simm.s32 $0x9;
	s6 =	simm.s32 $0xE;
	[dreg:$0xe] =	wrdreg s0  }
0x1d: {  	s24 =	simm.s32 $0xF;
	s25 =	simm.s32 $0x10;
	s0 =	simm.s32 $0x0  }
.LBB2_1:
0x1e: {  	[dreg:$0x12] =	wrdreg s0  }
0x1f: {  	s15 =	rddreg [dreg:$0x7]  }
0x20: {  	[spmem:s23], [sflag:s22] =	dma.local [hbm:s15], $0x9E0  }
0x21: {  	_ =	swait.ge [sflag:s24], $0x9E0  }
0x22: {  	s29 =	simm.s32 $0x1;
	[sflag:s24] =	ssyncset.done $0x0;
	s4 =	rddreg [dreg:$0x9]  }
0x23: {  	s30 =	simm.s32 $0x4;
	s5 =	rddreg [dreg:$0x11];
	[sflag:s24] =	ssyncadd.s32 $0xFFFFF620  }
0x24: {  	[spmem:s5@s30], [sflag:s22] =	dma.strided [hbm:s4@s25], $0x9E0, s29, $0x4   }
0x25: {  	_ =	swait.ge [sflag:s24], $0x9E0  }
0x26: {  	[sflag:s24] =	ssyncset.done $0x0  }
0x27: {  	s7 =	simm.s32 $0x0;
	s17 =	rddreg [dreg:$0xa];
	[sflag:s24] =	ssyncadd.s32 $0xFFFFF620  }
0x28: {  	[tilespmem:s7], [sflag:$0xF] =	stream.linear.gather [hbm4b:s17+s7], $0x2780, $0x38;
	[tilespmem:$0x1BD00] =	vst v63  }
0x29: {  	_ =	swait.ge [sflag:s24], $0x2780  }
0x2a: {  	[sflag:s24] =	ssyncset.done $0x0  }
0x2b: {  	s20 =	simm.s32 $0x2780;
	s18 =	rddreg [dreg:$0xb];
	[sflag:s24] =	ssyncadd.s32 $0xFFFFD880  }
0x2c: {  	[tilespmem:s20], [sflag:$0xF] =	stream.linear.gather [hbm4b:s18+s7], $0x2780, $0x38;
	[tilespmem:$0x1BD00] =	vst v63  }
0x2d: {  	_ =	swait.ge [sflag:s24], $0x2780  }
0x2e: {  	[sflag:s24] =	ssyncset.done $0x0  }
0x2f: {  	[sflag:s24] =	ssyncadd.s32 $0xFFFFD880  }
0x30: {  	[bflag:$0x0] =	sbarrier.arrive $0xFFFF  }
0x31: {  	s25 =	rddreg [dreg:$0x6]  }
0x32: {  	s23 =	simm.s32 $0x4F00;
	s15 =	sadd.s32 $0x0, s25  }
0x33: {  	[tilespmem:s23], [sflag:$0x1] =	stream.indirect.gather [spmem:s3], $0x20, s15, s21, $0xb8;
	[tilespmem:$0x1BD00] =	vst v63  }
0x34: {  	s24 =	simm.s32 $0x5F00;
	s26 =	sadd.s32 $0x80, s15  }
0x35: {  	[tilespmem:s24], [sflag:$0x2] =	stream.indirect.gather [spmem:s3], $0x20, s26, s21, $0xb8;
	[tilespmem:$0x1BD00] =	vst v63  }
0x36: {  	s25 =	simm.s32 $0x6F00;
	s28 =	sadd.s32 $0x100, s15  }
0x37: {  	[tilespmem:s25], [sflag:$0x3] =	stream.indirect.gather [spmem:s3], $0x20, s28, s21, $0xb8;
	[tilespmem:$0x1BD00] =	vst v63  }
0x38: {  	s0 =	sadd.s32 $0x180, s15;
	s26 =	simm.s32 $0x7F00  }
0x39: {  	[tilespmem:s26], [sflag:$0x4] =	stream.indirect.gather [spmem:s3], $0x20, s0, s21, $0xb8;
	[tilespmem:$0x1BD00] =	vst v63  }
0x3a: {  	s1 =	sadd.s32 $0x200, s15;
	s28 =	simm.s32 $0x8F00  }
0x3b: {  	[tilespmem:s28], [sflag:$0x5] =	stream.indirect.gather [spmem:s3], $0x20, s1, s21, $0xb8;
	[tilespmem:$0x1BD00] =	vst v63  }
0x3c: {  	s4 =	sadd.s32 $0x280, s15;
	s1 =	simm.s32 $0x9F00  }
0x3d: {  	[tilespmem:s1], [sflag:$0x6] =	stream.indirect.gather [spmem:s3], $0x20, s4, s21, $0xb8;
	[tilespmem:$0x1BD00] =	vst v63  }
0x3e: {  	s5 =	sadd.s32 $0x300, s15;
	s0 =	simm.s32 $0xAF00  }
0x3f: {  	[tilespmem:s0], [sflag:$0x7] =	stream.indirect.gather [spmem:s3], $0x20, s5, s21, $0xb8;
	[tilespmem:$0x1BD00] =	vst v63  }
0x40: {  	s20 =	simm.s32 $0xBF00;
	s7 =	sadd.s32 $0x380, s15  }
0x41: {  	[tilespmem:s20], [sflag:$0x8] =	stream.indirect.gather [spmem:s3], $0x20, s7, s21, $0xb8;
	[tilespmem:$0x1BD00] =	vst v63  }
0x42: {  	s17 =	sadd.s32 $0x400, s15;
	s4 =	simm.s32 $0xCF00  }
0x43: {  	[tilespmem:s4], [sflag:$0x9] =	stream.indirect.gather [spmem:s3], $0x20, s17, s21, $0xb8;
	[tilespmem:$0x1BD00] =	vst v63  }
0x44: {  	s18 =	sadd.s32 $0x480, s15;
	s17 =	simm.s32 $0xDF00  }
0x45: {  	[tilespmem:s17], [sflag:$0xA] =	stream.indirect.gather [spmem:s3], $0x20, s18, s21, $0xb8;
	[tilespmem:$0x1BD00] =	vst v63  }
0x46: {  	s5 =	sadd.s32 $0x500, s15;
	s18 =	simm.s32 $0xEF00  }
0x47: {  	[tilespmem:s18], [sflag:$0xB] =	stream.indirect.gather [spmem:s3], $0x20, s5, s21, $0xb8;
	[tilespmem:$0x1BD00] =	vst v63  }
0x48: {  	s7 =	sadd.s32 $0x580, s15;
	s5 =	simm.s32 $0xFF00  }
0x49: {  	[tilespmem:s5], [sflag:$0xC] =	stream.indirect.gather [spmem:s3], $0x20, s7, s21, $0xb8;
	[tilespmem:$0x1BD00] =	vst v63  }
0x4a: {  	s15 =	sadd.s32 $0x600, s15;
	s7 =	simm.s32 $0x10F00  }
0x4b: {  	[tilespmem:s7], [sflag:$0xD] =	stream.indirect.gather [spmem:s3], $0x20, s15, s21, $0xb8;
	[tilespmem:$0x1BD00] =	vst v63  }
0x4c: {  	_ =	swait.ge [sflag:s29], $0x1000  }
0x4d: {  	s22 =	rddreg [dreg:$0x5];
	[sflag:s29] =	ssyncset.done $0x0  }
0x4e: {  	[sflag:s29] =	ssyncadd.s32 $0xFFFFF000;
	s15 =	sadd.s32 $0x0, s22  }
0x4f: {  	[spmem:s2] =	stream.indirect.scatter.add.f32 [tilespmem:s23], [sflag:$0xE], $0x20, s15, s21, $0xb8;
	[tilespmem:$0x1BD00] =	vst v63  }
0x50: {  	s23 =	simm.s32 $0x2  }
0x51: {  	_ =	swait.ge [sflag:s23], $0x1000  }
0x52: {  	[sflag:s23] =	ssyncset.done $0x0  }
0x53: {  	s29 =	sadd.s32 $0x80, s15;
	[sflag:s23] =	ssyncadd.s32 $0xFFFFF000;
	s23 =	simm.s32 $0x3  }
0x54: {  	[spmem:s2] =	stream.indirect.scatter.add.f32 [tilespmem:s24], [sflag:$0xE], $0x20, s29, s21, $0xb8;
	[tilespmem:$0x1BD00] =	vst v63  }
0x55: {  	_ =	swait.ge [sflag:s23], $0x1000  }
0x56: {  	[sflag:s23] =	ssyncset.done $0x0  }
0x57: {  	s24 =	sadd.s32 $0x100, s15;
	[sflag:s23] =	ssyncadd.s32 $0xFFFFF000  }
0x58: {  	[spmem:s2] =	stream.indirect.scatter.add.f32 [tilespmem:s25], [sflag:$0xE], $0x20, s24, s21, $0xb8;
	[tilespmem:$0x1BD00] =	vst v63  }
0x59: {  	_ =	swait.ge [sflag:s30], $0x1000  }
0x5a: {  	[sflag:s30] =	ssyncset.done $0x0  }
0x5b: {  	s29 =	sadd.s32 $0x180, s15;
	[sflag:s30] =	ssyncadd.s32 $0xFFFFF000  }
0x5c: {  	[spmem:s2] =	stream.indirect.scatter.add.f32 [tilespmem:s26], [sflag:$0xE], $0x20, s29, s21, $0xb8;
	[tilespmem:$0x1BD00] =	vst v63  }
0x5d: {  	_ =	swait.ge [sflag:s8], $0x1000  }
0x5e: {  	[sflag:s8] =	ssyncset.done $0x0  }
0x5f: {  	s30 =	sadd.s32 $0x200, s15;
	[sflag:s8] =	ssyncadd.s32 $0xFFFFF000  }
0x60: {  	[spmem:s2] =	stream.indirect.scatter.add.f32 [tilespmem:s28], [sflag:$0xE], $0x20, s30, s21, $0xb8;
	[tilespmem:$0x1BD00] =	vst v63  }
0x61: {  	_ =	swait.ge [sflag:s9], $0x1000  }
0x62: {  	[sflag:s9] =	ssyncset.done $0x0  }
0x63: {  	s23 =	sadd.s32 $0x280, s15;
	[sflag:s9] =	ssyncadd.s32 $0xFFFFF000  }
0x64: {  	[spmem:s2] =	stream.indirect.scatter.add.f32 [tilespmem:s1], [sflag:$0xE], $0x20, s23, s21, $0xb8;
	[tilespmem:$0x1BD00] =	vst v63  }
0x65: {  	_ =	swait.ge [sflag:s10], $0x1000  }
0x66: {  	[sflag:s10] =	ssyncset.done $0x0  }
0x67: {  	s24 =	sadd.s32 $0x300, s15;
	[sflag:s10] =	ssyncadd.s32 $0xFFFFF000  }
0x68: {  	[spmem:s2] =	stream.indirect.scatter.add.f32 [tilespmem:s0], [sflag:$0xE], $0x20, s24, s21, $0xb8;
	[tilespmem:$0x1BD00] =	vst v63  }
0x69: {  	_ =	swait.ge [sflag:s11], $0x1000  }
0x6a: {  	[sflag:s11] =	ssyncset.done $0x0  }
0x6b: {  	s25 =	sadd.s32 $0x380, s15;
	[sflag:s11] =	ssyncadd.s32 $0xFFFFF000  }
0x6c: {  	[spmem:s2] =	stream.indirect.scatter.add.f32 [tilespmem:s20], [sflag:$0xE], $0x20, s25, s21, $0xb8;
	[tilespmem:$0x1BD00] =	vst v63  }
0x6d: {  	_ =	swait.ge [sflag:s12], $0x1000  }
0x6e: {  	[sflag:s12] =	ssyncset.done $0x0  }
0x6f: {  	s26 =	sadd.s32 $0x400, s15;
	[sflag:s12] =	ssyncadd.s32 $0xFFFFF000  }
0x70: {  	[spmem:s2] =	stream.indirect.scatter.add.f32 [tilespmem:s4], [sflag:$0xE], $0x20, s26, s21, $0xb8;
	[tilespmem:$0x1BD00] =	vst v63  }
0x71: {  	_ =	swait.ge [sflag:s19], $0x1000  }
0x72: {  	[sflag:s19] =	ssyncset.done $0x0  }
0x73: {  	s28 =	sadd.s32 $0x480, s15;
	[sflag:s19] =	ssyncadd.s32 $0xFFFFF000  }
0x74: {  	[spmem:s2] =	stream.indirect.scatter.add.f32 [tilespmem:s17], [sflag:$0xE], $0x20, s28, s21, $0xb8;
	[tilespmem:$0x1BD00] =	vst v63  }
0x75: {  	_ =	swait.ge [sflag:s13], $0x1000  }
0x76: {  	[sflag:s13] =	ssyncset.done $0x0  }
0x77: {  	s29 =	sadd.s32 $0x500, s15;
	[sflag:s13] =	ssyncadd.s32 $0xFFFFF000  }
0x78: {  	[spmem:s2] =	stream.indirect.scatter.add.f32 [tilespmem:s18], [sflag:$0xE], $0x20, s29, s21, $0xb8;
	[tilespmem:$0x1BD00] =	vst v63  }
0x79: {  	_ =	swait.ge [sflag:s16], $0x1000  }
0x7a: {  	[sflag:s16] =	ssyncset.done $0x0  }
0x7b: {  	s30 =	sadd.s32 $0x580, s15;
	[sflag:s16] =	ssyncadd.s32 $0xFFFFF000  }
0x7c: {  	[spmem:s2] =	stream.indirect.scatter.add.f32 [tilespmem:s5], [sflag:$0xE], $0x20, s30, s21, $0xb8;
	[tilespmem:$0x1BD00] =	vst v63  }
0x7d: {  	_ =	swait.ge [sflag:s14], $0x1000  }
0x7e: {  	[sflag:s14] =	ssyncset.done $0x0  }
0x7f: {  	s15 =	sadd.s32 $0x600, s15;
	[sflag:s14] =	ssyncadd.s32 $0xFFFFF000  }
0x80: {  	[spmem:s2] =	stream.indirect.scatter.add.f32 [tilespmem:s7], [sflag:$0xE], $0x20, s15, s21, $0xb8;
	[tilespmem:$0x1BD00] =	vst v63  }
0x81: {  	_ =	swait.ge [sflag:s6], $0x1000  }
0x82: {  	[sflag:s6] =	ssyncset.done $0x0  }
0x83: {  	[sflag:s6] =	ssyncadd.s32 $0xFFFFF000  }
0x84: {  	_ =	swait.ge [sflag:s6], $0x1000  }
0x85: {  	[sflag:s6] =	ssyncset.done $0x0  }
0x86: {  	[sflag:s6] =	ssyncadd.s32 $0xFFFFF000  }
0x87: {  	_ =	swait.ge [sflag:s6], $0x1000  }
0x88: {  	[sflag:s6] =	ssyncset.done $0x0  }
0x89: {  	[sflag:s6] =	ssyncadd.s32 $0xFFFFF000  }
0x8a: {  	_ =	swait.ge [sflag:s6], $0x1000  }
0x8b: {  	[sflag:s6] =	ssyncset.done $0x0  }
0x8c: {  	[sflag:s6] =	ssyncadd.s32 $0xFFFFF000  }
0x8d: {  	_ =	swait.ge [sflag:s6], $0x1000  }
0x8e: {  	[sflag:s6] =	ssyncset.done $0x0  }
0x8f: {  	[sflag:s6] =	ssyncadd.s32 $0xFFFFF000  }
0x90: {  	_ =	swait.ge [sflag:s6], $0x1000  }
0x91: {  	[sflag:s6] =	ssyncset.done $0x0  }
0x92: {  	[sflag:s6] =	ssyncadd.s32 $0xFFFFF000  }
0x93: {  	_ =	swait.ge [sflag:s6], $0x1000  }
0x94: {  	[sflag:s6] =	ssyncset.done $0x0  }
0x95: {  	[sflag:s6] =	ssyncadd.s32 $0xFFFFF000  }
0x96: {  	_ =	swait.ge [sflag:s6], $0x1000  }
0x97: {  	[sflag:s6] =	ssyncset.done $0x0  }
0x98: {  	[sflag:s6] =	ssyncadd.s32 $0xFFFFF000  }
0x99: {  	_ =	swait.ge [sflag:s6], $0x1000  }
0x9a: {  	[sflag:s6] =	ssyncset.done $0x0  }
0x9b: {  	[sflag:s6] =	ssyncadd.s32 $0xFFFFF000  }
0x9c: {  	_ =	swait.ge [sflag:s6], $0x1000  }
0x9d: {  	[sflag:s6] =	ssyncset.done $0x0  }
0x9e: {  	[sflag:s6] =	ssyncadd.s32 $0xFFFFF000  }
0x9f: {  	_ =	swait.ge [sflag:s6], $0x1000  }
0xa0: {  	[sflag:s6] =	ssyncset.done $0x0  }
0xa1: {  	[sflag:s6] =	ssyncadd.s32 $0xFFFFF000  }
0xa2: {  	_ =	swait.ge [sflag:s6], $0x1000  }
0xa3: {  	[sflag:s6] =	ssyncset.done $0x0  }
0xa4: {  	[sflag:s6] =	ssyncadd.s32 $0xFFFFF000  }
0xa5: {  	s22 =	simm.s32 $0x3400;
	_ =	swait.ge [sflag:s6], $0x1000  }
0xa6: {  	s15 =	simm.s32 $0x1A00;
	s24 =	rddreg [dreg:$0x6];
	[sflag:s6] =	ssyncset.done $0x0  }
.LBB2_2:
0xa7: {  	s23 =	sshra.s32 s15, $0x2  }
0xa8: {  	[sflag:s6] =	ssyncadd.s32 $0xFFFFF000;
	s26 =	simm.s32 $0x4F00;
	s24 =	sadd.s32 s23, s24  }
0xa9: {  	[tilespmem:s26], [sflag:$0x1] =	stream.indirect.gather [spmem:s3], $0x20, s24, s21, $0xb8;
	[tilespmem:$0x1BD00] =	vst v63  }
0xaa: {  	s28 =	simm.s32 $0x5F00;
	s29 =	sadd.s32 $0x80, s24  }
0xab: {  	[tilespmem:s28], [sflag:$0x2] =	stream.indirect.gather [spmem:s3], $0x20, s29, s21, $0xb8;
	[tilespmem:$0x1BD00] =	vst v63  }
0xac: {  	s30 =	sadd.s32 $0x100, s24;
	s29 =	simm.s32 $0x6F00  }
0xad: {  	[tilespmem:s29], [sflag:$0x3] =	stream.indirect.gather [spmem:s3], $0x20, s30, s21, $0xb8;
	[tilespmem:$0x1BD00] =	vst v63  }
0xae: {  	s0 =	sadd.s32 $0x180, s24;
	s30 =	simm.s32 $0x7F00  }
0xaf: {  	[tilespmem:s30], [sflag:$0x4] =	stream.indirect.gather [spmem:s3], $0x20, s0, s21, $0xb8;
	[tilespmem:$0x1BD00] =	vst v63  }
0xb0: {  	s1 =	sadd.s32 $0x200, s24  }
0xb1: {  	[tilespmem:s31], [sflag:$0x5] =	stream.indirect.gather [spmem:s3], $0x20, s1, s21, $0xb8;
	[tilespmem:$0x1BD00] =	vst v63  }
0xb2: {  	s4 =	sadd.s32 $0x280, s24;
	s1 =	simm.s32 $0x9F00  }
0xb3: {  	[tilespmem:s1], [sflag:$0x6] =	stream.indirect.gather [spmem:s3], $0x20, s4, s21, $0xb8;
	[tilespmem:$0x1BD00] =	vst v63  }
0xb4: {  	s5 =	sadd.s32 $0x300, s24;
	s0 =	simm.s32 $0xAF00  }
0xb5: {  	[tilespmem:s0], [sflag:$0x7] =	stream.indirect.gather [spmem:s3], $0x20, s5, s21, $0xb8;
	[tilespmem:$0x1BD00] =	vst v63  }
0xb6: {  	s20 =	simm.s32 $0xBF00;
	s7 =	sadd.s32 $0x380, s24  }
0xb7: {  	[tilespmem:s20], [sflag:$0x8] =	stream.indirect.gather [spmem:s3], $0x20, s7, s21, $0xb8;
	[tilespmem:$0x1BD00] =	vst v63  }
0xb8: {  	s17 =	sadd.s32 $0x400, s24;
	s4 =	simm.s32 $0xCF00  }
0xb9: {  	[tilespmem:s4], [sflag:$0x9] =	stream.indirect.gather [spmem:s3], $0x20, s17, s21, $0xb8;
	[tilespmem:$0x1BD00] =	vst v63  }
0xba: {  	s18 =	sadd.s32 $0x480, s24;
	s17 =	simm.s32 $0xDF00  }
0xbb: {  	[tilespmem:s17], [sflag:$0xA] =	stream.indirect.gather [spmem:s3], $0x20, s18, s21, $0xb8;
	[tilespmem:$0x1BD00] =	vst v63  }
0xbc: {  	s25 =	smov.u32 s22;
	s5 =	sadd.s32 $0x500, s24;
	s18 =	simm.s32 $0xEF00  }
0xbd: {  	[tilespmem:s18], [sflag:$0xB] =	stream.indirect.gather [spmem:s3], $0x20, s5, s21, $0xb8;
	[tilespmem:$0x1BD00] =	vst v63  }
0xbe: {  	s15 =	smov.u32 s25;
	s7 =	sadd.s32 $0x580, s24;
	s5 =	simm.s32 $0xFF00  }
0xbf: {  	[tilespmem:s5], [sflag:$0xC] =	stream.indirect.gather [spmem:s3], $0x20, s7, s21, $0xb8;
	[tilespmem:$0x1BD00] =	vst v63  }
0xc0: {  	s25 =	simm.s32 $0x1;
	s24 =	sadd.s32 $0x600, s24;
	s7 =	simm.s32 $0x10F00  }
0xc1: {  	[tilespmem:s7], [sflag:$0xD] =	stream.indirect.gather [spmem:s3], $0x20, s24, s21, $0xb8;
	[tilespmem:$0x1BD00] =	vst v63  }
0xc2: {  	_ =	swait.ge [sflag:s25], $0x1000  }
0xc3: {  	s24 =	rddreg [dreg:$0x5];
	[sflag:s25] =	ssyncset.done $0x0  }
0xc4: {  	[sflag:s25] =	ssyncadd.s32 $0xFFFFF000;
	s23 =	sadd.s32 s23, s24;
	s25 =	simm.s32 $0x2  }
0xc5: {  	[spmem:s2] =	stream.indirect.scatter.add.f32 [tilespmem:s26], [sflag:$0xE], $0x20, s23, s21, $0xb8;
	[tilespmem:$0x1BD00] =	vst v63  }
0xc6: {  	_ =	swait.ge [sflag:s25], $0x1000  }
0xc7: {  	[sflag:s25] =	ssyncset.done $0x0  }
0xc8: {  	s26 =	sadd.s32 $0x80, s23;
	[sflag:s25] =	ssyncadd.s32 $0xFFFFF000  }
0xc9: {  	[spmem:s2] =	stream.indirect.scatter.add.f32 [tilespmem:s28], [sflag:$0xE], $0x20, s26, s21, $0xb8;
	[tilespmem:$0x1BD00] =	vst v63  }
0xca: {  	s28 =	simm.s32 $0x3  }
0xcb: {  	_ =	swait.ge [sflag:s28], $0x1000  }
0xcc: {  	[sflag:s28] =	ssyncset.done $0x0  }
0xcd: {  	s25 =	sadd.s32 $0x100, s23;
	s26 =	simm.s32 $0x4;
	[sflag:s28] =	ssyncadd.s32 $0xFFFFF000  }
0xce: {  	[spmem:s2] =	stream.indirect.scatter.add.f32 [tilespmem:s29], [sflag:$0xE], $0x20, s25, s21, $0xb8;
	[tilespmem:$0x1BD00] =	vst v63  }
0xcf: {  	_ =	swait.ge [sflag:s26], $0x1000  }
0xd0: {  	[sflag:s26] =	ssyncset.done $0x0  }
0xd1: {  	s28 =	sadd.s32 $0x180, s23;
	[sflag:s26] =	ssyncadd.s32 $0xFFFFF000  }
0xd2: {  	[spmem:s2] =	stream.indirect.scatter.add.f32 [tilespmem:s30], [sflag:$0xE], $0x20, s28, s21, $0xb8;
	[tilespmem:$0x1BD00] =	vst v63  }
0xd3: {  	_ =	swait.ge [sflag:s8], $0x1000  }
0xd4: {  	[sflag:s8] =	ssyncset.done $0x0  }
0xd5: {  	s29 =	sadd.s32 $0x200, s23;
	[sflag:s8] =	ssyncadd.s32 $0xFFFFF000  }
0xd6: {  	[spmem:s2] =	stream.indirect.scatter.add.f32 [tilespmem:s31], [sflag:$0xE], $0x20, s29, s21, $0xb8;
	[tilespmem:$0x1BD00] =	vst v63  }
0xd7: {  	_ =	swait.ge [sflag:s9], $0x1000  }
0xd8: {  	[sflag:s9] =	ssyncset.done $0x0  }
0xd9: {  	s30 =	sadd.s32 $0x280, s23;
	[sflag:s9] =	ssyncadd.s32 $0xFFFFF000  }
0xda: {  	[spmem:s2] =	stream.indirect.scatter.add.f32 [tilespmem:s1], [sflag:$0xE], $0x20, s30, s21, $0xb8;
	[tilespmem:$0x1BD00] =	vst v63  }
0xdb: {  	_ =	swait.ge [sflag:s10], $0x1000  }
0xdc: {  	[sflag:s10] =	ssyncset.done $0x0  }
0xdd: {  	s1 =	sadd.s32 $0x300, s23;
	[sflag:s10] =	ssyncadd.s32 $0xFFFFF000  }
0xde: {  	[spmem:s2] =	stream.indirect.scatter.add.f32 [tilespmem:s0], [sflag:$0xE], $0x20, s1, s21, $0xb8;
	[tilespmem:$0x1BD00] =	vst v63  }
0xdf: {  	_ =	swait.ge [sflag:s11], $0x1000  }
0xe0: {  	[sflag:s11] =	ssyncset.done $0x0  }
0xe1: {  	s25 =	sadd.s32 $0x380, s23;
	[sflag:s11] =	ssyncadd.s32 $0xFFFFF000  }
0xe2: {  	[spmem:s2] =	stream.indirect.scatter.add.f32 [tilespmem:s20], [sflag:$0xE], $0x20, s25, s21, $0xb8;
	[tilespmem:$0x1BD00] =	vst v63  }
0xe3: {  	_ =	swait.ge [sflag:s12], $0x1000  }
0xe4: {  	[sflag:s12] =	ssyncset.done $0x0  }
0xe5: {  	s26 =	sadd.s32 $0x400, s23;
	[sflag:s12] =	ssyncadd.s32 $0xFFFFF000  }
0xe6: {  	[spmem:s2] =	stream.indirect.scatter.add.f32 [tilespmem:s4], [sflag:$0xE], $0x20, s26, s21, $0xb8;
	[tilespmem:$0x1BD00] =	vst v63  }
0xe7: {  	_ =	swait.ge [sflag:s19], $0x1000  }
0xe8: {  	[sflag:s19] =	ssyncset.done $0x0  }
0xe9: {  	s28 =	sadd.s32 $0x480, s23;
	[sflag:s19] =	ssyncadd.s32 $0xFFFFF000  }
0xea: {  	[spmem:s2] =	stream.indirect.scatter.add.f32 [tilespmem:s17], [sflag:$0xE], $0x20, s28, s21, $0xb8;
	[tilespmem:$0x1BD00] =	vst v63  }
0xeb: {  	_ =	swait.ge [sflag:s13], $0x1000  }
0xec: {  	[sflag:s13] =	ssyncset.done $0x0  }
0xed: {  	s29 =	sadd.s32 $0x500, s23;
	[sflag:s13] =	ssyncadd.s32 $0xFFFFF000  }
0xee: {  	[spmem:s2] =	stream.indirect.scatter.add.f32 [tilespmem:s18], [sflag:$0xE], $0x20, s29, s21, $0xb8;
	[tilespmem:$0x1BD00] =	vst v63  }
0xef: {  	_ =	swait.ge [sflag:s16], $0x1000  }
0xf0: {  	[sflag:s16] =	ssyncset.done $0x0  }
0xf1: {  	s30 =	sadd.s32 $0x580, s23;
	[sflag:s16] =	ssyncadd.s32 $0xFFFFF000  }
0xf2: {  	[spmem:s2] =	stream.indirect.scatter.add.f32 [tilespmem:s5], [sflag:$0xE], $0x20, s30, s21, $0xb8;
	[tilespmem:$0x1BD00] =	vst v63  }
0xf3: {  	_ =	swait.ge [sflag:s14], $0x1000  }
0xf4: {  	[sflag:s14] =	ssyncset.done $0x0  }
0xf5: {  	s23 =	sadd.s32 $0x600, s23;
	[sflag:s14] =	ssyncadd.s32 $0xFFFFF000  }
0xf6: {  	[spmem:s2] =	stream.indirect.scatter.add.f32 [tilespmem:s7], [sflag:$0xE], $0x20, s23, s21, $0xb8;
	[tilespmem:$0x1BD00] =	vst v63  }
0xf7: {  	_ =	swait.ge [sflag:s6], $0x1000  }
0xf8: {  	[sflag:s6] =	ssyncset.done $0x0  }
0xf9: {  	[sflag:s6] =	ssyncadd.s32 $0xFFFFF000  }
0xfa: {  	_ =	swait.ge [sflag:s6], $0x1000  }
0xfb: {  	[sflag:s6] =	ssyncset.done $0x0  }
0xfc: {  	[sflag:s6] =	ssyncadd.s32 $0xFFFFF000  }
0xfd: {  	_ =	swait.ge [sflag:s6], $0x1000  }
0xfe: {  	[sflag:s6] =	ssyncset.done $0x0  }
0xff: {  	[sflag:s6] =	ssyncadd.s32 $0xFFFFF000  }
0x100: {  	_ =	swait.ge [sflag:s6], $0x1000  }
0x101: {  	[sflag:s6] =	ssyncset.done $0x0  }
0x102: {  	[sflag:s6] =	ssyncadd.s32 $0xFFFFF000  }
0x103: {  	_ =	swait.ge [sflag:s6], $0x1000  }
0x104: {  	[sflag:s6] =	ssyncset.done $0x0  }
0x105: {  	[sflag:s6] =	ssyncadd.s32 $0xFFFFF000  }
0x106: {  	_ =	swait.ge [sflag:s6], $0x1000  }
0x107: {  	[sflag:s6] =	ssyncset.done $0x0  }
0x108: {  	[sflag:s6] =	ssyncadd.s32 $0xFFFFF000  }
0x109: {  	_ =	swait.ge [sflag:s6], $0x1000  }
0x10a: {  	[sflag:s6] =	ssyncset.done $0x0  }
0x10b: {  	[sflag:s6] =	ssyncadd.s32 $0xFFFFF000  }
0x10c: {  	_ =	swait.ge [sflag:s6], $0x1000  }
0x10d: {  	[sflag:s6] =	ssyncset.done $0x0  }
0x10e: {  	[sflag:s6] =	ssyncadd.s32 $0xFFFFF000  }
0x10f: {  	_ =	swait.ge [sflag:s6], $0x1000  }
0x110: {  	[sflag:s6] =	ssyncset.done $0x0  }
0x111: {  	[sflag:s6] =	ssyncadd.s32 $0xFFFFF000  }
0x112: {  	_ =	swait.ge [sflag:s6], $0x1000  }
0x113: {  	[sflag:s6] =	ssyncset.done $0x0  }
0x114: {  	[sflag:s6] =	ssyncadd.s32 $0xFFFFF000  }
0x115: {  	_ =	swait.ge [sflag:s6], $0x1000  }
0x116: {  	[sflag:s6] =	ssyncset.done $0x0  }
0x117: {  	p1 =	sne.s32 s22, $0x8200;
	[sflag:s6] =	ssyncadd.s32 $0xFFFFF000  }
.Ltmp0:
0x118: {  	_ =	swait.ge [sflag:s6], $0x1000;
	(pc) =	sbr.rel @p1 .LBB2_2-.Ltmp0, $4  }
0x119: {  	[sflag:s6] =	ssyncset.done $0x0  }
0x11a: {  	[sflag:s6] =	ssyncadd.s32 $0xFFFFF000  }
0x11b: {  	_ =	swait.ge [sflag:s6], $0x1000  }
0x11c: {  	s22 =	sadd.s32 $0x1A00, s22;
	s24 =	rddreg [dreg:$0x6];
	[sflag:s6] =	ssyncset.done $0x0  }
0x11d: {  	s15 =	sshra.s32 s15, $0x2  }
0x11e: {  	[sflag:s6] =	ssyncadd.s32 $0xFFFFF000;
	s22 =	sadd.s32 s15, s24;
	s24 =	simm.s32 $0x4F00  }
0x11f: {  	[tilespmem:s24], [sflag:$0x1] =	stream.indirect.gather [spmem:s3], $0x20, s22, s21, $0xb8;
	[tilespmem:$0x1BD00] =	vst v63  }
0x120: {  	s25 =	simm.s32 $0x5F00;
	s23 =	sadd.s32 $0x80, s22  }
0x121: {  	[tilespmem:s25], [sflag:$0x2] =	stream.indirect.gather [spmem:s3], $0x20, s23, s21, $0xb8;
	[tilespmem:$0x1BD00] =	vst v63  }
0x122: {  	s26 =	simm.s32 $0x6F00;
	s0 =	sadd.s32 $0x100, s22  }
0x123: {  	[tilespmem:s26], [sflag:$0x3] =	stream.indirect.gather [spmem:s3], $0x20, s0, s21, $0xb8;
	[tilespmem:$0x1BD00] =	vst v63  }
0x124: {  	s28 =	simm.s32 $0x7F00;
	s1 =	sadd.s32 $0x180, s22  }
0x125: {  	[tilespmem:s28], [sflag:$0x4] =	stream.indirect.gather [spmem:s3], $0x20, s1, s21, $0xb8;
	[tilespmem:$0x1BD00] =	vst v63  }
0x126: {  	s29 =	simm.s32 $0x8F00;
	s4 =	sadd.s32 $0x200, s22  }
0x127: {  	[tilespmem:s29], [sflag:$0x5] =	stream.indirect.gather [spmem:s3], $0x20, s4, s21, $0xb8;
	[tilespmem:$0x1BD00] =	vst v63  }
0x128: {  	s5 =	sadd.s32 $0x280, s22;
	s1 =	simm.s32 $0x9F00  }
0x129: {  	[tilespmem:s1], [sflag:$0x6] =	stream.indirect.gather [spmem:s3], $0x20, s5, s21, $0xb8;
	[tilespmem:$0x1BD00] =	vst v63  }
0x12a: {  	s7 =	sadd.s32 $0x300, s22;
	s0 =	simm.s32 $0xAF00  }
0x12b: {  	[tilespmem:s0], [sflag:$0x7] =	stream.indirect.gather [spmem:s3], $0x20, s7, s21, $0xb8;
	[tilespmem:$0x1BD00] =	vst v63  }
0x12c: {  	s20 =	simm.s32 $0xBF00;
	s17 =	sadd.s32 $0x380, s22  }
0x12d: {  	[tilespmem:s20], [sflag:$0x8] =	stream.indirect.gather [spmem:s3], $0x20, s17, s21, $0xb8;
	[tilespmem:$0x1BD00] =	vst v63  }
0x12e: {  	s18 =	sadd.s32 $0x400, s22;
	s4 =	simm.s32 $0xCF00  }
0x12f: {  	[tilespmem:s4], [sflag:$0x9] =	stream.indirect.gather [spmem:s3], $0x20, s18, s21, $0xb8;
	[tilespmem:$0x1BD00] =	vst v63  }
0x130: {  	s30 =	sadd.s32 $0x480, s22;
	s17 =	simm.s32 $0xDF00  }
0x131: {  	[tilespmem:s17], [sflag:$0xA] =	stream.indirect.gather [spmem:s3], $0x20, s30, s21, $0xb8;
	[tilespmem:$0x1BD00] =	vst v63  }
0x132: {  	s5 =	sadd.s32 $0x500, s22;
	s18 =	simm.s32 $0xEF00  }
0x133: {  	[tilespmem:s18], [sflag:$0xB] =	stream.indirect.gather [spmem:s3], $0x20, s5, s21, $0xb8;
	[tilespmem:$0x1BD00] =	vst v63  }
0x134: {  	s7 =	sadd.s32 $0x580, s22;
	s5 =	simm.s32 $0xFF00  }
0x135: {  	[tilespmem:s5], [sflag:$0xC] =	stream.indirect.gather [spmem:s3], $0x20, s7, s21, $0xb8;
	[tilespmem:$0x1BD00] =	vst v63  }
0x136: {  	s22 =	sadd.s32 $0x600, s22;
	s30 =	simm.s32 $0x1;
	s7 =	simm.s32 $0x10F00  }
0x137: {  	[tilespmem:s7], [sflag:$0xD] =	stream.indirect.gather [spmem:s3], $0x20, s22, s21, $0xb8;
	[tilespmem:$0x1BD00] =	vst v63  }
0x138: {  	_ =	swait.ge [sflag:s30], $0x1000  }
0x139: {  	s23 =	rddreg [dreg:$0x5];
	[sflag:s30] =	ssyncset.done $0x0  }
0x13a: {  	[sflag:s30] =	ssyncadd.s32 $0xFFFFF000;
	s15 =	sadd.s32 s15, s23;
	s23 =	simm.s32 $0x2  }
0x13b: {  	[spmem:s2] =	stream.indirect.scatter.add.f32 [tilespmem:s24], [sflag:$0xE], $0x20, s15, s21, $0xb8;
	[tilespmem:$0x1BD00] =	vst v63  }
0x13c: {  	_ =	swait.ge [sflag:s23], $0x1000  }
0x13d: {  	[sflag:s23] =	ssyncset.done $0x0  }
0x13e: {  	s24 =	sadd.s32 $0x80, s15;
	[sflag:s23] =	ssyncadd.s32 $0xFFFFF000;
	s23 =	simm.s32 $0x3  }
0x13f: {  	[spmem:s2] =	stream.indirect.scatter.add.f32 [tilespmem:s25], [sflag:$0xE], $0x20, s24, s21, $0xb8;
	[tilespmem:$0x1BD00] =	vst v63  }
0x140: {  	_ =	swait.ge [sflag:s23], $0x1000  }
0x141: {  	[sflag:s23] =	ssyncset.done $0x0  }
0x142: {  	s24 =	sadd.s32 $0x100, s15;
	[sflag:s23] =	ssyncadd.s32 $0xFFFFF000  }
0x143: {  	[spmem:s2] =	stream.indirect.scatter.add.f32 [tilespmem:s26], [sflag:$0xE], $0x20, s24, s21, $0xb8;
	[tilespmem:$0x1BD00] =	vst v63  }
0x144: {  	s24 =	simm.s32 $0x4  }
0x145: {  	_ =	swait.ge [sflag:s24], $0x1000  }
0x146: {  	[sflag:s24] =	ssyncset.done $0x0  }
0x147: {  	s25 =	sadd.s32 $0x180, s15;
	[sflag:s24] =	ssyncadd.s32 $0xFFFFF000  }
0x148: {  	[spmem:s2] =	stream.indirect.scatter.add.f32 [tilespmem:s28], [sflag:$0xE], $0x20, s25, s21, $0xb8;
	[tilespmem:$0x1BD00] =	vst v63  }
0x149: {  	_ =	swait.ge [sflag:s8], $0x1000  }
0x14a: {  	[sflag:s8] =	ssyncset.done $0x0  }
0x14b: {  	s26 =	sadd.s32 $0x200, s15;
	[sflag:s8] =	ssyncadd.s32 $0xFFFFF000  }
0x14c: {  	[spmem:s2] =	stream.indirect.scatter.add.f32 [tilespmem:s29], [sflag:$0xE], $0x20, s26, s21, $0xb8;
	[tilespmem:$0x1BD00] =	vst v63  }
0x14d: {  	_ =	swait.ge [sflag:s9], $0x1000  }
0x14e: {  	[sflag:s9] =	ssyncset.done $0x0  }
0x14f: {  	s28 =	sadd.s32 $0x280, s15;
	[sflag:s9] =	ssyncadd.s32 $0xFFFFF000  }
0x150: {  	[spmem:s2] =	stream.indirect.scatter.add.f32 [tilespmem:s1], [sflag:$0xE], $0x20, s28, s21, $0xb8;
	[tilespmem:$0x1BD00] =	vst v63  }
0x151: {  	_ =	swait.ge [sflag:s10], $0x1000  }
0x152: {  	[sflag:s10] =	ssyncset.done $0x0  }
0x153: {  	s29 =	sadd.s32 $0x300, s15;
	[sflag:s10] =	ssyncadd.s32 $0xFFFFF000  }
0x154: {  	[spmem:s2] =	stream.indirect.scatter.add.f32 [tilespmem:s0], [sflag:$0xE], $0x20, s29, s21, $0xb8;
	[tilespmem:$0x1BD00] =	vst v63  }
0x155: {  	_ =	swait.ge [sflag:s11], $0x1000  }
0x156: {  	[sflag:s11] =	ssyncset.done $0x0  }
0x157: {  	s1 =	sadd.s32 $0x380, s15;
	[sflag:s11] =	ssyncadd.s32 $0xFFFFF000  }
0x158: {  	[spmem:s2] =	stream.indirect.scatter.add.f32 [tilespmem:s20], [sflag:$0xE], $0x20, s1, s21, $0xb8;
	[tilespmem:$0x1BD00] =	vst v63  }
0x159: {  	_ =	swait.ge [sflag:s12], $0x1000  }
0x15a: {  	[sflag:s12] =	ssyncset.done $0x0  }
0x15b: {  	s20 =	sadd.s32 $0x400, s15;
	[sflag:s12] =	ssyncadd.s32 $0xFFFFF000  }
0x15c: {  	[spmem:s2] =	stream.indirect.scatter.add.f32 [tilespmem:s4], [sflag:$0xE], $0x20, s20, s21, $0xb8;
	[tilespmem:$0x1BD00] =	vst v63  }
0x15d: {  	_ =	swait.ge [sflag:s19], $0x1000  }
0x15e: {  	[sflag:s19] =	ssyncset.done $0x0  }
0x15f: {  	s23 =	sadd.s32 $0x480, s15;
	[sflag:s19] =	ssyncadd.s32 $0xFFFFF000  }
0x160: {  	[spmem:s2] =	stream.indirect.scatter.add.f32 [tilespmem:s17], [sflag:$0xE], $0x20, s23, s21, $0xb8;
	[tilespmem:$0x1BD00] =	vst v63  }
0x161: {  	_ =	swait.ge [sflag:s13], $0x1000  }
0x162: {  	[sflag:s13] =	ssyncset.done $0x0  }
0x163: {  	s25 =	sadd.s32 $0x500, s15;
	[sflag:s13] =	ssyncadd.s32 $0xFFFFF000  }
0x164: {  	[spmem:s2] =	stream.indirect.scatter.add.f32 [tilespmem:s18], [sflag:$0xE], $0x20, s25, s21, $0xb8;
	[tilespmem:$0x1BD00] =	vst v63  }
0x165: {  	_ =	swait.ge [sflag:s16], $0x1000  }
0x166: {  	[sflag:s16] =	ssyncset.done $0x0  }
0x167: {  	s26 =	sadd.s32 $0x580, s15;
	[sflag:s16] =	ssyncadd.s32 $0xFFFFF000  }
0x168: {  	[spmem:s2] =	stream.indirect.scatter.add.f32 [tilespmem:s5], [sflag:$0xE], $0x20, s26, s21, $0xb8;
	[tilespmem:$0x1BD00] =	vst v63  }
0x169: {  	_ =	swait.ge [sflag:s14], $0x1000  }
0x16a: {  	[sflag:s14] =	ssyncset.done $0x0  }
0x16b: {  	s15 =	sadd.s32 $0x600, s15;
	[sflag:s14] =	ssyncadd.s32 $0xFFFFF000  }
0x16c: {  	[spmem:s2] =	stream.indirect.scatter.add.f32 [tilespmem:s7], [sflag:$0xE], $0x20, s15, s21, $0xb8;
	[tilespmem:$0x1BD00] =	vst v63  }
0x16d: {  	_ =	swait.ge [sflag:s6], $0x1000  }
0x16e: {  	[sflag:s6] =	ssyncset.done $0x0  }
0x16f: {  	[sflag:s6] =	ssyncadd.s32 $0xFFFFF000  }
0x170: {  	_ =	swait.ge [sflag:s6], $0x1000  }
0x171: {  	[sflag:s6] =	ssyncset.done $0x0  }
0x172: {  	[sflag:s6] =	ssyncadd.s32 $0xFFFFF000  }
0x173: {  	_ =	swait.ge [sflag:s6], $0x1000  }
0x174: {  	[sflag:s6] =	ssyncset.done $0x0  }
0x175: {  	[sflag:s6] =	ssyncadd.s32 $0xFFFFF000  }
0x176: {  	_ =	swait.ge [sflag:s6], $0x1000  }
0x177: {  	[sflag:s6] =	ssyncset.done $0x0  }
0x178: {  	[sflag:s6] =	ssyncadd.s32 $0xFFFFF000  }
0x179: {  	_ =	swait.ge [sflag:s6], $0x1000  }
0x17a: {  	[sflag:s6] =	ssyncset.done $0x0  }
0x17b: {  	[sflag:s6] =	ssyncadd.s32 $0xFFFFF000  }
0x17c: {  	_ =	swait.ge [sflag:s6], $0x1000  }
0x17d: {  	[sflag:s6] =	ssyncset.done $0x0  }
0x17e: {  	[sflag:s6] =	ssyncadd.s32 $0xFFFFF000  }
0x17f: {  	_ =	swait.ge [sflag:s6], $0x1000  }
0x180: {  	[sflag:s6] =	ssyncset.done $0x0  }
0x181: {  	[sflag:s6] =	ssyncadd.s32 $0xFFFFF000  }
0x182: {  	_ =	swait.ge [sflag:s6], $0x1000  }
0x183: {  	[sflag:s6] =	ssyncset.done $0x0  }
0x184: {  	[sflag:s6] =	ssyncadd.s32 $0xFFFFF000  }
0x185: {  	_ =	swait.ge [sflag:s6], $0x1000  }
0x186: {  	[sflag:s6] =	ssyncset.done $0x0  }
0x187: {  	[sflag:s6] =	ssyncadd.s32 $0xFFFFF000  }
0x188: {  	_ =	swait.ge [sflag:s6], $0x1000  }
0x189: {  	[sflag:s6] =	ssyncset.done $0x0  }
0x18a: {  	[sflag:s6] =	ssyncadd.s32 $0xFFFFF000  }
0x18b: {  	_ =	swait.ge [sflag:s6], $0x1000  }
0x18c: {  	[sflag:s6] =	ssyncset.done $0x0  }
0x18d: {  	[sflag:s6] =	ssyncadd.s32 $0xFFFFF000  }
0x18e: {  	_ =	swait.ge [sflag:s6], $0x1000  }
0x18f: {  	[sflag:s6] =	ssyncset.done $0x0  }
0x190: {  	[sflag:s6] =	ssyncadd.s32 $0xFFFFF000  }
0x191: {  	_ =	swait.ge [sflag:s6], $0x1000  }
0x192: {  	s22 =	simm.s32 @!p0 $0x4F00;
	[sflag:s6] =	ssyncset.done $0x0  }
0x193: {  	s15 =	simm.s32 @!p0 $0x80;
	s23 =	rddreg [dreg:$0xc];
	[sflag:s6] =	ssyncadd.s32 $0xFFFFF000  }
0x194: {  	[tilespmem:s22], [sflag:$0x1] =	stream.indirect.gather @!p0 [spmem:s3], $0x20, s23, s15, $0xb8;
	[tilespmem:$0x1BD00] =	vst v63  }
0x195: {  	s23 =	simm.s32 @!p0 $0x1  }
0x196: {  	_ =	swait.ge @!p0 [sflag:s23], $0x1000  }
0x197: {  	[sflag:s23] =	ssyncset.done @!p0 $0x0  }
0x198: {  	[sflag:s23] =	ssyncadd.s32 @!p0 $0xFFFFF000;
	s23 =	rddreg [dreg:$0xd]  }
0x199: {  	[spmem:s2] =	stream.indirect.scatter.add.f32 @!p0 [tilespmem:s22], [sflag:$0xF], $0x20, s23, s15, $0xb8;
	[tilespmem:$0x1BD00] =	vst v63  }
0x19a: {  	s15 =	simm.s32 @!p0 $0xF  }
0x19b: {  	_ =	swait.ge @!p0 [sflag:s15], $0x1000  }
0x19c: {  	[sflag:s15] =	ssyncset.done @!p0 $0x0  }
0x19d: {  	[sflag:s15] =	ssyncadd.s32 @!p0 $0xFFFFF000  }
0x19e: {  	[bflag:$0x0] =	sbarrier.arrive $0xFFFF  }
0x19f: {  	s22 =	rddreg [dreg:$0x8]  }
0x1a0: {  	s28 =	rddreg [dreg:$0xe]  }
0x1a1: {  	s25 =	simm.s32 $0x10;
	s23 =	rddreg [dreg:$0x10]  }
0x1a2: {  	[hbm:s28@s25], [sflag:s22] =	dma.strided [spmem:s23@s24], $0x9E0, s30, $0x4   }
0x1a3: {  	s24 =	simm.s32 $0xF  }
0x1a4: {  	_ =	swait.ge [sflag:s24], $0x9E0  }
0x1a5: {  	s29 =	rddreg [dreg:$0x12]  }
0x1a6: {  	s30 =	rddreg [dreg:$0xf];
	s0 =	sadd.s32 $0x1, s29  }
0x1a7: {  	p1 =	sne.s32 s0, s30  }
.Ltmp1:
0x1a8: {  	_ = 	snop;
	(pc) =	sbr.rel @p1 .LBB2_1-.Ltmp1, $3  }
0x1a9: {  	_ =	sdelay $0x1  }
0x1aa: {  	[sflag:s24] =	ssyncset.done $0x0  }
0x1ab: {  	[sflag:s24] =	ssyncadd.s32 $0xFFFFF620  }
0x1ac: {  	_ =	sfence.sel $0x180000  }
0x1ad: {  	[bflag:$0x0] =	sbarrier.arrive $0xFFFF  }
0x1ae: {  	_ =	strace $0x9000004A  }
0x1af: {  	s0 =	stileid.u32;
	[bflag:$0x2] =	sbarrier.arrive $0xFFFF  }
0x1b0: {  	p0 =	sne.s32 s0, $0x0;
	s0 =	rddreg [dreg:$0x4]  }
0x1b1: {  	s0 =	sadd.s32 @!p0 $0x100000, s0  }
0x1b2: {  	[sflag:s0] =	ssyncadd.tile.s32 @!p0 $0x1;
	_ =	shalt  }
.Lfunc_end2:
_tile_overlayer_lowered:
.L_overlay_start_2:
0x1b3: {  	(tag) =	ssettag $0x2  }
0x1b4: {  	s0 =	rddreg [dreg:$0x0];
	s2 =	stileid.u32  }
0x1b5: {  	s1 =	rddreg [dreg:$0x1];
	p0 =	sne.s32 s2, $0x0  }
0x1b6: {  	s3 =	rddreg [dreg:$0x2];
	[bflag:$0x3] =	sbarrier.arrive $0xFFFF;
	s2 =	simm.s32 @!p0 $0x1C0F  }
0x1b7: {  	[timem:s3], [sflag:s2] =	dma.local @!p0 [hbm:s0], s1  }
0x1b8: {  	s0 =	simm.s32 @!p0 $0xF  }
0x1b9: {  	_ =	swait.ge @!p0 [sflag:s0], s1  }
0x1ba: {  	s1 =	ssub.s32 @!p0 $0x0, s1;
	[sflag:s0] =	ssyncset.done @!p0 $0x0  }
0x1bb: {  	[sflag:s0] =	ssyncadd.s32 @!p0 s1  }
0x1bc: {  	[bflag:$0x3] =	sbarrier.arrive $0xFFFF  }
0x1bd: {  	_ =	shalt  }

// kernel: kernel.15.cloned.1.call-start
scs
__scs_entry_jumppad:
0x0: {  	(pc) =	sbr.rel $0x88, $3  }
0x1: {  	(tag) =	ssettag $0x0;
	lr =	simm.s32 $0x1  }
0x2: {  	[smem:$0x3F98] =	sst lr;
	_ =	strace $0xD0000000  }
0x3: {  	_ = 	snop  }
0x4: {  	_ = 	snop  }
0x5: {  	_ = 	snop  }
0x6: {  	_ = 	snop  }
0x7: {  	_ = 	snop  }
__scs_overlays_trampoline_lowered:
0x8: {  	[smem:$0x3FA7] =	sst s0  }
0x9: {  	[smem:$0x3FA8] =	sst s1  }
0xa: {  	[smem:$0x3FA9] =	sst s2  }
0xb: {  	[smem:$0x3FAA] =	sst s3  }
0xc: {  	[smem:$0x3FAB] =	sst s4  }
0xd: {  	[smem:$0x3FAC] =	sst s5  }
0xe: {  	[smem:$0x3FAD] =	sst s6  }
0xf: {  	[smem:$0x3FAE] =	sst s7  }
0x10: {  	[smem:$0x3FAF] =	sst s8  }
0x11: {  	[smem:$0x3FB0] =	sst s9;
	s0 =	simm.s32 @!p0 $0x0  }
0x12: {  	s1 =	sld [smem:$0x3F96];
	s0 =	simm.s32 @p0 $0x1  }
0x13: {  	[smem:$0x3FB1] =	sst s0;
	s0 =	simm.s32 @!p1 $0x0  }
0x14: {  	s2 =	sld [smem:$0x3F95];
	s0 =	simm.s32 @p1 $0x1  }
0x15: {  	[smem:$0x3FB2] =	sst s0;
	s0 =	simm.s32 @!p2 $0x0  }
0x16: {  	s3 =	sld [smem:$0x3FDB];
	s0 =	simm.s32 @p2 $0x1  }
0x17: {  	s4 =	simm.s32 $0x1BF5;
	[smem:$0x3FB4] =	sst s0  }
0x18: {  	s0 =	sld [smem:$0x3F97];
	_ =	swait.ge [sflag:s4], $0x0  }
0x19: {  	s7 =	sld [smem:$0x3F98]  }
0x1a: {  	s8 =	sadd.s32 $0xFFFFE003, lr  }
0x1b: {  	s9 =	sadd.s32 $0xFFFFFEF7, lr;
	s5 =	simm.s32 $0xFFFFFFFF;
	p2 =	slt.u32 s8, $0xFFFFF086  }
0x1c: {  	p1 =	slt.u32 s9, $0xF7A;
	s5 =	simm.s32 @!p2 $0x0  }
0x1d: {  	s5 =	simm.s32 @p1 $0x1;
	p0 =	seq.s32 s7, s2  }
0x1e: {  	s7 =	smul.u32 @!p0 $0xF7A, s2;
	p2 =	seq.s32 @!p0 s5, $0x0  }
0x1f: {  	s9 =	smul.u32 $0xF7A, s1;
	s8 =	simm.s32 @!p0 $0x1BF5;
	p2 =	por !p2, p0  }
0x20: {  	[sflag:s8] =	ssyncset.s32 @!p0 $0xFFFFF086;
	s6 =	sadd.s32 @!p0 s3, s7;
	s7 =	simm.s32 @!p0 $0x108  }
0x21: {  	s3 =	sadd.s32 s3, s9;
	s6 =	sadd.s32 @!p0 $0x88, s6;
	s7 =	simm.s32 @p2 $0x1082  }
0x22: {  	[simem:s7], [sflag:s8] =	dma.local @!p0 [hbm:s6], $0xF7A  }
0x23: {  	s9 =	sor.u32 $0xD0000000, s2;
	s6 =	simm.s32 $0x108;
	_ =	swait.ge @!p0 [sflag:s8], $0x0  }
0x24: {  	s3 =	sadd.s32 $0x88, s3;
	s6 =	simm.s32 @!p1 $0x1082;
	[sflag:s4] =	ssyncset.s32 $0xFFFFF086  }
0x25: {  	[simem:s6], [sflag:s4] =	dma.local [hbm:s3], $0xF7A  }
0x26: {  	[smem:$0x3F98] =	sst s1;
	(tag) =	ssettag s2;
	_ =	strace s9  }
0x27: {  	s1 =	sld [smem:$0x3FA8]  }
0x28: {  	s2 =	sld [smem:$0x3FA9]  }
0x29: {  	s4 =	sld [smem:$0x3FAB]  }
0x2a: {  	p0 =	seq.s32 s5, $0x0;
	s5 =	sld [smem:$0x3FAC]  }
0x2b: {  	s6 =	sld [smem:$0x3FAD]  }
0x2c: {  	s7 =	sld [smem:$0x3FAE]  }
0x2d: {  	s3 =	simm.s32 $0x108;
	s8 =	sld [smem:$0x3FAF]  }
0x2e: {  	s3 =	simm.s32 @!p0 $0x1082;
	s9 =	sld [smem:$0x3FB0]  }
0x2f: {  	lr =	sadd.s32 s0, s3;
	s0 =	sld [smem:$0x3FA7]  }
0x30: {  	s3 =	sld [smem:$0x3FAA]  }
0x31: {  	[smem:$0x3FB3] =	sst s10  }
0x32: {  	s10 =	sld [smem:$0x3FB1];
	_ =	sdelay $0x3  }
0x33: {  	p0 =	seq.s32 s10, $0x1;
	s10 =	sld [smem:$0x3FB3];
	_ =	sdelay $0x3  }
0x34: {  	[smem:$0x3FB3] =	sst s10  }
0x35: {  	s10 =	sld [smem:$0x3FB2];
	_ =	sdelay $0x3  }
0x36: {  	p1 =	seq.s32 s10, $0x1;
	s10 =	sld [smem:$0x3FB3];
	_ =	sdelay $0x3  }
0x37: {  	[smem:$0x3FB3] =	sst s10  }
0x38: {  	s10 =	sld [smem:$0x3FB4]  }
0x39: {  	_ = 	snop;
	(pc) =	sbr.ind lr, $3  }
0x3a: {  	_ = 	snop  }
0x3b: {  	_ = 	snop  }
0x3c: {  	p2 =	seq.s32 s10, $0x1;
	s10 =	sld [smem:$0x3FB3]  }
0x3d: {  	_ =	shalt  }
0x3e: {  	_ =	shalt  }
0x3f: {  	_ =	shalt  }
0x40: {  	_ =	shalt  }
0x41: {  	_ =	shalt  }
0x42: {  	_ =	shalt  }
0x43: {  	_ =	shalt  }
0x44: {  	_ =	shalt  }
0x45: {  	_ =	shalt  }
0x46: {  	_ =	shalt  }
0x47: {  	_ =	shalt  }
0x48: {  	_ =	shalt  }
0x49: {  	_ =	shalt  }
0x4a: {  	_ =	shalt  }
0x4b: {  	_ =	shalt  }
0x4c: {  	_ =	shalt  }
0x4d: {  	_ =	shalt  }
0x4e: {  	_ =	shalt  }
0x4f: {  	_ =	shalt  }
0x50: {  	_ =	shalt  }
0x51: {  	_ =	shalt  }
0x52: {  	_ =	shalt  }
0x53: {  	_ =	shalt  }
0x54: {  	_ =	shalt  }
0x55: {  	_ =	shalt  }
0x56: {  	_ =	shalt  }
0x57: {  	_ =	shalt  }
0x58: {  	_ =	shalt  }
0x59: {  	_ =	shalt  }
0x5a: {  	_ =	shalt  }
0x5b: {  	_ =	shalt  }
0x5c: {  	_ =	shalt  }
0x5d: {  	_ =	shalt  }
0x5e: {  	_ =	shalt  }
0x5f: {  	_ =	shalt  }
0x60: {  	_ =	shalt  }
0x61: {  	_ =	shalt  }
0x62: {  	_ =	shalt  }
0x63: {  	_ =	shalt  }
0x64: {  	_ =	shalt  }
0x65: {  	_ =	shalt  }
0x66: {  	_ =	shalt  }
0x67: {  	_ =	shalt  }
0x68: {  	_ =	shalt  }
0x69: {  	_ =	shalt  }
0x6a: {  	_ =	shalt  }
0x6b: {  	_ =	shalt  }
0x6c: {  	_ =	shalt  }
0x6d: {  	_ =	shalt  }
0x6e: {  	_ =	shalt  }
0x6f: {  	_ =	shalt  }
0x70: {  	_ =	shalt  }
0x71: {  	_ =	shalt  }
0x72: {  	_ =	shalt  }
0x73: {  	_ =	shalt  }
0x74: {  	_ =	shalt  }
0x75: {  	_ =	shalt  }
0x76: {  	_ =	shalt  }
0x77: {  	_ =	shalt  }
0x78: {  	_ =	shalt  }
0x79: {  	_ =	shalt  }
0x7a: {  	_ =	shalt  }
0x7b: {  	_ =	shalt  }
0x7c: {  	_ =	shalt  }
0x7d: {  	_ =	shalt  }
0x7e: {  	_ =	shalt  }
0x7f: {  	_ =	shalt  }
0x80: {  	_ =	shalt  }
0x81: {  	_ =	shalt  }
0x82: {  	_ =	shalt  }
0x83: {  	_ =	shalt  }
0x84: {  	_ =	shalt  }
0x85: {  	_ =	shalt  }
0x86: {  	_ =	shalt  }
0x87: {  	_ =	shalt  }
.Lfunc_end0:
.L_simem_size_0:
called_computation.2_lowered:
.L_overlay_start_0:
0x88: {  	s2 =	sld [smem:$0x3FD9]  }
0x89: {  	s3 =	sld [smem:$0x3FFE];
	_ =	sdelay $0x1  }
0x8a: {  	s1 =	srdreg.scid  }
0x8b: {  	s0 =	sand.u32 $0x1, s1  }
0x8c: {  	s14 =	sshll.u32 s0, $0xA;
	s2 =	sadd.s32 s3, s2  }
0x8d: {  	s2 =	sadd.s32 s2, s14  }
0x8e: {  	[smem:$0x3FBF] =	sst s2  }
0x8f: {  	_ = 	snop  }
0x90: {  	s2 =	sld [smem:$0x3FD0];
	_ =	sdelay $0x2  }
0x91: {  	s15 =	simm.s32 $0xA;
	s4 =	simm.s32 $0x10  }
0x92: {  	[smem:s4], [sflag:s15] =	dma.local [hbm:s2], $0x1  }
0x93: {  	_ =	swait.eq [sflag:s15], $0x1  }
0x94: {  	[sflag:s15] =	ssyncset.done $0x0  }
0x95: {  	[sflag:s15] =	ssyncadd.s32 $0xFFFFFFFF  }
0x96: {  	s16 =	sld [smem:$0x10];
	(tm) =	ssettm $0x1  }
0x97: {  	s17 =	sld [smem:$0x3FFB];
	_ =	sdelay $0x3  }
0x98: {  	_ =	strace s17  }
0x99: {  	s3 =	sld [smem:$0x3FFC];
	_ =	sdelay $0x3  }
0x9a: {  	_ =	strace s3  }
0x9b: {  	s3 =	sld [smem:$0x3FFD];
	_ =	sdelay $0x3  }
0x9c: {  	_ =	strace s3  }
0x9d: {  	_ =	strace $0x8FFFFFFF  }
0x9e: {  	s18 =	sld [smem:$0x3FDB];
	_ =	sdelay $0x1  }
0x9f: {  	s19 =	simm.s32 $_scs_section_size  }
0xa0: {  	s5 =	simm.s32 $_size__tile_overlayer_lowered;
	s6 =	simm.s32 $_tile_overlayer_lowered  }
0xa1: {  	s22 =	simm.s32 $0x1BFF;
	s21 =	sshll.u32 s6, $0x1;
	s3 =	sadd.s32 s19, s18  }
0xa2: {  	s7 =	simm.s32 $0x0;
	s20 =	sshll.u32 s5, $0x1;
	s5 =	sadd.s32 s21, s3  }
0xa3: {  	[timem:s7], [sflag:s22] =	dma.local [hbm:s5], s20  }
0xa4: {  	_ =	swait.ge [sflag:s22], s20  }
0xa5: {  	s4 =	ssub.s32 $0x0, s20;
	[sflag:s22] =	ssyncset.done $0x0  }
0xa6: {  	[sflag:s22] =	ssyncadd.s32 s4;
	_ =	sdelay $0x1  }
0xa7: {  	s23 =	simm.s32 $0x1B8B  }
0xa8: {  	_ =	swait.ge [sflag:s23], $0x1  }
0xa9: {  	[sflag:s23] =	ssyncset.done $0x0  }
0xaa: {  	s25 =	simm.s32 $0x1B8E;
	s24 =	sld [smem:$0x3FFE];
	[sflag:s23] =	ssyncadd.s32 $0xFFFFFFFF  }
0xab: {  	s26 =	simm.s32 $execute0_lowered;
	[smem:$0x3FD2] =	sst s25  }
0xac: {  	s5 =	sshll.u32 s26, $0x1;
	_ =	strace $0x8000004C;
	[dreg:$0x1] =	wrdreg $0xFFFFFFFF  }
0xad: {  	s28 =	simm.s32 $_size_execute0_lowered;
	s3 =	sadd.s32 s3, s5;
	[dreg:$0x0] =	wrdreg $0x0  }
0xae: {  	s5 =	sshll.u32 s28, $0x1;
	[dreg:$0x2] =	wrdreg s3  }
0xaf: {  	[dreg:$0x3] =	wrdreg s5  }
0xb0: {  	[dreg:$0x4] =	wrdreg $0xC0  }
0xb1: {  	_ =	task [dreg:s7], $0x5FFFF  }
0xb2: {  	[dreg:$0x1] =	wrdreg $0xFFFFFFFF  }
0xb3: {  	[dreg:$0x0] =	wrdreg $0x60  }
0xb4: {  	[dreg:$0x2] =	wrdreg s24  }
0xb5: {  	[dreg:$0x3] =	wrdreg s16  }
0xb6: {  	[dreg:$0x4] =	wrdreg $0x11F000  }
0xb7: {  	[dreg:$0x5] =	wrdreg $0x16E000  }
0xb8: {  	[dreg:$0x6] =	wrdreg $0x9  }
0xb9: {  	_ =	task.clear_ibuf [dreg:s7], $0x7FFFF;
	_ =	strace $0x9000004C  }
0xba: {  	s29 =	simm.s32 $0x9;
	_ =	strace $0x8000004E  }
0xbb: {  	_ =	swait.ge [sflag:s29], $0x1  }
0xbc: {  	[sflag:s29] =	ssyncadd.s32 $0xFFFFFFFF  }
0xbd: {  	_ =	strace $0x9000004E  }
0xbe: {  	_ =	sfence  }
0xbf: {  	s30 =	sld [smem:$0x0];
	_ =	sdelay $0x2  }
0xc0: {  	s31 =	sshll.u32 s1, $0xD;
	s1 =	sshrl.u32 s1, $0x2  }
0xc1: {  	s3 =	sand.u32 $0x4000, s31;
	s1 =	sadd.s32 s1, s30  }
0xc2: {  	s0 =	sor.u32 s3, s0;
	s1 =	sshll.u32 s1, $0x11  }
0xc3: {  	s0 =	sor.u32 s1, s0  }
0xc4: {  	s0 =	sadd.s32 $0x8F2B, s0  }
0xc5: {  	[sflag:s0] =	ssyncadd.remote.s32 $0x1  }
0xc6: {  	_ =	sfence.sel $0xFFFF  }
0xc7: {  	[dreg:$0x0] =	wrdreg $0xFFFFFFFF;
	(pc) =	sbr.abs _section_cstart, $3  }
0xc8: {  	[dreg:$0x1] =	wrdreg $0xFFFFFFFF  }
0xc9: {  	_ =	task.clear_ibuf [dreg:s7], $0x2FFFF;
	_ =	strace $0x9FFFFFFF  }
0xca: {  	(tm) =	ssettm $0x7FFFFFFF  }
0xcb: {  	_ =	shalt  }
tec
execute0_lowered:
.L_overlay_start_1:
0x0: {  	(tag) =	ssettag $0x1  }
0x1: {  	s0 =	rddreg [dreg:$0x0]  }
0x2: {  	s1 =	srdreg.scid;
	s4 =	rddreg [dreg:$0x1]  }
0x3: {  	s2 =	rddreg [dreg:$0x2];
	s15 =	stileid.u32  }
0x4: {  	s3 =	rddreg [dreg:$0x3];
	s8 =	simm.s32 $0x0;
	s31 =	simm.s32 $0x8F00  }
0x5: {  	s1 =	sand.u32 $0x1, s1;
	s6 =	smul.u32 $0x13C00, s15;
	[smem:$0x7FF] =	sst s8  }
0x6: {  	s14 =	smul.u32 $0x4F00, s15;
	s20 =	sshll.u32 s15, $0x6;
	s8 =	simm.s32 $0x5  }
0x7: {  	s5 =	sshll.u32 s1, $0x4;
	s10 =	smul.u32 $0x13C000, s1;
	_ =	strace $0x8000004D  }
0x8: {  	s16 =	ssub.s32 $0x2, s1;
	s1 =	smul.u32 $0x4E0, s1;
	s22 =	sor.u32 $0x1C0F, s20  }
0x9: {  	s5 =	sor.u32 s15, s5;
	s9 =	sshrl.u32 s6, $0x3;
	s13 =	sshrl.u32 s16, $0x1  }
0xa: {  	s18 =	sadd.s32 s14, s2;
	s19 =	sshrl.u32 s14, $0x3;
	s15 =	smul.u32 $0x4E, s15  }
0xb: {  	s21 =	sadd.s32 s14, s3;
	s14 =	simm.s32 $0xD;
	[dreg:$0x8] =	wrdreg s22  }
0xc: {  	s7 =	smul.u32 $0x4E, s5;
	s30 =	smin.u32 s5, $0x4;
	s9 =	sadd.s32 s9, s0  }
0xd: {  	s6 =	sadd.s32 s6, s10;
	s17 =	ssub.s32 s16, s13;
	s4 =	sadd.s32 s4, s19  }
0xe: {  	p0 =	sgt.u32 s5, $0x3;
	s10 =	simm.s32 $0x7;
	s19 =	simm.s32 $0xA  }
0xf: {  	s6 =	sshrl.u32 s6, $0x3;
	[dreg:$0x7] =	wrdreg s4;
	s23 =	sadd.s32 $0x16C00, s9  }
0x10: {  	s1 =	sor.u32 s1, s30;
	s7 =	sadd.s32 s30, s7;
	[dreg:$0x9] =	wrdreg s23  }
0x11: {  	s1 =	sadd.s32 s15, s1;
	s23 =	sshrl.u32 s18, $0x3;
	s30 =	sshrl.u32 s21, $0x3  }
0x12: {  	s11 =	smin.u32 s7, $0x975;
	s1 =	smax.u32 s1, $0x975;
	[dreg:$0x11] =	wrdreg s30  }
0x13: {  	[dreg:$0x10] =	wrdreg s23;
	s12 =	sshll.u32 s11, $0x4;
	s1 =	sshll.u32 s1, $0x7  }
0x14: {  	s12 =	sadd.s32 s12, s0;
	s0 =	sadd.s32 s6, s0;
	s6 =	smax.u32 s17, $0x1  }
0x15: {  	s13 =	simm.s32 $0xB;
	s28 =	sadd.s32 $0xFFFB4580, s1;
	[dreg:$0xf] =	wrdreg s6  }
0x16: {  	s16 =	simm.s32 $0xC;
	s29 =	sadd.s32 $0xFFFB6D00, s1;
	[dreg:$0x6] =	wrdreg s28  }
0x17: {  	s7 =	ssub.s32 s7, s11;
	s24 =	sadd.s32 $0x3200, s12;
	[dreg:$0x5] =	wrdreg s29  }
0x18: {  	s7 =	sshll.u32 s7, $0x7;
	s25 =	sadd.s32 $0xCE40, s12;
	[dreg:$0xa] =	wrdreg s24  }
0x19: {  	s9 =	simm.s32 $0x6;
	s26 =	sadd.s32 $0x2700, s7;
	[dreg:$0xb] =	wrdreg s25  }
0x1a: {  	s21 =	simm.s32 $0x80;
	s7 =	sadd.s32 $0x4E80, s7;
	[dreg:$0xc] =	wrdreg s26  }
0x1b: {  	s11 =	simm.s32 $0x8;
	s0 =	sadd.s32 $0x3E400, s0;
	[dreg:$0xd] =	wrdreg s7  }
0x1c: {  	s12 =	simm.s32 $0x9;
	s6 =	simm.s32 $0xE;
	[dreg:$0xe] =	wrdreg s0  }
0x1d: {  	s24 =	simm.s32 $0xF;
	s25 =	simm.s32 $0x10;
	s0 =	simm.s32 $0x0  }
.LBB2_1:
0x1e: {  	[dreg:$0x12] =	wrdreg s0  }
0x1f: {  	s15 =	rddreg [dreg:$0x7]  }
0x20: {  	[spmem:s23], [sflag:s22] =	dma.local [hbm:s15], $0x9E0  }
0x21: {  	_ =	swait.ge [sflag:s24], $0x9E0  }
0x22: {  	s29 =	simm.s32 $0x1;
	[sflag:s24] =	ssyncset.done $0x0;
	s4 =	rddreg [dreg:$0x9]  }
0x23: {  	s30 =	simm.s32 $0x4;
	s5 =	rddreg [dreg:$0x11];
	[sflag:s24] =	ssyncadd.s32 $0xFFFFF620  }
0x24: {  	[spmem:s5@s30], [sflag:s22] =	dma.strided [hbm:s4@s25], $0x9E0, s29, $0x4   }
0x25: {  	_ =	swait.ge [sflag:s24], $0x9E0  }
0x26: {  	[sflag:s24] =	ssyncset.done $0x0  }
0x27: {  	s7 =	simm.s32 $0x0;
	s17 =	rddreg [dreg:$0xa];
	[sflag:s24] =	ssyncadd.s32 $0xFFFFF620  }
0x28: {  	[tilespmem:s7], [sflag:$0xF] =	stream.linear.gather [hbm4b:s17+s7], $0x2780, $0x38;
	[tilespmem:$0x1BD00] =	vst v63  }
0x29: {  	_ =	swait.ge [sflag:s24], $0x2780  }
0x2a: {  	[sflag:s24] =	ssyncset.done $0x0  }
0x2b: {  	s20 =	simm.s32 $0x2780;
	s18 =	rddreg [dreg:$0xb];
	[sflag:s24] =	ssyncadd.s32 $0xFFFFD880  }
0x2c: {  	[tilespmem:s20], [sflag:$0xF] =	stream.linear.gather [hbm4b:s18+s7], $0x2780, $0x38;
	[tilespmem:$0x1BD00] =	vst v63  }
0x2d: {  	_ =	swait.ge [sflag:s24], $0x2780  }
0x2e: {  	[sflag:s24] =	ssyncset.done $0x0  }
0x2f: {  	[sflag:s24] =	ssyncadd.s32 $0xFFFFD880  }
0x30: {  	[bflag:$0x0] =	sbarrier.arrive $0xFFFF  }
0x31: {  	s25 =	rddreg [dreg:$0x6]  }
0x32: {  	s23 =	simm.s32 $0x4F00;
	s15 =	sadd.s32 $0x0, s25  }
0x33: {  	[tilespmem:s23], [sflag:$0x1] =	stream.indirect.gather [spmem:s3], $0x20, s15, s21, $0xb8;
	[tilespmem:$0x1BD00] =	vst v63  }
0x34: {  	s24 =	simm.s32 $0x5F00;
	s26 =	sadd.s32 $0x80, s15  }
0x35: {  	[tilespmem:s24], [sflag:$0x2] =	stream.indirect.gather [spmem:s3], $0x20, s26, s21, $0xb8;
	[tilespmem:$0x1BD00] =	vst v63  }
0x36: {  	s25 =	simm.s32 $0x6F00;
	s28 =	sadd.s32 $0x100, s15  }
0x37: {  	[tilespmem:s25], [sflag:$0x3] =	stream.indirect.gather [spmem:s3], $0x20, s28, s21, $0xb8;
	[tilespmem:$0x1BD00] =	vst v63  }
0x38: {  	s0 =	sadd.s32 $0x180, s15;
	s26 =	simm.s32 $0x7F00  }
0x39: {  	[tilespmem:s26], [sflag:$0x4] =	stream.indirect.gather [spmem:s3], $0x20, s0, s21, $0xb8;
	[tilespmem:$0x1BD00] =	vst v63  }
0x3a: {  	s1 =	sadd.s32 $0x200, s15;
	s28 =	simm.s32 $0x8F00  }
0x3b: {  	[tilespmem:s28], [sflag:$0x5] =	stream.indirect.gather [spmem:s3], $0x20, s1, s21, $0xb8;
	[tilespmem:$0x1BD00] =	vst v63  }
0x3c: {  	s4 =	sadd.s32 $0x280, s15;
	s1 =	simm.s32 $0x9F00  }
0x3d: {  	[tilespmem:s1], [sflag:$0x6] =	stream.indirect.gather [spmem:s3], $0x20, s4, s21, $0xb8;
	[tilespmem:$0x1BD00] =	vst v63  }
0x3e: {  	s5 =	sadd.s32 $0x300, s15;
	s0 =	simm.s32 $0xAF00  }
0x3f: {  	[tilespmem:s0], [sflag:$0x7] =	stream.indirect.gather [spmem:s3], $0x20, s5, s21, $0xb8;
	[tilespmem:$0x1BD00] =	vst v63  }
0x40: {  	s20 =	simm.s32 $0xBF00;
	s7 =	sadd.s32 $0x380, s15  }
0x41: {  	[tilespmem:s20], [sflag:$0x8] =	stream.indirect.gather [spmem:s3], $0x20, s7, s21, $0xb8;
	[tilespmem:$0x1BD00] =	vst v63  }
0x42: {  	s17 =	sadd.s32 $0x400, s15;
	s4 =	simm.s32 $0xCF00  }
0x43: {  	[tilespmem:s4], [sflag:$0x9] =	stream.indirect.gather [spmem:s3], $0x20, s17, s21, $0xb8;
	[tilespmem:$0x1BD00] =	vst v63  }
0x44: {  	s18 =	sadd.s32 $0x480, s15;
	s17 =	simm.s32 $0xDF00  }
0x45: {  	[tilespmem:s17], [sflag:$0xA] =	stream.indirect.gather [spmem:s3], $0x20, s18, s21, $0xb8;
	[tilespmem:$0x1BD00] =	vst v63  }
0x46: {  	s5 =	sadd.s32 $0x500, s15;
	s18 =	simm.s32 $0xEF00  }
0x47: {  	[tilespmem:s18], [sflag:$0xB] =	stream.indirect.gather [spmem:s3], $0x20, s5, s21, $0xb8;
	[tilespmem:$0x1BD00] =	vst v63  }
0x48: {  	s7 =	sadd.s32 $0x580, s15;
	s5 =	simm.s32 $0xFF00  }
0x49: {  	[tilespmem:s5], [sflag:$0xC] =	stream.indirect.gather [spmem:s3], $0x20, s7, s21, $0xb8;
	[tilespmem:$0x1BD00] =	vst v63  }
0x4a: {  	s15 =	sadd.s32 $0x600, s15;
	s7 =	simm.s32 $0x10F00  }
0x4b: {  	[tilespmem:s7], [sflag:$0xD] =	stream.indirect.gather [spmem:s3], $0x20, s15, s21, $0xb8;
	[tilespmem:$0x1BD00] =	vst v63  }
0x4c: {  	_ =	swait.ge [sflag:s29], $0x1000  }
0x4d: {  	s22 =	rddreg [dreg:$0x5];
	[sflag:s29] =	ssyncset.done $0x0  }
0x4e: {  	[sflag:s29] =	ssyncadd.s32 $0xFFFFF000;
	s15 =	sadd.s32 $0x0, s22  }
0x4f: {  	[spmem:s2] =	stream.indirect.scatter.add.f32 [tilespmem:s23], [sflag:$0xE], $0x20, s15, s21, $0xb8;
	[tilespmem:$0x1BD00] =	vst v63  }
0x50: {  	s23 =	simm.s32 $0x2  }
0x51: {  	_ =	swait.ge [sflag:s23], $0x1000  }
0x52: {  	[sflag:s23] =	ssyncset.done $0x0  }
0x53: {  	s29 =	sadd.s32 $0x80, s15;
	[sflag:s23] =	ssyncadd.s32 $0xFFFFF000;
	s23 =	simm.s32 $0x3  }
0x54: {  	[spmem:s2] =	stream.indirect.scatter.add.f32 [tilespmem:s24], [sflag:$0xE], $0x20, s29, s21, $0xb8;
	[tilespmem:$0x1BD00] =	vst v63  }
0x55: {  	_ =	swait.ge [sflag:s23], $0x1000  }
0x56: {  	[sflag:s23] =	ssyncset.done $0x0  }
0x57: {  	s24 =	sadd.s32 $0x100, s15;
	[sflag:s23] =	ssyncadd.s32 $0xFFFFF000  }
0x58: {  	[spmem:s2] =	stream.indirect.scatter.add.f32 [tilespmem:s25], [sflag:$0xE], $0x20, s24, s21, $0xb8;
	[tilespmem:$0x1BD00] =	vst v63  }
0x59: {  	_ =	swait.ge [sflag:s30], $0x1000  }
0x5a: {  	[sflag:s30] =	ssyncset.done $0x0  }
0x5b: {  	s29 =	sadd.s32 $0x180, s15;
	[sflag:s30] =	ssyncadd.s32 $0xFFFFF000  }
0x5c: {  	[spmem:s2] =	stream.indirect.scatter.add.f32 [tilespmem:s26], [sflag:$0xE], $0x20, s29, s21, $0xb8;
	[tilespmem:$0x1BD00] =	vst v63  }
0x5d: {  	_ =	swait.ge [sflag:s8], $0x1000  }
0x5e: {  	[sflag:s8] =	ssyncset.done $0x0  }
0x5f: {  	s30 =	sadd.s32 $0x200, s15;
	[sflag:s8] =	ssyncadd.s32 $0xFFFFF000  }
0x60: {  	[spmem:s2] =	stream.indirect.scatter.add.f32 [tilespmem:s28], [sflag:$0xE], $0x20, s30, s21, $0xb8;
	[tilespmem:$0x1BD00] =	vst v63  }
0x61: {  	_ =	swait.ge [sflag:s9], $0x1000  }
0x62: {  	[sflag:s9] =	ssyncset.done $0x0  }
0x63: {  	s23 =	sadd.s32 $0x280, s15;
	[sflag:s9] =	ssyncadd.s32 $0xFFFFF000  }
0x64: {  	[spmem:s2] =	stream.indirect.scatter.add.f32 [tilespmem:s1], [sflag:$0xE], $0x20, s23, s21, $0xb8;
	[tilespmem:$0x1BD00] =	vst v63  }
0x65: {  	_ =	swait.ge [sflag:s10], $0x1000  }
0x66: {  	[sflag:s10] =	ssyncset.done $0x0  }
0x67: {  	s24 =	sadd.s32 $0x300, s15;
	[sflag:s10] =	ssyncadd.s32 $0xFFFFF000  }
0x68: {  	[spmem:s2] =	stream.indirect.scatter.add.f32 [tilespmem:s0], [sflag:$0xE], $0x20, s24, s21, $0xb8;
	[tilespmem:$0x1BD00] =	vst v63  }
0x69: {  	_ =	swait.ge [sflag:s11], $0x1000  }
0x6a: {  	[sflag:s11] =	ssyncset.done $0x0  }
0x6b: {  	s25 =	sadd.s32 $0x380, s15;
	[sflag:s11] =	ssyncadd.s32 $0xFFFFF000  }
0x6c: {  	[spmem:s2] =	stream.indirect.scatter.add.f32 [tilespmem:s20], [sflag:$0xE], $0x20, s25, s21, $0xb8;
	[tilespmem:$0x1BD00] =	vst v63  }
0x6d: {  	_ =	swait.ge [sflag:s12], $0x1000  }
0x6e: {  	[sflag:s12] =	ssyncset.done $0x0  }
0x6f: {  	s26 =	sadd.s32 $0x400, s15;
	[sflag:s12] =	ssyncadd.s32 $0xFFFFF000  }
0x70: {  	[spmem:s2] =	stream.indirect.scatter.add.f32 [tilespmem:s4], [sflag:$0xE], $0x20, s26, s21, $0xb8;
	[tilespmem:$0x1BD00] =	vst v63  }
0x71: {  	_ =	swait.ge [sflag:s19], $0x1000  }
0x72: {  	[sflag:s19] =	ssyncset.done $0x0  }
0x73: {  	s28 =	sadd.s32 $0x480, s15;
	[sflag:s19] =	ssyncadd.s32 $0xFFFFF000  }
0x74: {  	[spmem:s2] =	stream.indirect.scatter.add.f32 [tilespmem:s17], [sflag:$0xE], $0x20, s28, s21, $0xb8;
	[tilespmem:$0x1BD00] =	vst v63  }
0x75: {  	_ =	swait.ge [sflag:s13], $0x1000  }
0x76: {  	[sflag:s13] =	ssyncset.done $0x0  }
0x77: {  	s29 =	sadd.s32 $0x500, s15;
	[sflag:s13] =	ssyncadd.s32 $0xFFFFF000  }
0x78: {  	[spmem:s2] =	stream.indirect.scatter.add.f32 [tilespmem:s18], [sflag:$0xE], $0x20, s29, s21, $0xb8;
	[tilespmem:$0x1BD00] =	vst v63  }
0x79: {  	_ =	swait.ge [sflag:s16], $0x1000  }
0x7a: {  	[sflag:s16] =	ssyncset.done $0x0  }
0x7b: {  	s30 =	sadd.s32 $0x580, s15;
	[sflag:s16] =	ssyncadd.s32 $0xFFFFF000  }
0x7c: {  	[spmem:s2] =	stream.indirect.scatter.add.f32 [tilespmem:s5], [sflag:$0xE], $0x20, s30, s21, $0xb8;
	[tilespmem:$0x1BD00] =	vst v63  }
0x7d: {  	_ =	swait.ge [sflag:s14], $0x1000  }
0x7e: {  	[sflag:s14] =	ssyncset.done $0x0  }
0x7f: {  	s15 =	sadd.s32 $0x600, s15;
	[sflag:s14] =	ssyncadd.s32 $0xFFFFF000  }
0x80: {  	[spmem:s2] =	stream.indirect.scatter.add.f32 [tilespmem:s7], [sflag:$0xE], $0x20, s15, s21, $0xb8;
	[tilespmem:$0x1BD00] =	vst v63  }
0x81: {  	_ =	swait.ge [sflag:s6], $0x1000  }
0x82: {  	[sflag:s6] =	ssyncset.done $0x0  }
0x83: {  	[sflag:s6] =	ssyncadd.s32 $0xFFFFF000  }
0x84: {  	_ =	swait.ge [sflag:s6], $0x1000  }
0x85: {  	[sflag:s6] =	ssyncset.done $0x0  }
0x86: {  	[sflag:s6] =	ssyncadd.s32 $0xFFFFF000  }
0x87: {  	_ =	swait.ge [sflag:s6], $0x1000  }
0x88: {  	[sflag:s6] =	ssyncset.done $0x0  }
0x89: {  	[sflag:s6] =	ssyncadd.s32 $0xFFFFF000  }
0x8a: {  	_ =	swait.ge [sflag:s6], $0x1000  }
0x8b: {  	[sflag:s6] =	ssyncset.done $0x0  }
0x8c: {  	[sflag:s6] =	ssyncadd.s32 $0xFFFFF000  }
0x8d: {  	_ =	swait.ge [sflag:s6], $0x1000  }
0x8e: {  	[sflag:s6] =	ssyncset.done $0x0  }
0x8f: {  	[sflag:s6] =	ssyncadd.s32 $0xFFFFF000  }
0x90: {  	_ =	swait.ge [sflag:s6], $0x1000  }
0x91: {  	[sflag:s6] =	ssyncset.done $0x0  }
0x92: {  	[sflag:s6] =	ssyncadd.s32 $0xFFFFF000  }
0x93: {  	_ =	swait.ge [sflag:s6], $0x1000  }
0x94: {  	[sflag:s6] =	ssyncset.done $0x0  }
0x95: {  	[sflag:s6] =	ssyncadd.s32 $0xFFFFF000  }
0x96: {  	_ =	swait.ge [sflag:s6], $0x1000  }
0x97: {  	[sflag:s6] =	ssyncset.done $0x0  }
0x98: {  	[sflag:s6] =	ssyncadd.s32 $0xFFFFF000  }
0x99: {  	_ =	swait.ge [sflag:s6], $0x1000  }
0x9a: {  	[sflag:s6] =	ssyncset.done $0x0  }
0x9b: {  	[sflag:s6] =	ssyncadd.s32 $0xFFFFF000  }
0x9c: {  	_ =	swait.ge [sflag:s6], $0x1000  }
0x9d: {  	[sflag:s6] =	ssyncset.done $0x0  }
0x9e: {  	[sflag:s6] =	ssyncadd.s32 $0xFFFFF000  }
0x9f: {  	_ =	swait.ge [sflag:s6], $0x1000  }
0xa0: {  	[sflag:s6] =	ssyncset.done $0x0  }
0xa1: {  	[sflag:s6] =	ssyncadd.s32 $0xFFFFF000  }
0xa2: {  	_ =	swait.ge [sflag:s6], $0x1000  }
0xa3: {  	[sflag:s6] =	ssyncset.done $0x0  }
0xa4: {  	[sflag:s6] =	ssyncadd.s32 $0xFFFFF000  }
0xa5: {  	s22 =	simm.s32 $0x3400;
	_ =	swait.ge [sflag:s6], $0x1000  }
0xa6: {  	s15 =	simm.s32 $0x1A00;
	s24 =	rddreg [dreg:$0x6];
	[sflag:s6] =	ssyncset.done $0x0  }
.LBB2_2:
0xa7: {  	s23 =	sshra.s32 s15, $0x2  }
0xa8: {  	[sflag:s6] =	ssyncadd.s32 $0xFFFFF000;
	s26 =	simm.s32 $0x4F00;
	s24 =	sadd.s32 s23, s24  }
0xa9: {  	[tilespmem:s26], [sflag:$0x1] =	stream.indirect.gather [spmem:s3], $0x20, s24, s21, $0xb8;
	[tilespmem:$0x1BD00] =	vst v63  }
0xaa: {  	s28 =	simm.s32 $0x5F00;
	s29 =	sadd.s32 $0x80, s24  }
0xab: {  	[tilespmem:s28], [sflag:$0x2] =	stream.indirect.gather [spmem:s3], $0x20, s29, s21, $0xb8;
	[tilespmem:$0x1BD00] =	vst v63  }
0xac: {  	s30 =	sadd.s32 $0x100, s24;
	s29 =	simm.s32 $0x6F00  }
0xad: {  	[tilespmem:s29], [sflag:$0x3] =	stream.indirect.gather [spmem:s3], $0x20, s30, s21, $0xb8;
	[tilespmem:$0x1BD00] =	vst v63  }
0xae: {  	s0 =	sadd.s32 $0x180, s24;
	s30 =	simm.s32 $0x7F00  }
0xaf: {  	[tilespmem:s30], [sflag:$0x4] =	stream.indirect.gather [spmem:s3], $0x20, s0, s21, $0xb8;
	[tilespmem:$0x1BD00] =	vst v63  }
0xb0: {  	s1 =	sadd.s32 $0x200, s24  }
0xb1: {  	[tilespmem:s31], [sflag:$0x5] =	stream.indirect.gather [spmem:s3], $0x20, s1, s21, $0xb8;
	[tilespmem:$0x1BD00] =	vst v63  }
0xb2: {  	s4 =	sadd.s32 $0x280, s24;
	s1 =	simm.s32 $0x9F00  }
0xb3: {  	[tilespmem:s1], [sflag:$0x6] =	stream.indirect.gather [spmem:s3], $0x20, s4, s21, $0xb8;
	[tilespmem:$0x1BD00] =	vst v63  }
0xb4: {  	s5 =	sadd.s32 $0x300, s24;
	s0 =	simm.s32 $0xAF00  }
0xb5: {  	[tilespmem:s0], [sflag:$0x7] =	stream.indirect.gather [spmem:s3], $0x20, s5, s21, $0xb8;
	[tilespmem:$0x1BD00] =	vst v63  }
0xb6: {  	s20 =	simm.s32 $0xBF00;
	s7 =	sadd.s32 $0x380, s24  }
0xb7: {  	[tilespmem:s20], [sflag:$0x8] =	stream.indirect.gather [spmem:s3], $0x20, s7, s21, $0xb8;
	[tilespmem:$0x1BD00] =	vst v63  }
0xb8: {  	s17 =	sadd.s32 $0x400, s24;
	s4 =	simm.s32 $0xCF00  }
0xb9: {  	[tilespmem:s4], [sflag:$0x9] =	stream.indirect.gather [spmem:s3], $0x20, s17, s21, $0xb8;
	[tilespmem:$0x1BD00] =	vst v63  }
0xba: {  	s18 =	sadd.s32 $0x480, s24;
	s17 =	simm.s32 $0xDF00  }
0xbb: {  	[tilespmem:s17], [sflag:$0xA] =	stream.indirect.gather [spmem:s3], $0x20, s18, s21, $0xb8;
	[tilespmem:$0x1BD00] =	vst v63  }
0xbc: {  	s25 =	smov.u32 s22;
	s5 =	sadd.s32 $0x500, s24;
	s18 =	simm.s32 $0xEF00  }
0xbd: {  	[tilespmem:s18], [sflag:$0xB] =	stream.indirect.gather [spmem:s3], $0x20, s5, s21, $0xb8;
	[tilespmem:$0x1BD00] =	vst v63  }
0xbe: {  	s15 =	smov.u32 s25;
	s7 =	sadd.s32 $0x580, s24;
	s5 =	simm.s32 $0xFF00  }
0xbf: {  	[tilespmem:s5], [sflag:$0xC] =	stream.indirect.gather [spmem:s3], $0x20, s7, s21, $0xb8;
	[tilespmem:$0x1BD00] =	vst v63  }
0xc0: {  	s25 =	simm.s32 $0x1;
	s24 =	sadd.s32 $0x600, s24;
	s7 =	simm.s32 $0x10F00  }
0xc1: {  	[tilespmem:s7], [sflag:$0xD] =	stream.indirect.gather [spmem:s3], $0x20, s24, s21, $0xb8;
	[tilespmem:$0x1BD00] =	vst v63  }
0xc2: {  	_ =	swait.ge [sflag:s25], $0x1000  }
0xc3: {  	s24 =	rddreg [dreg:$0x5];
	[sflag:s25] =	ssyncset.done $0x0  }
0xc4: {  	[sflag:s25] =	ssyncadd.s32 $0xFFFFF000;
	s23 =	sadd.s32 s23, s24;
	s25 =	simm.s32 $0x2  }
0xc5: {  	[spmem:s2] =	stream.indirect.scatter.add.f32 [tilespmem:s26], [sflag:$0xE], $0x20, s23, s21, $0xb8;
	[tilespmem:$0x1BD00] =	vst v63  }
0xc6: {  	_ =	swait.ge [sflag:s25], $0x1000  }
0xc7: {  	[sflag:s25] =	ssyncset.done $0x0  }
0xc8: {  	s26 =	sadd.s32 $0x80, s23;
	[sflag:s25] =	ssyncadd.s32 $0xFFFFF000  }
0xc9: {  	[spmem:s2] =	stream.indirect.scatter.add.f32 [tilespmem:s28], [sflag:$0xE], $0x20, s26, s21, $0xb8;
	[tilespmem:$0x1BD00] =	vst v63  }
0xca: {  	s28 =	simm.s32 $0x3  }
0xcb: {  	_ =	swait.ge [sflag:s28], $0x1000  }
0xcc: {  	[sflag:s28] =	ssyncset.done $0x0  }
0xcd: {  	s25 =	sadd.s32 $0x100, s23;
	s26 =	simm.s32 $0x4;
	[sflag:s28] =	ssyncadd.s32 $0xFFFFF000  }
0xce: {  	[spmem:s2] =	stream.indirect.scatter.add.f32 [tilespmem:s29], [sflag:$0xE], $0x20, s25, s21, $0xb8;
	[tilespmem:$0x1BD00] =	vst v63  }
0xcf: {  	_ =	swait.ge [sflag:s26], $0x1000  }
0xd0: {  	[sflag:s26] =	ssyncset.done $0x0  }
0xd1: {  	s28 =	sadd.s32 $0x180, s23;
	[sflag:s26] =	ssyncadd.s32 $0xFFFFF000  }
0xd2: {  	[spmem:s2] =	stream.indirect.scatter.add.f32 [tilespmem:s30], [sflag:$0xE], $0x20, s28, s21, $0xb8;
	[tilespmem:$0x1BD00] =	vst v63  }
0xd3: {  	_ =	swait.ge [sflag:s8], $0x1000  }
0xd4: {  	[sflag:s8] =	ssyncset.done $0x0  }
0xd5: {  	s29 =	sadd.s32 $0x200, s23;
	[sflag:s8] =	ssyncadd.s32 $0xFFFFF000  }
0xd6: {  	[spmem:s2] =	stream.indirect.scatter.add.f32 [tilespmem:s31], [sflag:$0xE], $0x20, s29, s21, $0xb8;
	[tilespmem:$0x1BD00] =	vst v63  }
0xd7: {  	_ =	swait.ge [sflag:s9], $0x1000  }
0xd8: {  	[sflag:s9] =	ssyncset.done $0x0  }
0xd9: {  	s30 =	sadd.s32 $0x280, s23;
	[sflag:s9] =	ssyncadd.s32 $0xFFFFF000  }
0xda: {  	[spmem:s2] =	stream.indirect.scatter.add.f32 [tilespmem:s1], [sflag:$0xE], $0x20, s30, s21, $0xb8;
	[tilespmem:$0x1BD00] =	vst v63  }
0xdb: {  	_ =	swait.ge [sflag:s10], $0x1000  }
0xdc: {  	[sflag:s10] =	ssyncset.done $0x0  }
0xdd: {  	s1 =	sadd.s32 $0x300, s23;
	[sflag:s10] =	ssyncadd.s32 $0xFFFFF000  }
0xde: {  	[spmem:s2] =	stream.indirect.scatter.add.f32 [tilespmem:s0], [sflag:$0xE], $0x20, s1, s21, $0xb8;
	[tilespmem:$0x1BD00] =	vst v63  }
0xdf: {  	_ =	swait.ge [sflag:s11], $0x1000  }
0xe0: {  	[sflag:s11] =	ssyncset.done $0x0  }
0xe1: {  	s25 =	sadd.s32 $0x380, s23;
	[sflag:s11] =	ssyncadd.s32 $0xFFFFF000  }
0xe2: {  	[spmem:s2] =	stream.indirect.scatter.add.f32 [tilespmem:s20], [sflag:$0xE], $0x20, s25, s21, $0xb8;
	[tilespmem:$0x1BD00] =	vst v63  }
0xe3: {  	_ =	swait.ge [sflag:s12], $0x1000  }
0xe4: {  	[sflag:s12] =	ssyncset.done $0x0  }
0xe5: {  	s26 =	sadd.s32 $0x400, s23;
	[sflag:s12] =	ssyncadd.s32 $0xFFFFF000  }
0xe6: {  	[spmem:s2] =	stream.indirect.scatter.add.f32 [tilespmem:s4], [sflag:$0xE], $0x20, s26, s21, $0xb8;
	[tilespmem:$0x1BD00] =	vst v63  }
0xe7: {  	_ =	swait.ge [sflag:s19], $0x1000  }
0xe8: {  	[sflag:s19] =	ssyncset.done $0x0  }
0xe9: {  	s28 =	sadd.s32 $0x480, s23;
	[sflag:s19] =	ssyncadd.s32 $0xFFFFF000  }
0xea: {  	[spmem:s2] =	stream.indirect.scatter.add.f32 [tilespmem:s17], [sflag:$0xE], $0x20, s28, s21, $0xb8;
	[tilespmem:$0x1BD00] =	vst v63  }
0xeb: {  	_ =	swait.ge [sflag:s13], $0x1000  }
0xec: {  	[sflag:s13] =	ssyncset.done $0x0  }
0xed: {  	s29 =	sadd.s32 $0x500, s23;
	[sflag:s13] =	ssyncadd.s32 $0xFFFFF000  }
0xee: {  	[spmem:s2] =	stream.indirect.scatter.add.f32 [tilespmem:s18], [sflag:$0xE], $0x20, s29, s21, $0xb8;
	[tilespmem:$0x1BD00] =	vst v63  }
0xef: {  	_ =	swait.ge [sflag:s16], $0x1000  }
0xf0: {  	[sflag:s16] =	ssyncset.done $0x0  }
0xf1: {  	s30 =	sadd.s32 $0x580, s23;
	[sflag:s16] =	ssyncadd.s32 $0xFFFFF000  }
0xf2: {  	[spmem:s2] =	stream.indirect.scatter.add.f32 [tilespmem:s5], [sflag:$0xE], $0x20, s30, s21, $0xb8;
	[tilespmem:$0x1BD00] =	vst v63  }
0xf3: {  	_ =	swait.ge [sflag:s14], $0x1000  }
0xf4: {  	[sflag:s14] =	ssyncset.done $0x0  }
0xf5: {  	s23 =	sadd.s32 $0x600, s23;
	[sflag:s14] =	ssyncadd.s32 $0xFFFFF000  }
0xf6: {  	[spmem:s2] =	stream.indirect.scatter.add.f32 [tilespmem:s7], [sflag:$0xE], $0x20, s23, s21, $0xb8;
	[tilespmem:$0x1BD00] =	vst v63  }
0xf7: {  	_ =	swait.ge [sflag:s6], $0x1000  }
0xf8: {  	[sflag:s6] =	ssyncset.done $0x0  }
0xf9: {  	[sflag:s6] =	ssyncadd.s32 $0xFFFFF000  }
0xfa: {  	_ =	swait.ge [sflag:s6], $0x1000  }
0xfb: {  	[sflag:s6] =	ssyncset.done $0x0  }
0xfc: {  	[sflag:s6] =	ssyncadd.s32 $0xFFFFF000  }
0xfd: {  	_ =	swait.ge [sflag:s6], $0x1000  }
0xfe: {  	[sflag:s6] =	ssyncset.done $0x0  }
0xff: {  	[sflag:s6] =	ssyncadd.s32 $0xFFFFF000  }
0x100: {  	_ =	swait.ge [sflag:s6], $0x1000  }
0x101: {  	[sflag:s6] =	ssyncset.done $0x0  }
0x102: {  	[sflag:s6] =	ssyncadd.s32 $0xFFFFF000  }
0x103: {  	_ =	swait.ge [sflag:s6], $0x1000  }
0x104: {  	[sflag:s6] =	ssyncset.done $0x0  }
0x105: {  	[sflag:s6] =	ssyncadd.s32 $0xFFFFF000  }
0x106: {  	_ =	swait.ge [sflag:s6], $0x1000  }
0x107: {  	[sflag:s6] =	ssyncset.done $0x0  }
0x108: {  	[sflag:s6] =	ssyncadd.s32 $0xFFFFF000  }
0x109: {  	_ =	swait.ge [sflag:s6], $0x1000  }
0x10a: {  	[sflag:s6] =	ssyncset.done $0x0  }
0x10b: {  	[sflag:s6] =	ssyncadd.s32 $0xFFFFF000  }
0x10c: {  	_ =	swait.ge [sflag:s6], $0x1000  }
0x10d: {  	[sflag:s6] =	ssyncset.done $0x0  }
0x10e: {  	[sflag:s6] =	ssyncadd.s32 $0xFFFFF000  }
0x10f: {  	_ =	swait.ge [sflag:s6], $0x1000  }
0x110: {  	[sflag:s6] =	ssyncset.done $0x0  }
0x111: {  	[sflag:s6] =	ssyncadd.s32 $0xFFFFF000  }
0x112: {  	_ =	swait.ge [sflag:s6], $0x1000  }
0x113: {  	[sflag:s6] =	ssyncset.done $0x0  }
0x114: {  	[sflag:s6] =	ssyncadd.s32 $0xFFFFF000  }
0x115: {  	_ =	swait.ge [sflag:s6], $0x1000  }
0x116: {  	[sflag:s6] =	ssyncset.done $0x0  }
0x117: {  	p1 =	sne.s32 s22, $0x8200;
	[sflag:s6] =	ssyncadd.s32 $0xFFFFF000  }
.Ltmp0:
0x118: {  	_ =	swait.ge [sflag:s6], $0x1000;
	(pc) =	sbr.rel @p1 .LBB2_2-.Ltmp0, $4  }
0x119: {  	[sflag:s6] =	ssyncset.done $0x0  }
0x11a: {  	[sflag:s6] =	ssyncadd.s32 $0xFFFFF000  }
0x11b: {  	_ =	swait.ge [sflag:s6], $0x1000  }
0x11c: {  	s22 =	sadd.s32 $0x1A00, s22;
	s24 =	rddreg [dreg:$0x6];
	[sflag:s6] =	ssyncset.done $0x0  }
0x11d: {  	s15 =	sshra.s32 s15, $0x2  }
0x11e: {  	[sflag:s6] =	ssyncadd.s32 $0xFFFFF000;
	s22 =	sadd.s32 s15, s24;
	s24 =	simm.s32 $0x4F00  }
0x11f: {  	[tilespmem:s24], [sflag:$0x1] =	stream.indirect.gather [spmem:s3], $0x20, s22, s21, $0xb8;
	[tilespmem:$0x1BD00] =	vst v63  }
0x120: {  	s25 =	simm.s32 $0x5F00;
	s23 =	sadd.s32 $0x80, s22  }
0x121: {  	[tilespmem:s25], [sflag:$0x2] =	stream.indirect.gather [spmem:s3], $0x20, s23, s21, $0xb8;
	[tilespmem:$0x1BD00] =	vst v63  }
0x122: {  	s26 =	simm.s32 $0x6F00;
	s0 =	sadd.s32 $0x100, s22  }
0x123: {  	[tilespmem:s26], [sflag:$0x3] =	stream.indirect.gather [spmem:s3], $0x20, s0, s21, $0xb8;
	[tilespmem:$0x1BD00] =	vst v63  }
0x124: {  	s28 =	simm.s32 $0x7F00;
	s1 =	sadd.s32 $0x180, s22  }
0x125: {  	[tilespmem:s28], [sflag:$0x4] =	stream.indirect.gather [spmem:s3], $0x20, s1, s21, $0xb8;
	[tilespmem:$0x1BD00] =	vst v63  }
0x126: {  	s29 =	simm.s32 $0x8F00;
	s4 =	sadd.s32 $0x200, s22  }
0x127: {  	[tilespmem:s29], [sflag:$0x5] =	stream.indirect.gather [spmem:s3], $0x20, s4, s21, $0xb8;
	[tilespmem:$0x1BD00] =	vst v63  }
0x128: {  	s5 =	sadd.s32 $0x280, s22;
	s1 =	simm.s32 $0x9F00  }
0x129: {  	[tilespmem:s1], [sflag:$0x6] =	stream.indirect.gather [spmem:s3], $0x20, s5, s21, $0xb8;
	[tilespmem:$0x1BD00] =	vst v63  }
0x12a: {  	s7 =	sadd.s32 $0x300, s22;
	s0 =	simm.s32 $0xAF00  }
0x12b: {  	[tilespmem:s0], [sflag:$0x7] =	stream.indirect.gather [spmem:s3], $0x20, s7, s21, $0xb8;
	[tilespmem:$0x1BD00] =	vst v63  }
0x12c: {  	s20 =	simm.s32 $0xBF00;
	s17 =	sadd.s32 $0x380, s22  }
0x12d: {  	[tilespmem:s20], [sflag:$0x8] =	stream.indirect.gather [spmem:s3], $0x20, s17, s21, $0xb8;
	[tilespmem:$0x1BD00] =	vst v63  }
0x12e: {  	s18 =	sadd.s32 $0x400, s22;
	s4 =	simm.s32 $0xCF00  }
0x12f: {  	[tilespmem:s4], [sflag:$0x9] =	stream.indirect.gather [spmem:s3], $0x20, s18, s21, $0xb8;
	[tilespmem:$0x1BD00] =	vst v63  }
0x130: {  	s30 =	sadd.s32 $0x480, s22;
	s17 =	simm.s32 $0xDF00  }
0x131: {  	[tilespmem:s17], [sflag:$0xA] =	stream.indirect.gather [spmem:s3], $0x20, s30, s21, $0xb8;
	[tilespmem:$0x1BD00] =	vst v63  }
0x132: {  	s5 =	sadd.s32 $0x500, s22;
	s18 =	simm.s32 $0xEF00  }
0x133: {  	[tilespmem:s18], [sflag:$0xB] =	stream.indirect.gather [spmem:s3], $0x20, s5, s21, $0xb8;
	[tilespmem:$0x1BD00] =	vst v63  }
0x134: {  	s7 =	sadd.s32 $0x580, s22;
	s5 =	simm.s32 $0xFF00  }
0x135: {  	[tilespmem:s5], [sflag:$0xC] =	stream.indirect.gather [spmem:s3], $0x20, s7, s21, $0xb8;
	[tilespmem:$0x1BD00] =	vst v63  }
0x136: {  	s22 =	sadd.s32 $0x600, s22;
	s30 =	simm.s32 $0x1;
	s7 =	simm.s32 $0x10F00  }
0x137: {  	[tilespmem:s7], [sflag:$0xD] =	stream.indirect.gather [spmem:s3], $0x20, s22, s21, $0xb8;
	[tilespmem:$0x1BD00] =	vst v63  }
0x138: {  	_ =	swait.ge [sflag:s30], $0x1000  }
0x139: {  	s23 =	rddreg [dreg:$0x5];
	[sflag:s30] =	ssyncset.done $0x0  }
0x13a: {  	[sflag:s30] =	ssyncadd.s32 $0xFFFFF000;
	s15 =	sadd.s32 s15, s23;
	s23 =	simm.s32 $0x2  }
0x13b: {  	[spmem:s2] =	stream.indirect.scatter.add.f32 [tilespmem:s24], [sflag:$0xE], $0x20, s15, s21, $0xb8;
	[tilespmem:$0x1BD00] =	vst v63  }
0x13c: {  	_ =	swait.ge [sflag:s23], $0x1000  }
0x13d: {  	[sflag:s23] =	ssyncset.done $0x0  }
0x13e: {  	s24 =	sadd.s32 $0x80, s15;
	[sflag:s23] =	ssyncadd.s32 $0xFFFFF000;
	s23 =	simm.s32 $0x3  }
0x13f: {  	[spmem:s2] =	stream.indirect.scatter.add.f32 [tilespmem:s25], [sflag:$0xE], $0x20, s24, s21, $0xb8;
	[tilespmem:$0x1BD00] =	vst v63  }
0x140: {  	_ =	swait.ge [sflag:s23], $0x1000  }
0x141: {  	[sflag:s23] =	ssyncset.done $0x0  }
0x142: {  	s24 =	sadd.s32 $0x100, s15;
	[sflag:s23] =	ssyncadd.s32 $0xFFFFF000  }
0x143: {  	[spmem:s2] =	stream.indirect.scatter.add.f32 [tilespmem:s26], [sflag:$0xE], $0x20, s24, s21, $0xb8;
	[tilespmem:$0x1BD00] =	vst v63  }
0x144: {  	s24 =	simm.s32 $0x4  }
0x145: {  	_ =	swait.ge [sflag:s24], $0x1000  }
0x146: {  	[sflag:s24] =	ssyncset.done $0x0  }
0x147: {  	s25 =	sadd.s32 $0x180, s15;
	[sflag:s24] =	ssyncadd.s32 $0xFFFFF000  }
0x148: {  	[spmem:s2] =	stream.indirect.scatter.add.f32 [tilespmem:s28], [sflag:$0xE], $0x20, s25, s21, $0xb8;
	[tilespmem:$0x1BD00] =	vst v63  }
0x149: {  	_ =	swait.ge [sflag:s8], $0x1000  }
0x14a: {  	[sflag:s8] =	ssyncset.done $0x0  }
0x14b: {  	s26 =	sadd.s32 $0x200, s15;
	[sflag:s8] =	ssyncadd.s32 $0xFFFFF000  }
0x14c: {  	[spmem:s2] =	stream.indirect.scatter.add.f32 [tilespmem:s29], [sflag:$0xE], $0x20, s26, s21, $0xb8;
	[tilespmem:$0x1BD00] =	vst v63  }
0x14d: {  	_ =	swait.ge [sflag:s9], $0x1000  }
0x14e: {  	[sflag:s9] =	ssyncset.done $0x0  }
0x14f: {  	s28 =	sadd.s32 $0x280, s15;
	[sflag:s9] =	ssyncadd.s32 $0xFFFFF000  }
0x150: {  	[spmem:s2] =	stream.indirect.scatter.add.f32 [tilespmem:s1], [sflag:$0xE], $0x20, s28, s21, $0xb8;
	[tilespmem:$0x1BD00] =	vst v63  }
0x151: {  	_ =	swait.ge [sflag:s10], $0x1000  }
0x152: {  	[sflag:s10] =	ssyncset.done $0x0  }
0x153: {  	s29 =	sadd.s32 $0x300, s15;
	[sflag:s10] =	ssyncadd.s32 $0xFFFFF000  }
0x154: {  	[spmem:s2] =	stream.indirect.scatter.add.f32 [tilespmem:s0], [sflag:$0xE], $0x20, s29, s21, $0xb8;
	[tilespmem:$0x1BD00] =	vst v63  }
0x155: {  	_ =	swait.ge [sflag:s11], $0x1000  }
0x156: {  	[sflag:s11] =	ssyncset.done $0x0  }
0x157: {  	s1 =	sadd.s32 $0x380, s15;
	[sflag:s11] =	ssyncadd.s32 $0xFFFFF000  }
0x158: {  	[spmem:s2] =	stream.indirect.scatter.add.f32 [tilespmem:s20], [sflag:$0xE], $0x20, s1, s21, $0xb8;
	[tilespmem:$0x1BD00] =	vst v63  }
0x159: {  	_ =	swait.ge [sflag:s12], $0x1000  }
0x15a: {  	[sflag:s12] =	ssyncset.done $0x0  }
0x15b: {  	s20 =	sadd.s32 $0x400, s15;
	[sflag:s12] =	ssyncadd.s32 $0xFFFFF000  }
0x15c: {  	[spmem:s2] =	stream.indirect.scatter.add.f32 [tilespmem:s4], [sflag:$0xE], $0x20, s20, s21, $0xb8;
	[tilespmem:$0x1BD00] =	vst v63  }
0x15d: {  	_ =	swait.ge [sflag:s19], $0x1000  }
0x15e: {  	[sflag:s19] =	ssyncset.done $0x0  }
0x15f: {  	s23 =	sadd.s32 $0x480, s15;
	[sflag:s19] =	ssyncadd.s32 $0xFFFFF000  }
0x160: {  	[spmem:s2] =	stream.indirect.scatter.add.f32 [tilespmem:s17], [sflag:$0xE], $0x20, s23, s21, $0xb8;
	[tilespmem:$0x1BD00] =	vst v63  }
0x161: {  	_ =	swait.ge [sflag:s13], $0x1000  }
0x162: {  	[sflag:s13] =	ssyncset.done $0x0  }
0x163: {  	s25 =	sadd.s32 $0x500, s15;
	[sflag:s13] =	ssyncadd.s32 $0xFFFFF000  }
0x164: {  	[spmem:s2] =	stream.indirect.scatter.add.f32 [tilespmem:s18], [sflag:$0xE], $0x20, s25, s21, $0xb8;
	[tilespmem:$0x1BD00] =	vst v63  }
0x165: {  	_ =	swait.ge [sflag:s16], $0x1000  }
0x166: {  	[sflag:s16] =	ssyncset.done $0x0  }
0x167: {  	s26 =	sadd.s32 $0x580, s15;
	[sflag:s16] =	ssyncadd.s32 $0xFFFFF000  }
0x168: {  	[spmem:s2] =	stream.indirect.scatter.add.f32 [tilespmem:s5], [sflag:$0xE], $0x20, s26, s21, $0xb8;
	[tilespmem:$0x1BD00] =	vst v63  }
0x169: {  	_ =	swait.ge [sflag:s14], $0x1000  }
0x16a: {  	[sflag:s14] =	ssyncset.done $0x0  }
0x16b: {  	s15 =	sadd.s32 $0x600, s15;
	[sflag:s14] =	ssyncadd.s32 $0xFFFFF000  }
0x16c: {  	[spmem:s2] =	stream.indirect.scatter.add.f32 [tilespmem:s7], [sflag:$0xE], $0x20, s15, s21, $0xb8;
	[tilespmem:$0x1BD00] =	vst v63  }
0x16d: {  	_ =	swait.ge [sflag:s6], $0x1000  }
0x16e: {  	[sflag:s6] =	ssyncset.done $0x0  }
0x16f: {  	[sflag:s6] =	ssyncadd.s32 $0xFFFFF000  }
0x170: {  	_ =	swait.ge [sflag:s6], $0x1000  }
0x171: {  	[sflag:s6] =	ssyncset.done $0x0  }
0x172: {  	[sflag:s6] =	ssyncadd.s32 $0xFFFFF000  }
0x173: {  	_ =	swait.ge [sflag:s6], $0x1000  }
0x174: {  	[sflag:s6] =	ssyncset.done $0x0  }
0x175: {  	[sflag:s6] =	ssyncadd.s32 $0xFFFFF000  }
0x176: {  	_ =	swait.ge [sflag:s6], $0x1000  }
0x177: {  	[sflag:s6] =	ssyncset.done $0x0  }
0x178: {  	[sflag:s6] =	ssyncadd.s32 $0xFFFFF000  }
0x179: {  	_ =	swait.ge [sflag:s6], $0x1000  }
0x17a: {  	[sflag:s6] =	ssyncset.done $0x0  }
0x17b: {  	[sflag:s6] =	ssyncadd.s32 $0xFFFFF000  }
0x17c: {  	_ =	swait.ge [sflag:s6], $0x1000  }
0x17d: {  	[sflag:s6] =	ssyncset.done $0x0  }
0x17e: {  	[sflag:s6] =	ssyncadd.s32 $0xFFFFF000  }
0x17f: {  	_ =	swait.ge [sflag:s6], $0x1000  }
0x180: {  	[sflag:s6] =	ssyncset.done $0x0  }
0x181: {  	[sflag:s6] =	ssyncadd.s32 $0xFFFFF000  }
0x182: {  	_ =	swait.ge [sflag:s6], $0x1000  }
0x183: {  	[sflag:s6] =	ssyncset.done $0x0  }
0x184: {  	[sflag:s6] =	ssyncadd.s32 $0xFFFFF000  }
0x185: {  	_ =	swait.ge [sflag:s6], $0x1000  }
0x186: {  	[sflag:s6] =	ssyncset.done $0x0  }
0x187: {  	[sflag:s6] =	ssyncadd.s32 $0xFFFFF000  }
0x188: {  	_ =	swait.ge [sflag:s6], $0x1000  }
0x189: {  	[sflag:s6] =	ssyncset.done $0x0  }
0x18a: {  	[sflag:s6] =	ssyncadd.s32 $0xFFFFF000  }
0x18b: {  	_ =	swait.ge [sflag:s6], $0x1000  }
0x18c: {  	[sflag:s6] =	ssyncset.done $0x0  }
0x18d: {  	[sflag:s6] =	ssyncadd.s32 $0xFFFFF000  }
0x18e: {  	_ =	swait.ge [sflag:s6], $0x1000  }
0x18f: {  	[sflag:s6] =	ssyncset.done $0x0  }
0x190: {  	[sflag:s6] =	ssyncadd.s32 $0xFFFFF000  }
0x191: {  	_ =	swait.ge [sflag:s6], $0x1000  }
0x192: {  	s22 =	simm.s32 @!p0 $0x4F00;
	[sflag:s6] =	ssyncset.done $0x0  }
0x193: {  	s15 =	simm.s32 @!p0 $0x80;
	s23 =	rddreg [dreg:$0xc];
	[sflag:s6] =	ssyncadd.s32 $0xFFFFF000  }
0x194: {  	[tilespmem:s22], [sflag:$0x1] =	stream.indirect.gather @!p0 [spmem:s3], $0x20, s23, s15, $0xb8;
	[tilespmem:$0x1BD00] =	vst v63  }
0x195: {  	s23 =	simm.s32 @!p0 $0x1  }
0x196: {  	_ =	swait.ge @!p0 [sflag:s23], $0x1000  }
0x197: {  	[sflag:s23] =	ssyncset.done @!p0 $0x0  }
0x198: {  	[sflag:s23] =	ssyncadd.s32 @!p0 $0xFFFFF000;
	s23 =	rddreg [dreg:$0xd]  }
0x199: {  	[spmem:s2] =	stream.indirect.scatter.add.f32 @!p0 [tilespmem:s22], [sflag:$0xF], $0x20, s23, s15, $0xb8;
	[tilespmem:$0x1BD00] =	vst v63  }
0x19a: {  	s15 =	simm.s32 @!p0 $0xF  }
0x19b: {  	_ =	swait.ge @!p0 [sflag:s15], $0x1000  }
0x19c: {  	[sflag:s15] =	ssyncset.done @!p0 $0x0  }
0x19d: {  	[sflag:s15] =	ssyncadd.s32 @!p0 $0xFFFFF000  }
0x19e: {  	[bflag:$0x0] =	sbarrier.arrive $0xFFFF  }
0x19f: {  	s22 =	rddreg [dreg:$0x8]  }
0x1a0: {  	s28 =	rddreg [dreg:$0xe]  }
0x1a1: {  	s25 =	simm.s32 $0x10;
	s23 =	rddreg [dreg:$0x10]  }
0x1a2: {  	[hbm:s28@s25], [sflag:s22] =	dma.strided [spmem:s23@s24], $0x9E0, s30, $0x4   }
0x1a3: {  	s24 =	simm.s32 $0xF  }
0x1a4: {  	_ =	swait.ge [sflag:s24], $0x9E0  }
0x1a5: {  	s29 =	rddreg [dreg:$0x12]  }
0x1a6: {  	s30 =	rddreg [dreg:$0xf];
	s0 =	sadd.s32 $0x1, s29  }
0x1a7: {  	p1 =	sne.s32 s0, s30  }
.Ltmp1:
0x1a8: {  	_ = 	snop;
	(pc) =	sbr.rel @p1 .LBB2_1-.Ltmp1, $3  }
0x1a9: {  	_ =	sdelay $0x1  }
0x1aa: {  	[sflag:s24] =	ssyncset.done $0x0  }
0x1ab: {  	[sflag:s24] =	ssyncadd.s32 $0xFFFFF620  }
0x1ac: {  	_ =	sfence.sel $0x180000  }
0x1ad: {  	[bflag:$0x0] =	sbarrier.arrive $0xFFFF  }
0x1ae: {  	_ =	strace $0x9000004D  }
0x1af: {  	s0 =	stileid.u32;
	[bflag:$0x2] =	sbarrier.arrive $0xFFFF  }
0x1b0: {  	p0 =	sne.s32 s0, $0x0;
	s0 =	rddreg [dreg:$0x4]  }
0x1b1: {  	s0 =	sadd.s32 @!p0 $0x100000, s0  }
0x1b2: {  	[sflag:s0] =	ssyncadd.tile.s32 @!p0 $0x1;
	_ =	shalt  }
.Lfunc_end2:
_tile_overlayer_lowered:
.L_overlay_start_2:
0x1b3: {  	(tag) =	ssettag $0x2  }
0x1b4: {  	s0 =	rddreg [dreg:$0x0];
	s2 =	stileid.u32  }
0x1b5: {  	s1 =	rddreg [dreg:$0x1];
	p0 =	sne.s32 s2, $0x0  }
0x1b6: {  	s3 =	rddreg [dreg:$0x2];
	[bflag:$0x3] =	sbarrier.arrive $0xFFFF;
	s2 =	simm.s32 @!p0 $0x1C0F  }
0x1b7: {  	[timem:s3], [sflag:s2] =	dma.local @!p0 [hbm:s0], s1  }
0x1b8: {  	s0 =	simm.s32 @!p0 $0xF  }
0x1b9: {  	_ =	swait.ge @!p0 [sflag:s0], s1  }
0x1ba: {  	s1 =	ssub.s32 @!p0 $0x0, s1;
	[sflag:s0] =	ssyncset.done @!p0 $0x0  }
0x1bb: {  	[sflag:s0] =	ssyncadd.s32 @!p0 s1  }
0x1bc: {  	[bflag:$0x3] =	sbarrier.arrive $0xFFFF  }
0x1bd: {  	_ =	shalt  }

// kernel: kernel.9.cloned.1.call-start
scs
__scs_entry_jumppad:
0x0: {  	(pc) =	sbr.rel $0x88, $3  }
0x1: {  	(tag) =	ssettag $0x0;
	lr =	simm.s32 $0x1  }
0x2: {  	[smem:$0x3F98] =	sst lr;
	_ =	strace $0xD0000000  }
0x3: {  	_ = 	snop  }
0x4: {  	_ = 	snop  }
0x5: {  	_ = 	snop  }
0x6: {  	_ = 	snop  }
0x7: {  	_ = 	snop  }
__scs_overlays_trampoline_lowered:
0x8: {  	[smem:$0x3FA7] =	sst s0  }
0x9: {  	[smem:$0x3FA8] =	sst s1  }
0xa: {  	[smem:$0x3FA9] =	sst s2  }
0xb: {  	[smem:$0x3FAA] =	sst s3  }
0xc: {  	[smem:$0x3FAB] =	sst s4  }
0xd: {  	[smem:$0x3FAC] =	sst s5  }
0xe: {  	[smem:$0x3FAD] =	sst s6  }
0xf: {  	[smem:$0x3FAE] =	sst s7  }
0x10: {  	[smem:$0x3FAF] =	sst s8  }
0x11: {  	[smem:$0x3FB0] =	sst s9;
	s0 =	simm.s32 @!p0 $0x0  }
0x12: {  	s1 =	sld [smem:$0x3F96];
	s0 =	simm.s32 @p0 $0x1  }
0x13: {  	[smem:$0x3FB1] =	sst s0;
	s0 =	simm.s32 @!p1 $0x0  }
0x14: {  	s2 =	sld [smem:$0x3F95];
	s0 =	simm.s32 @p1 $0x1  }
0x15: {  	[smem:$0x3FB2] =	sst s0;
	s0 =	simm.s32 @!p2 $0x0  }
0x16: {  	s3 =	sld [smem:$0x3FDB];
	s0 =	simm.s32 @p2 $0x1  }
0x17: {  	s4 =	simm.s32 $0x1BF5;
	[smem:$0x3FB4] =	sst s0  }
0x18: {  	s0 =	sld [smem:$0x3F97];
	_ =	swait.ge [sflag:s4], $0x0  }
0x19: {  	s7 =	sld [smem:$0x3F98]  }
0x1a: {  	s8 =	sadd.s32 $0xFFFFE003, lr  }
0x1b: {  	s9 =	sadd.s32 $0xFFFFFEF7, lr;
	s5 =	simm.s32 $0xFFFFFFFF;
	p2 =	slt.u32 s8, $0xFFFFF086  }
0x1c: {  	p1 =	slt.u32 s9, $0xF7A;
	s5 =	simm.s32 @!p2 $0x0  }
0x1d: {  	s5 =	simm.s32 @p1 $0x1;
	p0 =	seq.s32 s7, s2  }
0x1e: {  	s7 =	smul.u32 @!p0 $0xF7A, s2;
	p2 =	seq.s32 @!p0 s5, $0x0  }
0x1f: {  	s9 =	smul.u32 $0xF7A, s1;
	s8 =	simm.s32 @!p0 $0x1BF5;
	p2 =	por !p2, p0  }
0x20: {  	[sflag:s8] =	ssyncset.s32 @!p0 $0xFFFFF086;
	s6 =	sadd.s32 @!p0 s3, s7;
	s7 =	simm.s32 @!p0 $0x108  }
0x21: {  	s3 =	sadd.s32 s3, s9;
	s6 =	sadd.s32 @!p0 $0x88, s6;
	s7 =	simm.s32 @p2 $0x1082  }
0x22: {  	[simem:s7], [sflag:s8] =	dma.local @!p0 [hbm:s6], $0xF7A  }
0x23: {  	s9 =	sor.u32 $0xD0000000, s2;
	s6 =	simm.s32 $0x108;
	_ =	swait.ge @!p0 [sflag:s8], $0x0  }
0x24: {  	s3 =	sadd.s32 $0x88, s3;
	s6 =	simm.s32 @!p1 $0x1082;
	[sflag:s4] =	ssyncset.s32 $0xFFFFF086  }
0x25: {  	[simem:s6], [sflag:s4] =	dma.local [hbm:s3], $0xF7A  }
0x26: {  	[smem:$0x3F98] =	sst s1;
	(tag) =	ssettag s2;
	_ =	strace s9  }
0x27: {  	s1 =	sld [smem:$0x3FA8]  }
0x28: {  	s2 =	sld [smem:$0x3FA9]  }
0x29: {  	s4 =	sld [smem:$0x3FAB]  }
0x2a: {  	p0 =	seq.s32 s5, $0x0;
	s5 =	sld [smem:$0x3FAC]  }
0x2b: {  	s6 =	sld [smem:$0x3FAD]  }
0x2c: {  	s7 =	sld [smem:$0x3FAE]  }
0x2d: {  	s3 =	simm.s32 $0x108;
	s8 =	sld [smem:$0x3FAF]  }
0x2e: {  	s3 =	simm.s32 @!p0 $0x1082;
	s9 =	sld [smem:$0x3FB0]  }
0x2f: {  	lr =	sadd.s32 s0, s3;
	s0 =	sld [smem:$0x3FA7]  }
0x30: {  	s3 =	sld [smem:$0x3FAA]  }
0x31: {  	[smem:$0x3FB3] =	sst s10  }
0x32: {  	s10 =	sld [smem:$0x3FB1];
	_ =	sdelay $0x3  }
0x33: {  	p0 =	seq.s32 s10, $0x1;
	s10 =	sld [smem:$0x3FB3];
	_ =	sdelay $0x3  }
0x34: {  	[smem:$0x3FB3] =	sst s10  }
0x35: {  	s10 =	sld [smem:$0x3FB2];
	_ =	sdelay $0x3  }
0x36: {  	p1 =	seq.s32 s10, $0x1;
	s10 =	sld [smem:$0x3FB3];
	_ =	sdelay $0x3  }
0x37: {  	[smem:$0x3FB3] =	sst s10  }
0x38: {  	s10 =	sld [smem:$0x3FB4]  }
0x39: {  	_ = 	snop;
	(pc) =	sbr.ind lr, $3  }
0x3a: {  	_ = 	snop  }
0x3b: {  	_ = 	snop  }
0x3c: {  	p2 =	seq.s32 s10, $0x1;
	s10 =	sld [smem:$0x3FB3]  }
0x3d: {  	_ =	shalt  }
0x3e: {  	_ =	shalt  }
0x3f: {  	_ =	shalt  }
0x40: {  	_ =	shalt  }
0x41: {  	_ =	shalt  }
0x42: {  	_ =	shalt  }
0x43: {  	_ =	shalt  }
0x44: {  	_ =	shalt  }
0x45: {  	_ =	shalt  }
0x46: {  	_ =	shalt  }
0x47: {  	_ =	shalt  }
0x48: {  	_ =	shalt  }
0x49: {  	_ =	shalt  }
0x4a: {  	_ =	shalt  }
0x4b: {  	_ =	shalt  }
0x4c: {  	_ =	shalt  }
0x4d: {  	_ =	shalt  }
0x4e: {  	_ =	shalt  }
0x4f: {  	_ =	shalt  }
0x50: {  	_ =	shalt  }
0x51: {  	_ =	shalt  }
0x52: {  	_ =	shalt  }
0x53: {  	_ =	shalt  }
0x54: {  	_ =	shalt  }
0x55: {  	_ =	shalt  }
0x56: {  	_ =	shalt  }
0x57: {  	_ =	shalt  }
0x58: {  	_ =	shalt  }
0x59: {  	_ =	shalt  }
0x5a: {  	_ =	shalt  }
0x5b: {  	_ =	shalt  }
0x5c: {  	_ =	shalt  }
0x5d: {  	_ =	shalt  }
0x5e: {  	_ =	shalt  }
0x5f: {  	_ =	shalt  }
0x60: {  	_ =	shalt  }
0x61: {  	_ =	shalt  }
0x62: {  	_ =	shalt  }
0x63: {  	_ =	shalt  }
0x64: {  	_ =	shalt  }
0x65: {  	_ =	shalt  }
0x66: {  	_ =	shalt  }
0x67: {  	_ =	shalt  }
0x68: {  	_ =	shalt  }
0x69: {  	_ =	shalt  }
0x6a: {  	_ =	shalt  }
0x6b: {  	_ =	shalt  }
0x6c: {  	_ =	shalt  }
0x6d: {  	_ =	shalt  }
0x6e: {  	_ =	shalt  }
0x6f: {  	_ =	shalt  }
0x70: {  	_ =	shalt  }
0x71: {  	_ =	shalt  }
0x72: {  	_ =	shalt  }
0x73: {  	_ =	shalt  }
0x74: {  	_ =	shalt  }
0x75: {  	_ =	shalt  }
0x76: {  	_ =	shalt  }
0x77: {  	_ =	shalt  }
0x78: {  	_ =	shalt  }
0x79: {  	_ =	shalt  }
0x7a: {  	_ =	shalt  }
0x7b: {  	_ =	shalt  }
0x7c: {  	_ =	shalt  }
0x7d: {  	_ =	shalt  }
0x7e: {  	_ =	shalt  }
0x7f: {  	_ =	shalt  }
0x80: {  	_ =	shalt  }
0x81: {  	_ =	shalt  }
0x82: {  	_ =	shalt  }
0x83: {  	_ =	shalt  }
0x84: {  	_ =	shalt  }
0x85: {  	_ =	shalt  }
0x86: {  	_ =	shalt  }
0x87: {  	_ =	shalt  }
.Lfunc_end0:
.L_simem_size_0:
called_computation_lowered:
.L_overlay_start_0:
0x88: {  	s2 =	sld [smem:$0x3FD9]  }
0x89: {  	s3 =	sld [smem:$0x3FFE];
	_ =	sdelay $0x1  }
0x8a: {  	s1 =	srdreg.scid  }
0x8b: {  	s0 =	sand.u32 $0x1, s1  }
0x8c: {  	s14 =	sshll.u32 s0, $0xA;
	s2 =	sadd.s32 s3, s2  }
0x8d: {  	s2 =	sadd.s32 s2, s14  }
0x8e: {  	[smem:$0x3FBF] =	sst s2  }
0x8f: {  	_ = 	snop  }
0x90: {  	s2 =	sld [smem:$0x3FD0];
	_ =	sdelay $0x2  }
0x91: {  	s15 =	simm.s32 $0xA;
	s4 =	simm.s32 $0x10  }
0x92: {  	[smem:s4], [sflag:s15] =	dma.local [hbm:s2], $0x1  }
0x93: {  	_ =	swait.eq [sflag:s15], $0x1  }
0x94: {  	[sflag:s15] =	ssyncset.done $0x0  }
0x95: {  	[sflag:s15] =	ssyncadd.s32 $0xFFFFFFFF  }
0x96: {  	s16 =	sld [smem:$0x10];
	(tm) =	ssettm $0x1  }
0x97: {  	s17 =	sld [smem:$0x3FFB];
	_ =	sdelay $0x3  }
0x98: {  	_ =	strace s17  }
0x99: {  	s3 =	sld [smem:$0x3FFC];
	_ =	sdelay $0x3  }
0x9a: {  	_ =	strace s3  }
0x9b: {  	s3 =	sld [smem:$0x3FFD];
	_ =	sdelay $0x3  }
0x9c: {  	_ =	strace s3  }
0x9d: {  	_ =	strace $0x8FFFFFFF  }
0x9e: {  	s18 =	sld [smem:$0x3FDB];
	_ =	sdelay $0x1  }
0x9f: {  	s19 =	simm.s32 $_scs_section_size  }
0xa0: {  	s5 =	simm.s32 $_size__tile_overlayer_lowered;
	s6 =	simm.s32 $_tile_overlayer_lowered  }
0xa1: {  	s22 =	simm.s32 $0x1BFF;
	s21 =	sshll.u32 s6, $0x1;
	s3 =	sadd.s32 s19, s18  }
0xa2: {  	s7 =	simm.s32 $0x0;
	s20 =	sshll.u32 s5, $0x1;
	s5 =	sadd.s32 s21, s3  }
0xa3: {  	[timem:s7], [sflag:s22] =	dma.local [hbm:s5], s20  }
0xa4: {  	_ =	swait.ge [sflag:s22], s20  }
0xa5: {  	s4 =	ssub.s32 $0x0, s20;
	[sflag:s22] =	ssyncset.done $0x0  }
0xa6: {  	[sflag:s22] =	ssyncadd.s32 s4;
	_ =	sdelay $0x1  }
0xa7: {  	s23 =	simm.s32 $0x1B8B  }
0xa8: {  	_ =	swait.ge [sflag:s23], $0x1  }
0xa9: {  	[sflag:s23] =	ssyncset.done $0x0  }
0xaa: {  	s25 =	simm.s32 $0x1B8E;
	s24 =	sld [smem:$0x3FFE];
	[sflag:s23] =	ssyncadd.s32 $0xFFFFFFFF  }
0xab: {  	s26 =	simm.s32 $execute0_lowered;
	[smem:$0x3FD2] =	sst s25  }
0xac: {  	s5 =	sshll.u32 s26, $0x1;
	_ =	strace $0x80000046;
	[dreg:$0x1] =	wrdreg $0xFFFFFFFF  }
0xad: {  	s28 =	simm.s32 $_size_execute0_lowered;
	s3 =	sadd.s32 s3, s5;
	[dreg:$0x0] =	wrdreg $0x0  }
0xae: {  	s5 =	sshll.u32 s28, $0x1;
	[dreg:$0x2] =	wrdreg s3  }
0xaf: {  	[dreg:$0x3] =	wrdreg s5  }
0xb0: {  	[dreg:$0x4] =	wrdreg $0xC0  }
0xb1: {  	_ =	task [dreg:s7], $0x5FFFF  }
0xb2: {  	[dreg:$0x1] =	wrdreg $0xFFFFFFFF  }
0xb3: {  	[dreg:$0x0] =	wrdreg $0x60  }
0xb4: {  	[dreg:$0x2] =	wrdreg s24  }
0xb5: {  	[dreg:$0x3] =	wrdreg s16  }
0xb6: {  	[dreg:$0x4] =	wrdreg $0x2B800  }
0xb7: {  	[dreg:$0x5] =	wrdreg $0x9  }
0xb8: {  	_ =	task.clear_ibuf [dreg:s7], $0x6FFFF;
	_ =	strace $0x90000046  }
0xb9: {  	s29 =	simm.s32 $0x9;
	_ =	strace $0x80000048  }
0xba: {  	_ =	swait.ge [sflag:s29], $0x1  }
0xbb: {  	[sflag:s29] =	ssyncadd.s32 $0xFFFFFFFF  }
0xbc: {  	_ =	strace $0x90000048  }
0xbd: {  	_ =	sfence  }
0xbe: {  	s30 =	sld [smem:$0x0];
	_ =	sdelay $0x2  }
0xbf: {  	s31 =	sshll.u32 s1, $0xD;
	s1 =	sshrl.u32 s1, $0x2  }
0xc0: {  	s3 =	sand.u32 $0x4000, s31;
	s1 =	sadd.s32 s1, s30  }
0xc1: {  	s0 =	sor.u32 s3, s0;
	s1 =	sshll.u32 s1, $0x11  }
0xc2: {  	s0 =	sor.u32 s1, s0  }
0xc3: {  	s0 =	sadd.s32 $0x8F2B, s0  }
0xc4: {  	[sflag:s0] =	ssyncadd.remote.s32 $0x1  }
0xc5: {  	_ =	sfence.sel $0xFFFF  }
0xc6: {  	[dreg:$0x0] =	wrdreg $0xFFFFFFFF;
	(pc) =	sbr.abs _section_cstart, $3  }
0xc7: {  	[dreg:$0x1] =	wrdreg $0xFFFFFFFF  }
0xc8: {  	_ =	task.clear_ibuf [dreg:s7], $0x2FFFF;
	_ =	strace $0x9FFFFFFF  }
0xc9: {  	(tm) =	ssettm $0x7FFFFFFF  }
tec
execute0_lowered:
.L_overlay_start_1:
0x0: {  	(tag) =	ssettag $0x1  }
0x1: {  	s6 =	rddreg [dreg:$0x0]  }
0x2: {  	s0 =	srdreg.scid;
	s7 =	rddreg [dreg:$0x1]  }
0x3: {  	s2 =	rddreg [dreg:$0x2];
	s5 =	sand.u32 $0x1, s0  }
0x4: {  	s0 =	stileid.u32;
	s19 =	smul.u32 $0x13C000, s5  }
0x5: {  	s3 =	simm.s32 $0x0;
	s16 =	simm.s32 $0x1;
	s11 =	smul.u32 $0x13C00, s0  }
0x6: {  	s18 =	simm.s32 $0x0;
	[smem:$0x7FF] =	sst s3;
	s15 =	smul.u32 $0x13C0, s0  }
0x7: {  	s1 =	sshll.u32 s5, $0x4;
	s20 =	ssub.s32 $0x2, s5;
	s23 =	smul.u32 $0x4E0, s5  }
0x8: {  	s25 =	smul.u32 $0x4E, s0;
	s26 =	sshll.u32 s0, $0x6;
	s17 =	sor.u32 s0, s1  }
0x9: {  	s1 =	rddreg [dreg:$0x3];
	_ =	strace $0x80000047;
	s14 =	sshrl.u32 s20, $0x1  }
0xa: {  	s4 =	smul.u32 $0x4E, s17;
	s8 =	smin.u32 s17, $0x4;
	s22 =	sshrl.u32 s15, $0x3  }
0xb: {  	s24 =	sadd.s32 s15, s2;
	s15 =	simm.s32 $0x80;
	p0 =	sgt.u32 s17, $0x3  }
0xc: {  	s17 =	simm.s32 $0x10;
	s5 =	sadd.s32 s7, s22;
	s9 =	sadd.s32 s8, s4  }
0xd: {  	s4 =	sadd.s32 s11, s19;
	s11 =	ssub.s32 s20, s14;
	s8 =	sor.u32 s23, s8  }
0xe: {  	s14 =	simm.s32 $0x2780;
	s10 =	smin.u32 s9, $0x975;
	s13 =	sshrl.u32 s4, $0x3  }
0xf: {  	s4 =	sadd.s32 $0x16C00, s6;
	s12 =	sshll.u32 s10, $0x4;
	s13 =	sadd.s32 s13, s6  }
0x10: {  	s21 =	ssub.s32 s9, s10;
	s10 =	sadd.s32 s25, s8;
	s12 =	sadd.s32 s12, s6  }
0x11: {  	s28 =	sshll.u32 s21, $0x9;
	s6 =	sor.u32 $0x1C02, s26;
	s30 =	smax.u32 s10, $0x975  }
0x12: {  	s9 =	sadd.s32 $0x16E00, s13;
	s10 =	smax.u32 s11, $0x1;
	s13 =	simm.s32 $0x2  }
0x13: {  	s29 =	sshra.s32 s28, $0x2;
	s7 =	sadd.s32 $0xCE40, s12;
	s31 =	sshll.u32 s30, $0x7  }
0x14: {  	s12 =	sshrl.u32 s24, $0x3;
	s8 =	sadd.s32 $0x2700, s29;
	s11 =	sadd.s32 $0xFFFB4580, s31  }
.LBB2_1:
0x15: {  	[spmem:s12], [sflag:s6] =	dma.local [hbm:s5], $0x278  }
0x16: {  	_ =	swait.ge [sflag:s13], $0x278  }
0x17: {  	[sflag:s13] =	ssyncset.done $0x0  }
0x18: {  	[sflag:s13] =	ssyncadd.s32 $0xFFFFFD88  }
0x19: {  	[tilespmem:s3], [sflag:$0x2] =	stream.linear.gather [hbm4b:s7+s3], $0x2780, $0x38;
	[tilespmem:$0x3F40] =	vst v63  }
0x1a: {  	_ =	swait.ge [sflag:s13], $0x2780  }
0x1b: {  	[sflag:s13] =	ssyncset.done $0x0  }
0x1c: {  	[sflag:s13] =	ssyncadd.s32 $0xFFFFD880  }
0x1d: {  	[tilespmem:s14], [sflag:$0x2] =	stream.linear.gather [hbm4b:s4+s3], $0x400, $0x38;
	[tilespmem:$0x3F40] =	vst v63  }
0x1e: {  	_ =	swait.ge [sflag:s13], $0x400  }
0x1f: {  	[sflag:s13] =	ssyncset.done $0x0  }
0x20: {  	[sflag:s13] =	ssyncadd.s32 $0xFFFFFC00  }
0x21: {  	s19 =	sadd.s32 $0x0, s11;
	[bflag:$0x0] =	sbarrier.arrive $0xFFFF  }
0x22: {  	[spmem:s2] =	stream.indirect.scatter.add.f32 [tilespmem:s14], [sflag:$0x1], $0x8, s19, s15, $0xb8;
	[tilespmem:$0x3F40] =	vst v63  }
0x23: {  	s20 =	sadd.s32 $0x80, s19  }
0x24: {  	[spmem:s2] =	stream.indirect.scatter.add.f32 [tilespmem:s14], [sflag:$0x1], $0x8, s20, s15, $0xb8;
	[tilespmem:$0x3F40] =	vst v63  }
0x25: {  	s21 =	sadd.s32 $0x100, s19  }
0x26: {  	[spmem:s2] =	stream.indirect.scatter.add.f32 [tilespmem:s14], [sflag:$0x1], $0x8, s21, s15, $0xb8;
	[tilespmem:$0x3F40] =	vst v63  }
0x27: {  	s22 =	sadd.s32 $0x180, s19  }
0x28: {  	[spmem:s2] =	stream.indirect.scatter.add.f32 [tilespmem:s14], [sflag:$0x1], $0x8, s22, s15, $0xb8;
	[tilespmem:$0x3F40] =	vst v63  }
0x29: {  	s23 =	sadd.s32 $0x200, s19  }
0x2a: {  	[spmem:s2] =	stream.indirect.scatter.add.f32 [tilespmem:s14], [sflag:$0x1], $0x8, s23, s15, $0xb8;
	[tilespmem:$0x3F40] =	vst v63  }
0x2b: {  	s24 =	sadd.s32 $0x280, s19  }
0x2c: {  	[spmem:s2] =	stream.indirect.scatter.add.f32 [tilespmem:s14], [sflag:$0x1], $0x8, s24, s15, $0xb8;
	[tilespmem:$0x3F40] =	vst v63  }
0x2d: {  	s25 =	sadd.s32 $0x300, s19  }
0x2e: {  	[spmem:s2] =	stream.indirect.scatter.add.f32 [tilespmem:s14], [sflag:$0x1], $0x8, s25, s15, $0xb8;
	[tilespmem:$0x3F40] =	vst v63  }
0x2f: {  	s26 =	sadd.s32 $0x380, s19  }
0x30: {  	[spmem:s2] =	stream.indirect.scatter.add.f32 [tilespmem:s14], [sflag:$0x1], $0x8, s26, s15, $0xb8;
	[tilespmem:$0x3F40] =	vst v63  }
0x31: {  	s28 =	sadd.s32 $0x400, s19  }
0x32: {  	[spmem:s2] =	stream.indirect.scatter.add.f32 [tilespmem:s14], [sflag:$0x1], $0x8, s28, s15, $0xb8;
	[tilespmem:$0x3F40] =	vst v63  }
0x33: {  	s29 =	sadd.s32 $0x480, s19  }
0x34: {  	[spmem:s2] =	stream.indirect.scatter.add.f32 [tilespmem:s14], [sflag:$0x1], $0x8, s29, s15, $0xb8;
	[tilespmem:$0x3F40] =	vst v63  }
0x35: {  	s30 =	sadd.s32 $0x500, s19  }
0x36: {  	[spmem:s2] =	stream.indirect.scatter.add.f32 [tilespmem:s14], [sflag:$0x1], $0x8, s30, s15, $0xb8;
	[tilespmem:$0x3F40] =	vst v63  }
0x37: {  	s31 =	sadd.s32 $0x580, s19  }
0x38: {  	[spmem:s2] =	stream.indirect.scatter.add.f32 [tilespmem:s14], [sflag:$0x1], $0x8, s31, s15, $0xb8;
	[tilespmem:$0x3F40] =	vst v63  }
0x39: {  	s19 =	sadd.s32 $0x600, s19  }
0x3a: {  	[spmem:s2] =	stream.indirect.scatter.add.f32 [tilespmem:s14], [sflag:$0x1], $0x8, s19, s15, $0xb8;
	[tilespmem:$0x3F40] =	vst v63  }
0x3b: {  	_ =	swait.ge [sflag:s16], $0x400  }
0x3c: {  	[sflag:s16] =	ssyncset.done $0x0  }
0x3d: {  	[sflag:s16] =	ssyncadd.s32 $0xFFFFFC00  }
0x3e: {  	_ =	swait.ge [sflag:s16], $0x400  }
0x3f: {  	[sflag:s16] =	ssyncset.done $0x0  }
0x40: {  	[sflag:s16] =	ssyncadd.s32 $0xFFFFFC00  }
0x41: {  	_ =	swait.ge [sflag:s16], $0x400  }
0x42: {  	[sflag:s16] =	ssyncset.done $0x0  }
0x43: {  	[sflag:s16] =	ssyncadd.s32 $0xFFFFFC00  }
0x44: {  	_ =	swait.ge [sflag:s16], $0x400  }
0x45: {  	[sflag:s16] =	ssyncset.done $0x0  }
0x46: {  	[sflag:s16] =	ssyncadd.s32 $0xFFFFFC00  }
0x47: {  	_ =	swait.ge [sflag:s16], $0x400  }
0x48: {  	[sflag:s16] =	ssyncset.done $0x0  }
0x49: {  	[sflag:s16] =	ssyncadd.s32 $0xFFFFFC00  }
0x4a: {  	_ =	swait.ge [sflag:s16], $0x400  }
0x4b: {  	[sflag:s16] =	ssyncset.done $0x0  }
0x4c: {  	[sflag:s16] =	ssyncadd.s32 $0xFFFFFC00  }
0x4d: {  	_ =	swait.ge [sflag:s16], $0x400  }
0x4e: {  	[sflag:s16] =	ssyncset.done $0x0  }
0x4f: {  	[sflag:s16] =	ssyncadd.s32 $0xFFFFFC00  }
0x50: {  	_ =	swait.ge [sflag:s16], $0x400  }
0x51: {  	[sflag:s16] =	ssyncset.done $0x0  }
0x52: {  	[sflag:s16] =	ssyncadd.s32 $0xFFFFFC00  }
0x53: {  	_ =	swait.ge [sflag:s16], $0x400  }
0x54: {  	[sflag:s16] =	ssyncset.done $0x0  }
0x55: {  	[sflag:s16] =	ssyncadd.s32 $0xFFFFFC00  }
0x56: {  	_ =	swait.ge [sflag:s16], $0x400  }
0x57: {  	[sflag:s16] =	ssyncset.done $0x0  }
0x58: {  	[sflag:s16] =	ssyncadd.s32 $0xFFFFFC00  }
0x59: {  	_ =	swait.ge [sflag:s16], $0x400  }
0x5a: {  	[sflag:s16] =	ssyncset.done $0x0  }
0x5b: {  	[sflag:s16] =	ssyncadd.s32 $0xFFFFFC00  }
0x5c: {  	_ =	swait.ge [sflag:s16], $0x400  }
0x5d: {  	[sflag:s16] =	ssyncset.done $0x0  }
0x5e: {  	[sflag:s16] =	ssyncadd.s32 $0xFFFFFC00  }
0x5f: {  	_ =	swait.ge [sflag:s16], $0x400  }
0x60: {  	s20 =	simm.s32 $0x680;
	s21 =	simm.s32 $0x3400;
	[sflag:s16] =	ssyncset.done $0x0  }
.LBB2_2:
0x61: {  	s22 =	sadd.s32 s20, s11  }
0x62: {  	[sflag:s16] =	ssyncadd.s32 $0xFFFFFC00;
	s20 =	smov.u32 s21;
	s19 =	sadd.s32 $0x1A00, s21  }
0x63: {  	[spmem:s2] =	stream.indirect.scatter.add.f32 [tilespmem:s14], [sflag:$0x1], $0x8, s22, s15, $0xb8;
	[tilespmem:$0x3F40] =	vst v63  }
0x64: {  	p1 =	sne.s32 s21, $0x8200;
	s21 =	sadd.s32 $0x80, s22  }
0x65: {  	[spmem:s2] =	stream.indirect.scatter.add.f32 [tilespmem:s14], [sflag:$0x1], $0x8, s21, s15, $0xb8;
	[tilespmem:$0x3F40] =	vst v63  }
0x66: {  	s21 =	sadd.s32 $0x100, s22  }
0x67: {  	[spmem:s2] =	stream.indirect.scatter.add.f32 [tilespmem:s14], [sflag:$0x1], $0x8, s21, s15, $0xb8;
	[tilespmem:$0x3F40] =	vst v63  }
0x68: {  	s21 =	sadd.s32 $0x180, s22  }
0x69: {  	[spmem:s2] =	stream.indirect.scatter.add.f32 [tilespmem:s14], [sflag:$0x1], $0x8, s21, s15, $0xb8;
	[tilespmem:$0x3F40] =	vst v63  }
0x6a: {  	s21 =	sadd.s32 $0x200, s22  }
0x6b: {  	[spmem:s2] =	stream.indirect.scatter.add.f32 [tilespmem:s14], [sflag:$0x1], $0x8, s21, s15, $0xb8;
	[tilespmem:$0x3F40] =	vst v63  }
0x6c: {  	s21 =	sadd.s32 $0x280, s22  }
0x6d: {  	[spmem:s2] =	stream.indirect.scatter.add.f32 [tilespmem:s14], [sflag:$0x1], $0x8, s21, s15, $0xb8;
	[tilespmem:$0x3F40] =	vst v63  }
0x6e: {  	s21 =	sadd.s32 $0x300, s22  }
0x6f: {  	[spmem:s2] =	stream.indirect.scatter.add.f32 [tilespmem:s14], [sflag:$0x1], $0x8, s21, s15, $0xb8;
	[tilespmem:$0x3F40] =	vst v63  }
0x70: {  	s21 =	sadd.s32 $0x380, s22  }
0x71: {  	[spmem:s2] =	stream.indirect.scatter.add.f32 [tilespmem:s14], [sflag:$0x1], $0x8, s21, s15, $0xb8;
	[tilespmem:$0x3F40] =	vst v63  }
0x72: {  	s21 =	sadd.s32 $0x400, s22  }
0x73: {  	[spmem:s2] =	stream.indirect.scatter.add.f32 [tilespmem:s14], [sflag:$0x1], $0x8, s21, s15, $0xb8;
	[tilespmem:$0x3F40] =	vst v63  }
0x74: {  	s21 =	sadd.s32 $0x480, s22  }
0x75: {  	[spmem:s2] =	stream.indirect.scatter.add.f32 [tilespmem:s14], [sflag:$0x1], $0x8, s21, s15, $0xb8;
	[tilespmem:$0x3F40] =	vst v63  }
0x76: {  	s21 =	sadd.s32 $0x500, s22  }
0x77: {  	[spmem:s2] =	stream.indirect.scatter.add.f32 [tilespmem:s14], [sflag:$0x1], $0x8, s21, s15, $0xb8;
	[tilespmem:$0x3F40] =	vst v63  }
0x78: {  	s21 =	sadd.s32 $0x580, s22  }
0x79: {  	[spmem:s2] =	stream.indirect.scatter.add.f32 [tilespmem:s14], [sflag:$0x1], $0x8, s21, s15, $0xb8;
	[tilespmem:$0x3F40] =	vst v63  }
0x7a: {  	s21 =	sadd.s32 $0x600, s22  }
0x7b: {  	[spmem:s2] =	stream.indirect.scatter.add.f32 [tilespmem:s14], [sflag:$0x1], $0x8, s21, s15, $0xb8;
	[tilespmem:$0x3F40] =	vst v63  }
0x7c: {  	_ =	swait.ge [sflag:s16], $0x400  }
0x7d: {  	[sflag:s16] =	ssyncset.done $0x0  }
0x7e: {  	[sflag:s16] =	ssyncadd.s32 $0xFFFFFC00  }
0x7f: {  	_ =	swait.ge [sflag:s16], $0x400  }
0x80: {  	[sflag:s16] =	ssyncset.done $0x0  }
0x81: {  	[sflag:s16] =	ssyncadd.s32 $0xFFFFFC00  }
0x82: {  	_ =	swait.ge [sflag:s16], $0x400  }
0x83: {  	[sflag:s16] =	ssyncset.done $0x0  }
0x84: {  	[sflag:s16] =	ssyncadd.s32 $0xFFFFFC00  }
0x85: {  	_ =	swait.ge [sflag:s16], $0x400  }
0x86: {  	[sflag:s16] =	ssyncset.done $0x0  }
0x87: {  	[sflag:s16] =	ssyncadd.s32 $0xFFFFFC00  }
0x88: {  	_ =	swait.ge [sflag:s16], $0x400  }
0x89: {  	[sflag:s16] =	ssyncset.done $0x0  }
0x8a: {  	[sflag:s16] =	ssyncadd.s32 $0xFFFFFC00  }
0x8b: {  	_ =	swait.ge [sflag:s16], $0x400  }
0x8c: {  	[sflag:s16] =	ssyncset.done $0x0  }
0x8d: {  	[sflag:s16] =	ssyncadd.s32 $0xFFFFFC00  }
0x8e: {  	_ =	swait.ge [sflag:s16], $0x400  }
0x8f: {  	[sflag:s16] =	ssyncset.done $0x0  }
0x90: {  	[sflag:s16] =	ssyncadd.s32 $0xFFFFFC00  }
0x91: {  	_ =	swait.ge [sflag:s16], $0x400  }
0x92: {  	[sflag:s16] =	ssyncset.done $0x0  }
0x93: {  	[sflag:s16] =	ssyncadd.s32 $0xFFFFFC00  }
0x94: {  	_ =	swait.ge [sflag:s16], $0x400  }
0x95: {  	[sflag:s16] =	ssyncset.done $0x0  }
0x96: {  	[sflag:s16] =	ssyncadd.s32 $0xFFFFFC00  }
0x97: {  	_ =	swait.ge [sflag:s16], $0x400  }
0x98: {  	[sflag:s16] =	ssyncset.done $0x0  }
0x99: {  	[sflag:s16] =	ssyncadd.s32 $0xFFFFFC00  }
0x9a: {  	_ =	swait.ge [sflag:s16], $0x400  }
0x9b: {  	[sflag:s16] =	ssyncset.done $0x0  }
0x9c: {  	[sflag:s16] =	ssyncadd.s32 $0xFFFFFC00  }
.Ltmp0:
0x9d: {  	_ =	swait.ge [sflag:s16], $0x400;
	(pc) =	sbr.rel @p1 .LBB2_2-.Ltmp0, $4  }
0x9e: {  	[sflag:s16] =	ssyncset.done $0x0  }
0x9f: {  	[sflag:s16] =	ssyncadd.s32 $0xFFFFFC00  }
0xa0: {  	_ =	swait.ge [sflag:s16], $0x400  }
0xa1: {  	s20 =	sshra.s32 s20, $0x2;
	s21 =	smov.u32 s19;
	[sflag:s16] =	ssyncset.done $0x0  }
0xa2: {  	s19 =	sadd.s32 s20, s11;
	[sflag:s16] =	ssyncadd.s32 $0xFFFFFC00  }
0xa3: {  	[spmem:s2] =	stream.indirect.scatter.add.f32 [tilespmem:s14], [sflag:$0x1], $0x8, s19, s15, $0xb8;
	[tilespmem:$0x3F40] =	vst v63  }
0xa4: {  	s20 =	sadd.s32 $0x80, s19  }
0xa5: {  	[spmem:s2] =	stream.indirect.scatter.add.f32 [tilespmem:s14], [sflag:$0x1], $0x8, s20, s15, $0xb8;
	[tilespmem:$0x3F40] =	vst v63  }
0xa6: {  	s21 =	sadd.s32 $0x100, s19  }
0xa7: {  	[spmem:s2] =	stream.indirect.scatter.add.f32 [tilespmem:s14], [sflag:$0x1], $0x8, s21, s15, $0xb8;
	[tilespmem:$0x3F40] =	vst v63  }
0xa8: {  	s22 =	sadd.s32 $0x180, s19  }
0xa9: {  	[spmem:s2] =	stream.indirect.scatter.add.f32 [tilespmem:s14], [sflag:$0x1], $0x8, s22, s15, $0xb8;
	[tilespmem:$0x3F40] =	vst v63  }
0xaa: {  	s23 =	sadd.s32 $0x200, s19  }
0xab: {  	[spmem:s2] =	stream.indirect.scatter.add.f32 [tilespmem:s14], [sflag:$0x1], $0x8, s23, s15, $0xb8;
	[tilespmem:$0x3F40] =	vst v63  }
0xac: {  	s24 =	sadd.s32 $0x280, s19  }
0xad: {  	[spmem:s2] =	stream.indirect.scatter.add.f32 [tilespmem:s14], [sflag:$0x1], $0x8, s24, s15, $0xb8;
	[tilespmem:$0x3F40] =	vst v63  }
0xae: {  	s25 =	sadd.s32 $0x300, s19  }
0xaf: {  	[spmem:s2] =	stream.indirect.scatter.add.f32 [tilespmem:s14], [sflag:$0x1], $0x8, s25, s15, $0xb8;
	[tilespmem:$0x3F40] =	vst v63  }
0xb0: {  	s26 =	sadd.s32 $0x380, s19  }
0xb1: {  	[spmem:s2] =	stream.indirect.scatter.add.f32 [tilespmem:s14], [sflag:$0x1], $0x8, s26, s15, $0xb8;
	[tilespmem:$0x3F40] =	vst v63  }
0xb2: {  	s28 =	sadd.s32 $0x400, s19  }
0xb3: {  	[spmem:s2] =	stream.indirect.scatter.add.f32 [tilespmem:s14], [sflag:$0x1], $0x8, s28, s15, $0xb8;
	[tilespmem:$0x3F40] =	vst v63  }
0xb4: {  	s29 =	sadd.s32 $0x480, s19  }
0xb5: {  	[spmem:s2] =	stream.indirect.scatter.add.f32 [tilespmem:s14], [sflag:$0x1], $0x8, s29, s15, $0xb8;
	[tilespmem:$0x3F40] =	vst v63  }
0xb6: {  	s30 =	sadd.s32 $0x500, s19  }
0xb7: {  	[spmem:s2] =	stream.indirect.scatter.add.f32 [tilespmem:s14], [sflag:$0x1], $0x8, s30, s15, $0xb8;
	[tilespmem:$0x3F40] =	vst v63  }
0xb8: {  	s31 =	sadd.s32 $0x580, s19  }
0xb9: {  	[spmem:s2] =	stream.indirect.scatter.add.f32 [tilespmem:s14], [sflag:$0x1], $0x8, s31, s15, $0xb8;
	[tilespmem:$0x3F40] =	vst v63  }
0xba: {  	s19 =	sadd.s32 $0x600, s19  }
0xbb: {  	[spmem:s2] =	stream.indirect.scatter.add.f32 [tilespmem:s14], [sflag:$0x1], $0x8, s19, s15, $0xb8;
	[tilespmem:$0x3F40] =	vst v63  }
0xbc: {  	_ =	swait.ge [sflag:s16], $0x400  }
0xbd: {  	[sflag:s16] =	ssyncset.done $0x0  }
0xbe: {  	[sflag:s16] =	ssyncadd.s32 $0xFFFFFC00  }
0xbf: {  	_ =	swait.ge [sflag:s16], $0x400  }
0xc0: {  	[sflag:s16] =	ssyncset.done $0x0  }
0xc1: {  	[sflag:s16] =	ssyncadd.s32 $0xFFFFFC00  }
0xc2: {  	_ =	swait.ge [sflag:s16], $0x400  }
0xc3: {  	[sflag:s16] =	ssyncset.done $0x0  }
0xc4: {  	[sflag:s16] =	ssyncadd.s32 $0xFFFFFC00  }
0xc5: {  	_ =	swait.ge [sflag:s16], $0x400  }
0xc6: {  	[sflag:s16] =	ssyncset.done $0x0  }
0xc7: {  	[sflag:s16] =	ssyncadd.s32 $0xFFFFFC00  }
0xc8: {  	_ =	swait.ge [sflag:s16], $0x400  }
0xc9: {  	[sflag:s16] =	ssyncset.done $0x0  }
0xca: {  	[sflag:s16] =	ssyncadd.s32 $0xFFFFFC00  }
0xcb: {  	_ =	swait.ge [sflag:s16], $0x400  }
0xcc: {  	[sflag:s16] =	ssyncset.done $0x0  }
0xcd: {  	[sflag:s16] =	ssyncadd.s32 $0xFFFFFC00  }
0xce: {  	_ =	swait.ge [sflag:s16], $0x400  }
0xcf: {  	[sflag:s16] =	ssyncset.done $0x0  }
0xd0: {  	[sflag:s16] =	ssyncadd.s32 $0xFFFFFC00  }
0xd1: {  	_ =	swait.ge [sflag:s16], $0x400  }
0xd2: {  	[sflag:s16] =	ssyncset.done $0x0  }
0xd3: {  	[sflag:s16] =	ssyncadd.s32 $0xFFFFFC00  }
0xd4: {  	_ =	swait.ge [sflag:s16], $0x400  }
0xd5: {  	[sflag:s16] =	ssyncset.done $0x0  }
0xd6: {  	[sflag:s16] =	ssyncadd.s32 $0xFFFFFC00  }
0xd7: {  	_ =	swait.ge [sflag:s16], $0x400  }
0xd8: {  	[sflag:s16] =	ssyncset.done $0x0  }
0xd9: {  	[sflag:s16] =	ssyncadd.s32 $0xFFFFFC00  }
0xda: {  	_ =	swait.ge [sflag:s16], $0x400  }
0xdb: {  	[sflag:s16] =	ssyncset.done $0x0  }
0xdc: {  	[sflag:s16] =	ssyncadd.s32 $0xFFFFFC00  }
0xdd: {  	_ =	swait.ge [sflag:s16], $0x400  }
0xde: {  	[sflag:s16] =	ssyncset.done $0x0  }
0xdf: {  	[sflag:s16] =	ssyncadd.s32 $0xFFFFFC00  }
0xe0: {  	_ =	swait.ge [sflag:s16], $0x400  }
0xe1: {  	[sflag:s16] =	ssyncset.done $0x0  }
0xe2: {  	s20 =	simm.s32 @!p0 $0x2780;
	s19 =	simm.s32 @!p0 $0x80;
	[sflag:s16] =	ssyncadd.s32 $0xFFFFFC00  }
0xe3: {  	[spmem:s2] =	stream.indirect.scatter.add.f32 @!p0 [tilespmem:s20], [sflag:$0x2], $0x8, s8, s19, $0xb8;
	[tilespmem:$0x3F40] =	vst v63  }
0xe4: {  	s19 =	simm.s32 @!p0 $0x2  }
0xe5: {  	_ =	swait.ge @!p0 [sflag:s19], $0x400  }
0xe6: {  	s18 =	sadd.s32 $0x1, s18;
	[sflag:s19] =	ssyncset.done @!p0 $0x0  }
0xe7: {  	p1 =	sne.s32 s18, s10;
	[sflag:s19] =	ssyncadd.s32 @!p0 $0xFFFFFC00  }
.Ltmp1:
0xe8: {  	[bflag:$0x0] =	sbarrier.arrive $0xFFFF;
	(pc) =	sbr.rel @p1 .LBB2_1-.Ltmp1, $4  }
0xe9: {  	[hbm:s9@s17], [sflag:s6] =	dma.strided [spmem:s12@s16], $0x278, s16, $0x1   }
0xea: {  	_ =	swait.ge [sflag:s13], $0x278  }
0xeb: {  	[sflag:s13] =	ssyncset.done $0x0  }
0xec: {  	[sflag:s13] =	ssyncadd.s32 $0xFFFFFD88  }
0xed: {  	_ =	sfence.sel $0x180000  }
0xee: {  	[bflag:$0x0] =	sbarrier.arrive $0xFFFF  }
0xef: {  	p0 =	sne.s32 s0, $0x0;
	_ =	strace $0x90000047  }
0xf0: {  	s0 =	sadd.s32 @!p0 $0x100000, s1;
	[bflag:$0x2] =	sbarrier.arrive $0xFFFF  }
0xf1: {  	[sflag:s0] =	ssyncadd.tile.s32 @!p0 $0x1;
	_ =	shalt  }
.Lfunc_end2:
_tile_overlayer_lowered:
.L_overlay_start_2:
0xf2: {  	(tag) =	ssettag $0x2  }
0xf3: {  	s0 =	rddreg [dreg:$0x0];
	s2 =	stileid.u32  }
0xf4: {  	s1 =	rddreg [dreg:$0x1];
	p0 =	sne.s32 s2, $0x0  }
0xf5: {  	s3 =	rddreg [dreg:$0x2];
	[bflag:$0x3] =	sbarrier.arrive $0xFFFF;
	s2 =	simm.s32 @!p0 $0x1C02  }
0xf6: {  	[timem:s3], [sflag:s2] =	dma.local @!p0 [hbm:s0], s1  }
0xf7: {  	s0 =	simm.s32 @!p0 $0x2  }
0xf8: {  	_ =	swait.ge @!p0 [sflag:s0], s1  }
0xf9: {  	s1 =	ssub.s32 @!p0 $0x0, s1;
	[sflag:s0] =	ssyncset.done @!p0 $0x0  }
0xfa: {  	[sflag:s0] =	ssyncadd.s32 @!p0 s1  }
0xfb: {  	[bflag:$0x3] =	sbarrier.arrive $0xFFFF  }
0xfc: {  	_ =	shalt  }

</sc_bundles>
